<compile_context>
chip_gen: v7x
topology: tpu7x:2x2x1
jax: 0.10.2.dev20260603
libtpu: 0.0.44.dev20260713+nightly
codegen_flags: <defaults>
</compile_context>

<pallas_src>
import jax
import jax.numpy as jnp
from jax import lax
from jax.experimental import pallas as pl
from jax.experimental.pallas import tpu as pltpu
from jax.experimental.pallas import tpu_sc as plsc

N_SAMP = 3000
N_FEAT = 512
N_EDGES = 96000

NC = 2
NS = 16
NW = NC * NS

EBLK = 960
NBLK = N_EDGES // EBLK
NCOL = N_FEAT // NW
YROWS = 96
YLAST = N_SAMP - (NW - 1) * YROWS

_ROWS_PER_BLK = 200


def _mesh():
    return plsc.VectorSubcoreMesh(core_axis_name="c", subcore_axis_name="s",
                                  num_cores=NC, num_subcores=NS)


def _sc_spmm_body(xt_hbm, pk_hbm, pw_hbm, samp_hbm, y_hbm,
                  f_hbm, yg_hbm,
                  xcols, facc, ebuf, wbuf, ygidx, ybuf, sem, esem):
    c = lax.axis_index("c")
    s = lax.axis_index("s")
    wid = s * NC + c

    ybase = wid * YROWS

    @pl.when(wid < NW - 1)
    def _():
        pltpu.sync_copy(samp_hbm.at[pl.ds(ybase, YROWS)], ygidx)
        for off in (0, 32, 64):
            pltpu.async_copy(y_hbm.at[ygidx.at[pl.ds(off, 32)]], ybuf, sem).wait()
            pltpu.sync_copy(ybuf, yg_hbm.at[pl.ds(ybase + off, 32)])

    @pl.when(wid == NW - 1)
    def _():
        pltpu.sync_copy(samp_hbm.at[pl.ds((NW - 1) * YROWS, YLAST)],
                        ygidx.at[pl.ds(0, YLAST)])
        pltpu.async_copy(y_hbm.at[ygidx.at[pl.ds(0, YLAST)]],
                         ybuf.at[pl.ds(0, YLAST)], sem).wait()
        pltpu.sync_copy(ybuf.at[pl.ds(0, YLAST)],
                        yg_hbm.at[pl.ds((NW - 1) * YROWS, YLAST)])

    pltpu.sync_copy(xt_hbm.at[wid], xcols)

    def _z(j, _):
        facc[pl.ds(j * 16, 16)] = jnp.zeros((16,), jnp.float32)
        return 0

    lax.fori_loop(0, N_SAMP * NCOL // 16, _z, 0)

    pltpu.async_copy(pk_hbm.at[0], ebuf.at[0], esem)
    pltpu.async_copy(pw_hbm.at[0], wbuf.at[0], esem)

    def _blk(b, _):
        par = b % 2
        pltpu.make_async_copy(pk_hbm.at[b], ebuf.at[par], esem).wait()
        pltpu.make_async_copy(pw_hbm.at[b], wbuf.at[par], esem).wait()

        @pl.when(b + 1 < NBLK)
        def _():
            pltpu.async_copy(pk_hbm.at[b + 1], ebuf.at[1 - par], esem)
            pltpu.async_copy(pw_hbm.at[b + 1], wbuf.at[1 - par], esem)

        def _grp(g, _):
            rs, cs, ws = [], [], []
            for q in range(4):
                r16 = ebuf[par, pl.ds(g * 64 + q * 16, 16)] * NCOL
                c16 = ebuf[par, pl.ds(EBLK + g * 64 + q * 16, 16)] * NCOL
                w16 = wbuf[par, pl.ds(g * 64 + q * 16, 16)]
                rs += [pl.multiple_of(r16[l], 16) for l in range(16)]
                cs += [pl.multiple_of(c16[l], 16) for l in range(16)]
                ws += [w16[l] for l in range(16)]
            xv = [xcols[pl.ds(cs[l], 16)] * ws[l] for l in range(64)]
            for l in range(64):
                slr = pl.ds(rs[l], 16)
                facc[slr] = facc[slr] + xv[l]
            return 0

        lax.fori_loop(0, EBLK // 64, _grp, 0)
        return 0

    lax.fori_loop(0, NBLK, _blk, 0)

    pltpu.sync_copy(facc, f_hbm.at[wid])


def _sc_spmm(xt, packed, pw, sampled, y_mem):
    f = pl.kernel(
        _sc_spmm_body,
        out_type=[
            jax.ShapeDtypeStruct((NW, N_SAMP * NCOL), jnp.float32),
            jax.ShapeDtypeStruct((N_SAMP, N_FEAT), jnp.float32),
        ],
        mesh=_mesh(),
        scratch_types=[
            pltpu.VMEM((N_SAMP * NCOL,), jnp.float32),
            pltpu.VMEM((N_SAMP * NCOL,), jnp.float32),
            pltpu.VMEM((2, 2 * EBLK), jnp.int32),
            pltpu.VMEM((2, EBLK), jnp.float32),
            pltpu.VMEM((YROWS,), jnp.int32),
            pltpu.VMEM((32, N_FEAT), jnp.float32),
            pltpu.SemaphoreType.DMA,
            pltpu.SemaphoreType.DMA,
        ],
    )
    return f(xt, packed, pw, sampled, y_mem)


def _tc_body(f_ref, yg_ref, wt_ref, b_ref, sc_ref, of_ref,
             out_ref, featb_ref):
    f = f_ref[...]
    h = jnp.dot(f, wt_ref[...], preferred_element_type=jnp.float32) + b_ref[...]
    g = 0.9 * h + 0.1 * yg_ref[...]
    featb_ref[...] = g
    e = jnp.where(g > 0, g, jnp.exp(jnp.minimum(g, 0.0)) - 1.0)
    m = jnp.mean(e, axis=1, keepdims=True)
    d = e - m
    v = jnp.mean(d * d, axis=1, keepdims=True) + 1e-9
    out_ref[...] = d * sc_ref[...] * lax.rsqrt(v) + of_ref[...]


def _dense_stage(f, yg, W, b, scale, offset):
    nblk = N_SAMP // _ROWS_PER_BLK
    row_spec = pl.BlockSpec((_ROWS_PER_BLK, N_FEAT), lambda i: (i, 0))
    full_spec = pl.BlockSpec((N_FEAT, N_FEAT), lambda i: (0, 0))
    vec_spec = pl.BlockSpec((1, N_FEAT), lambda i: (0, 0))
    out, featb = pl.pallas_call(
        _tc_body,
        grid=(nblk,),
        in_specs=[row_spec, row_spec, full_spec, vec_spec, vec_spec, vec_spec],
        out_specs=[row_spec, row_spec],
        out_shape=[
            jax.ShapeDtypeStruct((N_SAMP, N_FEAT), jnp.float32),
            jax.ShapeDtypeStruct((N_SAMP, N_FEAT), jnp.float32),
        ],
    )(f, yg, W.T, b[None, :], scale[None, :], offset[None, :])
    return out, featb


def _sc_update_body(y_hbm, featb_hbm, samp_hbm, ytop_hbm,
                    ybuf, frows, widx, sbufv, wsm, sem):
    c = lax.axis_index("c")
    s = lax.axis_index("s")
    wid = s * NC + c
    base = wid * YROWS

    pltpu.sync_copy(y_hbm.at[pl.ds(base, YROWS)], ybuf)
    pltpu.sync_copy(samp_hbm, sbufv)

    def _init(r, _):
        wsm[r] = -1
        return 0

    lax.fori_loop(0, YROWS, _init, 0)

    def _scan_lane(i, v):
        idx = v - base
        hit = (idx >= 0) & (idx < YROWS)
        ic = jnp.where(hit, idx, 0)
        cur = wsm[ic]
        wsm[ic] = jnp.where(hit, i, cur)

    def _scan(g, _):
        v16 = sbufv[pl.ds(g * 16, 16)]
        for l in range(16):
            _scan_lane(g * 16 + l, v16[l])
        return 0

    lax.fori_loop(0, N_SAMP // 16, _scan, 0)
    vt = sbufv[pl.ds(N_SAMP - 16, 16)]
    for l in range(8, 16):
        _scan_lane(N_SAMP - 16 + l, vt[l])

    for g in range(YROWS // 16):
        z = jnp.zeros((16,), jnp.int32)
        for l in range(16):
            wv = wsm[g * 16 + l]
            z = jnp.where(lax.iota(jnp.int32, 16) == l,
                          jnp.full((16,), jnp.maximum(wv, 0), jnp.int32), z)
        widx[pl.ds(g * 16, 16)] = z

    pltpu.async_copy(featb_hbm.at[widx], frows, sem).wait()

    def _merge(r, _):
        win = wsm[r]
        m = jnp.full((16,), jnp.where(win >= 0, 1.0, 0.0), jnp.float32)
        dm = jnp.full((16,), jnp.where(win >= 0, 0.0, 0.1), jnp.float32)
        for ci in range(N_FEAT // 16):
            sl = pl.ds(ci * 16, 16)
            ybuf[r, sl] = frows[r, sl] * m + ybuf[r, sl] * dm
        return 0

    lax.fori_loop(0, YROWS, _merge, 0)

    @pl.when(wid < NW - 1)
    def _():
        pltpu.sync_copy(ybuf, ytop_hbm.at[pl.ds(base, YROWS)])

    @pl.when(wid == NW - 1)
    def _():
        pltpu.sync_copy(ybuf.at[pl.ds(0, YLAST)], ytop_hbm.at[pl.ds(base, YLAST)])


def _sc_update(y_mem, featb, sampled):
    f = pl.kernel(
        _sc_update_body,
        out_type=jax.ShapeDtypeStruct((N_SAMP, N_FEAT), jnp.float32),
        mesh=_mesh(),
        scratch_types=[
            pltpu.VMEM((YROWS, N_FEAT), jnp.float32),
            pltpu.VMEM((YROWS, N_FEAT), jnp.float32),
            pltpu.VMEM((YROWS,), jnp.int32),
            pltpu.VMEM((N_SAMP,), jnp.int32),
            pltpu.SMEM((YROWS,), jnp.int32),
            pltpu.SemaphoreType.DMA,
        ],
    )
    return f(y_mem, featb, sampled)


def kernel(x, edge_index, edge_weight, sampled_nodes, y_mem, W, b, scale, offset):
    row = edge_index[0]
    col = edge_index[1]
    xt = x.reshape(N_SAMP, NW, NCOL).swapaxes(0, 1).reshape(NW, N_SAMP * NCOL)
    packed = jnp.concatenate(
        [row.reshape(NBLK, EBLK), col.reshape(NBLK, EBLK)], axis=1)
    pw = edge_weight.reshape(NBLK, EBLK)
    ft, yg = _sc_spmm(xt, packed, pw, sampled_nodes, y_mem)
    f = ft.reshape(NW, N_SAMP, NCOL).swapaxes(0, 1).reshape(N_SAMP, N_FEAT)
    out, featb = _dense_stage(f, yg, W, b, scale, offset)
    y_top = _sc_update(y_mem, featb, sampled_nodes)
    y_new = jnp.concatenate([y_top, y_mem[N_SAMP:]], axis=0)
    return (out, y_new)

# --- scband reference (transcript-rebuilt; emitter-appended) ---
"""Pipeline reference for scband-graph-convolution-5334349382168 (READ-ONLY COPY).

The authoritative reference and input builder live on the scoring server;
editing this copy changes nothing except your own understanding.
"""

import jax, jax.numpy as jnp
import numpy as np

N_SAMP = 3000
TOTAL_NODES = 14000
N_IN = 512
N_OUT = 512
N_EDGES = 96000


def setup_inputs(seed: int = 0) -> dict:
    key = jax.random.key(seed)
    ks = jax.random.split(key, 10)
    x = jax.random.normal(ks[0], (N_SAMP, N_IN), dtype=jnp.float32)
    edge_index = jax.random.randint(ks[1], (2, N_EDGES), 0, N_SAMP, dtype=jnp.int32)
    edge_weight = jax.random.uniform(ks[2], (N_EDGES,), dtype=jnp.float32)
    sampled_nodes = jax.random.randint(ks[3], (N_SAMP,), 0, N_SAMP, dtype=jnp.int32)
    y_mem = jax.random.normal(ks[4], (TOTAL_NODES, N_OUT), dtype=jnp.float32)
    # learned parameters (nn.Linear(n_in, n_out), offset, scale)
    W = jax.random.normal(ks[5], (N_OUT, N_IN), dtype=jnp.float32) * (1.0 / np.sqrt(N_IN))
    b = jax.random.normal(ks[6], (N_OUT,), dtype=jnp.float32) * 0.01
    scale = jnp.ones((N_OUT,), dtype=jnp.float32)
    offset = jnp.zeros((N_OUT,), dtype=jnp.float32)
    return {"x": x, "edge_index": edge_index, "edge_weight": edge_weight,
            "sampled_nodes": sampled_nodes, "y_mem": y_mem,
            "W": W, "b": b, "scale": scale, "offset": offset}


def reference(x, edge_index, edge_weight, sampled_nodes, y_mem, W, b, scale, offset):
    # order > 0 branch of GraphConvolution.forward
    row = edge_index[0]
    col = edge_index[1]
    # spmm(adj, x): for each dst row i, sum_j a_ij * x[j]
    feat = jax.ops.segment_sum(edge_weight[:, None] * jnp.take(x, col, axis=0),
                               row, num_segments=N_SAMP)
    # linear
    feat = feat @ W.T + b
    # blend with persistent memory y[order_id]
    feat = 0.9 * feat + 0.1 * jnp.take(y_mem, sampled_nodes, axis=0)
    # memory update: unsampled rows (within first nodes_of_every_p rows) decay by 0.1,
    # sampled rows overwritten with detached feat. decay-then-set is equivalent.
    y_new = y_mem.at[:N_SAMP].multiply(0.1)
    y_new = y_new.at[sampled_nodes].set(jax.lax.stop_gradient(feat))
    # activation + per-row normalization
    out = jax.nn.elu(feat)
    mean = jnp.mean(out, axis=1, keepdims=True)
    var = jnp.var(out, axis=1, keepdims=True) + 1e-09  # unbiased=False
    out = (out - mean) * scale * jax.lax.rsqrt(var) + offset
    return (out, y_new)

if __name__ == "__main__":
    import jax
    _d = setup_inputs()
    print(jax.jit(kernel)(*tuple(_d.values())))

</pallas_src>

<mosaic_0001>
#map = affine_map<(d0, d1) -> (0, 0)>
#map1 = affine_map<(d0, d1) -> (0)>
module attributes {stable_mosaic.version = 14 : i64} {
  func.func @_sc_spmm_body(%arg0: i32, %arg1: i32, %arg2: memref<32x48000xf32, #tpu.memory_space<hbm>>, %arg3: memref<100x1920xi32, #tpu.memory_space<hbm>>, %arg4: memref<100x960xf32, #tpu.memory_space<hbm>>, %arg5: memref<3000xi32, #tpu.memory_space<hbm>>, %arg6: memref<14000x512xf32, #tpu.memory_space<hbm>>, %arg7: memref<32x48000xf32, #tpu.memory_space<hbm>>, %arg8: memref<3000x512xf32, #tpu.memory_space<hbm>>, %arg9: memref<48000xf32, #tpu.memory_space<vmem>>, %arg10: memref<48000xf32, #tpu.memory_space<vmem>>, %arg11: memref<2x1920xi32, #tpu.memory_space<vmem>>, %arg12: memref<2x960xf32, #tpu.memory_space<vmem>>, %arg13: memref<96xi32, #tpu.memory_space<vmem>>, %arg14: memref<32x512xf32, #tpu.memory_space<vmem>>, %arg15: memref<!tpu.dma_semaphore, #tpu.memory_space<semaphore_mem>>, %arg16: memref<!tpu.dma_semaphore, #tpu.memory_space<semaphore_mem>>) attributes {dimension_semantics = [#tpu.dimension_semantics<core_parallel>, #tpu.dimension_semantics<subcore_parallel>], iteration_bounds = array<i64: 2, 16>, scalar_prefetch = 0 : i64, scratch_operands = 8 : i64, tpu.core_type = #tpu.core_type<sc_vector_subcore>, window_params = [{transform_indices = #map}, {transform_indices = #map}, {transform_indices = #map}, {transform_indices = #map1}, {transform_indices = #map}, {transform_indices = #map}, {transform_indices = #map}]} {
    %mul3A = arith.constant 2 : i32
    %mul3A_0 = arith.muli %arg1, %mul3A : i32
    %add3A = arith.addi %mul3A_0, %arg0 : i32
    %mul3A_1 = arith.constant 96 : i32
    %mul3A_2 = arith.muli %add3A, %mul3A_1 : i32
    %lt3A = arith.constant 31 : i32
    %lt3A_3 = arith.cmpi slt, %add3A, %lt3A : i32
    %convert_element_type3A = arith.extui %lt3A_3 : i1 to i32
    %cond3A = arith.constant 0 : i32
    %cond3A_4 = arith.cmpi ne, %convert_element_type3A, %cond3A : i32
    scf.if %cond3A_4 {
      "tpu.region"() ({
        %run_scoped3A = tpu.sem_alloc : memref<!tpu.dma_semaphore, #tpu.memory_space<semaphore_mem>>
        %dma_start3A_84 = tpu.memref_slice %arg5[%mul3A_2] : memref<3000xi32, #tpu.memory_space<hbm>> -> memref<96xi32, #tpu.memory_space<hbm>>
        %dma_start3A_85 = tpu.memref_slice %arg5[%mul3A_2] : memref<3000xi32, #tpu.memory_space<hbm>> -> memref<96xi32, #tpu.memory_space<hbm>>
        tpu.enqueue_dma source(%dma_start3A_85 : memref<96xi32, #tpu.memory_space<hbm>>) target(%arg13 : memref<96xi32, #tpu.memory_space<vmem>>) target_semaphore(%run_scoped3A : memref<!tpu.dma_semaphore, #tpu.memory_space<semaphore_mem>>)
        %dma_wait3A_86 = tpu.memref_slice %arg5[%mul3A_2] : memref<3000xi32, #tpu.memory_space<hbm>> -> memref<96xi32, #tpu.memory_space<hbm>>
        %dma_wait3A_87 = tpu.memref_slice %arg5[%mul3A_2] : memref<3000xi32, #tpu.memory_space<hbm>> -> memref<96xi32, #tpu.memory_space<hbm>>
        tpu.wait_dma2 semaphore(%run_scoped3A : memref<!tpu.dma_semaphore, #tpu.memory_space<semaphore_mem>>) src(%dma_wait3A_87 : memref<96xi32, #tpu.memory_space<hbm>>) dst(%arg13 : memref<96xi32, #tpu.memory_space<vmem>>)
        tpu.yield
      }) : () -> ()
      %dma_start3A_49 = arith.constant 0 : i32
      %dma_start3A_50 = tpu.memref_slice %arg13[%dma_start3A_49] : memref<96xi32, #tpu.memory_space<vmem>> -> memref<32xi32, #tpu.memory_space<vmem>>
      %dma_start3A_51 = arith.constant 0 : i32
      %dma_start3A_52 = arith.constant 0 : i32
      %dma_start3A_53 = tpu.memref_slice %arg6[%dma_start3A_51, %dma_start3A_52] : memref<14000x512xf32, #tpu.memory_space<hbm>> -> memref<14000x512xf32, #tpu.memory_space<hbm>>
      tpu.enqueue_indirect_dma source(%dma_start3A_53 : memref<14000x512xf32, #tpu.memory_space<hbm>>) target(%arg14 : memref<32x512xf32, #tpu.memory_space<vmem>>) offsets(%dma_start3A_50 : memref<32xi32, #tpu.memory_space<vmem>>) semaphore(%arg15 : memref<!tpu.dma_semaphore, #tpu.memory_space<semaphore_mem>>)
      %dma_wait3A = arith.constant 0 : i32
      %dma_wait3A_54 = tpu.memref_slice %arg13[%dma_wait3A] : memref<96xi32, #tpu.memory_space<vmem>> -> memref<32xi32, #tpu.memory_space<vmem>>
      %dma_wait3A_55 = arith.constant 0 : i32
      %dma_wait3A_56 = arith.constant 0 : i32
      %dma_wait3A_57 = tpu.memref_slice %arg6[%dma_wait3A_55, %dma_wait3A_56] : memref<14000x512xf32, #tpu.memory_space<hbm>> -> memref<14000x512xf32, #tpu.memory_space<hbm>>
      tpu.wait_indirect_dma semaphore(%arg15 : memref<!tpu.dma_semaphore, #tpu.memory_space<semaphore_mem>>) src(%dma_wait3A_57 : memref<14000x512xf32, #tpu.memory_space<hbm>>) dst(%arg14 : memref<32x512xf32, #tpu.memory_space<vmem>>)
      %add3A_58 = arith.constant 0 : i32
      %add3A_59 = arith.addi %mul3A_2, %add3A_58 : i32
      "tpu.region"() ({
        %run_scoped3A = tpu.sem_alloc : memref<!tpu.dma_semaphore, #tpu.memory_space<semaphore_mem>>
        %dma_start3A_84 = arith.constant 0 : i32
        %dma_start3A_85 = tpu.memref_slice %arg8[%add3A_59, %dma_start3A_84] : memref<3000x512xf32, #tpu.memory_space<hbm>> -> memref<32x512xf32, #tpu.memory_space<hbm>>
        %dma_start3A_86 = arith.constant 0 : i32
        %dma_start3A_87 = tpu.memref_slice %arg8[%add3A_59, %dma_start3A_86] : memref<3000x512xf32, #tpu.memory_space<hbm>> -> memref<32x512xf32, #tpu.memory_space<hbm>>
        tpu.enqueue_dma source(%arg14 : memref<32x512xf32, #tpu.memory_space<vmem>>) target(%dma_start3A_87 : memref<32x512xf32, #tpu.memory_space<hbm>>) target_semaphore(%run_scoped3A : memref<!tpu.dma_semaphore, #tpu.memory_space<semaphore_mem>>)
        %dma_wait3A_88 = arith.constant 0 : i32
        %dma_wait3A_89 = tpu.memref_slice %arg8[%add3A_59, %dma_wait3A_88] : memref<3000x512xf32, #tpu.memory_space<hbm>> -> memref<32x512xf32, #tpu.memory_space<hbm>>
        %dma_wait3A_90 = arith.constant 0 : i32
        %dma_wait3A_91 = tpu.memref_slice %arg8[%add3A_59, %dma_wait3A_90] : memref<3000x512xf32, #tpu.memory_space<hbm>> -> memref<32x512xf32, #tpu.memory_space<hbm>>
        tpu.wait_dma2 semaphore(%run_scoped3A : memref<!tpu.dma_semaphore, #tpu.memory_space<semaphore_mem>>) src(%arg14 : memref<32x512xf32, #tpu.memory_space<vmem>>) dst(%dma_wait3A_91 : memref<32x512xf32, #tpu.memory_space<hbm>>)
        tpu.yield
      }) : () -> ()
      %dma_start3A_60 = arith.constant 32 : i32
      %dma_start3A_61 = tpu.memref_slice %arg13[%dma_start3A_60] : memref<96xi32, #tpu.memory_space<vmem>> -> memref<32xi32, #tpu.memory_space<vmem>>
      %dma_start3A_62 = arith.constant 0 : i32
      %dma_start3A_63 = arith.constant 0 : i32
      %dma_start3A_64 = tpu.memref_slice %arg6[%dma_start3A_62, %dma_start3A_63] : memref<14000x512xf32, #tpu.memory_space<hbm>> -> memref<14000x512xf32, #tpu.memory_space<hbm>>
      tpu.enqueue_indirect_dma source(%dma_start3A_64 : memref<14000x512xf32, #tpu.memory_space<hbm>>) target(%arg14 : memref<32x512xf32, #tpu.memory_space<vmem>>) offsets(%dma_start3A_61 : memref<32xi32, #tpu.memory_space<vmem>>) semaphore(%arg15 : memref<!tpu.dma_semaphore, #tpu.memory_space<semaphore_mem>>)
      %dma_wait3A_65 = arith.constant 32 : i32
      %dma_wait3A_66 = tpu.memref_slice %arg13[%dma_wait3A_65] : memref<96xi32, #tpu.memory_space<vmem>> -> memref<32xi32, #tpu.memory_space<vmem>>
      %dma_wait3A_67 = arith.constant 0 : i32
      %dma_wait3A_68 = arith.constant 0 : i32
      %dma_wait3A_69 = tpu.memref_slice %arg6[%dma_wait3A_67, %dma_wait3A_68] : memref<14000x512xf32, #tpu.memory_space<hbm>> -> memref<14000x512xf32, #tpu.memory_space<hbm>>
      tpu.wait_indirect_dma semaphore(%arg15 : memref<!tpu.dma_semaphore, #tpu.memory_space<semaphore_mem>>) src(%dma_wait3A_69 : memref<14000x512xf32, #tpu.memory_space<hbm>>) dst(%arg14 : memref<32x512xf32, #tpu.memory_space<vmem>>)
      %add3A_70 = arith.constant 32 : i32
      %add3A_71 = arith.addi %mul3A_2, %add3A_70 : i32
      "tpu.region"() ({
        %run_scoped3A = tpu.sem_alloc : memref<!tpu.dma_semaphore, #tpu.memory_space<semaphore_mem>>
        %dma_start3A_84 = arith.constant 0 : i32
        %dma_start3A_85 = tpu.memref_slice %arg8[%add3A_71, %dma_start3A_84] : memref<3000x512xf32, #tpu.memory_space<hbm>> -> memref<32x512xf32, #tpu.memory_space<hbm>>
        %dma_start3A_86 = arith.constant 0 : i32
        %dma_start3A_87 = tpu.memref_slice %arg8[%add3A_71, %dma_start3A_86] : memref<3000x512xf32, #tpu.memory_space<hbm>> -> memref<32x512xf32, #tpu.memory_space<hbm>>
        tpu.enqueue_dma source(%arg14 : memref<32x512xf32, #tpu.memory_space<vmem>>) target(%dma_start3A_87 : memref<32x512xf32, #tpu.memory_space<hbm>>) target_semaphore(%run_scoped3A : memref<!tpu.dma_semaphore, #tpu.memory_space<semaphore_mem>>)
        %dma_wait3A_88 = arith.constant 0 : i32
        %dma_wait3A_89 = tpu.memref_slice %arg8[%add3A_71, %dma_wait3A_88] : memref<3000x512xf32, #tpu.memory_space<hbm>> -> memref<32x512xf32, #tpu.memory_space<hbm>>
        %dma_wait3A_90 = arith.constant 0 : i32
        %dma_wait3A_91 = tpu.memref_slice %arg8[%add3A_71, %dma_wait3A_90] : memref<3000x512xf32, #tpu.memory_space<hbm>> -> memref<32x512xf32, #tpu.memory_space<hbm>>
        tpu.wait_dma2 semaphore(%run_scoped3A : memref<!tpu.dma_semaphore, #tpu.memory_space<semaphore_mem>>) src(%arg14 : memref<32x512xf32, #tpu.memory_space<vmem>>) dst(%dma_wait3A_91 : memref<32x512xf32, #tpu.memory_space<hbm>>)
        tpu.yield
      }) : () -> ()
      %dma_start3A_72 = arith.constant 64 : i32
      %dma_start3A_73 = tpu.memref_slice %arg13[%dma_start3A_72] : memref<96xi32, #tpu.memory_space<vmem>> -> memref<32xi32, #tpu.memory_space<vmem>>
      %dma_start3A_74 = arith.constant 0 : i32
      %dma_start3A_75 = arith.constant 0 : i32
      %dma_start3A_76 = tpu.memref_slice %arg6[%dma_start3A_74, %dma_start3A_75] : memref<14000x512xf32, #tpu.memory_space<hbm>> -> memref<14000x512xf32, #tpu.memory_space<hbm>>
      tpu.enqueue_indirect_dma source(%dma_start3A_76 : memref<14000x512xf32, #tpu.memory_space<hbm>>) target(%arg14 : memref<32x512xf32, #tpu.memory_space<vmem>>) offsets(%dma_start3A_73 : memref<32xi32, #tpu.memory_space<vmem>>) semaphore(%arg15 : memref<!tpu.dma_semaphore, #tpu.memory_space<semaphore_mem>>)
      %dma_wait3A_77 = arith.constant 64 : i32
      %dma_wait3A_78 = tpu.memref_slice %arg13[%dma_wait3A_77] : memref<96xi32, #tpu.memory_space<vmem>> -> memref<32xi32, #tpu.memory_space<vmem>>
      %dma_wait3A_79 = arith.constant 0 : i32
      %dma_wait3A_80 = arith.constant 0 : i32
      %dma_wait3A_81 = tpu.memref_slice %arg6[%dma_wait3A_79, %dma_wait3A_80] : memref<14000x512xf32, #tpu.memory_space<hbm>> -> memref<14000x512xf32, #tpu.memory_space<hbm>>
      tpu.wait_indirect_dma semaphore(%arg15 : memref<!tpu.dma_semaphore, #tpu.memory_space<semaphore_mem>>) src(%dma_wait3A_81 : memref<14000x512xf32, #tpu.memory_space<hbm>>) dst(%arg14 : memref<32x512xf32, #tpu.memory_space<vmem>>)
      %add3A_82 = arith.constant 64 : i32
      %add3A_83 = arith.addi %mul3A_2, %add3A_82 : i32
      "tpu.region"() ({
        %run_scoped3A = tpu.sem_alloc : memref<!tpu.dma_semaphore, #tpu.memory_space<semaphore_mem>>
        %dma_start3A_84 = arith.constant 0 : i32
        %dma_start3A_85 = tpu.memref_slice %arg8[%add3A_83, %dma_start3A_84] : memref<3000x512xf32, #tpu.memory_space<hbm>> -> memref<32x512xf32, #tpu.memory_space<hbm>>
        %dma_start3A_86 = arith.constant 0 : i32
        %dma_start3A_87 = tpu.memref_slice %arg8[%add3A_83, %dma_start3A_86] : memref<3000x512xf32, #tpu.memory_space<hbm>> -> memref<32x512xf32, #tpu.memory_space<hbm>>
        tpu.enqueue_dma source(%arg14 : memref<32x512xf32, #tpu.memory_space<vmem>>) target(%dma_start3A_87 : memref<32x512xf32, #tpu.memory_space<hbm>>) target_semaphore(%run_scoped3A : memref<!tpu.dma_semaphore, #tpu.memory_space<semaphore_mem>>)
        %dma_wait3A_88 = arith.constant 0 : i32
        %dma_wait3A_89 = tpu.memref_slice %arg8[%add3A_83, %dma_wait3A_88] : memref<3000x512xf32, #tpu.memory_space<hbm>> -> memref<32x512xf32, #tpu.memory_space<hbm>>
        %dma_wait3A_90 = arith.constant 0 : i32
        %dma_wait3A_91 = tpu.memref_slice %arg8[%add3A_83, %dma_wait3A_90] : memref<3000x512xf32, #tpu.memory_space<hbm>> -> memref<32x512xf32, #tpu.memory_space<hbm>>
        tpu.wait_dma2 semaphore(%run_scoped3A : memref<!tpu.dma_semaphore, #tpu.memory_space<semaphore_mem>>) src(%arg14 : memref<32x512xf32, #tpu.memory_space<vmem>>) dst(%dma_wait3A_91 : memref<32x512xf32, #tpu.memory_space<hbm>>)
        tpu.yield
      }) : () -> ()
    } else {
    }
    %eq3A = arith.constant 31 : i32
    %eq3A_5 = arith.cmpi eq, %add3A, %eq3A : i32
    %convert_element_type3A_6 = arith.extui %eq3A_5 : i1 to i32
    %cond3A_7 = arith.constant 0 : i32
    %cond3A_8 = arith.cmpi ne, %convert_element_type3A_6, %cond3A_7 : i32
    scf.if %cond3A_8 {
      "tpu.region"() ({
        %run_scoped3A = tpu.sem_alloc : memref<!tpu.dma_semaphore, #tpu.memory_space<semaphore_mem>>
        %dma_start3A_64 = arith.constant 0 : i32
        %dma_start3A_65 = tpu.memref_slice %arg13[%dma_start3A_64] : memref<96xi32, #tpu.memory_space<vmem>> -> memref<24xi32, #tpu.memory_space<vmem>>
        %dma_start3A_66 = arith.constant 2976 : i32
        %dma_start3A_67 = tpu.memref_slice %arg5[%dma_start3A_66] : memref<3000xi32, #tpu.memory_space<hbm>> -> memref<24xi32, #tpu.memory_space<hbm>>
        %dma_start3A_68 = arith.constant 0 : i32
        %dma_start3A_69 = tpu.memref_slice %arg13[%dma_start3A_68] : memref<96xi32, #tpu.memory_space<vmem>> -> memref<24xi32, #tpu.memory_space<vmem>>
        %dma_start3A_70 = arith.constant 2976 : i32
        %dma_start3A_71 = tpu.memref_slice %arg5[%dma_start3A_70] : memref<3000xi32, #tpu.memory_space<hbm>> -> memref<24xi32, #tpu.memory_space<hbm>>
        tpu.enqueue_dma source(%dma_start3A_71 : memref<24xi32, #tpu.memory_space<hbm>>) target(%dma_start3A_69 : memref<24xi32, #tpu.memory_space<vmem>>) target_semaphore(%run_scoped3A : memref<!tpu.dma_semaphore, #tpu.memory_space<semaphore_mem>>)
        %dma_wait3A_72 = arith.constant 0 : i32
        %dma_wait3A_73 = tpu.memref_slice %arg13[%dma_wait3A_72] : memref<96xi32, #tpu.memory_space<vmem>> -> memref<24xi32, #tpu.memory_space<vmem>>
        %dma_wait3A_74 = arith.constant 2976 : i32
        %dma_wait3A_75 = tpu.memref_slice %arg5[%dma_wait3A_74] : memref<3000xi32, #tpu.memory_space<hbm>> -> memref<24xi32, #tpu.memory_space<hbm>>
        %dma_wait3A_76 = arith.constant 0 : i32
        %dma_wait3A_77 = tpu.memref_slice %arg13[%dma_wait3A_76] : memref<96xi32, #tpu.memory_space<vmem>> -> memref<24xi32, #tpu.memory_space<vmem>>
        %dma_wait3A_78 = arith.constant 2976 : i32
        %dma_wait3A_79 = tpu.memref_slice %arg5[%dma_wait3A_78] : memref<3000xi32, #tpu.memory_space<hbm>> -> memref<24xi32, #tpu.memory_space<hbm>>
        tpu.wait_dma2 semaphore(%run_scoped3A : memref<!tpu.dma_semaphore, #tpu.memory_space<semaphore_mem>>) src(%dma_wait3A_79 : memref<24xi32, #tpu.memory_space<hbm>>) dst(%dma_wait3A_77 : memref<24xi32, #tpu.memory_space<vmem>>)
        tpu.yield
      }) : () -> ()
      %dma_start3A_49 = arith.constant 0 : i32
      %dma_start3A_50 = arith.constant 0 : i32
      %dma_start3A_51 = tpu.memref_slice %arg14[%dma_start3A_49, %dma_start3A_50] : memref<32x512xf32, #tpu.memory_space<vmem>> -> memref<24x512xf32, #tpu.memory_space<vmem>>
      %dma_start3A_52 = arith.constant 0 : i32
      %dma_start3A_53 = tpu.memref_slice %arg13[%dma_start3A_52] : memref<96xi32, #tpu.memory_space<vmem>> -> memref<24xi32, #tpu.memory_space<vmem>>
      %dma_start3A_54 = arith.constant 0 : i32
      %dma_start3A_55 = arith.constant 0 : i32
      %dma_start3A_56 = tpu.memref_slice %arg6[%dma_start3A_54, %dma_start3A_55] : memref<14000x512xf32, #tpu.memory_space<hbm>> -> memref<14000x512xf32, #tpu.memory_space<hbm>>
      tpu.enqueue_indirect_dma source(%dma_start3A_56 : memref<14000x512xf32, #tpu.memory_space<hbm>>) target(%dma_start3A_51 : memref<24x512xf32, #tpu.memory_space<vmem>>) offsets(%dma_start3A_53 : memref<24xi32, #tpu.memory_space<vmem>>) semaphore(%arg15 : memref<!tpu.dma_semaphore, #tpu.memory_space<semaphore_mem>>)
      %dma_wait3A = arith.constant 0 : i32
      %dma_wait3A_57 = arith.constant 0 : i32
      %dma_wait3A_58 = tpu.memref_slice %arg14[%dma_wait3A, %dma_wait3A_57] : memref<32x512xf32, #tpu.memory_space<vmem>> -> memref<24x512xf32, #tpu.memory_space<vmem>>
      %dma_wait3A_59 = arith.constant 0 : i32
      %dma_wait3A_60 = tpu.memref_slice %arg13[%dma_wait3A_59] : memref<96xi32, #tpu.memory_space<vmem>> -> memref<24xi32, #tpu.memory_space<vmem>>
      %dma_wait3A_61 = arith.constant 0 : i32
      %dma_wait3A_62 = arith.constant 0 : i32
      %dma_wait3A_63 = tpu.memref_slice %arg6[%dma_wait3A_61, %dma_wait3A_62] : memref<14000x512xf32, #tpu.memory_space<hbm>> -> memref<14000x512xf32, #tpu.memory_space<hbm>>
      tpu.wait_indirect_dma semaphore(%arg15 : memref<!tpu.dma_semaphore, #tpu.memory_space<semaphore_mem>>) src(%dma_wait3A_63 : memref<14000x512xf32, #tpu.memory_space<hbm>>) dst(%dma_wait3A_58 : memref<24x512xf32, #tpu.memory_space<vmem>>)
      "tpu.region"() ({
        %run_scoped3A = tpu.sem_alloc : memref<!tpu.dma_semaphore, #tpu.memory_space<semaphore_mem>>
        %dma_start3A_64 = arith.constant 0 : i32
        %dma_start3A_65 = arith.constant 0 : i32
        %dma_start3A_66 = tpu.memref_slice %arg14[%dma_start3A_64, %dma_start3A_65] : memref<32x512xf32, #tpu.memory_space<vmem>> -> memref<24x512xf32, #tpu.memory_space<vmem>>
        %dma_start3A_67 = arith.constant 2976 : i32
        %dma_start3A_68 = arith.constant 0 : i32
        %dma_start3A_69 = tpu.memref_slice %arg8[%dma_start3A_67, %dma_start3A_68] : memref<3000x512xf32, #tpu.memory_space<hbm>> -> memref<24x512xf32, #tpu.memory_space<hbm>>
        %dma_start3A_70 = arith.constant 2976 : i32
        %dma_start3A_71 = arith.constant 0 : i32
        %dma_start3A_72 = tpu.memref_slice %arg8[%dma_start3A_70, %dma_start3A_71] : memref<3000x512xf32, #tpu.memory_space<hbm>> -> memref<24x512xf32, #tpu.memory_space<hbm>>
        %dma_start3A_73 = arith.constant 0 : i32
        %dma_start3A_74 = arith.constant 0 : i32
        %dma_start3A_75 = tpu.memref_slice %arg14[%dma_start3A_73, %dma_start3A_74] : memref<32x512xf32, #tpu.memory_space<vmem>> -> memref<24x512xf32, #tpu.memory_space<vmem>>
        tpu.enqueue_dma source(%dma_start3A_75 : memref<24x512xf32, #tpu.memory_space<vmem>>) target(%dma_start3A_72 : memref<24x512xf32, #tpu.memory_space<hbm>>) target_semaphore(%run_scoped3A : memref<!tpu.dma_semaphore, #tpu.memory_space<semaphore_mem>>)
        %dma_wait3A_76 = arith.constant 0 : i32
        %dma_wait3A_77 = arith.constant 0 : i32
        %dma_wait3A_78 = tpu.memref_slice %arg14[%dma_wait3A_76, %dma_wait3A_77] : memref<32x512xf32, #tpu.memory_space<vmem>> -> memref<24x512xf32, #tpu.memory_space<vmem>>
        %dma_wait3A_79 = arith.constant 2976 : i32
        %dma_wait3A_80 = arith.constant 0 : i32
        %dma_wait3A_81 = tpu.memref_slice %arg8[%dma_wait3A_79, %dma_wait3A_80] : memref<3000x512xf32, #tpu.memory_space<hbm>> -> memref<24x512xf32, #tpu.memory_space<hbm>>
        %dma_wait3A_82 = arith.constant 2976 : i32
        %dma_wait3A_83 = arith.constant 0 : i32
        %dma_wait3A_84 = tpu.memref_slice %arg8[%dma_wait3A_82, %dma_wait3A_83] : memref<3000x512xf32, #tpu.memory_space<hbm>> -> memref<24x512xf32, #tpu.memory_space<hbm>>
        %dma_wait3A_85 = arith.constant 0 : i32
        %dma_wait3A_86 = arith.constant 0 : i32
        %dma_wait3A_87 = tpu.memref_slice %arg14[%dma_wait3A_85, %dma_wait3A_86] : memref<32x512xf32, #tpu.memory_space<vmem>> -> memref<24x512xf32, #tpu.memory_space<vmem>>
        tpu.wait_dma2 semaphore(%run_scoped3A : memref<!tpu.dma_semaphore, #tpu.memory_space<semaphore_mem>>) src(%dma_wait3A_87 : memref<24x512xf32, #tpu.memory_space<vmem>>) dst(%dma_wait3A_84 : memref<24x512xf32, #tpu.memory_space<hbm>>)
        tpu.yield
      }) : () -> ()
    } else {
    }
    "tpu.region"() ({
      %run_scoped3A = tpu.sem_alloc : memref<!tpu.dma_semaphore, #tpu.memory_space<semaphore_mem>>
      %dma_start3A_49 = arith.constant 0 : i32
      %dma_start3A_50 = tpu.memref_slice %arg2[%add3A, %dma_start3A_49] : memref<32x48000xf32, #tpu.memory_space<hbm>> -> memref<1x48000xf32, #tpu.memory_space<hbm>>
      %dma_start3A_51 = tpu.memref_squeeze %dma_start3A_50 : memref<1x48000xf32, #tpu.memory_space<hbm>> -> memref<48000xf32, #tpu.memory_space<hbm>>
      %dma_start3A_52 = arith.constant 0 : i32
      %dma_start3A_53 = tpu.memref_slice %arg2[%add3A, %dma_start3A_52] : memref<32x48000xf32, #tpu.memory_space<hbm>> -> memref<1x48000xf32, #tpu.memory_space<hbm>>
      %dma_start3A_54 = tpu.memref_squeeze %dma_start3A_53 : memref<1x48000xf32, #tpu.memory_space<hbm>> -> memref<48000xf32, #tpu.memory_space<hbm>>
      tpu.enqueue_dma source(%dma_start3A_54 : memref<48000xf32, #tpu.memory_space<hbm>>) target(%arg9 : memref<48000xf32, #tpu.memory_space<vmem>>) target_semaphore(%run_scoped3A : memref<!tpu.dma_semaphore, #tpu.memory_space<semaphore_mem>>)
      %dma_wait3A = arith.constant 0 : i32
      %dma_wait3A_55 = tpu.memref_slice %arg2[%add3A, %dma_wait3A] : memref<32x48000xf32, #tpu.memory_space<hbm>> -> memref<1x48000xf32, #tpu.memory_space<hbm>>
      %dma_wait3A_56 = tpu.memref_squeeze %dma_wait3A_55 : memref<1x48000xf32, #tpu.memory_space<hbm>> -> memref<48000xf32, #tpu.memory_space<hbm>>
      %dma_wait3A_57 = arith.constant 0 : i32
      %dma_wait3A_58 = tpu.memref_slice %arg2[%add3A, %dma_wait3A_57] : memref<32x48000xf32, #tpu.memory_space<hbm>> -> memref<1x48000xf32, #tpu.memory_space<hbm>>
      %dma_wait3A_59 = tpu.memref_squeeze %dma_wait3A_58 : memref<1x48000xf32, #tpu.memory_space<hbm>> -> memref<48000xf32, #tpu.memory_space<hbm>>
      tpu.wait_dma2 semaphore(%run_scoped3A : memref<!tpu.dma_semaphore, #tpu.memory_space<semaphore_mem>>) src(%dma_wait3A_59 : memref<48000xf32, #tpu.memory_space<hbm>>) dst(%arg9 : memref<48000xf32, #tpu.memory_space<vmem>>)
      tpu.yield
    }) : () -> ()
    %scan3A = arith.constant 0 : i32
    %scan3A_9 = arith.constant 0 : i32
    %scan3A_10 = arith.constant 3000 : i32
    %scan3A_11 = arith.addi %scan3A_9, %scan3A_10 : i32
    %scan3A_12 = arith.constant 1 : i32
    %scan3A_13 = scf.for %scan3A_49 = %scan3A_9 to %scan3A_11 step %scan3A_12 iter_args(%scan3A_50 = %scan3A) -> (i32)  : i32 {
      %broadcast_in_dim3A = arith.constant 0.000000e+00 : f32
      %broadcast_in_dim3A_51 = vector.broadcast %broadcast_in_dim3A : f32 to vector<16xf32>
      %mul3A_52 = arith.constant 16 : i32
      %mul3A_53 = arith.muli %scan3A_49, %mul3A_52 : i32
      %swap3A = arith.index_cast %mul3A_53 : i32 to index
      %swap3A_54 = tpu.vector_load %arg10[%swap3A] {strides = array<i32>} : memref<48000xf32, #tpu.memory_space<vmem>>, vector<16xf32>,
      %swap3A_55 = vector.shape_cast %swap3A_54 : vector<16xf32> to vector<16xf32>
      %swap3A_56 = vector.shape_cast %broadcast_in_dim3A_51 : vector<16xf32> to vector<16xf32>
      tpu.vector_store %arg10[%swap3A], %swap3A_56 {strides = array<i32>} : memref<48000xf32, #tpu.memory_space<vmem>>, vector<16xf32>,
      %scan3A_57 = arith.constant 0 : i32
      scf.yield %scan3A_57 : i32
    }
    %scan3A_14 = arith.constant 3000 : i32
    %dma_start3A = arith.constant 0 : i32
    %dma_start3A_15 = arith.constant 0 : i32
    %dma_start3A_16 = arith.constant 0 : i32
    %dma_start3A_17 = tpu.memref_slice %arg11[%dma_start3A_15, %dma_start3A_16] : memref<2x1920xi32, #tpu.memory_space<vmem>> -> memref<1x1920xi32, #tpu.memory_space<vmem>>
    %dma_start3A_18 = tpu.memref_squeeze %dma_start3A_17 : memref<1x1920xi32, #tpu.memory_space<vmem>> -> memref<1920xi32, #tpu.memory_space<vmem>>
    %dma_start3A_19 = arith.constant 0 : i32
    %dma_start3A_20 = tpu.memref_slice %arg3[%dma_start3A, %dma_start3A_19] : memref<100x1920xi32, #tpu.memory_space<hbm>> -> memref<1x1920xi32, #tpu.memory_space<hbm>>
    %dma_start3A_21 = tpu.memref_squeeze %dma_start3A_20 : memref<1x1920xi32, #tpu.memory_space<hbm>> -> memref<1920xi32, #tpu.memory_space<hbm>>
    %dma_start3A_22 = arith.constant 0 : i32
    %dma_start3A_23 = tpu.memref_slice %arg11[%dma_start3A_15, %dma_start3A_22] : memref<2x1920xi32, #tpu.memory_space<vmem>> -> memref<1x1920xi32, #tpu.memory_space<vmem>>
    %dma_start3A_24 = tpu.memref_squeeze %dma_start3A_23 : memref<1x1920xi32, #tpu.memory_space<vmem>> -> memref<1920xi32, #tpu.memory_space<vmem>>
    %dma_start3A_25 = arith.constant 0 : i32
    %dma_start3A_26 = tpu.memref_slice %arg3[%dma_start3A, %dma_start3A_25] : memref<100x1920xi32, #tpu.memory_space<hbm>> -> memref<1x1920xi32, #tpu.memory_space<hbm>>
    %dma_start3A_27 = tpu.memref_squeeze %dma_start3A_26 : memref<1x1920xi32, #tpu.memory_space<hbm>> -> memref<1920xi32, #tpu.memory_space<hbm>>
    tpu.enqueue_dma source(%dma_start3A_27 : memref<1920xi32, #tpu.memory_space<hbm>>) target(%dma_start3A_24 : memref<1920xi32, #tpu.memory_space<vmem>>) target_semaphore(%arg16 : memref<!tpu.dma_semaphore, #tpu.memory_space<semaphore_mem>>)
    %dma_start3A_28 = arith.constant 0 : i32
    %dma_start3A_29 = arith.constant 0 : i32
    %dma_start3A_30 = arith.constant 0 : i32
    %dma_start3A_31 = tpu.memref_slice %arg12[%dma_start3A_29, %dma_start3A_30] : memref<2x960xf32, #tpu.memory_space<vmem>> -> memref<1x960xf32, #tpu.memory_space<vmem>>
    %dma_start3A_32 = tpu.memref_squeeze %dma_start3A_31 : memref<1x960xf32, #tpu.memory_space<vmem>> -> memref<960xf32, #tpu.memory_space<vmem>>
    %dma_start3A_33 = arith.constant 0 : i32
    %dma_start3A_34 = tpu.memref_slice %arg4[%dma_start3A_28, %dma_start3A_33] : memref<100x960xf32, #tpu.memory_space<hbm>> -> memref<1x960xf32, #tpu.memory_space<hbm>>
    %dma_start3A_35 = tpu.memref_squeeze %dma_start3A_34 : memref<1x960xf32, #tpu.memory_space<hbm>> -> memref<960xf32, #tpu.memory_space<hbm>>
    %dma_start3A_36 = arith.constant 0 : i32
    %dma_start3A_37 = tpu.memref_slice %arg12[%dma_start3A_29, %dma_start3A_36] : memref<2x960xf32, #tpu.memory_space<vmem>> -> memref<1x960xf32, #tpu.memory_space<vmem>>
    %dma_start3A_38 = tpu.memref_squeeze %dma_start3A_37 : memref<1x960xf32, #tpu.memory_space<vmem>> -> memref<960xf32, #tpu.memory_space<vmem>>
    %dma_start3A_39 = arith.constant 0 : i32
    %dma_start3A_40 = tpu.memref_slice %arg4[%dma_start3A_28, %dma_start3A_39] : memref<100x960xf32, #tpu.memory_space<hbm>> -> memref<1x960xf32, #tpu.memory_space<hbm>>
    %dma_start3A_41 = tpu.memref_squeeze %dma_start3A_40 : memref<1x960xf32, #tpu.memory_space<hbm>> -> memref<960xf32, #tpu.memory_space<hbm>>
    tpu.enqueue_dma source(%dma_start3A_41 : memref<960xf32, #tpu.memory_space<hbm>>) target(%dma_start3A_38 : memref<960xf32, #tpu.memory_space<vmem>>) target_semaphore(%arg16 : memref<!tpu.dma_semaphore, #tpu.memory_space<semaphore_mem>>)
    %scan3A_42 = arith.constant 0 : i32
    %scan3A_43 = arith.constant 0 : i32
    %scan3A_44 = arith.constant 100 : i32
    %scan3A_45 = arith.addi %scan3A_43, %scan3A_44 : i32
    %scan3A_46 = arith.constant 1 : i32
    %scan3A_47 = scf.for %scan3A_49 = %scan3A_43 to %scan3A_45 step %scan3A_46 iter_args(%scan3A_50 = %scan3A_42) -> (i32)  : i32 {
      %jit3A = arith.constant 2 : i32
      %eq3A_51 = arith.constant 0 : i32
      %eq3A_52 = arith.cmpi eq, %jit3A, %eq3A_51 : i32
      %jit3A_53 = arith.constant 1 : i32
      %select_n3A = arith.select %eq3A_52, %jit3A_53, %jit3A : i32
      %rem3A = arith.remsi %scan3A_49, %select_n3A : i32
      %ne3A = arith.constant 0 : i32
      %ne3A_54 = arith.cmpi ne, %rem3A, %ne3A : i32
      %lt3A_55 = arith.constant 0 : i32
      %lt3A_56 = arith.cmpi slt, %rem3A, %lt3A_55 : i32
      %lt3A_57 = arith.constant 0 : i32
      %lt3A_58 = arith.cmpi slt, %select_n3A, %lt3A_57 : i32
      %ne3A_59 = arith.xori %lt3A_56, %lt3A_58 : i1
      %and3A = arith.andi %ne3A_59, %ne3A_54 : i1
      %add3A_60 = arith.addi %rem3A, %select_n3A : i32
      %select_n3A_61 = arith.select %and3A, %add3A_60, %rem3A : i32
      %dma_wait3A = arith.constant 0 : i32
      %dma_wait3A_62 = tpu.memref_slice %arg11[%select_n3A_61, %dma_wait3A] : memref<2x1920xi32, #tpu.memory_space<vmem>> -> memref<1x1920xi32, #tpu.memory_space<vmem>>
      %dma_wait3A_63 = tpu.memref_squeeze %dma_wait3A_62 : memref<1x1920xi32, #tpu.memory_space<vmem>> -> memref<1920xi32, #tpu.memory_space<vmem>>
      %dma_wait3A_64 = arith.constant 0 : i32
      %dma_wait3A_65 = tpu.memref_slice %arg3[%scan3A_49, %dma_wait3A_64] : memref<100x1920xi32, #tpu.memory_space<hbm>> -> memref<1x1920xi32, #tpu.memory_space<hbm>>
      %dma_wait3A_66 = tpu.memref_squeeze %dma_wait3A_65 : memref<1x1920xi32, #tpu.memory_space<hbm>> -> memref<1920xi32, #tpu.memory_space<hbm>>
      %dma_wait3A_67 = arith.constant 0 : i32
      %dma_wait3A_68 = tpu.memref_slice %arg11[%select_n3A_61, %dma_wait3A_67] : memref<2x1920xi32, #tpu.memory_space<vmem>> -> memref<1x1920xi32, #tpu.memory_space<vmem>>
      %dma_wait3A_69 = tpu.memref_squeeze %dma_wait3A_68 : memref<1x1920xi32, #tpu.memory_space<vmem>> -> memref<1920xi32, #tpu.memory_space<vmem>>
      %dma_wait3A_70 = arith.constant 0 : i32
      %dma_wait3A_71 = tpu.memref_slice %arg3[%scan3A_49, %dma_wait3A_70] : memref<100x1920xi32, #tpu.memory_space<hbm>> -> memref<1x1920xi32, #tpu.memory_space<hbm>>
      %dma_wait3A_72 = tpu.memref_squeeze %dma_wait3A_71 : memref<1x1920xi32, #tpu.memory_space<hbm>> -> memref<1920xi32, #tpu.memory_space<hbm>>
      tpu.wait_dma2 semaphore(%arg16 : memref<!tpu.dma_semaphore, #tpu.memory_space<semaphore_mem>>) src(%dma_wait3A_72 : memref<1920xi32, #tpu.memory_space<hbm>>) dst(%dma_wait3A_69 : memref<1920xi32, #tpu.memory_space<vmem>>)
      %dma_wait3A_73 = arith.constant 0 : i32
      %dma_wait3A_74 = tpu.memref_slice %arg12[%select_n3A_61, %dma_wait3A_73] : memref<2x960xf32, #tpu.memory_space<vmem>> -> memref<1x960xf32, #tpu.memory_space<vmem>>
      %dma_wait3A_75 = tpu.memref_squeeze %dma_wait3A_74 : memref<1x960xf32, #tpu.memory_space<vmem>> -> memref<960xf32, #tpu.memory_space<vmem>>
      %dma_wait3A_76 = arith.constant 0 : i32
      %dma_wait3A_77 = tpu.memref_slice %arg4[%scan3A_49, %dma_wait3A_76] : memref<100x960xf32, #tpu.memory_space<hbm>> -> memref<1x960xf32, #tpu.memory_space<hbm>>
      %dma_wait3A_78 = tpu.memref_squeeze %dma_wait3A_77 : memref<1x960xf32, #tpu.memory_space<hbm>> -> memref<960xf32, #tpu.memory_space<hbm>>
      %dma_wait3A_79 = arith.constant 0 : i32
      %dma_wait3A_80 = tpu.memref_slice %arg12[%select_n3A_61, %dma_wait3A_79] : memref<2x960xf32, #tpu.memory_space<vmem>> -> memref<1x960xf32, #tpu.memory_space<vmem>>
      %dma_wait3A_81 = tpu.memref_squeeze %dma_wait3A_80 : memref<1x960xf32, #tpu.memory_space<vmem>> -> memref<960xf32, #tpu.memory_space<vmem>>
      %dma_wait3A_82 = arith.constant 0 : i32
      %dma_wait3A_83 = tpu.memref_slice %arg4[%scan3A_49, %dma_wait3A_82] : memref<100x960xf32, #tpu.memory_space<hbm>> -> memref<1x960xf32, #tpu.memory_space<hbm>>
      %dma_wait3A_84 = tpu.memref_squeeze %dma_wait3A_83 : memref<1x960xf32, #tpu.memory_space<hbm>> -> memref<960xf32, #tpu.memory_space<hbm>>
      tpu.wait_dma2 semaphore(%arg16 : memref<!tpu.dma_semaphore, #tpu.memory_space<semaphore_mem>>) src(%dma_wait3A_84 : memref<960xf32, #tpu.memory_space<hbm>>) dst(%dma_wait3A_81 : memref<960xf32, #tpu.memory_space<vmem>>)
      %add3A_85 = arith.constant 1 : i32
      %add3A_86 = arith.addi %scan3A_49, %add3A_85 : i32
      %lt3A_87 = arith.constant 100 : i32
      %lt3A_88 = arith.cmpi slt, %add3A_86, %lt3A_87 : i32
      %convert_element_type3A_89 = arith.extui %lt3A_88 : i1 to i32
      %cond3A_90 = arith.constant 0 : i32
      %cond3A_91 = arith.cmpi ne, %convert_element_type3A_89, %cond3A_90 : i32
      scf.if %cond3A_91 {
        %add3A_100 = arith.constant 1 : i32
        %add3A_101 = arith.addi %scan3A_49, %add3A_100 : i32
        %sub3A = arith.constant 1 : i32
        %sub3A_102 = arith.subi %sub3A, %select_n3A_61 : i32
        %dma_start3A_103 = arith.constant 0 : i32
        %dma_start3A_104 = tpu.memref_slice %arg11[%sub3A_102, %dma_start3A_103] : memref<2x1920xi32, #tpu.memory_space<vmem>> -> memref<1x1920xi32, #tpu.memory_space<vmem>>
        %dma_start3A_105 = tpu.memref_squeeze %dma_start3A_104 : memref<1x1920xi32, #tpu.memory_space<vmem>> -> memref<1920xi32, #tpu.memory_space<vmem>>
        %dma_start3A_106 = arith.constant 0 : i32
        %dma_start3A_107 = tpu.memref_slice %arg3[%add3A_101, %dma_start3A_106] : memref<100x1920xi32, #tpu.memory_space<hbm>> -> memref<1x1920xi32, #tpu.memory_space<hbm>>
        %dma_start3A_108 = tpu.memref_squeeze %dma_start3A_107 : memref<1x1920xi32, #tpu.memory_space<hbm>> -> memref<1920xi32, #tpu.memory_space<hbm>>
        %dma_start3A_109 = arith.constant 0 : i32
        %dma_start3A_110 = tpu.memref_slice %arg11[%sub3A_102, %dma_start3A_109] : memref<2x1920xi32, #tpu.memory_space<vmem>> -> memref<1x1920xi32, #tpu.memory_space<vmem>>
        %dma_start3A_111 = tpu.memref_squeeze %dma_start3A_110 : memref<1x1920xi32, #tpu.memory_space<vmem>> -> memref<1920xi32, #tpu.memory_space<vmem>>
        %dma_start3A_112 = arith.constant 0 : i32
        %dma_start3A_113 = tpu.memref_slice %arg3[%add3A_101, %dma_start3A_112] : memref<100x1920xi32, #tpu.memory_space<hbm>> -> memref<1x1920xi32, #tpu.memory_space<hbm>>
        %dma_start3A_114 = tpu.memref_squeeze %dma_start3A_113 : memref<1x1920xi32, #tpu.memory_space<hbm>> -> memref<1920xi32, #tpu.memory_space<hbm>>
        tpu.enqueue_dma source(%dma_start3A_114 : memref<1920xi32, #tpu.memory_space<hbm>>) target(%dma_start3A_111 : memref<1920xi32, #tpu.memory_space<vmem>>) target_semaphore(%arg16 : memref<!tpu.dma_semaphore, #tpu.memory_space<semaphore_mem>>)
        %add3A_115 = arith.constant 1 : i32
        %add3A_116 = arith.addi %scan3A_49, %add3A_115 : i32
        %sub3A_117 = arith.constant 1 : i32
        %sub3A_118 = arith.subi %sub3A_117, %select_n3A_61 : i32
        %dma_start3A_119 = arith.constant 0 : i32
        %dma_start3A_120 = tpu.memref_slice %arg12[%sub3A_118, %dma_start3A_119] : memref<2x960xf32, #tpu.memory_space<vmem>> -> memref<1x960xf32, #tpu.memory_space<vmem>>
        %dma_start3A_121 = tpu.memref_squeeze %dma_start3A_120 : memref<1x960xf32, #tpu.memory_space<vmem>> -> memref<960xf32, #tpu.memory_space<vmem>>
        %dma_start3A_122 = arith.constant 0 : i32
        %dma_start3A_123 = tpu.memref_slice %arg4[%add3A_116, %dma_start3A_122] : memref<100x960xf32, #tpu.memory_space<hbm>> -> memref<1x960xf32, #tpu.memory_space<hbm>>
        %dma_start3A_124 = tpu.memref_squeeze %dma_start3A_123 : memref<1x960xf32, #tpu.memory_space<hbm>> -> memref<960xf32, #tpu.memory_space<hbm>>
        %dma_start3A_125 = arith.constant 0 : i32
        %dma_start3A_126 = tpu.memref_slice %arg12[%sub3A_118, %dma_start3A_125] : memref<2x960xf32, #tpu.memory_space<vmem>> -> memref<1x960xf32, #tpu.memory_space<vmem>>
        %dma_start3A_127 = tpu.memref_squeeze %dma_start3A_126 : memref<1x960xf32, #tpu.memory_space<vmem>> -> memref<960xf32, #tpu.memory_space<vmem>>
        %dma_start3A_128 = arith.constant 0 : i32
        %dma_start3A_129 = tpu.memref_slice %arg4[%add3A_116, %dma_start3A_128] : memref<100x960xf32, #tpu.memory_space<hbm>> -> memref<1x960xf32, #tpu.memory_space<hbm>>
        %dma_start3A_130 = tpu.memref_squeeze %dma_start3A_129 : memref<1x960xf32, #tpu.memory_space<hbm>> -> memref<960xf32, #tpu.memory_space<hbm>>
        tpu.enqueue_dma source(%dma_start3A_130 : memref<960xf32, #tpu.memory_space<hbm>>) target(%dma_start3A_127 : memref<960xf32, #tpu.memory_space<vmem>>) target_semaphore(%arg16 : memref<!tpu.dma_semaphore, #tpu.memory_space<semaphore_mem>>)
      } else {
      }
      %scan3A_92 = arith.constant 0 : i32
      %scan3A_93 = arith.constant 0 : i32
      %scan3A_94 = arith.constant 15 : i32
      %scan3A_95 = arith.addi %scan3A_93, %scan3A_94 : i32
      %scan3A_96 = arith.constant 1 : i32
      %scan3A_97 = scf.for %scan3A_100 = %scan3A_93 to %scan3A_95 step %scan3A_96 iter_args(%scan3A_101 = %scan3A_92) -> (i32)  : i32 {
        %mul3A_102 = arith.constant 64 : i32
        %mul3A_103 = arith.muli %scan3A_100, %mul3A_102 : i32
        %add3A_104 = arith.constant 0 : i32
        %add3A_105 = arith.addi %mul3A_103, %add3A_104 : i32
        %get3A = arith.index_cast %select_n3A_61 : i32 to index
        %get3A_106 = arith.index_cast %add3A_105 : i32 to index
        %get3A_107 = tpu.vector_load %arg11[%get3A, %get3A_106] {strides = array<i32>} : memref<2x1920xi32, #tpu.memory_space<vmem>>, vector<1x16xi32>,
        %get3A_108 = vector.shape_cast %get3A_107 : vector<1x16xi32> to vector<16xi32>
        %mul3A_109 = arith.constant 16 : i32
        %mul3A_110 = vector.broadcast %mul3A_109 : i32 to vector<16xi32>
        %mul3A_111 = arith.muli %get3A_108, %mul3A_110 : vector<16xi32>
        %mul3A_112 = arith.constant 64 : i32
        %mul3A_113 = arith.muli %scan3A_100, %mul3A_112 : i32
        %add3A_114 = arith.constant 960 : i32
        %add3A_115 = arith.addi %add3A_114, %mul3A_113 : i32
        %add3A_116 = arith.constant 0 : i32
        %add3A_117 = arith.addi %add3A_115, %add3A_116 : i32
        %get3A_118 = arith.index_cast %select_n3A_61 : i32 to index
        %get3A_119 = arith.index_cast %add3A_117 : i32 to index
        %get3A_120 = tpu.vector_load %arg11[%get3A_118, %get3A_119] {strides = array<i32>} : memref<2x1920xi32, #tpu.memory_space<vmem>>, vector<1x16xi32>,
        %get3A_121 = vector.shape_cast %get3A_120 : vector<1x16xi32> to vector<16xi32>
        %mul3A_122 = arith.constant 16 : i32
        %mul3A_123 = vector.broadcast %mul3A_122 : i32 to vector<16xi32>
        %mul3A_124 = arith.muli %get3A_121, %mul3A_123 : vector<16xi32>
        %mul3A_125 = arith.constant 64 : i32
        %mul3A_126 = arith.muli %scan3A_100, %mul3A_125 : i32
        %add3A_127 = arith.constant 0 : i32
        %add3A_128 = arith.addi %mul3A_126, %add3A_127 : i32
        %get3A_129 = arith.index_cast %select_n3A_61 : i32 to index
        %get3A_130 = arith.index_cast %add3A_128 : i32 to index
        %get3A_131 = tpu.vector_load %arg12[%get3A_129, %get3A_130] {strides = array<i32>} : memref<2x960xf32, #tpu.memory_space<vmem>>, vector<1x16xf32>,
        %get3A_132 = vector.shape_cast %get3A_131 : vector<1x16xf32> to vector<16xf32>
        %slice3A = vector.extract_strided_slice %mul3A_111 {offsets = [0], sizes = [1], strides = [1]} : vector<16xi32> to vector<1xi32>
        %squeeze3A = vector.extract %slice3A[0] : i32 from vector<1xi32>
        %multiple_of3A = tpu.assume_multiple %squeeze3A, 16 : i32
        %slice3A_133 = vector.extract_strided_slice %mul3A_111 {offsets = [1], sizes = [1], strides = [1]} : vector<16xi32> to vector<1xi32>
        %squeeze3A_134 = vector.extract %slice3A_133[0] : i32 from vector<1xi32>
        %multiple_of3A_135 = tpu.assume_multiple %squeeze3A_134, 16 : i32
        %slice3A_136 = vector.extract_strided_slice %mul3A_111 {offsets = [2], sizes = [1], strides = [1]} : vector<16xi32> to vector<1xi32>
        %squeeze3A_137 = vector.extract %slice3A_136[0] : i32 from vector<1xi32>
        %multiple_of3A_138 = tpu.assume_multiple %squeeze3A_137, 16 : i32
        %slice3A_139 = vector.extract_strided_slice %mul3A_111 {offsets = [3], sizes = [1], strides = [1]} : vector<16xi32> to vector<1xi32>
        %squeeze3A_140 = vector.extract %slice3A_139[0] : i32 from vector<1xi32>
        %multiple_of3A_141 = tpu.assume_multiple %squeeze3A_140, 16 : i32
        %slice3A_142 = vector.extract_strided_slice %mul3A_111 {offsets = [4], sizes = [1], strides = [1]} : vector<16xi32> to vector<1xi32>
        %squeeze3A_143 = vector.extract %slice3A_142[0] : i32 from vector<1xi32>
        %multiple_of3A_144 = tpu.assume_multiple %squeeze3A_143, 16 : i32
        %slice3A_145 = vector.extract_strided_slice %mul3A_111 {offsets = [5], sizes = [1], strides = [1]} : vector<16xi32> to vector<1xi32>
        %squeeze3A_146 = vector.extract %slice3A_145[0] : i32 from vector<1xi32>
        %multiple_of3A_147 = tpu.assume_multiple %squeeze3A_146, 16 : i32
        %slice3A_148 = vector.extract_strided_slice %mul3A_111 {offsets = [6], sizes = [1], strides = [1]} : vector<16xi32> to vector<1xi32>
        %squeeze3A_149 = vector.extract %slice3A_148[0] : i32 from vector<1xi32>
        %multiple_of3A_150 = tpu.assume_multiple %squeeze3A_149, 16 : i32
        %slice3A_151 = vector.extract_strided_slice %mul3A_111 {offsets = [7], sizes = [1], strides = [1]} : vector<16xi32> to vector<1xi32>
        %squeeze3A_152 = vector.extract %slice3A_151[0] : i32 from vector<1xi32>
        %multiple_of3A_153 = tpu.assume_multiple %squeeze3A_152, 16 : i32
        %slice3A_154 = vector.extract_strided_slice %mul3A_111 {offsets = [8], sizes = [1], strides = [1]} : vector<16xi32> to vector<1xi32>
        %squeeze3A_155 = vector.extract %slice3A_154[0] : i32 from vector<1xi32>
        %multiple_of3A_156 = tpu.assume_multiple %squeeze3A_155, 16 : i32
        %slice3A_157 = vector.extract_strided_slice %mul3A_111 {offsets = [9], sizes = [1], strides = [1]} : vector<16xi32> to vector<1xi32>
        %squeeze3A_158 = vector.extract %slice3A_157[0] : i32 from vector<1xi32>
        %multiple_of3A_159 = tpu.assume_multiple %squeeze3A_158, 16 : i32
        %slice3A_160 = vector.extract_strided_slice %mul3A_111 {offsets = [10], sizes = [1], strides = [1]} : vector<16xi32> to vector<1xi32>
        %squeeze3A_161 = vector.extract %slice3A_160[0] : i32 from vector<1xi32>
        %multiple_of3A_162 = tpu.assume_multiple %squeeze3A_161, 16 : i32
        %slice3A_163 = vector.extract_strided_slice %mul3A_111 {offsets = [11], sizes = [1], strides = [1]} : vector<16xi32> to vector<1xi32>
        %squeeze3A_164 = vector.extract %slice3A_163[0] : i32 from vector<1xi32>
        %multiple_of3A_165 = tpu.assume_multiple %squeeze3A_164, 16 : i32
        %slice3A_166 = vector.extract_strided_slice %mul3A_111 {offsets = [12], sizes = [1], strides = [1]} : vector<16xi32> to vector<1xi32>
        %squeeze3A_167 = vector.extract %slice3A_166[0] : i32 from vector<1xi32>
        %multiple_of3A_168 = tpu.assume_multiple %squeeze3A_167, 16 : i32
        %slice3A_169 = vector.extract_strided_slice %mul3A_111 {offsets = [13], sizes = [1], strides = [1]} : vector<16xi32> to vector<1xi32>
        %squeeze3A_170 = vector.extract %slice3A_169[0] : i32 from vector<1xi32>
        %multiple_of3A_171 = tpu.assume_multiple %squeeze3A_170, 16 : i32
        %slice3A_172 = vector.extract_strided_slice %mul3A_111 {offsets = [14], sizes = [1], strides = [1]} : vector<16xi32> to vector<1xi32>
        %squeeze3A_173 = vector.extract %slice3A_172[0] : i32 from vector<1xi32>
        %multiple_of3A_174 = tpu.assume_multiple %squeeze3A_173, 16 : i32
        %slice3A_175 = vector.extract_strided_slice %mul3A_111 {offsets = [15], sizes = [1], strides = [1]} : vector<16xi32> to vector<1xi32>
        %squeeze3A_176 = vector.extract %slice3A_175[0] : i32 from vector<1xi32>
        %multiple_of3A_177 = tpu.assume_multiple %squeeze3A_176, 16 : i32
        %slice3A_178 = vector.extract_strided_slice %mul3A_124 {offsets = [0], sizes = [1], strides = [1]} : vector<16xi32> to vector<1xi32>
        %squeeze3A_179 = vector.extract %slice3A_178[0] : i32 from vector<1xi32>
        %multiple_of3A_180 = tpu.assume_multiple %squeeze3A_179, 16 : i32
        %slice3A_181 = vector.extract_strided_slice %mul3A_124 {offsets = [1], sizes = [1], strides = [1]} : vector<16xi32> to vector<1xi32>
        %squeeze3A_182 = vector.extract %slice3A_181[0] : i32 from vector<1xi32>
        %multiple_of3A_183 = tpu.assume_multiple %squeeze3A_182, 16 : i32
        %slice3A_184 = vector.extract_strided_slice %mul3A_124 {offsets = [2], sizes = [1], strides = [1]} : vector<16xi32> to vector<1xi32>
        %squeeze3A_185 = vector.extract %slice3A_184[0] : i32 from vector<1xi32>
        %multiple_of3A_186 = tpu.assume_multiple %squeeze3A_185, 16 : i32
        %slice3A_187 = vector.extract_strided_slice %mul3A_124 {offsets = [3], sizes = [1], strides = [1]} : vector<16xi32> to vector<1xi32>
        %squeeze3A_188 = vector.extract %slice3A_187[0] : i32 from vector<1xi32>
        %multiple_of3A_189 = tpu.assume_multiple %squeeze3A_188, 16 : i32
        %slice3A_190 = vector.extract_strided_slice %mul3A_124 {offsets = [4], sizes = [1], strides = [1]} : vector<16xi32> to vector<1xi32>
        %squeeze3A_191 = vector.extract %slice3A_190[0] : i32 from vector<1xi32>
        %multiple_of3A_192 = tpu.assume_multiple %squeeze3A_191, 16 : i32
        %slice3A_193 = vector.extract_strided_slice %mul3A_124 {offsets = [5], sizes = [1], strides = [1]} : vector<16xi32> to vector<1xi32>
        %squeeze3A_194 = vector.extract %slice3A_193[0] : i32 from vector<1xi32>
        %multiple_of3A_195 = tpu.assume_multiple %squeeze3A_194, 16 : i32
        %slice3A_196 = vector.extract_strided_slice %mul3A_124 {offsets = [6], sizes = [1], strides = [1]} : vector<16xi32> to vector<1xi32>
        %squeeze3A_197 = vector.extract %slice3A_196[0] : i32 from vector<1xi32>
        %multiple_of3A_198 = tpu.assume_multiple %squeeze3A_197, 16 : i32
        %slice3A_199 = vector.extract_strided_slice %mul3A_124 {offsets = [7], sizes = [1], strides = [1]} : vector<16xi32> to vector<1xi32>
        %squeeze3A_200 = vector.extract %slice3A_199[0] : i32 from vector<1xi32>
        %multiple_of3A_201 = tpu.assume_multiple %squeeze3A_200, 16 : i32
        %slice3A_202 = vector.extract_strided_slice %mul3A_124 {offsets = [8], sizes = [1], strides = [1]} : vector<16xi32> to vector<1xi32>
        %squeeze3A_203 = vector.extract %slice3A_202[0] : i32 from vector<1xi32>
        %multiple_of3A_204 = tpu.assume_multiple %squeeze3A_203, 16 : i32
        %slice3A_205 = vector.extract_strided_slice %mul3A_124 {offsets = [9], sizes = [1], strides = [1]} : vector<16xi32> to vector<1xi32>
        %squeeze3A_206 = vector.extract %slice3A_205[0] : i32 from vector<1xi32>
        %multiple_of3A_207 = tpu.assume_multiple %squeeze3A_206, 16 : i32
        %slice3A_208 = vector.extract_strided_slice %mul3A_124 {offsets = [10], sizes = [1], strides = [1]} : vector<16xi32> to vector<1xi32>
        %squeeze3A_209 = vector.extract %slice3A_208[0] : i32 from vector<1xi32>
        %multiple_of3A_210 = tpu.assume_multiple %squeeze3A_209, 16 : i32
        %slice3A_211 = vector.extract_strided_slice %mul3A_124 {offsets = [11], sizes = [1], strides = [1]} : vector<16xi32> to vector<1xi32>
        %squeeze3A_212 = vector.extract %slice3A_211[0] : i32 from vector<1xi32>
        %multiple_of3A_213 = tpu.assume_multiple %squeeze3A_212, 16 : i32
        %slice3A_214 = vector.extract_strided_slice %mul3A_124 {offsets = [12], sizes = [1], strides = [1]} : vector<16xi32> to vector<1xi32>
        %squeeze3A_215 = vector.extract %slice3A_214[0] : i32 from vector<1xi32>
        %multiple_of3A_216 = tpu.assume_multiple %squeeze3A_215, 16 : i32
        %slice3A_217 = vector.extract_strided_slice %mul3A_124 {offsets = [13], sizes = [1], strides = [1]} : vector<16xi32> to vector<1xi32>
        %squeeze3A_218 = vector.extract %slice3A_217[0] : i32 from vector<1xi32>
        %multiple_of3A_219 = tpu.assume_multiple %squeeze3A_218, 16 : i32
        %slice3A_220 = vector.extract_strided_slice %mul3A_124 {offsets = [14], sizes = [1], strides = [1]} : vector<16xi32> to vector<1xi32>
        %squeeze3A_221 = vector.extract %slice3A_220[0] : i32 from vector<1xi32>
        %multiple_of3A_222 = tpu.assume_multiple %squeeze3A_221, 16 : i32
        %slice3A_223 = vector.extract_strided_slice %mul3A_124 {offsets = [15], sizes = [1], strides = [1]} : vector<16xi32> to vector<1xi32>
        %squeeze3A_224 = vector.extract %slice3A_223[0] : i32 from vector<1xi32>
        %multiple_of3A_225 = tpu.assume_multiple %squeeze3A_224, 16 : i32
        %slice3A_226 = vector.extract_strided_slice %get3A_132 {offsets = [0], sizes = [1], strides = [1]} : vector<16xf32> to vector<1xf32>
        %squeeze3A_227 = vector.extract %slice3A_226[0] : f32 from vector<1xf32>
        %slice3A_228 = vector.extract_strided_slice %get3A_132 {offsets = [1], sizes = [1], strides = [1]} : vector<16xf32> to vector<1xf32>
        %squeeze3A_229 = vector.extract %slice3A_228[0] : f32 from vector<1xf32>
        %slice3A_230 = vector.extract_strided_slice %get3A_132 {offsets = [2], sizes = [1], strides = [1]} : vector<16xf32> to vector<1xf32>
        %squeeze3A_231 = vector.extract %slice3A_230[0] : f32 from vector<1xf32>
        %slice3A_232 = vector.extract_strided_slice %get3A_132 {offsets = [3], sizes = [1], strides = [1]} : vector<16xf32> to vector<1xf32>
        %squeeze3A_233 = vector.extract %slice3A_232[0] : f32 from vector<1xf32>
        %slice3A_234 = vector.extract_strided_slice %get3A_132 {offsets = [4], sizes = [1], strides = [1]} : vector<16xf32> to vector<1xf32>
        %squeeze3A_235 = vector.extract %slice3A_234[0] : f32 from vector<1xf32>
        %slice3A_236 = vector.extract_strided_slice %get3A_132 {offsets = [5], sizes = [1], strides = [1]} : vector<16xf32> to vector<1xf32>
        %squeeze3A_237 = vector.extract %slice3A_236[0] : f32 from vector<1xf32>
        %slice3A_238 = vector.extract_strided_slice %get3A_132 {offsets = [6], sizes = [1], strides = [1]} : vector<16xf32> to vector<1xf32>
        %squeeze3A_239 = vector.extract %slice3A_238[0] : f32 from vector<1xf32>
        %slice3A_240 = vector.extract_strided_slice %get3A_132 {offsets = [7], sizes = [1], strides = [1]} : vector<16xf32> to vector<1xf32>
        %squeeze3A_241 = vector.extract %slice3A_240[0] : f32 from vector<1xf32>
        %slice3A_242 = vector.extract_strided_slice %get3A_132 {offsets = [8], sizes = [1], strides = [1]} : vector<16xf32> to vector<1xf32>
        %squeeze3A_243 = vector.extract %slice3A_242[0] : f32 from vector<1xf32>
        %slice3A_244 = vector.extract_strided_slice %get3A_132 {offsets = [9], sizes = [1], strides = [1]} : vector<16xf32> to vector<1xf32>
        %squeeze3A_245 = vector.extract %slice3A_244[0] : f32 from vector<1xf32>
        %slice3A_246 = vector.extract_strided_slice %get3A_132 {offsets = [10], sizes = [1], strides = [1]} : vector<16xf32> to vector<1xf32>
        %squeeze3A_247 = vector.extract %slice3A_246[0] : f32 from vector<1xf32>
        %slice3A_248 = vector.extract_strided_slice %get3A_132 {offsets = [11], sizes = [1], strides = [1]} : vector<16xf32> to vector<1xf32>
        %squeeze3A_249 = vector.extract %slice3A_248[0] : f32 from vector<1xf32>
        %slice3A_250 = vector.extract_strided_slice %get3A_132 {offsets = [12], sizes = [1], strides = [1]} : vector<16xf32> to vector<1xf32>
        %squeeze3A_251 = vector.extract %slice3A_250[0] : f32 from vector<1xf32>
        %slice3A_252 = vector.extract_strided_slice %get3A_132 {offsets = [13], sizes = [1], strides = [1]} : vector<16xf32> to vector<1xf32>
        %squeeze3A_253 = vector.extract %slice3A_252[0] : f32 from vector<1xf32>
        %slice3A_254 = vector.extract_strided_slice %get3A_132 {offsets = [14], sizes = [1], strides = [1]} : vector<16xf32> to vector<1xf32>
        %squeeze3A_255 = vector.extract %slice3A_254[0] : f32 from vector<1xf32>
        %slice3A_256 = vector.extract_strided_slice %get3A_132 {offsets = [15], sizes = [1], strides = [1]} : vector<16xf32> to vector<1xf32>
        %squeeze3A_257 = vector.extract %slice3A_256[0] : f32 from vector<1xf32>
        %mul3A_258 = arith.constant 64 : i32
        %mul3A_259 = arith.muli %scan3A_100, %mul3A_258 : i32
        %add3A_260 = arith.constant 16 : i32
        %add3A_261 = arith.addi %mul3A_259, %add3A_260 : i32
        %get3A_262 = arith.index_cast %select_n3A_61 : i32 to index
        %get3A_263 = arith.index_cast %add3A_261 : i32 to index
        %get3A_264 = tpu.vector_load %arg11[%get3A_262, %get3A_263] {strides = array<i32>} : memref<2x1920xi32, #tpu.memory_space<vmem>>, vector<1x16xi32>,
        %get3A_265 = vector.shape_cast %get3A_264 : vector<1x16xi32> to vector<16xi32>
        %mul3A_266 = arith.constant 16 : i32
        %mul3A_267 = vector.broadcast %mul3A_266 : i32 to vector<16xi32>
        %mul3A_268 = arith.muli %get3A_265, %mul3A_267 : vector<16xi32>
        %mul3A_269 = arith.constant 64 : i32
        %mul3A_270 = arith.muli %scan3A_100, %mul3A_269 : i32
        %add3A_271 = arith.constant 960 : i32
        %add3A_272 = arith.addi %add3A_271, %mul3A_270 : i32
        %add3A_273 = arith.constant 16 : i32
        %add3A_274 = arith.addi %add3A_272, %add3A_273 : i32
        %get3A_275 = arith.index_cast %select_n3A_61 : i32 to index
        %get3A_276 = arith.index_cast %add3A_274 : i32 to index
        %get3A_277 = tpu.vector_load %arg11[%get3A_275, %get3A_276] {strides = array<i32>} : memref<2x1920xi32, #tpu.memory_space<vmem>>, vector<1x16xi32>,
        %get3A_278 = vector.shape_cast %get3A_277 : vector<1x16xi32> to vector<16xi32>
        %mul3A_279 = arith.constant 16 : i32
        %mul3A_280 = vector.broadcast %mul3A_279 : i32 to vector<16xi32>
        %mul3A_281 = arith.muli %get3A_278, %mul3A_280 : vector<16xi32>
        %mul3A_282 = arith.constant 64 : i32
        %mul3A_283 = arith.muli %scan3A_100, %mul3A_282 : i32
        %add3A_284 = arith.constant 16 : i32
        %add3A_285 = arith.addi %mul3A_283, %add3A_284 : i32
        %get3A_286 = arith.index_cast %select_n3A_61 : i32 to index
        %get3A_287 = arith.index_cast %add3A_285 : i32 to index
        %get3A_288 = tpu.vector_load %arg12[%get3A_286, %get3A_287] {strides = array<i32>} : memref<2x960xf32, #tpu.memory_space<vmem>>, vector<1x16xf32>,
        %get3A_289 = vector.shape_cast %get3A_288 : vector<1x16xf32> to vector<16xf32>
        %slice3A_290 = vector.extract_strided_slice %mul3A_268 {offsets = [0], sizes = [1], strides = [1]} : vector<16xi32> to vector<1xi32>
        %squeeze3A_291 = vector.extract %slice3A_290[0] : i32 from vector<1xi32>
        %multiple_of3A_292 = tpu.assume_multiple %squeeze3A_291, 16 : i32
        %slice3A_293 = vector.extract_strided_slice %mul3A_268 {offsets = [1], sizes = [1], strides = [1]} : vector<16xi32> to vector<1xi32>
        %squeeze3A_294 = vector.extract %slice3A_293[0] : i32 from vector<1xi32>
        %multiple_of3A_295 = tpu.assume_multiple %squeeze3A_294, 16 : i32
        %slice3A_296 = vector.extract_strided_slice %mul3A_268 {offsets = [2], sizes = [1], strides = [1]} : vector<16xi32> to vector<1xi32>
        %squeeze3A_297 = vector.extract %slice3A_296[0] : i32 from vector<1xi32>
        %multiple_of3A_298 = tpu.assume_multiple %squeeze3A_297, 16 : i32
        %slice3A_299 = vector.extract_strided_slice %mul3A_268 {offsets = [3], sizes = [1], strides = [1]} : vector<16xi32> to vector<1xi32>
        %squeeze3A_300 = vector.extract %slice3A_299[0] : i32 from vector<1xi32>
        %multiple_of3A_301 = tpu.assume_multiple %squeeze3A_300, 16 : i32
        %slice3A_302 = vector.extract_strided_slice %mul3A_268 {offsets = [4], sizes = [1], strides = [1]} : vector<16xi32> to vector<1xi32>
        %squeeze3A_303 = vector.extract %slice3A_302[0] : i32 from vector<1xi32>
        %multiple_of3A_304 = tpu.assume_multiple %squeeze3A_303, 16 : i32
        %slice3A_305 = vector.extract_strided_slice %mul3A_268 {offsets = [5], sizes = [1], strides = [1]} : vector<16xi32> to vector<1xi32>
        %squeeze3A_306 = vector.extract %slice3A_305[0] : i32 from vector<1xi32>
        %multiple_of3A_307 = tpu.assume_multiple %squeeze3A_306, 16 : i32
        %slice3A_308 = vector.extract_strided_slice %mul3A_268 {offsets = [6], sizes = [1], strides = [1]} : vector<16xi32> to vector<1xi32>
        %squeeze3A_309 = vector.extract %slice3A_308[0] : i32 from vector<1xi32>
        %multiple_of3A_310 = tpu.assume_multiple %squeeze3A_309, 16 : i32
        %slice3A_311 = vector.extract_strided_slice %mul3A_268 {offsets = [7], sizes = [1], strides = [1]} : vector<16xi32> to vector<1xi32>
        %squeeze3A_312 = vector.extract %slice3A_311[0] : i32 from vector<1xi32>
        %multiple_of3A_313 = tpu.assume_multiple %squeeze3A_312, 16 : i32
        %slice3A_314 = vector.extract_strided_slice %mul3A_268 {offsets = [8], sizes = [1], strides = [1]} : vector<16xi32> to vector<1xi32>
        %squeeze3A_315 = vector.extract %slice3A_314[0] : i32 from vector<1xi32>
        %multiple_of3A_316 = tpu.assume_multiple %squeeze3A_315, 16 : i32
        %slice3A_317 = vector.extract_strided_slice %mul3A_268 {offsets = [9], sizes = [1], strides = [1]} : vector<16xi32> to vector<1xi32>
        %squeeze3A_318 = vector.extract %slice3A_317[0] : i32 from vector<1xi32>
        %multiple_of3A_319 = tpu.assume_multiple %squeeze3A_318, 16 : i32
        %slice3A_320 = vector.extract_strided_slice %mul3A_268 {offsets = [10], sizes = [1], strides = [1]} : vector<16xi32> to vector<1xi32>
        %squeeze3A_321 = vector.extract %slice3A_320[0] : i32 from vector<1xi32>
        %multiple_of3A_322 = tpu.assume_multiple %squeeze3A_321, 16 : i32
        %slice3A_323 = vector.extract_strided_slice %mul3A_268 {offsets = [11], sizes = [1], strides = [1]} : vector<16xi32> to vector<1xi32>
        %squeeze3A_324 = vector.extract %slice3A_323[0] : i32 from vector<1xi32>
        %multiple_of3A_325 = tpu.assume_multiple %squeeze3A_324, 16 : i32
        %slice3A_326 = vector.extract_strided_slice %mul3A_268 {offsets = [12], sizes = [1], strides = [1]} : vector<16xi32> to vector<1xi32>
        %squeeze3A_327 = vector.extract %slice3A_326[0] : i32 from vector<1xi32>
        %multiple_of3A_328 = tpu.assume_multiple %squeeze3A_327, 16 : i32
        %slice3A_329 = vector.extract_strided_slice %mul3A_268 {offsets = [13], sizes = [1], strides = [1]} : vector<16xi32> to vector<1xi32>
        %squeeze3A_330 = vector.extract %slice3A_329[0] : i32 from vector<1xi32>
        %multiple_of3A_331 = tpu.assume_multiple %squeeze3A_330, 16 : i32
        %slice3A_332 = vector.extract_strided_slice %mul3A_268 {offsets = [14], sizes = [1], strides = [1]} : vector<16xi32> to vector<1xi32>
        %squeeze3A_333 = vector.extract %slice3A_332[0] : i32 from vector<1xi32>
        %multiple_of3A_334 = tpu.assume_multiple %squeeze3A_333, 16 : i32
        %slice3A_335 = vector.extract_strided_slice %mul3A_268 {offsets = [15], sizes = [1], strides = [1]} : vector<16xi32> to vector<1xi32>
        %squeeze3A_336 = vector.extract %slice3A_335[0] : i32 from vector<1xi32>
        %multiple_of3A_337 = tpu.assume_multiple %squeeze3A_336, 16 : i32
        %slice3A_338 = vector.extract_strided_slice %mul3A_281 {offsets = [0], sizes = [1], strides = [1]} : vector<16xi32> to vector<1xi32>
        %squeeze3A_339 = vector.extract %slice3A_338[0] : i32 from vector<1xi32>
        %multiple_of3A_340 = tpu.assume_multiple %squeeze3A_339, 16 : i32
        %slice3A_341 = vector.extract_strided_slice %mul3A_281 {offsets = [1], sizes = [1], strides = [1]} : vector<16xi32> to vector<1xi32>
        %squeeze3A_342 = vector.extract %slice3A_341[0] : i32 from vector<1xi32>
        %multiple_of3A_343 = tpu.assume_multiple %squeeze3A_342, 16 : i32
        %slice3A_344 = vector.extract_strided_slice %mul3A_281 {offsets = [2], sizes = [1], strides = [1]} : vector<16xi32> to vector<1xi32>
        %squeeze3A_345 = vector.extract %slice3A_344[0] : i32 from vector<1xi32>
        %multiple_of3A_346 = tpu.assume_multiple %squeeze3A_345, 16 : i32
        %slice3A_347 = vector.extract_strided_slice %mul3A_281 {offsets = [3], sizes = [1], strides = [1]} : vector<16xi32> to vector<1xi32>
        %squeeze3A_348 = vector.extract %slice3A_347[0] : i32 from vector<1xi32>
        %multiple_of3A_349 = tpu.assume_multiple %squeeze3A_348, 16 : i32
        %slice3A_350 = vector.extract_strided_slice %mul3A_281 {offsets = [4], sizes = [1], strides = [1]} : vector<16xi32> to vector<1xi32>
        %squeeze3A_351 = vector.extract %slice3A_350[0] : i32 from vector<1xi32>
        %multiple_of3A_352 = tpu.assume_multiple %squeeze3A_351, 16 : i32
        %slice3A_353 = vector.extract_strided_slice %mul3A_281 {offsets = [5], sizes = [1], strides = [1]} : vector<16xi32> to vector<1xi32>
        %squeeze3A_354 = vector.extract %slice3A_353[0] : i32 from vector<1xi32>
        %multiple_of3A_355 = tpu.assume_multiple %squeeze3A_354, 16 : i32
        %slice3A_356 = vector.extract_strided_slice %mul3A_281 {offsets = [6], sizes = [1], strides = [1]} : vector<16xi32> to vector<1xi32>
        %squeeze3A_357 = vector.extract %slice3A_356[0] : i32 from vector<1xi32>
        %multiple_of3A_358 = tpu.assume_multiple %squeeze3A_357, 16 : i32
        %slice3A_359 = vector.extract_strided_slice %mul3A_281 {offsets = [7], sizes = [1], strides = [1]} : vector<16xi32> to vector<1xi32>
        %squeeze3A_360 = vector.extract %slice3A_359[0] : i32 from vector<1xi32>
        %multiple_of3A_361 = tpu.assume_multiple %squeeze3A_360, 16 : i32
        %slice3A_362 = vector.extract_strided_slice %mul3A_281 {offsets = [8], sizes = [1], strides = [1]} : vector<16xi32> to vector<1xi32>
        %squeeze3A_363 = vector.extract %slice3A_362[0] : i32 from vector<1xi32>
        %multiple_of3A_364 = tpu.assume_multiple %squeeze3A_363, 16 : i32
        %slice3A_365 = vector.extract_strided_slice %mul3A_281 {offsets = [9], sizes = [1], strides = [1]} : vector<16xi32> to vector<1xi32>
        %squeeze3A_366 = vector.extract %slice3A_365[0] : i32 from vector<1xi32>
        %multiple_of3A_367 = tpu.assume_multiple %squeeze3A_366, 16 : i32
        %slice3A_368 = vector.extract_strided_slice %mul3A_281 {offsets = [10], sizes = [1], strides = [1]} : vector<16xi32> to vector<1xi32>
        %squeeze3A_369 = vector.extract %slice3A_368[0] : i32 from vector<1xi32>
        %multiple_of3A_370 = tpu.assume_multiple %squeeze3A_369, 16 : i32
        %slice3A_371 = vector.extract_strided_slice %mul3A_281 {offsets = [11], sizes = [1], strides = [1]} : vector<16xi32> to vector<1xi32>
        %squeeze3A_372 = vector.extract %slice3A_371[0] : i32 from vector<1xi32>
        %multiple_of3A_373 = tpu.assume_multiple %squeeze3A_372, 16 : i32
        %slice3A_374 = vector.extract_strided_slice %mul3A_281 {offsets = [12], sizes = [1], strides = [1]} : vector<16xi32> to vector<1xi32>
        %squeeze3A_375 = vector.extract %slice3A_374[0] : i32 from vector<1xi32>
        %multiple_of3A_376 = tpu.assume_multiple %squeeze3A_375, 16 : i32
        %slice3A_377 = vector.extract_strided_slice %mul3A_281 {offsets = [13], sizes = [1], strides = [1]} : vector<16xi32> to vector<1xi32>
        %squeeze3A_378 = vector.extract %slice3A_377[0] : i32 from vector<1xi32>
        %multiple_of3A_379 = tpu.assume_multiple %squeeze3A_378, 16 : i32
        %slice3A_380 = vector.extract_strided_slice %mul3A_281 {offsets = [14], sizes = [1], strides = [1]} : vector<16xi32> to vector<1xi32>
        %squeeze3A_381 = vector.extract %slice3A_380[0] : i32 from vector<1xi32>
        %multiple_of3A_382 = tpu.assume_multiple %squeeze3A_381, 16 : i32
        %slice3A_383 = vector.extract_strided_slice %mul3A_281 {offsets = [15], sizes = [1], strides = [1]} : vector<16xi32> to vector<1xi32>
        %squeeze3A_384 = vector.extract %slice3A_383[0] : i32 from vector<1xi32>
        %multiple_of3A_385 = tpu.assume_multiple %squeeze3A_384, 16 : i32
        %slice3A_386 = vector.extract_strided_slice %get3A_289 {offsets = [0], sizes = [1], strides = [1]} : vector<16xf32> to vector<1xf32>
        %squeeze3A_387 = vector.extract %slice3A_386[0] : f32 from vector<1xf32>
        %slice3A_388 = vector.extract_strided_slice %get3A_289 {offsets = [1], sizes = [1], strides = [1]} : vector<16xf32> to vector<1xf32>
        %squeeze3A_389 = vector.extract %slice3A_388[0] : f32 from vector<1xf32>
        %slice3A_390 = vector.extract_strided_slice %get3A_289 {offsets = [2], sizes = [1], strides = [1]} : vector<16xf32> to vector<1xf32>
        %squeeze3A_391 = vector.extract %slice3A_390[0] : f32 from vector<1xf32>
        %slice3A_392 = vector.extract_strided_slice %get3A_289 {offsets = [3], sizes = [1], strides = [1]} : vector<16xf32> to vector<1xf32>
        %squeeze3A_393 = vector.extract %slice3A_392[0] : f32 from vector<1xf32>
        %slice3A_394 = vector.extract_strided_slice %get3A_289 {offsets = [4], sizes = [1], strides = [1]} : vector<16xf32> to vector<1xf32>
        %squeeze3A_395 = vector.extract %slice3A_394[0] : f32 from vector<1xf32>
        %slice3A_396 = vector.extract_strided_slice %get3A_289 {offsets = [5], sizes = [1], strides = [1]} : vector<16xf32> to vector<1xf32>
        %squeeze3A_397 = vector.extract %slice3A_396[0] : f32 from vector<1xf32>
        %slice3A_398 = vector.extract_strided_slice %get3A_289 {offsets = [6], sizes = [1], strides = [1]} : vector<16xf32> to vector<1xf32>
        %squeeze3A_399 = vector.extract %slice3A_398[0] : f32 from vector<1xf32>
        %slice3A_400 = vector.extract_strided_slice %get3A_289 {offsets = [7], sizes = [1], strides = [1]} : vector<16xf32> to vector<1xf32>
        %squeeze3A_401 = vector.extract %slice3A_400[0] : f32 from vector<1xf32>
        %slice3A_402 = vector.extract_strided_slice %get3A_289 {offsets = [8], sizes = [1], strides = [1]} : vector<16xf32> to vector<1xf32>
        %squeeze3A_403 = vector.extract %slice3A_402[0] : f32 from vector<1xf32>
        %slice3A_404 = vector.extract_strided_slice %get3A_289 {offsets = [9], sizes = [1], strides = [1]} : vector<16xf32> to vector<1xf32>
        %squeeze3A_405 = vector.extract %slice3A_404[0] : f32 from vector<1xf32>
        %slice3A_406 = vector.extract_strided_slice %get3A_289 {offsets = [10], sizes = [1], strides = [1]} : vector<16xf32> to vector<1xf32>
        %squeeze3A_407 = vector.extract %slice3A_406[0] : f32 from vector<1xf32>
        %slice3A_408 = vector.extract_strided_slice %get3A_289 {offsets = [11], sizes = [1], strides = [1]} : vector<16xf32> to vector<1xf32>
        %squeeze3A_409 = vector.extract %slice3A_408[0] : f32 from vector<1xf32>
        %slice3A_410 = vector.extract_strided_slice %get3A_289 {offsets = [12], sizes = [1], strides = [1]} : vector<16xf32> to vector<1xf32>
        %squeeze3A_411 = vector.extract %slice3A_410[0] : f32 from vector<1xf32>
        %slice3A_412 = vector.extract_strided_slice %get3A_289 {offsets = [13], sizes = [1], strides = [1]} : vector<16xf32> to vector<1xf32>
        %squeeze3A_413 = vector.extract %slice3A_412[0] : f32 from vector<1xf32>
        %slice3A_414 = vector.extract_strided_slice %get3A_289 {offsets = [14], sizes = [1], strides = [1]} : vector<16xf32> to vector<1xf32>
        %squeeze3A_415 = vector.extract %slice3A_414[0] : f32 from vector<1xf32>
        %slice3A_416 = vector.extract_strided_slice %get3A_289 {offsets = [15], sizes = [1], strides = [1]} : vector<16xf32> to vector<1xf32>
        %squeeze3A_417 = vector.extract %slice3A_416[0] : f32 from vector<1xf32>
        %mul3A_418 = arith.constant 64 : i32
        %mul3A_419 = arith.muli %scan3A_100, %mul3A_418 : i32
        %add3A_420 = arith.constant 32 : i32
        %add3A_421 = arith.addi %mul3A_419, %add3A_420 : i32
        %get3A_422 = arith.index_cast %select_n3A_61 : i32 to index
        %get3A_423 = arith.index_cast %add3A_421 : i32 to index
        %get3A_424 = tpu.vector_load %arg11[%get3A_422, %get3A_423] {strides = array<i32>} : memref<2x1920xi32, #tpu.memory_space<vmem>>, vector<1x16xi32>,
        %get3A_425 = vector.shape_cast %get3A_424 : vector<1x16xi32> to vector<16xi32>
        %mul3A_426 = arith.constant 16 : i32
        %mul3A_427 = vector.broadcast %mul3A_426 : i32 to vector<16xi32>
        %mul3A_428 = arith.muli %get3A_425, %mul3A_427 : vector<16xi32>
        %mul3A_429 = arith.constant 64 : i32
        %mul3A_430 = arith.muli %scan3A_100, %mul3A_429 : i32
        %add3A_431 = arith.constant 960 : i32
        %add3A_432 = arith.addi %add3A_431, %mul3A_430 : i32
        %add3A_433 = arith.constant 32 : i32
        %add3A_434 = arith.addi %add3A_432, %add3A_433 : i32
        %get3A_435 = arith.index_cast %select_n3A_61 : i32 to index
        %get3A_436 = arith.index_cast %add3A_434 : i32 to index
        %get3A_437 = tpu.vector_load %arg11[%get3A_435, %get3A_436] {strides = array<i32>} : memref<2x1920xi32, #tpu.memory_space<vmem>>, vector<1x16xi32>,
        %get3A_438 = vector.shape_cast %get3A_437 : vector<1x16xi32> to vector<16xi32>
        %mul3A_439 = arith.constant 16 : i32
        %mul3A_440 = vector.broadcast %mul3A_439 : i32 to vector<16xi32>
        %mul3A_441 = arith.muli %get3A_438, %mul3A_440 : vector<16xi32>
        %mul3A_442 = arith.constant 64 : i32
        %mul3A_443 = arith.muli %scan3A_100, %mul3A_442 : i32
        %add3A_444 = arith.constant 32 : i32
        %add3A_445 = arith.addi %mul3A_443, %add3A_444 : i32
        %get3A_446 = arith.index_cast %select_n3A_61 : i32 to index
        %get3A_447 = arith.index_cast %add3A_445 : i32 to index
        %get3A_448 = tpu.vector_load %arg12[%get3A_446, %get3A_447] {strides = array<i32>} : memref<2x960xf32, #tpu.memory_space<vmem>>, vector<1x16xf32>,
        %get3A_449 = vector.shape_cast %get3A_448 : vector<1x16xf32> to vector<16xf32>
        %slice3A_450 = vector.extract_strided_slice %mul3A_428 {offsets = [0], sizes = [1], strides = [1]} : vector<16xi32> to vector<1xi32>
        %squeeze3A_451 = vector.extract %slice3A_450[0] : i32 from vector<1xi32>
        %multiple_of3A_452 = tpu.assume_multiple %squeeze3A_451, 16 : i32
        %slice3A_453 = vector.extract_strided_slice %mul3A_428 {offsets = [1], sizes = [1], strides = [1]} : vector<16xi32> to vector<1xi32>
        %squeeze3A_454 = vector.extract %slice3A_453[0] : i32 from vector<1xi32>
        %multiple_of3A_455 = tpu.assume_multiple %squeeze3A_454, 16 : i32
        %slice3A_456 = vector.extract_strided_slice %mul3A_428 {offsets = [2], sizes = [1], strides = [1]} : vector<16xi32> to vector<1xi32>
        %squeeze3A_457 = vector.extract %slice3A_456[0] : i32 from vector<1xi32>
        %multiple_of3A_458 = tpu.assume_multiple %squeeze3A_457, 16 : i32
        %slice3A_459 = vector.extract_strided_slice %mul3A_428 {offsets = [3], sizes = [1], strides = [1]} : vector<16xi32> to vector<1xi32>
        %squeeze3A_460 = vector.extract %slice3A_459[0] : i32 from vector<1xi32>
        %multiple_of3A_461 = tpu.assume_multiple %squeeze3A_460, 16 : i32
        %slice3A_462 = vector.extract_strided_slice %mul3A_428 {offsets = [4], sizes = [1], strides = [1]} : vector<16xi32> to vector<1xi32>
        %squeeze3A_463 = vector.extract %slice3A_462[0] : i32 from vector<1xi32>
        %multiple_of3A_464 = tpu.assume_multiple %squeeze3A_463, 16 : i32
        %slice3A_465 = vector.extract_strided_slice %mul3A_428 {offsets = [5], sizes = [1], strides = [1]} : vector<16xi32> to vector<1xi32>
        %squeeze3A_466 = vector.extract %slice3A_465[0] : i32 from vector<1xi32>
        %multiple_of3A_467 = tpu.assume_multiple %squeeze3A_466, 16 : i32
        %slice3A_468 = vector.extract_strided_slice %mul3A_428 {offsets = [6], sizes = [1], strides = [1]} : vector<16xi32> to vector<1xi32>
        %squeeze3A_469 = vector.extract %slice3A_468[0] : i32 from vector<1xi32>
        %multiple_of3A_470 = tpu.assume_multiple %squeeze3A_469, 16 : i32
        %slice3A_471 = vector.extract_strided_slice %mul3A_428 {offsets = [7], sizes = [1], strides = [1]} : vector<16xi32> to vector<1xi32>
        %squeeze3A_472 = vector.extract %slice3A_471[0] : i32 from vector<1xi32>
        %multiple_of3A_473 = tpu.assume_multiple %squeeze3A_472, 16 : i32
        %slice3A_474 = vector.extract_strided_slice %mul3A_428 {offsets = [8], sizes = [1], strides = [1]} : vector<16xi32> to vector<1xi32>
        %squeeze3A_475 = vector.extract %slice3A_474[0] : i32 from vector<1xi32>
        %multiple_of3A_476 = tpu.assume_multiple %squeeze3A_475, 16 : i32
        %slice3A_477 = vector.extract_strided_slice %mul3A_428 {offsets = [9], sizes = [1], strides = [1]} : vector<16xi32> to vector<1xi32>
        %squeeze3A_478 = vector.extract %slice3A_477[0] : i32 from vector<1xi32>
        %multiple_of3A_479 = tpu.assume_multiple %squeeze3A_478, 16 : i32
        %slice3A_480 = vector.extract_strided_slice %mul3A_428 {offsets = [10], sizes = [1], strides = [1]} : vector<16xi32> to vector<1xi32>
        %squeeze3A_481 = vector.extract %slice3A_480[0] : i32 from vector<1xi32>
        %multiple_of3A_482 = tpu.assume_multiple %squeeze3A_481, 16 : i32
        %slice3A_483 = vector.extract_strided_slice %mul3A_428 {offsets = [11], sizes = [1], strides = [1]} : vector<16xi32> to vector<1xi32>
        %squeeze3A_484 = vector.extract %slice3A_483[0] : i32 from vector<1xi32>
        %multiple_of3A_485 = tpu.assume_multiple %squeeze3A_484, 16 : i32
        %slice3A_486 = vector.extract_strided_slice %mul3A_428 {offsets = [12], sizes = [1], strides = [1]} : vector<16xi32> to vector<1xi32>
        %squeeze3A_487 = vector.extract %slice3A_486[0] : i32 from vector<1xi32>
        %multiple_of3A_488 = tpu.assume_multiple %squeeze3A_487, 16 : i32
        %slice3A_489 = vector.extract_strided_slice %mul3A_428 {offsets = [13], sizes = [1], strides = [1]} : vector<16xi32> to vector<1xi32>
        %squeeze3A_490 = vector.extract %slice3A_489[0] : i32 from vector<1xi32>
        %multiple_of3A_491 = tpu.assume_multiple %squeeze3A_490, 16 : i32
        %slice3A_492 = vector.extract_strided_slice %mul3A_428 {offsets = [14], sizes = [1], strides = [1]} : vector<16xi32> to vector<1xi32>
        %squeeze3A_493 = vector.extract %slice3A_492[0] : i32 from vector<1xi32>
        %multiple_of3A_494 = tpu.assume_multiple %squeeze3A_493, 16 : i32
        %slice3A_495 = vector.extract_strided_slice %mul3A_428 {offsets = [15], sizes = [1], strides = [1]} : vector<16xi32> to vector<1xi32>
        %squeeze3A_496 = vector.extract %slice3A_495[0] : i32 from vector<1xi32>
        %multiple_of3A_497 = tpu.assume_multiple %squeeze3A_496, 16 : i32
        %slice3A_498 = vector.extract_strided_slice %mul3A_441 {offsets = [0], sizes = [1], strides = [1]} : vector<16xi32> to vector<1xi32>
        %squeeze3A_499 = vector.extract %slice3A_498[0] : i32 from vector<1xi32>
        %multiple_of3A_500 = tpu.assume_multiple %squeeze3A_499, 16 : i32
        %slice3A_501 = vector.extract_strided_slice %mul3A_441 {offsets = [1], sizes = [1], strides = [1]} : vector<16xi32> to vector<1xi32>
        %squeeze3A_502 = vector.extract %slice3A_501[0] : i32 from vector<1xi32>
        %multiple_of3A_503 = tpu.assume_multiple %squeeze3A_502, 16 : i32
        %slice3A_504 = vector.extract_strided_slice %mul3A_441 {offsets = [2], sizes = [1], strides = [1]} : vector<16xi32> to vector<1xi32>
        %squeeze3A_505 = vector.extract %slice3A_504[0] : i32 from vector<1xi32>
        %multiple_of3A_506 = tpu.assume_multiple %squeeze3A_505, 16 : i32
        %slice3A_507 = vector.extract_strided_slice %mul3A_441 {offsets = [3], sizes = [1], strides = [1]} : vector<16xi32> to vector<1xi32>
        %squeeze3A_508 = vector.extract %slice3A_507[0] : i32 from vector<1xi32>
        %multiple_of3A_509 = tpu.assume_multiple %squeeze3A_508, 16 : i32
        %slice3A_510 = vector.extract_strided_slice %mul3A_441 {offsets = [4], sizes = [1], strides = [1]} : vector<16xi32> to vector<1xi32>
        %squeeze3A_511 = vector.extract %slice3A_510[0] : i32 from vector<1xi32>
        %multiple_of3A_512 = tpu.assume_multiple %squeeze3A_511, 16 : i32
        %slice3A_513 = vector.extract_strided_slice %mul3A_441 {offsets = [5], sizes = [1], strides = [1]} : vector<16xi32> to vector<1xi32>
        %squeeze3A_514 = vector.extract %slice3A_513[0] : i32 from vector<1xi32>
        %multiple_of3A_515 = tpu.assume_multiple %squeeze3A_514, 16 : i32
        %slice3A_516 = vector.extract_strided_slice %mul3A_441 {offsets = [6], sizes = [1], strides = [1]} : vector<16xi32> to vector<1xi32>
        %squeeze3A_517 = vector.extract %slice3A_516[0] : i32 from vector<1xi32>
        %multiple_of3A_518 = tpu.assume_multiple %squeeze3A_517, 16 : i32
        %slice3A_519 = vector.extract_strided_slice %mul3A_441 {offsets = [7], sizes = [1], strides = [1]} : vector<16xi32> to vector<1xi32>
        %squeeze3A_520 = vector.extract %slice3A_519[0] : i32 from vector<1xi32>
        %multiple_of3A_521 = tpu.assume_multiple %squeeze3A_520, 16 : i32
        %slice3A_522 = vector.extract_strided_slice %mul3A_441 {offsets = [8], sizes = [1], strides = [1]} : vector<16xi32> to vector<1xi32>
        %squeeze3A_523 = vector.extract %slice3A_522[0] : i32 from vector<1xi32>
        %multiple_of3A_524 = tpu.assume_multiple %squeeze3A_523, 16 : i32
        %slice3A_525 = vector.extract_strided_slice %mul3A_441 {offsets = [9], sizes = [1], strides = [1]} : vector<16xi32> to vector<1xi32>
        %squeeze3A_526 = vector.extract %slice3A_525[0] : i32 from vector<1xi32>
        %multiple_of3A_527 = tpu.assume_multiple %squeeze3A_526, 16 : i32
        %slice3A_528 = vector.extract_strided_slice %mul3A_441 {offsets = [10], sizes = [1], strides = [1]} : vector<16xi32> to vector<1xi32>
        %squeeze3A_529 = vector.extract %slice3A_528[0] : i32 from vector<1xi32>
        %multiple_of3A_530 = tpu.assume_multiple %squeeze3A_529, 16 : i32
        %slice3A_531 = vector.extract_strided_slice %mul3A_441 {offsets = [11], sizes = [1], strides = [1]} : vector<16xi32> to vector<1xi32>
        %squeeze3A_532 = vector.extract %slice3A_531[0] : i32 from vector<1xi32>
        %multiple_of3A_533 = tpu.assume_multiple %squeeze3A_532, 16 : i32
        %slice3A_534 = vector.extract_strided_slice %mul3A_441 {offsets = [12], sizes = [1], strides = [1]} : vector<16xi32> to vector<1xi32>
        %squeeze3A_535 = vector.extract %slice3A_534[0] : i32 from vector<1xi32>
        %multiple_of3A_536 = tpu.assume_multiple %squeeze3A_535, 16 : i32
        %slice3A_537 = vector.extract_strided_slice %mul3A_441 {offsets = [13], sizes = [1], strides = [1]} : vector<16xi32> to vector<1xi32>
        %squeeze3A_538 = vector.extract %slice3A_537[0] : i32 from vector<1xi32>
        %multiple_of3A_539 = tpu.assume_multiple %squeeze3A_538, 16 : i32
        %slice3A_540 = vector.extract_strided_slice %mul3A_441 {offsets = [14], sizes = [1], strides = [1]} : vector<16xi32> to vector<1xi32>
        %squeeze3A_541 = vector.extract %slice3A_540[0] : i32 from vector<1xi32>
        %multiple_of3A_542 = tpu.assume_multiple %squeeze3A_541, 16 : i32
        %slice3A_543 = vector.extract_strided_slice %mul3A_441 {offsets = [15], sizes = [1], strides = [1]} : vector<16xi32> to vector<1xi32>
        %squeeze3A_544 = vector.extract %slice3A_543[0] : i32 from vector<1xi32>
        %multiple_of3A_545 = tpu.assume_multiple %squeeze3A_544, 16 : i32
        %slice3A_546 = vector.extract_strided_slice %get3A_449 {offsets = [0], sizes = [1], strides = [1]} : vector<16xf32> to vector<1xf32>
        %squeeze3A_547 = vector.extract %slice3A_546[0] : f32 from vector<1xf32>
        %slice3A_548 = vector.extract_strided_slice %get3A_449 {offsets = [1], sizes = [1], strides = [1]} : vector<16xf32> to vector<1xf32>
        %squeeze3A_549 = vector.extract %slice3A_548[0] : f32 from vector<1xf32>
        %slice3A_550 = vector.extract_strided_slice %get3A_449 {offsets = [2], sizes = [1], strides = [1]} : vector<16xf32> to vector<1xf32>
        %squeeze3A_551 = vector.extract %slice3A_550[0] : f32 from vector<1xf32>
        %slice3A_552 = vector.extract_strided_slice %get3A_449 {offsets = [3], sizes = [1], strides = [1]} : vector<16xf32> to vector<1xf32>
        %squeeze3A_553 = vector.extract %slice3A_552[0] : f32 from vector<1xf32>
        %slice3A_554 = vector.extract_strided_slice %get3A_449 {offsets = [4], sizes = [1], strides = [1]} : vector<16xf32> to vector<1xf32>
        %squeeze3A_555 = vector.extract %slice3A_554[0] : f32 from vector<1xf32>
        %slice3A_556 = vector.extract_strided_slice %get3A_449 {offsets = [5], sizes = [1], strides = [1]} : vector<16xf32> to vector<1xf32>
        %squeeze3A_557 = vector.extract %slice3A_556[0] : f32 from vector<1xf32>
        %slice3A_558 = vector.extract_strided_slice %get3A_449 {offsets = [6], sizes = [1], strides = [1]} : vector<16xf32> to vector<1xf32>
        %squeeze3A_559 = vector.extract %slice3A_558[0] : f32 from vector<1xf32>
        %slice3A_560 = vector.extract_strided_slice %get3A_449 {offsets = [7], sizes = [1], strides = [1]} : vector<16xf32> to vector<1xf32>
        %squeeze3A_561 = vector.extract %slice3A_560[0] : f32 from vector<1xf32>
        %slice3A_562 = vector.extract_strided_slice %get3A_449 {offsets = [8], sizes = [1], strides = [1]} : vector<16xf32> to vector<1xf32>
        %squeeze3A_563 = vector.extract %slice3A_562[0] : f32 from vector<1xf32>
        %slice3A_564 = vector.extract_strided_slice %get3A_449 {offsets = [9], sizes = [1], strides = [1]} : vector<16xf32> to vector<1xf32>
        %squeeze3A_565 = vector.extract %slice3A_564[0] : f32 from vector<1xf32>
        %slice3A_566 = vector.extract_strided_slice %get3A_449 {offsets = [10], sizes = [1], strides = [1]} : vector<16xf32> to vector<1xf32>
        %squeeze3A_567 = vector.extract %slice3A_566[0] : f32 from vector<1xf32>
        %slice3A_568 = vector.extract_strided_slice %get3A_449 {offsets = [11], sizes = [1], strides = [1]} : vector<16xf32> to vector<1xf32>
        %squeeze3A_569 = vector.extract %slice3A_568[0] : f32 from vector<1xf32>
        %slice3A_570 = vector.extract_strided_slice %get3A_449 {offsets = [12], sizes = [1], strides = [1]} : vector<16xf32> to vector<1xf32>
        %squeeze3A_571 = vector.extract %slice3A_570[0] : f32 from vector<1xf32>
        %slice3A_572 = vector.extract_strided_slice %get3A_449 {offsets = [13], sizes = [1], strides = [1]} : vector<16xf32> to vector<1xf32>
        %squeeze3A_573 = vector.extract %slice3A_572[0] : f32 from vector<1xf32>
        %slice3A_574 = vector.extract_strided_slice %get3A_449 {offsets = [14], sizes = [1], strides = [1]} : vector<16xf32> to vector<1xf32>
        %squeeze3A_575 = vector.extract %slice3A_574[0] : f32 from vector<1xf32>
        %slice3A_576 = vector.extract_strided_slice %get3A_449 {offsets = [15], sizes = [1], strides = [1]} : vector<16xf32> to vector<1xf32>
        %squeeze3A_577 = vector.extract %slice3A_576[0] : f32 from vector<1xf32>
        %mul3A_578 = arith.constant 64 : i32
        %mul3A_579 = arith.muli %scan3A_100, %mul3A_578 : i32
        %add3A_580 = arith.constant 48 : i32
        %add3A_581 = arith.addi %mul3A_579, %add3A_580 : i32
        %get3A_582 = arith.index_cast %select_n3A_61 : i32 to index
        %get3A_583 = arith.index_cast %add3A_581 : i32 to index
        %get3A_584 = tpu.vector_load %arg11[%get3A_582, %get3A_583] {strides = array<i32>} : memref<2x1920xi32, #tpu.memory_space<vmem>>, vector<1x16xi32>,
        %get3A_585 = vector.shape_cast %get3A_584 : vector<1x16xi32> to vector<16xi32>
        %mul3A_586 = arith.constant 16 : i32
        %mul3A_587 = vector.broadcast %mul3A_586 : i32 to vector<16xi32>
        %mul3A_588 = arith.muli %get3A_585, %mul3A_587 : vector<16xi32>
        %mul3A_589 = arith.constant 64 : i32
        %mul3A_590 = arith.muli %scan3A_100, %mul3A_589 : i32
        %add3A_591 = arith.constant 960 : i32
        %add3A_592 = arith.addi %add3A_591, %mul3A_590 : i32
        %add3A_593 = arith.constant 48 : i32
        %add3A_594 = arith.addi %add3A_592, %add3A_593 : i32
        %get3A_595 = arith.index_cast %select_n3A_61 : i32 to index
        %get3A_596 = arith.index_cast %add3A_594 : i32 to index
        %get3A_597 = tpu.vector_load %arg11[%get3A_595, %get3A_596] {strides = array<i32>} : memref<2x1920xi32, #tpu.memory_space<vmem>>, vector<1x16xi32>,
        %get3A_598 = vector.shape_cast %get3A_597 : vector<1x16xi32> to vector<16xi32>
        %mul3A_599 = arith.constant 16 : i32
        %mul3A_600 = vector.broadcast %mul3A_599 : i32 to vector<16xi32>
        %mul3A_601 = arith.muli %get3A_598, %mul3A_600 : vector<16xi32>
        %mul3A_602 = arith.constant 64 : i32
        %mul3A_603 = arith.muli %scan3A_100, %mul3A_602 : i32
        %add3A_604 = arith.constant 48 : i32
        %add3A_605 = arith.addi %mul3A_603, %add3A_604 : i32
        %get3A_606 = arith.index_cast %select_n3A_61 : i32 to index
        %get3A_607 = arith.index_cast %add3A_605 : i32 to index
        %get3A_608 = tpu.vector_load %arg12[%get3A_606, %get3A_607] {strides = array<i32>} : memref<2x960xf32, #tpu.memory_space<vmem>>, vector<1x16xf32>,
        %get3A_609 = vector.shape_cast %get3A_608 : vector<1x16xf32> to vector<16xf32>
        %slice3A_610 = vector.extract_strided_slice %mul3A_588 {offsets = [0], sizes = [1], strides = [1]} : vector<16xi32> to vector<1xi32>
        %squeeze3A_611 = vector.extract %slice3A_610[0] : i32 from vector<1xi32>
        %multiple_of3A_612 = tpu.assume_multiple %squeeze3A_611, 16 : i32
        %slice3A_613 = vector.extract_strided_slice %mul3A_588 {offsets = [1], sizes = [1], strides = [1]} : vector<16xi32> to vector<1xi32>
        %squeeze3A_614 = vector.extract %slice3A_613[0] : i32 from vector<1xi32>
        %multiple_of3A_615 = tpu.assume_multiple %squeeze3A_614, 16 : i32
        %slice3A_616 = vector.extract_strided_slice %mul3A_588 {offsets = [2], sizes = [1], strides = [1]} : vector<16xi32> to vector<1xi32>
        %squeeze3A_617 = vector.extract %slice3A_616[0] : i32 from vector<1xi32>
        %multiple_of3A_618 = tpu.assume_multiple %squeeze3A_617, 16 : i32
        %slice3A_619 = vector.extract_strided_slice %mul3A_588 {offsets = [3], sizes = [1], strides = [1]} : vector<16xi32> to vector<1xi32>
        %squeeze3A_620 = vector.extract %slice3A_619[0] : i32 from vector<1xi32>
        %multiple_of3A_621 = tpu.assume_multiple %squeeze3A_620, 16 : i32
        %slice3A_622 = vector.extract_strided_slice %mul3A_588 {offsets = [4], sizes = [1], strides = [1]} : vector<16xi32> to vector<1xi32>
        %squeeze3A_623 = vector.extract %slice3A_622[0] : i32 from vector<1xi32>
        %multiple_of3A_624 = tpu.assume_multiple %squeeze3A_623, 16 : i32
        %slice3A_625 = vector.extract_strided_slice %mul3A_588 {offsets = [5], sizes = [1], strides = [1]} : vector<16xi32> to vector<1xi32>
        %squeeze3A_626 = vector.extract %slice3A_625[0] : i32 from vector<1xi32>
        %multiple_of3A_627 = tpu.assume_multiple %squeeze3A_626, 16 : i32
        %slice3A_628 = vector.extract_strided_slice %mul3A_588 {offsets = [6], sizes = [1], strides = [1]} : vector<16xi32> to vector<1xi32>
        %squeeze3A_629 = vector.extract %slice3A_628[0] : i32 from vector<1xi32>
        %multiple_of3A_630 = tpu.assume_multiple %squeeze3A_629, 16 : i32
        %slice3A_631 = vector.extract_strided_slice %mul3A_588 {offsets = [7], sizes = [1], strides = [1]} : vector<16xi32> to vector<1xi32>
        %squeeze3A_632 = vector.extract %slice3A_631[0] : i32 from vector<1xi32>
        %multiple_of3A_633 = tpu.assume_multiple %squeeze3A_632, 16 : i32
        %slice3A_634 = vector.extract_strided_slice %mul3A_588 {offsets = [8], sizes = [1], strides = [1]} : vector<16xi32> to vector<1xi32>
        %squeeze3A_635 = vector.extract %slice3A_634[0] : i32 from vector<1xi32>
        %multiple_of3A_636 = tpu.assume_multiple %squeeze3A_635, 16 : i32
        %slice3A_637 = vector.extract_strided_slice %mul3A_588 {offsets = [9], sizes = [1], strides = [1]} : vector<16xi32> to vector<1xi32>
        %squeeze3A_638 = vector.extract %slice3A_637[0] : i32 from vector<1xi32>
        %multiple_of3A_639 = tpu.assume_multiple %squeeze3A_638, 16 : i32
        %slice3A_640 = vector.extract_strided_slice %mul3A_588 {offsets = [10], sizes = [1], strides = [1]} : vector<16xi32> to vector<1xi32>
        %squeeze3A_641 = vector.extract %slice3A_640[0] : i32 from vector<1xi32>
        %multiple_of3A_642 = tpu.assume_multiple %squeeze3A_641, 16 : i32
        %slice3A_643 = vector.extract_strided_slice %mul3A_588 {offsets = [11], sizes = [1], strides = [1]} : vector<16xi32> to vector<1xi32>
        %squeeze3A_644 = vector.extract %slice3A_643[0] : i32 from vector<1xi32>
        %multiple_of3A_645 = tpu.assume_multiple %squeeze3A_644, 16 : i32
        %slice3A_646 = vector.extract_strided_slice %mul3A_588 {offsets = [12], sizes = [1], strides = [1]} : vector<16xi32> to vector<1xi32>
        %squeeze3A_647 = vector.extract %slice3A_646[0] : i32 from vector<1xi32>
        %multiple_of3A_648 = tpu.assume_multiple %squeeze3A_647, 16 : i32
        %slice3A_649 = vector.extract_strided_slice %mul3A_588 {offsets = [13], sizes = [1], strides = [1]} : vector<16xi32> to vector<1xi32>
        %squeeze3A_650 = vector.extract %slice3A_649[0] : i32 from vector<1xi32>
        %multiple_of3A_651 = tpu.assume_multiple %squeeze3A_650, 16 : i32
        %slice3A_652 = vector.extract_strided_slice %mul3A_588 {offsets = [14], sizes = [1], strides = [1]} : vector<16xi32> to vector<1xi32>
        %squeeze3A_653 = vector.extract %slice3A_652[0] : i32 from vector<1xi32>
        %multiple_of3A_654 = tpu.assume_multiple %squeeze3A_653, 16 : i32
        %slice3A_655 = vector.extract_strided_slice %mul3A_588 {offsets = [15], sizes = [1], strides = [1]} : vector<16xi32> to vector<1xi32>
        %squeeze3A_656 = vector.extract %slice3A_655[0] : i32 from vector<1xi32>
        %multiple_of3A_657 = tpu.assume_multiple %squeeze3A_656, 16 : i32
        %slice3A_658 = vector.extract_strided_slice %mul3A_601 {offsets = [0], sizes = [1], strides = [1]} : vector<16xi32> to vector<1xi32>
        %squeeze3A_659 = vector.extract %slice3A_658[0] : i32 from vector<1xi32>
        %multiple_of3A_660 = tpu.assume_multiple %squeeze3A_659, 16 : i32
        %slice3A_661 = vector.extract_strided_slice %mul3A_601 {offsets = [1], sizes = [1], strides = [1]} : vector<16xi32> to vector<1xi32>
        %squeeze3A_662 = vector.extract %slice3A_661[0] : i32 from vector<1xi32>
        %multiple_of3A_663 = tpu.assume_multiple %squeeze3A_662, 16 : i32
        %slice3A_664 = vector.extract_strided_slice %mul3A_601 {offsets = [2], sizes = [1], strides = [1]} : vector<16xi32> to vector<1xi32>
        %squeeze3A_665 = vector.extract %slice3A_664[0] : i32 from vector<1xi32>
        %multiple_of3A_666 = tpu.assume_multiple %squeeze3A_665, 16 : i32
        %slice3A_667 = vector.extract_strided_slice %mul3A_601 {offsets = [3], sizes = [1], strides = [1]} : vector<16xi32> to vector<1xi32>
        %squeeze3A_668 = vector.extract %slice3A_667[0] : i32 from vector<1xi32>
        %multiple_of3A_669 = tpu.assume_multiple %squeeze3A_668, 16 : i32
        %slice3A_670 = vector.extract_strided_slice %mul3A_601 {offsets = [4], sizes = [1], strides = [1]} : vector<16xi32> to vector<1xi32>
        %squeeze3A_671 = vector.extract %slice3A_670[0] : i32 from vector<1xi32>
        %multiple_of3A_672 = tpu.assume_multiple %squeeze3A_671, 16 : i32
        %slice3A_673 = vector.extract_strided_slice %mul3A_601 {offsets = [5], sizes = [1], strides = [1]} : vector<16xi32> to vector<1xi32>
        %squeeze3A_674 = vector.extract %slice3A_673[0] : i32 from vector<1xi32>
        %multiple_of3A_675 = tpu.assume_multiple %squeeze3A_674, 16 : i32
        %slice3A_676 = vector.extract_strided_slice %mul3A_601 {offsets = [6], sizes = [1], strides = [1]} : vector<16xi32> to vector<1xi32>
        %squeeze3A_677 = vector.extract %slice3A_676[0] : i32 from vector<1xi32>
        %multiple_of3A_678 = tpu.assume_multiple %squeeze3A_677, 16 : i32
        %slice3A_679 = vector.extract_strided_slice %mul3A_601 {offsets = [7], sizes = [1], strides = [1]} : vector<16xi32> to vector<1xi32>
        %squeeze3A_680 = vector.extract %slice3A_679[0] : i32 from vector<1xi32>
        %multiple_of3A_681 = tpu.assume_multiple %squeeze3A_680, 16 : i32
        %slice3A_682 = vector.extract_strided_slice %mul3A_601 {offsets = [8], sizes = [1], strides = [1]} : vector<16xi32> to vector<1xi32>
        %squeeze3A_683 = vector.extract %slice3A_682[0] : i32 from vector<1xi32>
        %multiple_of3A_684 = tpu.assume_multiple %squeeze3A_683, 16 : i32
        %slice3A_685 = vector.extract_strided_slice %mul3A_601 {offsets = [9], sizes = [1], strides = [1]} : vector<16xi32> to vector<1xi32>
        %squeeze3A_686 = vector.extract %slice3A_685[0] : i32 from vector<1xi32>
        %multiple_of3A_687 = tpu.assume_multiple %squeeze3A_686, 16 : i32
        %slice3A_688 = vector.extract_strided_slice %mul3A_601 {offsets = [10], sizes = [1], strides = [1]} : vector<16xi32> to vector<1xi32>
        %squeeze3A_689 = vector.extract %slice3A_688[0] : i32 from vector<1xi32>
        %multiple_of3A_690 = tpu.assume_multiple %squeeze3A_689, 16 : i32
        %slice3A_691 = vector.extract_strided_slice %mul3A_601 {offsets = [11], sizes = [1], strides = [1]} : vector<16xi32> to vector<1xi32>
        %squeeze3A_692 = vector.extract %slice3A_691[0] : i32 from vector<1xi32>
        %multiple_of3A_693 = tpu.assume_multiple %squeeze3A_692, 16 : i32
        %slice3A_694 = vector.extract_strided_slice %mul3A_601 {offsets = [12], sizes = [1], strides = [1]} : vector<16xi32> to vector<1xi32>
        %squeeze3A_695 = vector.extract %slice3A_694[0] : i32 from vector<1xi32>
        %multiple_of3A_696 = tpu.assume_multiple %squeeze3A_695, 16 : i32
        %slice3A_697 = vector.extract_strided_slice %mul3A_601 {offsets = [13], sizes = [1], strides = [1]} : vector<16xi32> to vector<1xi32>
        %squeeze3A_698 = vector.extract %slice3A_697[0] : i32 from vector<1xi32>
        %multiple_of3A_699 = tpu.assume_multiple %squeeze3A_698, 16 : i32
        %slice3A_700 = vector.extract_strided_slice %mul3A_601 {offsets = [14], sizes = [1], strides = [1]} : vector<16xi32> to vector<1xi32>
        %squeeze3A_701 = vector.extract %slice3A_700[0] : i32 from vector<1xi32>
        %multiple_of3A_702 = tpu.assume_multiple %squeeze3A_701, 16 : i32
        %slice3A_703 = vector.extract_strided_slice %mul3A_601 {offsets = [15], sizes = [1], strides = [1]} : vector<16xi32> to vector<1xi32>
        %squeeze3A_704 = vector.extract %slice3A_703[0] : i32 from vector<1xi32>
        %multiple_of3A_705 = tpu.assume_multiple %squeeze3A_704, 16 : i32
        %slice3A_706 = vector.extract_strided_slice %get3A_609 {offsets = [0], sizes = [1], strides = [1]} : vector<16xf32> to vector<1xf32>
        %squeeze3A_707 = vector.extract %slice3A_706[0] : f32 from vector<1xf32>
        %slice3A_708 = vector.extract_strided_slice %get3A_609 {offsets = [1], sizes = [1], strides = [1]} : vector<16xf32> to vector<1xf32>
        %squeeze3A_709 = vector.extract %slice3A_708[0] : f32 from vector<1xf32>
        %slice3A_710 = vector.extract_strided_slice %get3A_609 {offsets = [2], sizes = [1], strides = [1]} : vector<16xf32> to vector<1xf32>
        %squeeze3A_711 = vector.extract %slice3A_710[0] : f32 from vector<1xf32>
        %slice3A_712 = vector.extract_strided_slice %get3A_609 {offsets = [3], sizes = [1], strides = [1]} : vector<16xf32> to vector<1xf32>
        %squeeze3A_713 = vector.extract %slice3A_712[0] : f32 from vector<1xf32>
        %slice3A_714 = vector.extract_strided_slice %get3A_609 {offsets = [4], sizes = [1], strides = [1]} : vector<16xf32> to vector<1xf32>
        %squeeze3A_715 = vector.extract %slice3A_714[0] : f32 from vector<1xf32>
        %slice3A_716 = vector.extract_strided_slice %get3A_609 {offsets = [5], sizes = [1], strides = [1]} : vector<16xf32> to vector<1xf32>
        %squeeze3A_717 = vector.extract %slice3A_716[0] : f32 from vector<1xf32>
        %slice3A_718 = vector.extract_strided_slice %get3A_609 {offsets = [6], sizes = [1], strides = [1]} : vector<16xf32> to vector<1xf32>
        %squeeze3A_719 = vector.extract %slice3A_718[0] : f32 from vector<1xf32>
        %slice3A_720 = vector.extract_strided_slice %get3A_609 {offsets = [7], sizes = [1], strides = [1]} : vector<16xf32> to vector<1xf32>
        %squeeze3A_721 = vector.extract %slice3A_720[0] : f32 from vector<1xf32>
        %slice3A_722 = vector.extract_strided_slice %get3A_609 {offsets = [8], sizes = [1], strides = [1]} : vector<16xf32> to vector<1xf32>
        %squeeze3A_723 = vector.extract %slice3A_722[0] : f32 from vector<1xf32>
        %slice3A_724 = vector.extract_strided_slice %get3A_609 {offsets = [9], sizes = [1], strides = [1]} : vector<16xf32> to vector<1xf32>
        %squeeze3A_725 = vector.extract %slice3A_724[0] : f32 from vector<1xf32>
        %slice3A_726 = vector.extract_strided_slice %get3A_609 {offsets = [10], sizes = [1], strides = [1]} : vector<16xf32> to vector<1xf32>
        %squeeze3A_727 = vector.extract %slice3A_726[0] : f32 from vector<1xf32>
        %slice3A_728 = vector.extract_strided_slice %get3A_609 {offsets = [11], sizes = [1], strides = [1]} : vector<16xf32> to vector<1xf32>
        %squeeze3A_729 = vector.extract %slice3A_728[0] : f32 from vector<1xf32>
        %slice3A_730 = vector.extract_strided_slice %get3A_609 {offsets = [12], sizes = [1], strides = [1]} : vector<16xf32> to vector<1xf32>
        %squeeze3A_731 = vector.extract %slice3A_730[0] : f32 from vector<1xf32>
        %slice3A_732 = vector.extract_strided_slice %get3A_609 {offsets = [13], sizes = [1], strides = [1]} : vector<16xf32> to vector<1xf32>
        %squeeze3A_733 = vector.extract %slice3A_732[0] : f32 from vector<1xf32>
        %slice3A_734 = vector.extract_strided_slice %get3A_609 {offsets = [14], sizes = [1], strides = [1]} : vector<16xf32> to vector<1xf32>
        %squeeze3A_735 = vector.extract %slice3A_734[0] : f32 from vector<1xf32>
        %slice3A_736 = vector.extract_strided_slice %get3A_609 {offsets = [15], sizes = [1], strides = [1]} : vector<16xf32> to vector<1xf32>
        %squeeze3A_737 = vector.extract %slice3A_736[0] : f32 from vector<1xf32>
        %get3A_738 = arith.index_cast %multiple_of3A_180 : i32 to index
        %get3A_739 = tpu.vector_load %arg9[%get3A_738] {strides = array<i32>} : memref<48000xf32, #tpu.memory_space<vmem>>, vector<16xf32>,
        %get3A_740 = vector.shape_cast %get3A_739 : vector<16xf32> to vector<16xf32>
        %mul3A_741 = vector.broadcast %squeeze3A_227 : f32 to vector<16xf32>
        %mul3A_742 = arith.mulf %get3A_740, %mul3A_741 : vector<16xf32>
        %get3A_743 = arith.index_cast %multiple_of3A_183 : i32 to index
        %get3A_744 = tpu.vector_load %arg9[%get3A_743] {strides = array<i32>} : memref<48000xf32, #tpu.memory_space<vmem>>, vector<16xf32>,
        %get3A_745 = vector.shape_cast %get3A_744 : vector<16xf32> to vector<16xf32>
        %mul3A_746 = vector.broadcast %squeeze3A_229 : f32 to vector<16xf32>
        %mul3A_747 = arith.mulf %get3A_745, %mul3A_746 : vector<16xf32>
        %get3A_748 = arith.index_cast %multiple_of3A_186 : i32 to index
        %get3A_749 = tpu.vector_load %arg9[%get3A_748] {strides = array<i32>} : memref<48000xf32, #tpu.memory_space<vmem>>, vector<16xf32>,
        %get3A_750 = vector.shape_cast %get3A_749 : vector<16xf32> to vector<16xf32>
        %mul3A_751 = vector.broadcast %squeeze3A_231 : f32 to vector<16xf32>
        %mul3A_752 = arith.mulf %get3A_750, %mul3A_751 : vector<16xf32>
        %get3A_753 = arith.index_cast %multiple_of3A_189 : i32 to index
        %get3A_754 = tpu.vector_load %arg9[%get3A_753] {strides = array<i32>} : memref<48000xf32, #tpu.memory_space<vmem>>, vector<16xf32>,
        %get3A_755 = vector.shape_cast %get3A_754 : vector<16xf32> to vector<16xf32>
        %mul3A_756 = vector.broadcast %squeeze3A_233 : f32 to vector<16xf32>
        %mul3A_757 = arith.mulf %get3A_755, %mul3A_756 : vector<16xf32>
        %get3A_758 = arith.index_cast %multiple_of3A_192 : i32 to index
        %get3A_759 = tpu.vector_load %arg9[%get3A_758] {strides = array<i32>} : memref<48000xf32, #tpu.memory_space<vmem>>, vector<16xf32>,
        %get3A_760 = vector.shape_cast %get3A_759 : vector<16xf32> to vector<16xf32>
        %mul3A_761 = vector.broadcast %squeeze3A_235 : f32 to vector<16xf32>
        %mul3A_762 = arith.mulf %get3A_760, %mul3A_761 : vector<16xf32>
        %get3A_763 = arith.index_cast %multiple_of3A_195 : i32 to index
        %get3A_764 = tpu.vector_load %arg9[%get3A_763] {strides = array<i32>} : memref<48000xf32, #tpu.memory_space<vmem>>, vector<16xf32>,
        %get3A_765 = vector.shape_cast %get3A_764 : vector<16xf32> to vector<16xf32>
        %mul3A_766 = vector.broadcast %squeeze3A_237 : f32 to vector<16xf32>
        %mul3A_767 = arith.mulf %get3A_765, %mul3A_766 : vector<16xf32>
        %get3A_768 = arith.index_cast %multiple_of3A_198 : i32 to index
        %get3A_769 = tpu.vector_load %arg9[%get3A_768] {strides = array<i32>} : memref<48000xf32, #tpu.memory_space<vmem>>, vector<16xf32>,
        %get3A_770 = vector.shape_cast %get3A_769 : vector<16xf32> to vector<16xf32>
        %mul3A_771 = vector.broadcast %squeeze3A_239 : f32 to vector<16xf32>
        %mul3A_772 = arith.mulf %get3A_770, %mul3A_771 : vector<16xf32>
        %get3A_773 = arith.index_cast %multiple_of3A_201 : i32 to index
        %get3A_774 = tpu.vector_load %arg9[%get3A_773] {strides = array<i32>} : memref<48000xf32, #tpu.memory_space<vmem>>, vector<16xf32>,
        %get3A_775 = vector.shape_cast %get3A_774 : vector<16xf32> to vector<16xf32>
        %mul3A_776 = vector.broadcast %squeeze3A_241 : f32 to vector<16xf32>
        %mul3A_777 = arith.mulf %get3A_775, %mul3A_776 : vector<16xf32>
        %get3A_778 = arith.index_cast %multiple_of3A_204 : i32 to index
        %get3A_779 = tpu.vector_load %arg9[%get3A_778] {strides = array<i32>} : memref<48000xf32, #tpu.memory_space<vmem>>, vector<16xf32>,
        %get3A_780 = vector.shape_cast %get3A_779 : vector<16xf32> to vector<16xf32>
        %mul3A_781 = vector.broadcast %squeeze3A_243 : f32 to vector<16xf32>
        %mul3A_782 = arith.mulf %get3A_780, %mul3A_781 : vector<16xf32>
        %get3A_783 = arith.index_cast %multiple_of3A_207 : i32 to index
        %get3A_784 = tpu.vector_load %arg9[%get3A_783] {strides = array<i32>} : memref<48000xf32, #tpu.memory_space<vmem>>, vector<16xf32>,
        %get3A_785 = vector.shape_cast %get3A_784 : vector<16xf32> to vector<16xf32>
        %mul3A_786 = vector.broadcast %squeeze3A_245 : f32 to vector<16xf32>
        %mul3A_787 = arith.mulf %get3A_785, %mul3A_786 : vector<16xf32>
        %get3A_788 = arith.index_cast %multiple_of3A_210 : i32 to index
        %get3A_789 = tpu.vector_load %arg9[%get3A_788] {strides = array<i32>} : memref<48000xf32, #tpu.memory_space<vmem>>, vector<16xf32>,
        %get3A_790 = vector.shape_cast %get3A_789 : vector<16xf32> to vector<16xf32>
        %mul3A_791 = vector.broadcast %squeeze3A_247 : f32 to vector<16xf32>
        %mul3A_792 = arith.mulf %get3A_790, %mul3A_791 : vector<16xf32>
        %get3A_793 = arith.index_cast %multiple_of3A_213 : i32 to index
        %get3A_794 = tpu.vector_load %arg9[%get3A_793] {strides = array<i32>} : memref<48000xf32, #tpu.memory_space<vmem>>, vector<16xf32>,
        %get3A_795 = vector.shape_cast %get3A_794 : vector<16xf32> to vector<16xf32>
        %mul3A_796 = vector.broadcast %squeeze3A_249 : f32 to vector<16xf32>
        %mul3A_797 = arith.mulf %get3A_795, %mul3A_796 : vector<16xf32>
        %get3A_798 = arith.index_cast %multiple_of3A_216 : i32 to index
        %get3A_799 = tpu.vector_load %arg9[%get3A_798] {strides = array<i32>} : memref<48000xf32, #tpu.memory_space<vmem>>, vector<16xf32>,
        %get3A_800 = vector.shape_cast %get3A_799 : vector<16xf32> to vector<16xf32>
        %mul3A_801 = vector.broadcast %squeeze3A_251 : f32 to vector<16xf32>
        %mul3A_802 = arith.mulf %get3A_800, %mul3A_801 : vector<16xf32>
        %get3A_803 = arith.index_cast %multiple_of3A_219 : i32 to index
        %get3A_804 = tpu.vector_load %arg9[%get3A_803] {strides = array<i32>} : memref<48000xf32, #tpu.memory_space<vmem>>, vector<16xf32>,
        %get3A_805 = vector.shape_cast %get3A_804 : vector<16xf32> to vector<16xf32>
        %mul3A_806 = vector.broadcast %squeeze3A_253 : f32 to vector<16xf32>
        %mul3A_807 = arith.mulf %get3A_805, %mul3A_806 : vector<16xf32>
        %get3A_808 = arith.index_cast %multiple_of3A_222 : i32 to index
        %get3A_809 = tpu.vector_load %arg9[%get3A_808] {strides = array<i32>} : memref<48000xf32, #tpu.memory_space<vmem>>, vector<16xf32>,
        %get3A_810 = vector.shape_cast %get3A_809 : vector<16xf32> to vector<16xf32>
        %mul3A_811 = vector.broadcast %squeeze3A_255 : f32 to vector<16xf32>
        %mul3A_812 = arith.mulf %get3A_810, %mul3A_811 : vector<16xf32>
        %get3A_813 = arith.index_cast %multiple_of3A_225 : i32 to index
        %get3A_814 = tpu.vector_load %arg9[%get3A_813] {strides = array<i32>} : memref<48000xf32, #tpu.memory_space<vmem>>, vector<16xf32>,
        %get3A_815 = vector.shape_cast %get3A_814 : vector<16xf32> to vector<16xf32>
        %mul3A_816 = vector.broadcast %squeeze3A_257 : f32 to vector<16xf32>
        %mul3A_817 = arith.mulf %get3A_815, %mul3A_816 : vector<16xf32>
        %get3A_818 = arith.index_cast %multiple_of3A_340 : i32 to index
        %get3A_819 = tpu.vector_load %arg9[%get3A_818] {strides = array<i32>} : memref<48000xf32, #tpu.memory_space<vmem>>, vector<16xf32>,
        %get3A_820 = vector.shape_cast %get3A_819 : vector<16xf32> to vector<16xf32>
        %mul3A_821 = vector.broadcast %squeeze3A_387 : f32 to vector<16xf32>
        %mul3A_822 = arith.mulf %get3A_820, %mul3A_821 : vector<16xf32>
        %get3A_823 = arith.index_cast %multiple_of3A_343 : i32 to index
        %get3A_824 = tpu.vector_load %arg9[%get3A_823] {strides = array<i32>} : memref<48000xf32, #tpu.memory_space<vmem>>, vector<16xf32>,
        %get3A_825 = vector.shape_cast %get3A_824 : vector<16xf32> to vector<16xf32>
        %mul3A_826 = vector.broadcast %squeeze3A_389 : f32 to vector<16xf32>
        %mul3A_827 = arith.mulf %get3A_825, %mul3A_826 : vector<16xf32>
        %get3A_828 = arith.index_cast %multiple_of3A_346 : i32 to index
        %get3A_829 = tpu.vector_load %arg9[%get3A_828] {strides = array<i32>} : memref<48000xf32, #tpu.memory_space<vmem>>, vector<16xf32>,
        %get3A_830 = vector.shape_cast %get3A_829 : vector<16xf32> to vector<16xf32>
        %mul3A_831 = vector.broadcast %squeeze3A_391 : f32 to vector<16xf32>
        %mul3A_832 = arith.mulf %get3A_830, %mul3A_831 : vector<16xf32>
        %get3A_833 = arith.index_cast %multiple_of3A_349 : i32 to index
        %get3A_834 = tpu.vector_load %arg9[%get3A_833] {strides = array<i32>} : memref<48000xf32, #tpu.memory_space<vmem>>, vector<16xf32>,
        %get3A_835 = vector.shape_cast %get3A_834 : vector<16xf32> to vector<16xf32>
        %mul3A_836 = vector.broadcast %squeeze3A_393 : f32 to vector<16xf32>
        %mul3A_837 = arith.mulf %get3A_835, %mul3A_836 : vector<16xf32>
        %get3A_838 = arith.index_cast %multiple_of3A_352 : i32 to index
        %get3A_839 = tpu.vector_load %arg9[%get3A_838] {strides = array<i32>} : memref<48000xf32, #tpu.memory_space<vmem>>, vector<16xf32>,
        %get3A_840 = vector.shape_cast %get3A_839 : vector<16xf32> to vector<16xf32>
        %mul3A_841 = vector.broadcast %squeeze3A_395 : f32 to vector<16xf32>
        %mul3A_842 = arith.mulf %get3A_840, %mul3A_841 : vector<16xf32>
        %get3A_843 = arith.index_cast %multiple_of3A_355 : i32 to index
        %get3A_844 = tpu.vector_load %arg9[%get3A_843] {strides = array<i32>} : memref<48000xf32, #tpu.memory_space<vmem>>, vector<16xf32>,
        %get3A_845 = vector.shape_cast %get3A_844 : vector<16xf32> to vector<16xf32>
        %mul3A_846 = vector.broadcast %squeeze3A_397 : f32 to vector<16xf32>
        %mul3A_847 = arith.mulf %get3A_845, %mul3A_846 : vector<16xf32>
        %get3A_848 = arith.index_cast %multiple_of3A_358 : i32 to index
        %get3A_849 = tpu.vector_load %arg9[%get3A_848] {strides = array<i32>} : memref<48000xf32, #tpu.memory_space<vmem>>, vector<16xf32>,
        %get3A_850 = vector.shape_cast %get3A_849 : vector<16xf32> to vector<16xf32>
        %mul3A_851 = vector.broadcast %squeeze3A_399 : f32 to vector<16xf32>
        %mul3A_852 = arith.mulf %get3A_850, %mul3A_851 : vector<16xf32>
        %get3A_853 = arith.index_cast %multiple_of3A_361 : i32 to index
        %get3A_854 = tpu.vector_load %arg9[%get3A_853] {strides = array<i32>} : memref<48000xf32, #tpu.memory_space<vmem>>, vector<16xf32>,
        %get3A_855 = vector.shape_cast %get3A_854 : vector<16xf32> to vector<16xf32>
        %mul3A_856 = vector.broadcast %squeeze3A_401 : f32 to vector<16xf32>
        %mul3A_857 = arith.mulf %get3A_855, %mul3A_856 : vector<16xf32>
        %get3A_858 = arith.index_cast %multiple_of3A_364 : i32 to index
        %get3A_859 = tpu.vector_load %arg9[%get3A_858] {strides = array<i32>} : memref<48000xf32, #tpu.memory_space<vmem>>, vector<16xf32>,
        %get3A_860 = vector.shape_cast %get3A_859 : vector<16xf32> to vector<16xf32>
        %mul3A_861 = vector.broadcast %squeeze3A_403 : f32 to vector<16xf32>
        %mul3A_862 = arith.mulf %get3A_860, %mul3A_861 : vector<16xf32>
        %get3A_863 = arith.index_cast %multiple_of3A_367 : i32 to index
        %get3A_864 = tpu.vector_load %arg9[%get3A_863] {strides = array<i32>} : memref<48000xf32, #tpu.memory_space<vmem>>, vector<16xf32>,
        %get3A_865 = vector.shape_cast %get3A_864 : vector<16xf32> to vector<16xf32>
        %mul3A_866 = vector.broadcast %squeeze3A_405 : f32 to vector<16xf32>
        %mul3A_867 = arith.mulf %get3A_865, %mul3A_866 : vector<16xf32>
        %get3A_868 = arith.index_cast %multiple_of3A_370 : i32 to index
        %get3A_869 = tpu.vector_load %arg9[%get3A_868] {strides = array<i32>} : memref<48000xf32, #tpu.memory_space<vmem>>, vector<16xf32>,
        %get3A_870 = vector.shape_cast %get3A_869 : vector<16xf32> to vector<16xf32>
        %mul3A_871 = vector.broadcast %squeeze3A_407 : f32 to vector<16xf32>
        %mul3A_872 = arith.mulf %get3A_870, %mul3A_871 : vector<16xf32>
        %get3A_873 = arith.index_cast %multiple_of3A_373 : i32 to index
        %get3A_874 = tpu.vector_load %arg9[%get3A_873] {strides = array<i32>} : memref<48000xf32, #tpu.memory_space<vmem>>, vector<16xf32>,
        %get3A_875 = vector.shape_cast %get3A_874 : vector<16xf32> to vector<16xf32>
        %mul3A_876 = vector.broadcast %squeeze3A_409 : f32 to vector<16xf32>
        %mul3A_877 = arith.mulf %get3A_875, %mul3A_876 : vector<16xf32>
        %get3A_878 = arith.index_cast %multiple_of3A_376 : i32 to index
        %get3A_879 = tpu.vector_load %arg9[%get3A_878] {strides = array<i32>} : memref<48000xf32, #tpu.memory_space<vmem>>, vector<16xf32>,
        %get3A_880 = vector.shape_cast %get3A_879 : vector<16xf32> to vector<16xf32>
        %mul3A_881 = vector.broadcast %squeeze3A_411 : f32 to vector<16xf32>
        %mul3A_882 = arith.mulf %get3A_880, %mul3A_881 : vector<16xf32>
        %get3A_883 = arith.index_cast %multiple_of3A_379 : i32 to index
        %get3A_884 = tpu.vector_load %arg9[%get3A_883] {strides = array<i32>} : memref<48000xf32, #tpu.memory_space<vmem>>, vector<16xf32>,
        %get3A_885 = vector.shape_cast %get3A_884 : vector<16xf32> to vector<16xf32>
        %mul3A_886 = vector.broadcast %squeeze3A_413 : f32 to vector<16xf32>
        %mul3A_887 = arith.mulf %get3A_885, %mul3A_886 : vector<16xf32>
        %get3A_888 = arith.index_cast %multiple_of3A_382 : i32 to index
        %get3A_889 = tpu.vector_load %arg9[%get3A_888] {strides = array<i32>} : memref<48000xf32, #tpu.memory_space<vmem>>, vector<16xf32>,
        %get3A_890 = vector.shape_cast %get3A_889 : vector<16xf32> to vector<16xf32>
        %mul3A_891 = vector.broadcast %squeeze3A_415 : f32 to vector<16xf32>
        %mul3A_892 = arith.mulf %get3A_890, %mul3A_891 : vector<16xf32>
        %get3A_893 = arith.index_cast %multiple_of3A_385 : i32 to index
        %get3A_894 = tpu.vector_load %arg9[%get3A_893] {strides = array<i32>} : memref<48000xf32, #tpu.memory_space<vmem>>, vector<16xf32>,
        %get3A_895 = vector.shape_cast %get3A_894 : vector<16xf32> to vector<16xf32>
        %mul3A_896 = vector.broadcast %squeeze3A_417 : f32 to vector<16xf32>
        %mul3A_897 = arith.mulf %get3A_895, %mul3A_896 : vector<16xf32>
        %get3A_898 = arith.index_cast %multiple_of3A_500 : i32 to index
        %get3A_899 = tpu.vector_load %arg9[%get3A_898] {strides = array<i32>} : memref<48000xf32, #tpu.memory_space<vmem>>, vector<16xf32>,
        %get3A_900 = vector.shape_cast %get3A_899 : vector<16xf32> to vector<16xf32>
        %mul3A_901 = vector.broadcast %squeeze3A_547 : f32 to vector<16xf32>
        %mul3A_902 = arith.mulf %get3A_900, %mul3A_901 : vector<16xf32>
        %get3A_903 = arith.index_cast %multiple_of3A_503 : i32 to index
        %get3A_904 = tpu.vector_load %arg9[%get3A_903] {strides = array<i32>} : memref<48000xf32, #tpu.memory_space<vmem>>, vector<16xf32>,
        %get3A_905 = vector.shape_cast %get3A_904 : vector<16xf32> to vector<16xf32>
        %mul3A_906 = vector.broadcast %squeeze3A_549 : f32 to vector<16xf32>
        %mul3A_907 = arith.mulf %get3A_905, %mul3A_906 : vector<16xf32>
        %get3A_908 = arith.index_cast %multiple_of3A_506 : i32 to index
        %get3A_909 = tpu.vector_load %arg9[%get3A_908] {strides = array<i32>} : memref<48000xf32, #tpu.memory_space<vmem>>, vector<16xf32>,
        %get3A_910 = vector.shape_cast %get3A_909 : vector<16xf32> to vector<16xf32>
        %mul3A_911 = vector.broadcast %squeeze3A_551 : f32 to vector<16xf32>
        %mul3A_912 = arith.mulf %get3A_910, %mul3A_911 : vector<16xf32>
        %get3A_913 = arith.index_cast %multiple_of3A_509 : i32 to index
        %get3A_914 = tpu.vector_load %arg9[%get3A_913] {strides = array<i32>} : memref<48000xf32, #tpu.memory_space<vmem>>, vector<16xf32>,
        %get3A_915 = vector.shape_cast %get3A_914 : vector<16xf32> to vector<16xf32>
        %mul3A_916 = vector.broadcast %squeeze3A_553 : f32 to vector<16xf32>
        %mul3A_917 = arith.mulf %get3A_915, %mul3A_916 : vector<16xf32>
        %get3A_918 = arith.index_cast %multiple_of3A_512 : i32 to index
        %get3A_919 = tpu.vector_load %arg9[%get3A_918] {strides = array<i32>} : memref<48000xf32, #tpu.memory_space<vmem>>, vector<16xf32>,
        %get3A_920 = vector.shape_cast %get3A_919 : vector<16xf32> to vector<16xf32>
        %mul3A_921 = vector.broadcast %squeeze3A_555 : f32 to vector<16xf32>
        %mul3A_922 = arith.mulf %get3A_920, %mul3A_921 : vector<16xf32>
        %get3A_923 = arith.index_cast %multiple_of3A_515 : i32 to index
        %get3A_924 = tpu.vector_load %arg9[%get3A_923] {strides = array<i32>} : memref<48000xf32, #tpu.memory_space<vmem>>, vector<16xf32>,
        %get3A_925 = vector.shape_cast %get3A_924 : vector<16xf32> to vector<16xf32>
        %mul3A_926 = vector.broadcast %squeeze3A_557 : f32 to vector<16xf32>
        %mul3A_927 = arith.mulf %get3A_925, %mul3A_926 : vector<16xf32>
        %get3A_928 = arith.index_cast %multiple_of3A_518 : i32 to index
        %get3A_929 = tpu.vector_load %arg9[%get3A_928] {strides = array<i32>} : memref<48000xf32, #tpu.memory_space<vmem>>, vector<16xf32>,
        %get3A_930 = vector.shape_cast %get3A_929 : vector<16xf32> to vector<16xf32>
        %mul3A_931 = vector.broadcast %squeeze3A_559 : f32 to vector<16xf32>
        %mul3A_932 = arith.mulf %get3A_930, %mul3A_931 : vector<16xf32>
        %get3A_933 = arith.index_cast %multiple_of3A_521 : i32 to index
        %get3A_934 = tpu.vector_load %arg9[%get3A_933] {strides = array<i32>} : memref<48000xf32, #tpu.memory_space<vmem>>, vector<16xf32>,
        %get3A_935 = vector.shape_cast %get3A_934 : vector<16xf32> to vector<16xf32>
        %mul3A_936 = vector.broadcast %squeeze3A_561 : f32 to vector<16xf32>
        %mul3A_937 = arith.mulf %get3A_935, %mul3A_936 : vector<16xf32>
        %get3A_938 = arith.index_cast %multiple_of3A_524 : i32 to index
        %get3A_939 = tpu.vector_load %arg9[%get3A_938] {strides = array<i32>} : memref<48000xf32, #tpu.memory_space<vmem>>, vector<16xf32>,
        %get3A_940 = vector.shape_cast %get3A_939 : vector<16xf32> to vector<16xf32>
        %mul3A_941 = vector.broadcast %squeeze3A_563 : f32 to vector<16xf32>
        %mul3A_942 = arith.mulf %get3A_940, %mul3A_941 : vector<16xf32>
        %get3A_943 = arith.index_cast %multiple_of3A_527 : i32 to index
        %get3A_944 = tpu.vector_load %arg9[%get3A_943] {strides = array<i32>} : memref<48000xf32, #tpu.memory_space<vmem>>, vector<16xf32>,
        %get3A_945 = vector.shape_cast %get3A_944 : vector<16xf32> to vector<16xf32>
        %mul3A_946 = vector.broadcast %squeeze3A_565 : f32 to vector<16xf32>
        %mul3A_947 = arith.mulf %get3A_945, %mul3A_946 : vector<16xf32>
        %get3A_948 = arith.index_cast %multiple_of3A_530 : i32 to index
        %get3A_949 = tpu.vector_load %arg9[%get3A_948] {strides = array<i32>} : memref<48000xf32, #tpu.memory_space<vmem>>, vector<16xf32>,
        %get3A_950 = vector.shape_cast %get3A_949 : vector<16xf32> to vector<16xf32>
        %mul3A_951 = vector.broadcast %squeeze3A_567 : f32 to vector<16xf32>
        %mul3A_952 = arith.mulf %get3A_950, %mul3A_951 : vector<16xf32>
        %get3A_953 = arith.index_cast %multiple_of3A_533 : i32 to index
        %get3A_954 = tpu.vector_load %arg9[%get3A_953] {strides = array<i32>} : memref<48000xf32, #tpu.memory_space<vmem>>, vector<16xf32>,
        %get3A_955 = vector.shape_cast %get3A_954 : vector<16xf32> to vector<16xf32>
        %mul3A_956 = vector.broadcast %squeeze3A_569 : f32 to vector<16xf32>
        %mul3A_957 = arith.mulf %get3A_955, %mul3A_956 : vector<16xf32>
        %get3A_958 = arith.index_cast %multiple_of3A_536 : i32 to index
        %get3A_959 = tpu.vector_load %arg9[%get3A_958] {strides = array<i32>} : memref<48000xf32, #tpu.memory_space<vmem>>, vector<16xf32>,
        %get3A_960 = vector.shape_cast %get3A_959 : vector<16xf32> to vector<16xf32>
        %mul3A_961 = vector.broadcast %squeeze3A_571 : f32 to vector<16xf32>
        %mul3A_962 = arith.mulf %get3A_960, %mul3A_961 : vector<16xf32>
        %get3A_963 = arith.index_cast %multiple_of3A_539 : i32 to index
        %get3A_964 = tpu.vector_load %arg9[%get3A_963] {strides = array<i32>} : memref<48000xf32, #tpu.memory_space<vmem>>, vector<16xf32>,
        %get3A_965 = vector.shape_cast %get3A_964 : vector<16xf32> to vector<16xf32>
        %mul3A_966 = vector.broadcast %squeeze3A_573 : f32 to vector<16xf32>
        %mul3A_967 = arith.mulf %get3A_965, %mul3A_966 : vector<16xf32>
        %get3A_968 = arith.index_cast %multiple_of3A_542 : i32 to index
        %get3A_969 = tpu.vector_load %arg9[%get3A_968] {strides = array<i32>} : memref<48000xf32, #tpu.memory_space<vmem>>, vector<16xf32>,
        %get3A_970 = vector.shape_cast %get3A_969 : vector<16xf32> to vector<16xf32>
        %mul3A_971 = vector.broadcast %squeeze3A_575 : f32 to vector<16xf32>
        %mul3A_972 = arith.mulf %get3A_970, %mul3A_971 : vector<16xf32>
        %get3A_973 = arith.index_cast %multiple_of3A_545 : i32 to index
        %get3A_974 = tpu.vector_load %arg9[%get3A_973] {strides = array<i32>} : memref<48000xf32, #tpu.memory_space<vmem>>, vector<16xf32>,
        %get3A_975 = vector.shape_cast %get3A_974 : vector<16xf32> to vector<16xf32>
        %mul3A_976 = vector.broadcast %squeeze3A_577 : f32 to vector<16xf32>
        %mul3A_977 = arith.mulf %get3A_975, %mul3A_976 : vector<16xf32>
        %get3A_978 = arith.index_cast %multiple_of3A_660 : i32 to index
        %get3A_979 = tpu.vector_load %arg9[%get3A_978] {strides = array<i32>} : memref<48000xf32, #tpu.memory_space<vmem>>, vector<16xf32>,
        %get3A_980 = vector.shape_cast %get3A_979 : vector<16xf32> to vector<16xf32>
        %mul3A_981 = vector.broadcast %squeeze3A_707 : f32 to vector<16xf32>
        %mul3A_982 = arith.mulf %get3A_980, %mul3A_981 : vector<16xf32>
        %get3A_983 = arith.index_cast %multiple_of3A_663 : i32 to index
        %get3A_984 = tpu.vector_load %arg9[%get3A_983] {strides = array<i32>} : memref<48000xf32, #tpu.memory_space<vmem>>, vector<16xf32>,
        %get3A_985 = vector.shape_cast %get3A_984 : vector<16xf32> to vector<16xf32>
        %mul3A_986 = vector.broadcast %squeeze3A_709 : f32 to vector<16xf32>
        %mul3A_987 = arith.mulf %get3A_985, %mul3A_986 : vector<16xf32>
        %get3A_988 = arith.index_cast %multiple_of3A_666 : i32 to index
        %get3A_989 = tpu.vector_load %arg9[%get3A_988] {strides = array<i32>} : memref<48000xf32, #tpu.memory_space<vmem>>, vector<16xf32>,
        %get3A_990 = vector.shape_cast %get3A_989 : vector<16xf32> to vector<16xf32>
        %mul3A_991 = vector.broadcast %squeeze3A_711 : f32 to vector<16xf32>
        %mul3A_992 = arith.mulf %get3A_990, %mul3A_991 : vector<16xf32>
        %get3A_993 = arith.index_cast %multiple_of3A_669 : i32 to index
        %get3A_994 = tpu.vector_load %arg9[%get3A_993] {strides = array<i32>} : memref<48000xf32, #tpu.memory_space<vmem>>, vector<16xf32>,
        %get3A_995 = vector.shape_cast %get3A_994 : vector<16xf32> to vector<16xf32>
        %mul3A_996 = vector.broadcast %squeeze3A_713 : f32 to vector<16xf32>
        %mul3A_997 = arith.mulf %get3A_995, %mul3A_996 : vector<16xf32>
        %get3A_998 = arith.index_cast %multiple_of3A_672 : i32 to index
        %get3A_999 = tpu.vector_load %arg9[%get3A_998] {strides = array<i32>} : memref<48000xf32, #tpu.memory_space<vmem>>, vector<16xf32>,
        %get3A_1000 = vector.shape_cast %get3A_999 : vector<16xf32> to vector<16xf32>
        %mul3A_1001 = vector.broadcast %squeeze3A_715 : f32 to vector<16xf32>
        %mul3A_1002 = arith.mulf %get3A_1000, %mul3A_1001 : vector<16xf32>
        %get3A_1003 = arith.index_cast %multiple_of3A_675 : i32 to index
        %get3A_1004 = tpu.vector_load %arg9[%get3A_1003] {strides = array<i32>} : memref<48000xf32, #tpu.memory_space<vmem>>, vector<16xf32>,
        %get3A_1005 = vector.shape_cast %get3A_1004 : vector<16xf32> to vector<16xf32>
        %mul3A_1006 = vector.broadcast %squeeze3A_717 : f32 to vector<16xf32>
        %mul3A_1007 = arith.mulf %get3A_1005, %mul3A_1006 : vector<16xf32>
        %get3A_1008 = arith.index_cast %multiple_of3A_678 : i32 to index
        %get3A_1009 = tpu.vector_load %arg9[%get3A_1008] {strides = array<i32>} : memref<48000xf32, #tpu.memory_space<vmem>>, vector<16xf32>,
        %get3A_1010 = vector.shape_cast %get3A_1009 : vector<16xf32> to vector<16xf32>
        %mul3A_1011 = vector.broadcast %squeeze3A_719 : f32 to vector<16xf32>
        %mul3A_1012 = arith.mulf %get3A_1010, %mul3A_1011 : vector<16xf32>
        %get3A_1013 = arith.index_cast %multiple_of3A_681 : i32 to index
        %get3A_1014 = tpu.vector_load %arg9[%get3A_1013] {strides = array<i32>} : memref<48000xf32, #tpu.memory_space<vmem>>, vector<16xf32>,
        %get3A_1015 = vector.shape_cast %get3A_1014 : vector<16xf32> to vector<16xf32>
        %mul3A_1016 = vector.broadcast %squeeze3A_721 : f32 to vector<16xf32>
        %mul3A_1017 = arith.mulf %get3A_1015, %mul3A_1016 : vector<16xf32>
        %get3A_1018 = arith.index_cast %multiple_of3A_684 : i32 to index
        %get3A_1019 = tpu.vector_load %arg9[%get3A_1018] {strides = array<i32>} : memref<48000xf32, #tpu.memory_space<vmem>>, vector<16xf32>,
        %get3A_1020 = vector.shape_cast %get3A_1019 : vector<16xf32> to vector<16xf32>
        %mul3A_1021 = vector.broadcast %squeeze3A_723 : f32 to vector<16xf32>
        %mul3A_1022 = arith.mulf %get3A_1020, %mul3A_1021 : vector<16xf32>
        %get3A_1023 = arith.index_cast %multiple_of3A_687 : i32 to index
        %get3A_1024 = tpu.vector_load %arg9[%get3A_1023] {strides = array<i32>} : memref<48000xf32, #tpu.memory_space<vmem>>, vector<16xf32>,
        %get3A_1025 = vector.shape_cast %get3A_1024 : vector<16xf32> to vector<16xf32>
        %mul3A_1026 = vector.broadcast %squeeze3A_725 : f32 to vector<16xf32>
        %mul3A_1027 = arith.mulf %get3A_1025, %mul3A_1026 : vector<16xf32>
        %get3A_1028 = arith.index_cast %multiple_of3A_690 : i32 to index
        %get3A_1029 = tpu.vector_load %arg9[%get3A_1028] {strides = array<i32>} : memref<48000xf32, #tpu.memory_space<vmem>>, vector<16xf32>,
        %get3A_1030 = vector.shape_cast %get3A_1029 : vector<16xf32> to vector<16xf32>
        %mul3A_1031 = vector.broadcast %squeeze3A_727 : f32 to vector<16xf32>
        %mul3A_1032 = arith.mulf %get3A_1030, %mul3A_1031 : vector<16xf32>
        %get3A_1033 = arith.index_cast %multiple_of3A_693 : i32 to index
        %get3A_1034 = tpu.vector_load %arg9[%get3A_1033] {strides = array<i32>} : memref<48000xf32, #tpu.memory_space<vmem>>, vector<16xf32>,
        %get3A_1035 = vector.shape_cast %get3A_1034 : vector<16xf32> to vector<16xf32>
        %mul3A_1036 = vector.broadcast %squeeze3A_729 : f32 to vector<16xf32>
        %mul3A_1037 = arith.mulf %get3A_1035, %mul3A_1036 : vector<16xf32>
        %get3A_1038 = arith.index_cast %multiple_of3A_696 : i32 to index
        %get3A_1039 = tpu.vector_load %arg9[%get3A_1038] {strides = array<i32>} : memref<48000xf32, #tpu.memory_space<vmem>>, vector<16xf32>,
        %get3A_1040 = vector.shape_cast %get3A_1039 : vector<16xf32> to vector<16xf32>
        %mul3A_1041 = vector.broadcast %squeeze3A_731 : f32 to vector<16xf32>
        %mul3A_1042 = arith.mulf %get3A_1040, %mul3A_1041 : vector<16xf32>
        %get3A_1043 = arith.index_cast %multiple_of3A_699 : i32 to index
        %get3A_1044 = tpu.vector_load %arg9[%get3A_1043] {strides = array<i32>} : memref<48000xf32, #tpu.memory_space<vmem>>, vector<16xf32>,
        %get3A_1045 = vector.shape_cast %get3A_1044 : vector<16xf32> to vector<16xf32>
        %mul3A_1046 = vector.broadcast %squeeze3A_733 : f32 to vector<16xf32>
        %mul3A_1047 = arith.mulf %get3A_1045, %mul3A_1046 : vector<16xf32>
        %get3A_1048 = arith.index_cast %multiple_of3A_702 : i32 to index
        %get3A_1049 = tpu.vector_load %arg9[%get3A_1048] {strides = array<i32>} : memref<48000xf32, #tpu.memory_space<vmem>>, vector<16xf32>,
        %get3A_1050 = vector.shape_cast %get3A_1049 : vector<16xf32> to vector<16xf32>
        %mul3A_1051 = vector.broadcast %squeeze3A_735 : f32 to vector<16xf32>
        %mul3A_1052 = arith.mulf %get3A_1050, %mul3A_1051 : vector<16xf32>
        %get3A_1053 = arith.index_cast %multiple_of3A_705 : i32 to index
        %get3A_1054 = tpu.vector_load %arg9[%get3A_1053] {strides = array<i32>} : memref<48000xf32, #tpu.memory_space<vmem>>, vector<16xf32>,
        %get3A_1055 = vector.shape_cast %get3A_1054 : vector<16xf32> to vector<16xf32>
        %mul3A_1056 = vector.broadcast %squeeze3A_737 : f32 to vector<16xf32>
        %mul3A_1057 = arith.mulf %get3A_1055, %mul3A_1056 : vector<16xf32>
        %get3A_1058 = arith.index_cast %multiple_of3A : i32 to index
        %get3A_1059 = tpu.vector_load %arg10[%get3A_1058] {strides = array<i32>} : memref<48000xf32, #tpu.memory_space<vmem>>, vector<16xf32>,
        %get3A_1060 = vector.shape_cast %get3A_1059 : vector<16xf32> to vector<16xf32>
        %add3A_1061 = arith.addf %get3A_1060, %mul3A_742 : vector<16xf32>
        %swap3A = arith.index_cast %multiple_of3A : i32 to index
        %swap3A_1062 = tpu.vector_load %arg10[%swap3A] {strides = array<i32>} : memref<48000xf32, #tpu.memory_space<vmem>>, vector<16xf32>,
        %swap3A_1063 = vector.shape_cast %swap3A_1062 : vector<16xf32> to vector<16xf32>
        %swap3A_1064 = vector.shape_cast %add3A_1061 : vector<16xf32> to vector<16xf32>
        tpu.vector_store %arg10[%swap3A], %swap3A_1064 {strides = array<i32>} : memref<48000xf32, #tpu.memory_space<vmem>>, vector<16xf32>,
        %get3A_1065 = arith.index_cast %multiple_of3A_135 : i32 to index
        %get3A_1066 = tpu.vector_load %arg10[%get3A_1065] {strides = array<i32>} : memref<48000xf32, #tpu.memory_space<vmem>>, vector<16xf32>,
        %get3A_1067 = vector.shape_cast %get3A_1066 : vector<16xf32> to vector<16xf32>
        %add3A_1068 = arith.addf %get3A_1067, %mul3A_747 : vector<16xf32>
        %swap3A_1069 = arith.index_cast %multiple_of3A_135 : i32 to index
        %swap3A_1070 = tpu.vector_load %arg10[%swap3A_1069] {strides = array<i32>} : memref<48000xf32, #tpu.memory_space<vmem>>, vector<16xf32>,
        %swap3A_1071 = vector.shape_cast %swap3A_1070 : vector<16xf32> to vector<16xf32>
        %swap3A_1072 = vector.shape_cast %add3A_1068 : vector<16xf32> to vector<16xf32>
        tpu.vector_store %arg10[%swap3A_1069], %swap3A_1072 {strides = array<i32>} : memref<48000xf32, #tpu.memory_space<vmem>>, vector<16xf32>,
        %get3A_1073 = arith.index_cast %multiple_of3A_138 : i32 to index
        %get3A_1074 = tpu.vector_load %arg10[%get3A_1073] {strides = array<i32>} : memref<48000xf32, #tpu.memory_space<vmem>>, vector<16xf32>,
        %get3A_1075 = vector.shape_cast %get3A_1074 : vector<16xf32> to vector<16xf32>
        %add3A_1076 = arith.addf %get3A_1075, %mul3A_752 : vector<16xf32>
        %swap3A_1077 = arith.index_cast %multiple_of3A_138 : i32 to index
        %swap3A_1078 = tpu.vector_load %arg10[%swap3A_1077] {strides = array<i32>} : memref<48000xf32, #tpu.memory_space<vmem>>, vector<16xf32>,
        %swap3A_1079 = vector.shape_cast %swap3A_1078 : vector<16xf32> to vector<16xf32>
        %swap3A_1080 = vector.shape_cast %add3A_1076 : vector<16xf32> to vector<16xf32>
        tpu.vector_store %arg10[%swap3A_1077], %swap3A_1080 {strides = array<i32>} : memref<48000xf32, #tpu.memory_space<vmem>>, vector<16xf32>,
        %get3A_1081 = arith.index_cast %multiple_of3A_141 : i32 to index
        %get3A_1082 = tpu.vector_load %arg10[%get3A_1081] {strides = array<i32>} : memref<48000xf32, #tpu.memory_space<vmem>>, vector<16xf32>,
        %get3A_1083 = vector.shape_cast %get3A_1082 : vector<16xf32> to vector<16xf32>
        %add3A_1084 = arith.addf %get3A_1083, %mul3A_757 : vector<16xf32>
        %swap3A_1085 = arith.index_cast %multiple_of3A_141 : i32 to index
        %swap3A_1086 = tpu.vector_load %arg10[%swap3A_1085] {strides = array<i32>} : memref<48000xf32, #tpu.memory_space<vmem>>, vector<16xf32>,
        %swap3A_1087 = vector.shape_cast %swap3A_1086 : vector<16xf32> to vector<16xf32>
        %swap3A_1088 = vector.shape_cast %add3A_1084 : vector<16xf32> to vector<16xf32>
        tpu.vector_store %arg10[%swap3A_1085], %swap3A_1088 {strides = array<i32>} : memref<48000xf32, #tpu.memory_space<vmem>>, vector<16xf32>,
        %get3A_1089 = arith.index_cast %multiple_of3A_144 : i32 to index
        %get3A_1090 = tpu.vector_load %arg10[%get3A_1089] {strides = array<i32>} : memref<48000xf32, #tpu.memory_space<vmem>>, vector<16xf32>,
        %get3A_1091 = vector.shape_cast %get3A_1090 : vector<16xf32> to vector<16xf32>
        %add3A_1092 = arith.addf %get3A_1091, %mul3A_762 : vector<16xf32>
        %swap3A_1093 = arith.index_cast %multiple_of3A_144 : i32 to index
        %swap3A_1094 = tpu.vector_load %arg10[%swap3A_1093] {strides = array<i32>} : memref<48000xf32, #tpu.memory_space<vmem>>, vector<16xf32>,
        %swap3A_1095 = vector.shape_cast %swap3A_1094 : vector<16xf32> to vector<16xf32>
        %swap3A_1096 = vector.shape_cast %add3A_1092 : vector<16xf32> to vector<16xf32>
        tpu.vector_store %arg10[%swap3A_1093], %swap3A_1096 {strides = array<i32>} : memref<48000xf32, #tpu.memory_space<vmem>>, vector<16xf32>,
        %get3A_1097 = arith.index_cast %multiple_of3A_147 : i32 to index
        %get3A_1098 = tpu.vector_load %arg10[%get3A_1097] {strides = array<i32>} : memref<48000xf32, #tpu.memory_space<vmem>>, vector<16xf32>,
        %get3A_1099 = vector.shape_cast %get3A_1098 : vector<16xf32> to vector<16xf32>
        %add3A_1100 = arith.addf %get3A_1099, %mul3A_767 : vector<16xf32>
        %swap3A_1101 = arith.index_cast %multiple_of3A_147 : i32 to index
        %swap3A_1102 = tpu.vector_load %arg10[%swap3A_1101] {strides = array<i32>} : memref<48000xf32, #tpu.memory_space<vmem>>, vector<16xf32>,
        %swap3A_1103 = vector.shape_cast %swap3A_1102 : vector<16xf32> to vector<16xf32>
        %swap3A_1104 = vector.shape_cast %add3A_1100 : vector<16xf32> to vector<16xf32>
        tpu.vector_store %arg10[%swap3A_1101], %swap3A_1104 {strides = array<i32>} : memref<48000xf32, #tpu.memory_space<vmem>>, vector<16xf32>,
        %get3A_1105 = arith.index_cast %multiple_of3A_150 : i32 to index
        %get3A_1106 = tpu.vector_load %arg10[%get3A_1105] {strides = array<i32>} : memref<48000xf32, #tpu.memory_space<vmem>>, vector<16xf32>,
        %get3A_1107 = vector.shape_cast %get3A_1106 : vector<16xf32> to vector<16xf32>
        %add3A_1108 = arith.addf %get3A_1107, %mul3A_772 : vector<16xf32>
        %swap3A_1109 = arith.index_cast %multiple_of3A_150 : i32 to index
        %swap3A_1110 = tpu.vector_load %arg10[%swap3A_1109] {strides = array<i32>} : memref<48000xf32, #tpu.memory_space<vmem>>, vector<16xf32>,
        %swap3A_1111 = vector.shape_cast %swap3A_1110 : vector<16xf32> to vector<16xf32>
        %swap3A_1112 = vector.shape_cast %add3A_1108 : vector<16xf32> to vector<16xf32>
        tpu.vector_store %arg10[%swap3A_1109], %swap3A_1112 {strides = array<i32>} : memref<48000xf32, #tpu.memory_space<vmem>>, vector<16xf32>,
        %get3A_1113 = arith.index_cast %multiple_of3A_153 : i32 to index
        %get3A_1114 = tpu.vector_load %arg10[%get3A_1113] {strides = array<i32>} : memref<48000xf32, #tpu.memory_space<vmem>>, vector<16xf32>,
        %get3A_1115 = vector.shape_cast %get3A_1114 : vector<16xf32> to vector<16xf32>
        %add3A_1116 = arith.addf %get3A_1115, %mul3A_777 : vector<16xf32>
        %swap3A_1117 = arith.index_cast %multiple_of3A_153 : i32 to index
        %swap3A_1118 = tpu.vector_load %arg10[%swap3A_1117] {strides = array<i32>} : memref<48000xf32, #tpu.memory_space<vmem>>, vector<16xf32>,
        %swap3A_1119 = vector.shape_cast %swap3A_1118 : vector<16xf32> to vector<16xf32>
        %swap3A_1120 = vector.shape_cast %add3A_1116 : vector<16xf32> to vector<16xf32>
        tpu.vector_store %arg10[%swap3A_1117], %swap3A_1120 {strides = array<i32>} : memref<48000xf32, #tpu.memory_space<vmem>>, vector<16xf32>,
        %get3A_1121 = arith.index_cast %multiple_of3A_156 : i32 to index
        %get3A_1122 = tpu.vector_load %arg10[%get3A_1121] {strides = array<i32>} : memref<48000xf32, #tpu.memory_space<vmem>>, vector<16xf32>,
        %get3A_1123 = vector.shape_cast %get3A_1122 : vector<16xf32> to vector<16xf32>
        %add3A_1124 = arith.addf %get3A_1123, %mul3A_782 : vector<16xf32>
        %swap3A_1125 = arith.index_cast %multiple_of3A_156 : i32 to index
        %swap3A_1126 = tpu.vector_load %arg10[%swap3A_1125] {strides = array<i32>} : memref<48000xf32, #tpu.memory_space<vmem>>, vector<16xf32>,
        %swap3A_1127 = vector.shape_cast %swap3A_1126 : vector<16xf32> to vector<16xf32>
        %swap3A_1128 = vector.shape_cast %add3A_1124 : vector<16xf32> to vector<16xf32>
        tpu.vector_store %arg10[%swap3A_1125], %swap3A_1128 {strides = array<i32>} : memref<48000xf32, #tpu.memory_space<vmem>>, vector<16xf32>,
        %get3A_1129 = arith.index_cast %multiple_of3A_159 : i32 to index
        %get3A_1130 = tpu.vector_load %arg10[%get3A_1129] {strides = array<i32>} : memref<48000xf32, #tpu.memory_space<vmem>>, vector<16xf32>,
        %get3A_1131 = vector.shape_cast %get3A_1130 : vector<16xf32> to vector<16xf32>
        %add3A_1132 = arith.addf %get3A_1131, %mul3A_787 : vector<16xf32>
        %swap3A_1133 = arith.index_cast %multiple_of3A_159 : i32 to index
        %swap3A_1134 = tpu.vector_load %arg10[%swap3A_1133] {strides = array<i32>} : memref<48000xf32, #tpu.memory_space<vmem>>, vector<16xf32>,
        %swap3A_1135 = vector.shape_cast %swap3A_1134 : vector<16xf32> to vector<16xf32>
        %swap3A_1136 = vector.shape_cast %add3A_1132 : vector<16xf32> to vector<16xf32>
        tpu.vector_store %arg10[%swap3A_1133], %swap3A_1136 {strides = array<i32>} : memref<48000xf32, #tpu.memory_space<vmem>>, vector<16xf32>,
        %get3A_1137 = arith.index_cast %multiple_of3A_162 : i32 to index
        %get3A_1138 = tpu.vector_load %arg10[%get3A_1137] {strides = array<i32>} : memref<48000xf32, #tpu.memory_space<vmem>>, vector<16xf32>,
        %get3A_1139 = vector.shape_cast %get3A_1138 : vector<16xf32> to vector<16xf32>
        %add3A_1140 = arith.addf %get3A_1139, %mul3A_792 : vector<16xf32>
        %swap3A_1141 = arith.index_cast %multiple_of3A_162 : i32 to index
        %swap3A_1142 = tpu.vector_load %arg10[%swap3A_1141] {strides = array<i32>} : memref<48000xf32, #tpu.memory_space<vmem>>, vector<16xf32>,
        %swap3A_1143 = vector.shape_cast %swap3A_1142 : vector<16xf32> to vector<16xf32>
        %swap3A_1144 = vector.shape_cast %add3A_1140 : vector<16xf32> to vector<16xf32>
        tpu.vector_store %arg10[%swap3A_1141], %swap3A_1144 {strides = array<i32>} : memref<48000xf32, #tpu.memory_space<vmem>>, vector<16xf32>,
        %get3A_1145 = arith.index_cast %multiple_of3A_165 : i32 to index
        %get3A_1146 = tpu.vector_load %arg10[%get3A_1145] {strides = array<i32>} : memref<48000xf32, #tpu.memory_space<vmem>>, vector<16xf32>,
        %get3A_1147 = vector.shape_cast %get3A_1146 : vector<16xf32> to vector<16xf32>
        %add3A_1148 = arith.addf %get3A_1147, %mul3A_797 : vector<16xf32>
        %swap3A_1149 = arith.index_cast %multiple_of3A_165 : i32 to index
        %swap3A_1150 = tpu.vector_load %arg10[%swap3A_1149] {strides = array<i32>} : memref<48000xf32, #tpu.memory_space<vmem>>, vector<16xf32>,
        %swap3A_1151 = vector.shape_cast %swap3A_1150 : vector<16xf32> to vector<16xf32>
        %swap3A_1152 = vector.shape_cast %add3A_1148 : vector<16xf32> to vector<16xf32>
        tpu.vector_store %arg10[%swap3A_1149], %swap3A_1152 {strides = array<i32>} : memref<48000xf32, #tpu.memory_space<vmem>>, vector<16xf32>,
        %get3A_1153 = arith.index_cast %multiple_of3A_168 : i32 to index
        %get3A_1154 = tpu.vector_load %arg10[%get3A_1153] {strides = array<i32>} : memref<48000xf32, #tpu.memory_space<vmem>>, vector<16xf32>,
        %get3A_1155 = vector.shape_cast %get3A_1154 : vector<16xf32> to vector<16xf32>
        %add3A_1156 = arith.addf %get3A_1155, %mul3A_802 : vector<16xf32>
        %swap3A_1157 = arith.index_cast %multiple_of3A_168 : i32 to index
        %swap3A_1158 = tpu.vector_load %arg10[%swap3A_1157] {strides = array<i32>} : memref<48000xf32, #tpu.memory_space<vmem>>, vector<16xf32>,
        %swap3A_1159 = vector.shape_cast %swap3A_1158 : vector<16xf32> to vector<16xf32>
        %swap3A_1160 = vector.shape_cast %add3A_1156 : vector<16xf32> to vector<16xf32>
        tpu.vector_store %arg10[%swap3A_1157], %swap3A_1160 {strides = array<i32>} : memref<48000xf32, #tpu.memory_space<vmem>>, vector<16xf32>,
        %get3A_1161 = arith.index_cast %multiple_of3A_171 : i32 to index
        %get3A_1162 = tpu.vector_load %arg10[%get3A_1161] {strides = array<i32>} : memref<48000xf32, #tpu.memory_space<vmem>>, vector<16xf32>,
        %get3A_1163 = vector.shape_cast %get3A_1162 : vector<16xf32> to vector<16xf32>
        %add3A_1164 = arith.addf %get3A_1163, %mul3A_807 : vector<16xf32>
        %swap3A_1165 = arith.index_cast %multiple_of3A_171 : i32 to index
        %swap3A_1166 = tpu.vector_load %arg10[%swap3A_1165] {strides = array<i32>} : memref<48000xf32, #tpu.memory_space<vmem>>, vector<16xf32>,
        %swap3A_1167 = vector.shape_cast %swap3A_1166 : vector<16xf32> to vector<16xf32>
        %swap3A_1168 = vector.shape_cast %add3A_1164 : vector<16xf32> to vector<16xf32>
        tpu.vector_store %arg10[%swap3A_1165], %swap3A_1168 {strides = array<i32>} : memref<48000xf32, #tpu.memory_space<vmem>>, vector<16xf32>,
        %get3A_1169 = arith.index_cast %multiple_of3A_174 : i32 to index
        %get3A_1170 = tpu.vector_load %arg10[%get3A_1169] {strides = array<i32>} : memref<48000xf32, #tpu.memory_space<vmem>>, vector<16xf32>,
        %get3A_1171 = vector.shape_cast %get3A_1170 : vector<16xf32> to vector<16xf32>
        %add3A_1172 = arith.addf %get3A_1171, %mul3A_812 : vector<16xf32>
        %swap3A_1173 = arith.index_cast %multiple_of3A_174 : i32 to index
        %swap3A_1174 = tpu.vector_load %arg10[%swap3A_1173] {strides = array<i32>} : memref<48000xf32, #tpu.memory_space<vmem>>, vector<16xf32>,
        %swap3A_1175 = vector.shape_cast %swap3A_1174 : vector<16xf32> to vector<16xf32>
        %swap3A_1176 = vector.shape_cast %add3A_1172 : vector<16xf32> to vector<16xf32>
        tpu.vector_store %arg10[%swap3A_1173], %swap3A_1176 {strides = array<i32>} : memref<48000xf32, #tpu.memory_space<vmem>>, vector<16xf32>,
        %get3A_1177 = arith.index_cast %multiple_of3A_177 : i32 to index
        %get3A_1178 = tpu.vector_load %arg10[%get3A_1177] {strides = array<i32>} : memref<48000xf32, #tpu.memory_space<vmem>>, vector<16xf32>,
        %get3A_1179 = vector.shape_cast %get3A_1178 : vector<16xf32> to vector<16xf32>
        %add3A_1180 = arith.addf %get3A_1179, %mul3A_817 : vector<16xf32>
        %swap3A_1181 = arith.index_cast %multiple_of3A_177 : i32 to index
        %swap3A_1182 = tpu.vector_load %arg10[%swap3A_1181] {strides = array<i32>} : memref<48000xf32, #tpu.memory_space<vmem>>, vector<16xf32>,
        %swap3A_1183 = vector.shape_cast %swap3A_1182 : vector<16xf32> to vector<16xf32>
        %swap3A_1184 = vector.shape_cast %add3A_1180 : vector<16xf32> to vector<16xf32>
        tpu.vector_store %arg10[%swap3A_1181], %swap3A_1184 {strides = array<i32>} : memref<48000xf32, #tpu.memory_space<vmem>>, vector<16xf32>,
        %get3A_1185 = arith.index_cast %multiple_of3A_292 : i32 to index
        %get3A_1186 = tpu.vector_load %arg10[%get3A_1185] {strides = array<i32>} : memref<48000xf32, #tpu.memory_space<vmem>>, vector<16xf32>,
        %get3A_1187 = vector.shape_cast %get3A_1186 : vector<16xf32> to vector<16xf32>
        %add3A_1188 = arith.addf %get3A_1187, %mul3A_822 : vector<16xf32>
        %swap3A_1189 = arith.index_cast %multiple_of3A_292 : i32 to index
        %swap3A_1190 = tpu.vector_load %arg10[%swap3A_1189] {strides = array<i32>} : memref<48000xf32, #tpu.memory_space<vmem>>, vector<16xf32>,
        %swap3A_1191 = vector.shape_cast %swap3A_1190 : vector<16xf32> to vector<16xf32>
        %swap3A_1192 = vector.shape_cast %add3A_1188 : vector<16xf32> to vector<16xf32>
        tpu.vector_store %arg10[%swap3A_1189], %swap3A_1192 {strides = array<i32>} : memref<48000xf32, #tpu.memory_space<vmem>>, vector<16xf32>,
        %get3A_1193 = arith.index_cast %multiple_of3A_295 : i32 to index
        %get3A_1194 = tpu.vector_load %arg10[%get3A_1193] {strides = array<i32>} : memref<48000xf32, #tpu.memory_space<vmem>>, vector<16xf32>,
        %get3A_1195 = vector.shape_cast %get3A_1194 : vector<16xf32> to vector<16xf32>
        %add3A_1196 = arith.addf %get3A_1195, %mul3A_827 : vector<16xf32>
        %swap3A_1197 = arith.index_cast %multiple_of3A_295 : i32 to index
        %swap3A_1198 = tpu.vector_load %arg10[%swap3A_1197] {strides = array<i32>} : memref<48000xf32, #tpu.memory_space<vmem>>, vector<16xf32>,
        %swap3A_1199 = vector.shape_cast %swap3A_1198 : vector<16xf32> to vector<16xf32>
        %swap3A_1200 = vector.shape_cast %add3A_1196 : vector<16xf32> to vector<16xf32>
        tpu.vector_store %arg10[%swap3A_1197], %swap3A_1200 {strides = array<i32>} : memref<48000xf32, #tpu.memory_space<vmem>>, vector<16xf32>,
        %get3A_1201 = arith.index_cast %multiple_of3A_298 : i32 to index
        %get3A_1202 = tpu.vector_load %arg10[%get3A_1201] {strides = array<i32>} : memref<48000xf32, #tpu.memory_space<vmem>>, vector<16xf32>,
        %get3A_1203 = vector.shape_cast %get3A_1202 : vector<16xf32> to vector<16xf32>
        %add3A_1204 = arith.addf %get3A_1203, %mul3A_832 : vector<16xf32>
        %swap3A_1205 = arith.index_cast %multiple_of3A_298 : i32 to index
        %swap3A_1206 = tpu.vector_load %arg10[%swap3A_1205] {strides = array<i32>} : memref<48000xf32, #tpu.memory_space<vmem>>, vector<16xf32>,
        %swap3A_1207 = vector.shape_cast %swap3A_1206 : vector<16xf32> to vector<16xf32>
        %swap3A_1208 = vector.shape_cast %add3A_1204 : vector<16xf32> to vector<16xf32>
        tpu.vector_store %arg10[%swap3A_1205], %swap3A_1208 {strides = array<i32>} : memref<48000xf32, #tpu.memory_space<vmem>>, vector<16xf32>,
        %get3A_1209 = arith.index_cast %multiple_of3A_301 : i32 to index
        %get3A_1210 = tpu.vector_load %arg10[%get3A_1209] {strides = array<i32>} : memref<48000xf32, #tpu.memory_space<vmem>>, vector<16xf32>,
        %get3A_1211 = vector.shape_cast %get3A_1210 : vector<16xf32> to vector<16xf32>
        %add3A_1212 = arith.addf %get3A_1211, %mul3A_837 : vector<16xf32>
        %swap3A_1213 = arith.index_cast %multiple_of3A_301 : i32 to index
        %swap3A_1214 = tpu.vector_load %arg10[%swap3A_1213] {strides = array<i32>} : memref<48000xf32, #tpu.memory_space<vmem>>, vector<16xf32>,
        %swap3A_1215 = vector.shape_cast %swap3A_1214 : vector<16xf32> to vector<16xf32>
        %swap3A_1216 = vector.shape_cast %add3A_1212 : vector<16xf32> to vector<16xf32>
        tpu.vector_store %arg10[%swap3A_1213], %swap3A_1216 {strides = array<i32>} : memref<48000xf32, #tpu.memory_space<vmem>>, vector<16xf32>,
        %get3A_1217 = arith.index_cast %multiple_of3A_304 : i32 to index
        %get3A_1218 = tpu.vector_load %arg10[%get3A_1217] {strides = array<i32>} : memref<48000xf32, #tpu.memory_space<vmem>>, vector<16xf32>,
        %get3A_1219 = vector.shape_cast %get3A_1218 : vector<16xf32> to vector<16xf32>
        %add3A_1220 = arith.addf %get3A_1219, %mul3A_842 : vector<16xf32>
        %swap3A_1221 = arith.index_cast %multiple_of3A_304 : i32 to index
        %swap3A_1222 = tpu.vector_load %arg10[%swap3A_1221] {strides = array<i32>} : memref<48000xf32, #tpu.memory_space<vmem>>, vector<16xf32>,
        %swap3A_1223 = vector.shape_cast %swap3A_1222 : vector<16xf32> to vector<16xf32>
        %swap3A_1224 = vector.shape_cast %add3A_1220 : vector<16xf32> to vector<16xf32>
        tpu.vector_store %arg10[%swap3A_1221], %swap3A_1224 {strides = array<i32>} : memref<48000xf32, #tpu.memory_space<vmem>>, vector<16xf32>,
        %get3A_1225 = arith.index_cast %multiple_of3A_307 : i32 to index
        %get3A_1226 = tpu.vector_load %arg10[%get3A_1225] {strides = array<i32>} : memref<48000xf32, #tpu.memory_space<vmem>>, vector<16xf32>,
        %get3A_1227 = vector.shape_cast %get3A_1226 : vector<16xf32> to vector<16xf32>
        %add3A_1228 = arith.addf %get3A_1227, %mul3A_847 : vector<16xf32>
        %swap3A_1229 = arith.index_cast %multiple_of3A_307 : i32 to index
        %swap3A_1230 = tpu.vector_load %arg10[%swap3A_1229] {strides = array<i32>} : memref<48000xf32, #tpu.memory_space<vmem>>, vector<16xf32>,
        %swap3A_1231 = vector.shape_cast %swap3A_1230 : vector<16xf32> to vector<16xf32>
        %swap3A_1232 = vector.shape_cast %add3A_1228 : vector<16xf32> to vector<16xf32>
        tpu.vector_store %arg10[%swap3A_1229], %swap3A_1232 {strides = array<i32>} : memref<48000xf32, #tpu.memory_space<vmem>>, vector<16xf32>,
        %get3A_1233 = arith.index_cast %multiple_of3A_310 : i32 to index
        %get3A_1234 = tpu.vector_load %arg10[%get3A_1233] {strides = array<i32>} : memref<48000xf32, #tpu.memory_space<vmem>>, vector<16xf32>,
        %get3A_1235 = vector.shape_cast %get3A_1234 : vector<16xf32> to vector<16xf32>
        %add3A_1236 = arith.addf %get3A_1235, %mul3A_852 : vector<16xf32>
        %swap3A_1237 = arith.index_cast %multiple_of3A_310 : i32 to index
        %swap3A_1238 = tpu.vector_load %arg10[%swap3A_1237] {strides = array<i32>} : memref<48000xf32, #tpu.memory_space<vmem>>, vector<16xf32>,
        %swap3A_1239 = vector.shape_cast %swap3A_1238 : vector<16xf32> to vector<16xf32>
        %swap3A_1240 = vector.shape_cast %add3A_1236 : vector<16xf32> to vector<16xf32>
        tpu.vector_store %arg10[%swap3A_1237], %swap3A_1240 {strides = array<i32>} : memref<48000xf32, #tpu.memory_space<vmem>>, vector<16xf32>,
        %get3A_1241 = arith.index_cast %multiple_of3A_313 : i32 to index
        %get3A_1242 = tpu.vector_load %arg10[%get3A_1241] {strides = array<i32>} : memref<48000xf32, #tpu.memory_space<vmem>>, vector<16xf32>,
        %get3A_1243 = vector.shape_cast %get3A_1242 : vector<16xf32> to vector<16xf32>
        %add3A_1244 = arith.addf %get3A_1243, %mul3A_857 : vector<16xf32>
        %swap3A_1245 = arith.index_cast %multiple_of3A_313 : i32 to index
        %swap3A_1246 = tpu.vector_load %arg10[%swap3A_1245] {strides = array<i32>} : memref<48000xf32, #tpu.memory_space<vmem>>, vector<16xf32>,
        %swap3A_1247 = vector.shape_cast %swap3A_1246 : vector<16xf32> to vector<16xf32>
        %swap3A_1248 = vector.shape_cast %add3A_1244 : vector<16xf32> to vector<16xf32>
        tpu.vector_store %arg10[%swap3A_1245], %swap3A_1248 {strides = array<i32>} : memref<48000xf32, #tpu.memory_space<vmem>>, vector<16xf32>,
        %get3A_1249 = arith.index_cast %multiple_of3A_316 : i32 to index
        %get3A_1250 = tpu.vector_load %arg10[%get3A_1249] {strides = array<i32>} : memref<48000xf32, #tpu.memory_space<vmem>>, vector<16xf32>,
        %get3A_1251 = vector.shape_cast %get3A_1250 : vector<16xf32> to vector<16xf32>
        %add3A_1252 = arith.addf %get3A_1251, %mul3A_862 : vector<16xf32>
        %swap3A_1253 = arith.index_cast %multiple_of3A_316 : i32 to index
        %swap3A_1254 = tpu.vector_load %arg10[%swap3A_1253] {strides = array<i32>} : memref<48000xf32, #tpu.memory_space<vmem>>, vector<16xf32>,
        %swap3A_1255 = vector.shape_cast %swap3A_1254 : vector<16xf32> to vector<16xf32>
        %swap3A_1256 = vector.shape_cast %add3A_1252 : vector<16xf32> to vector<16xf32>
        tpu.vector_store %arg10[%swap3A_1253], %swap3A_1256 {strides = array<i32>} : memref<48000xf32, #tpu.memory_space<vmem>>, vector<16xf32>,
        %get3A_1257 = arith.index_cast %multiple_of3A_319 : i32 to index
        %get3A_1258 = tpu.vector_load %arg10[%get3A_1257] {strides = array<i32>} : memref<48000xf32, #tpu.memory_space<vmem>>, vector<16xf32>,
        %get3A_1259 = vector.shape_cast %get3A_1258 : vector<16xf32> to vector<16xf32>
        %add3A_1260 = arith.addf %get3A_1259, %mul3A_867 : vector<16xf32>
        %swap3A_1261 = arith.index_cast %multiple_of3A_319 : i32 to index
        %swap3A_1262 = tpu.vector_load %arg10[%swap3A_1261] {strides = array<i32>} : memref<48000xf32, #tpu.memory_space<vmem>>, vector<16xf32>,
        %swap3A_1263 = vector.shape_cast %swap3A_1262 : vector<16xf32> to vector<16xf32>
        %swap3A_1264 = vector.shape_cast %add3A_1260 : vector<16xf32> to vector<16xf32>
        tpu.vector_store %arg10[%swap3A_1261], %swap3A_1264 {strides = array<i32>} : memref<48000xf32, #tpu.memory_space<vmem>>, vector<16xf32>,
        %get3A_1265 = arith.index_cast %multiple_of3A_322 : i32 to index
        %get3A_1266 = tpu.vector_load %arg10[%get3A_1265] {strides = array<i32>} : memref<48000xf32, #tpu.memory_space<vmem>>, vector<16xf32>,
        %get3A_1267 = vector.shape_cast %get3A_1266 : vector<16xf32> to vector<16xf32>
        %add3A_1268 = arith.addf %get3A_1267, %mul3A_872 : vector<16xf32>
        %swap3A_1269 = arith.index_cast %multiple_of3A_322 : i32 to index
        %swap3A_1270 = tpu.vector_load %arg10[%swap3A_1269] {strides = array<i32>} : memref<48000xf32, #tpu.memory_space<vmem>>, vector<16xf32>,
        %swap3A_1271 = vector.shape_cast %swap3A_1270 : vector<16xf32> to vector<16xf32>
        %swap3A_1272 = vector.shape_cast %add3A_1268 : vector<16xf32> to vector<16xf32>
        tpu.vector_store %arg10[%swap3A_1269], %swap3A_1272 {strides = array<i32>} : memref<48000xf32, #tpu.memory_space<vmem>>, vector<16xf32>,
        %get3A_1273 = arith.index_cast %multiple_of3A_325 : i32 to index
        %get3A_1274 = tpu.vector_load %arg10[%get3A_1273] {strides = array<i32>} : memref<48000xf32, #tpu.memory_space<vmem>>, vector<16xf32>,
        %get3A_1275 = vector.shape_cast %get3A_1274 : vector<16xf32> to vector<16xf32>
        %add3A_1276 = arith.addf %get3A_1275, %mul3A_877 : vector<16xf32>
        %swap3A_1277 = arith.index_cast %multiple_of3A_325 : i32 to index
        %swap3A_1278 = tpu.vector_load %arg10[%swap3A_1277] {strides = array<i32>} : memref<48000xf32, #tpu.memory_space<vmem>>, vector<16xf32>,
        %swap3A_1279 = vector.shape_cast %swap3A_1278 : vector<16xf32> to vector<16xf32>
        %swap3A_1280 = vector.shape_cast %add3A_1276 : vector<16xf32> to vector<16xf32>
        tpu.vector_store %arg10[%swap3A_1277], %swap3A_1280 {strides = array<i32>} : memref<48000xf32, #tpu.memory_space<vmem>>, vector<16xf32>,
        %get3A_1281 = arith.index_cast %multiple_of3A_328 : i32 to index
        %get3A_1282 = tpu.vector_load %arg10[%get3A_1281] {strides = array<i32>} : memref<48000xf32, #tpu.memory_space<vmem>>, vector<16xf32>,
        %get3A_1283 = vector.shape_cast %get3A_1282 : vector<16xf32> to vector<16xf32>
        %add3A_1284 = arith.addf %get3A_1283, %mul3A_882 : vector<16xf32>
        %swap3A_1285 = arith.index_cast %multiple_of3A_328 : i32 to index
        %swap3A_1286 = tpu.vector_load %arg10[%swap3A_1285] {strides = array<i32>} : memref<48000xf32, #tpu.memory_space<vmem>>, vector<16xf32>,
        %swap3A_1287 = vector.shape_cast %swap3A_1286 : vector<16xf32> to vector<16xf32>
        %swap3A_1288 = vector.shape_cast %add3A_1284 : vector<16xf32> to vector<16xf32>
        tpu.vector_store %arg10[%swap3A_1285], %swap3A_1288 {strides = array<i32>} : memref<48000xf32, #tpu.memory_space<vmem>>, vector<16xf32>,
        %get3A_1289 = arith.index_cast %multiple_of3A_331 : i32 to index
        %get3A_1290 = tpu.vector_load %arg10[%get3A_1289] {strides = array<i32>} : memref<48000xf32, #tpu.memory_space<vmem>>, vector<16xf32>,
        %get3A_1291 = vector.shape_cast %get3A_1290 : vector<16xf32> to vector<16xf32>
        %add3A_1292 = arith.addf %get3A_1291, %mul3A_887 : vector<16xf32>
        %swap3A_1293 = arith.index_cast %multiple_of3A_331 : i32 to index
        %swap3A_1294 = tpu.vector_load %arg10[%swap3A_1293] {strides = array<i32>} : memref<48000xf32, #tpu.memory_space<vmem>>, vector<16xf32>,
        %swap3A_1295 = vector.shape_cast %swap3A_1294 : vector<16xf32> to vector<16xf32>
        %swap3A_1296 = vector.shape_cast %add3A_1292 : vector<16xf32> to vector<16xf32>
        tpu.vector_store %arg10[%swap3A_1293], %swap3A_1296 {strides = array<i32>} : memref<48000xf32, #tpu.memory_space<vmem>>, vector<16xf32>,
        %get3A_1297 = arith.index_cast %multiple_of3A_334 : i32 to index
        %get3A_1298 = tpu.vector_load %arg10[%get3A_1297] {strides = array<i32>} : memref<48000xf32, #tpu.memory_space<vmem>>, vector<16xf32>,
        %get3A_1299 = vector.shape_cast %get3A_1298 : vector<16xf32> to vector<16xf32>
        %add3A_1300 = arith.addf %get3A_1299, %mul3A_892 : vector<16xf32>
        %swap3A_1301 = arith.index_cast %multiple_of3A_334 : i32 to index
        %swap3A_1302 = tpu.vector_load %arg10[%swap3A_1301] {strides = array<i32>} : memref<48000xf32, #tpu.memory_space<vmem>>, vector<16xf32>,
        %swap3A_1303 = vector.shape_cast %swap3A_1302 : vector<16xf32> to vector<16xf32>
        %swap3A_1304 = vector.shape_cast %add3A_1300 : vector<16xf32> to vector<16xf32>
        tpu.vector_store %arg10[%swap3A_1301], %swap3A_1304 {strides = array<i32>} : memref<48000xf32, #tpu.memory_space<vmem>>, vector<16xf32>,
        %get3A_1305 = arith.index_cast %multiple_of3A_337 : i32 to index
        %get3A_1306 = tpu.vector_load %arg10[%get3A_1305] {strides = array<i32>} : memref<48000xf32, #tpu.memory_space<vmem>>, vector<16xf32>,
        %get3A_1307 = vector.shape_cast %get3A_1306 : vector<16xf32> to vector<16xf32>
        %add3A_1308 = arith.addf %get3A_1307, %mul3A_897 : vector<16xf32>
        %swap3A_1309 = arith.index_cast %multiple_of3A_337 : i32 to index
        %swap3A_1310 = tpu.vector_load %arg10[%swap3A_1309] {strides = array<i32>} : memref<48000xf32, #tpu.memory_space<vmem>>, vector<16xf32>,
        %swap3A_1311 = vector.shape_cast %swap3A_1310 : vector<16xf32> to vector<16xf32>
        %swap3A_1312 = vector.shape_cast %add3A_1308 : vector<16xf32> to vector<16xf32>
        tpu.vector_store %arg10[%swap3A_1309], %swap3A_1312 {strides = array<i32>} : memref<48000xf32, #tpu.memory_space<vmem>>, vector<16xf32>,
        %get3A_1313 = arith.index_cast %multiple_of3A_452 : i32 to index
        %get3A_1314 = tpu.vector_load %arg10[%get3A_1313] {strides = array<i32>} : memref<48000xf32, #tpu.memory_space<vmem>>, vector<16xf32>,
        %get3A_1315 = vector.shape_cast %get3A_1314 : vector<16xf32> to vector<16xf32>
        %add3A_1316 = arith.addf %get3A_1315, %mul3A_902 : vector<16xf32>
        %swap3A_1317 = arith.index_cast %multiple_of3A_452 : i32 to index
        %swap3A_1318 = tpu.vector_load %arg10[%swap3A_1317] {strides = array<i32>} : memref<48000xf32, #tpu.memory_space<vmem>>, vector<16xf32>,
        %swap3A_1319 = vector.shape_cast %swap3A_1318 : vector<16xf32> to vector<16xf32>
        %swap3A_1320 = vector.shape_cast %add3A_1316 : vector<16xf32> to vector<16xf32>
        tpu.vector_store %arg10[%swap3A_1317], %swap3A_1320 {strides = array<i32>} : memref<48000xf32, #tpu.memory_space<vmem>>, vector<16xf32>,
        %get3A_1321 = arith.index_cast %multiple_of3A_455 : i32 to index
        %get3A_1322 = tpu.vector_load %arg10[%get3A_1321] {strides = array<i32>} : memref<48000xf32, #tpu.memory_space<vmem>>, vector<16xf32>,
        %get3A_1323 = vector.shape_cast %get3A_1322 : vector<16xf32> to vector<16xf32>
        %add3A_1324 = arith.addf %get3A_1323, %mul3A_907 : vector<16xf32>
        %swap3A_1325 = arith.index_cast %multiple_of3A_455 : i32 to index
        %swap3A_1326 = tpu.vector_load %arg10[%swap3A_1325] {strides = array<i32>} : memref<48000xf32, #tpu.memory_space<vmem>>, vector<16xf32>,
        %swap3A_1327 = vector.shape_cast %swap3A_1326 : vector<16xf32> to vector<16xf32>
        %swap3A_1328 = vector.shape_cast %add3A_1324 : vector<16xf32> to vector<16xf32>
        tpu.vector_store %arg10[%swap3A_1325], %swap3A_1328 {strides = array<i32>} : memref<48000xf32, #tpu.memory_space<vmem>>, vector<16xf32>,
        %get3A_1329 = arith.index_cast %multiple_of3A_458 : i32 to index
        %get3A_1330 = tpu.vector_load %arg10[%get3A_1329] {strides = array<i32>} : memref<48000xf32, #tpu.memory_space<vmem>>, vector<16xf32>,
        %get3A_1331 = vector.shape_cast %get3A_1330 : vector<16xf32> to vector<16xf32>
        %add3A_1332 = arith.addf %get3A_1331, %mul3A_912 : vector<16xf32>
        %swap3A_1333 = arith.index_cast %multiple_of3A_458 : i32 to index
        %swap3A_1334 = tpu.vector_load %arg10[%swap3A_1333] {strides = array<i32>} : memref<48000xf32, #tpu.memory_space<vmem>>, vector<16xf32>,
        %swap3A_1335 = vector.shape_cast %swap3A_1334 : vector<16xf32> to vector<16xf32>
        %swap3A_1336 = vector.shape_cast %add3A_1332 : vector<16xf32> to vector<16xf32>
        tpu.vector_store %arg10[%swap3A_1333], %swap3A_1336 {strides = array<i32>} : memref<48000xf32, #tpu.memory_space<vmem>>, vector<16xf32>,
        %get3A_1337 = arith.index_cast %multiple_of3A_461 : i32 to index
        %get3A_1338 = tpu.vector_load %arg10[%get3A_1337] {strides = array<i32>} : memref<48000xf32, #tpu.memory_space<vmem>>, vector<16xf32>,
        %get3A_1339 = vector.shape_cast %get3A_1338 : vector<16xf32> to vector<16xf32>
        %add3A_1340 = arith.addf %get3A_1339, %mul3A_917 : vector<16xf32>
        %swap3A_1341 = arith.index_cast %multiple_of3A_461 : i32 to index
        %swap3A_1342 = tpu.vector_load %arg10[%swap3A_1341] {strides = array<i32>} : memref<48000xf32, #tpu.memory_space<vmem>>, vector<16xf32>,
        %swap3A_1343 = vector.shape_cast %swap3A_1342 : vector<16xf32> to vector<16xf32>
        %swap3A_1344 = vector.shape_cast %add3A_1340 : vector<16xf32> to vector<16xf32>
        tpu.vector_store %arg10[%swap3A_1341], %swap3A_1344 {strides = array<i32>} : memref<48000xf32, #tpu.memory_space<vmem>>, vector<16xf32>,
        %get3A_1345 = arith.index_cast %multiple_of3A_464 : i32 to index
        %get3A_1346 = tpu.vector_load %arg10[%get3A_1345] {strides = array<i32>} : memref<48000xf32, #tpu.memory_space<vmem>>, vector<16xf32>,
        %get3A_1347 = vector.shape_cast %get3A_1346 : vector<16xf32> to vector<16xf32>
        %add3A_1348 = arith.addf %get3A_1347, %mul3A_922 : vector<16xf32>
        %swap3A_1349 = arith.index_cast %multiple_of3A_464 : i32 to index
        %swap3A_1350 = tpu.vector_load %arg10[%swap3A_1349] {strides = array<i32>} : memref<48000xf32, #tpu.memory_space<vmem>>, vector<16xf32>,
        %swap3A_1351 = vector.shape_cast %swap3A_1350 : vector<16xf32> to vector<16xf32>
        %swap3A_1352 = vector.shape_cast %add3A_1348 : vector<16xf32> to vector<16xf32>
        tpu.vector_store %arg10[%swap3A_1349], %swap3A_1352 {strides = array<i32>} : memref<48000xf32, #tpu.memory_space<vmem>>, vector<16xf32>,
        %get3A_1353 = arith.index_cast %multiple_of3A_467 : i32 to index
        %get3A_1354 = tpu.vector_load %arg10[%get3A_1353] {strides = array<i32>} : memref<48000xf32, #tpu.memory_space<vmem>>, vector<16xf32>,
        %get3A_1355 = vector.shape_cast %get3A_1354 : vector<16xf32> to vector<16xf32>
        %add3A_1356 = arith.addf %get3A_1355, %mul3A_927 : vector<16xf32>
        %swap3A_1357 = arith.index_cast %multiple_of3A_467 : i32 to index
        %swap3A_1358 = tpu.vector_load %arg10[%swap3A_1357] {strides = array<i32>} : memref<48000xf32, #tpu.memory_space<vmem>>, vector<16xf32>,
        %swap3A_1359 = vector.shape_cast %swap3A_1358 : vector<16xf32> to vector<16xf32>
        %swap3A_1360 = vector.shape_cast %add3A_1356 : vector<16xf32> to vector<16xf32>
        tpu.vector_store %arg10[%swap3A_1357], %swap3A_1360 {strides = array<i32>} : memref<48000xf32, #tpu.memory_space<vmem>>, vector<16xf32>,
        %get3A_1361 = arith.index_cast %multiple_of3A_470 : i32 to index
        %get3A_1362 = tpu.vector_load %arg10[%get3A_1361] {strides = array<i32>} : memref<48000xf32, #tpu.memory_space<vmem>>, vector<16xf32>,
        %get3A_1363 = vector.shape_cast %get3A_1362 : vector<16xf32> to vector<16xf32>
        %add3A_1364 = arith.addf %get3A_1363, %mul3A_932 : vector<16xf32>
        %swap3A_1365 = arith.index_cast %multiple_of3A_470 : i32 to index
        %swap3A_1366 = tpu.vector_load %arg10[%swap3A_1365] {strides = array<i32>} : memref<48000xf32, #tpu.memory_space<vmem>>, vector<16xf32>,
        %swap3A_1367 = vector.shape_cast %swap3A_1366 : vector<16xf32> to vector<16xf32>
        %swap3A_1368 = vector.shape_cast %add3A_1364 : vector<16xf32> to vector<16xf32>
        tpu.vector_store %arg10[%swap3A_1365], %swap3A_1368 {strides = array<i32>} : memref<48000xf32, #tpu.memory_space<vmem>>, vector<16xf32>,
        %get3A_1369 = arith.index_cast %multiple_of3A_473 : i32 to index
        %get3A_1370 = tpu.vector_load %arg10[%get3A_1369] {strides = array<i32>} : memref<48000xf32, #tpu.memory_space<vmem>>, vector<16xf32>,
        %get3A_1371 = vector.shape_cast %get3A_1370 : vector<16xf32> to vector<16xf32>
        %add3A_1372 = arith.addf %get3A_1371, %mul3A_937 : vector<16xf32>
        %swap3A_1373 = arith.index_cast %multiple_of3A_473 : i32 to index
        %swap3A_1374 = tpu.vector_load %arg10[%swap3A_1373] {strides = array<i32>} : memref<48000xf32, #tpu.memory_space<vmem>>, vector<16xf32>,
        %swap3A_1375 = vector.shape_cast %swap3A_1374 : vector<16xf32> to vector<16xf32>
        %swap3A_1376 = vector.shape_cast %add3A_1372 : vector<16xf32> to vector<16xf32>
        tpu.vector_store %arg10[%swap3A_1373], %swap3A_1376 {strides = array<i32>} : memref<48000xf32, #tpu.memory_space<vmem>>, vector<16xf32>,
        %get3A_1377 = arith.index_cast %multiple_of3A_476 : i32 to index
        %get3A_1378 = tpu.vector_load %arg10[%get3A_1377] {strides = array<i32>} : memref<48000xf32, #tpu.memory_space<vmem>>, vector<16xf32>,
        %get3A_1379 = vector.shape_cast %get3A_1378 : vector<16xf32> to vector<16xf32>
        %add3A_1380 = arith.addf %get3A_1379, %mul3A_942 : vector<16xf32>
        %swap3A_1381 = arith.index_cast %multiple_of3A_476 : i32 to index
        %swap3A_1382 = tpu.vector_load %arg10[%swap3A_1381] {strides = array<i32>} : memref<48000xf32, #tpu.memory_space<vmem>>, vector<16xf32>,
        %swap3A_1383 = vector.shape_cast %swap3A_1382 : vector<16xf32> to vector<16xf32>
        %swap3A_1384 = vector.shape_cast %add3A_1380 : vector<16xf32> to vector<16xf32>
        tpu.vector_store %arg10[%swap3A_1381], %swap3A_1384 {strides = array<i32>} : memref<48000xf32, #tpu.memory_space<vmem>>, vector<16xf32>,
        %get3A_1385 = arith.index_cast %multiple_of3A_479 : i32 to index
        %get3A_1386 = tpu.vector_load %arg10[%get3A_1385] {strides = array<i32>} : memref<48000xf32, #tpu.memory_space<vmem>>, vector<16xf32>,
        %get3A_1387 = vector.shape_cast %get3A_1386 : vector<16xf32> to vector<16xf32>
        %add3A_1388 = arith.addf %get3A_1387, %mul3A_947 : vector<16xf32>
        %swap3A_1389 = arith.index_cast %multiple_of3A_479 : i32 to index
        %swap3A_1390 = tpu.vector_load %arg10[%swap3A_1389] {strides = array<i32>} : memref<48000xf32, #tpu.memory_space<vmem>>, vector<16xf32>,
        %swap3A_1391 = vector.shape_cast %swap3A_1390 : vector<16xf32> to vector<16xf32>
        %swap3A_1392 = vector.shape_cast %add3A_1388 : vector<16xf32> to vector<16xf32>
        tpu.vector_store %arg10[%swap3A_1389], %swap3A_1392 {strides = array<i32>} : memref<48000xf32, #tpu.memory_space<vmem>>, vector<16xf32>,
        %get3A_1393 = arith.index_cast %multiple_of3A_482 : i32 to index
        %get3A_1394 = tpu.vector_load %arg10[%get3A_1393] {strides = array<i32>} : memref<48000xf32, #tpu.memory_space<vmem>>, vector<16xf32>,
        %get3A_1395 = vector.shape_cast %get3A_1394 : vector<16xf32> to vector<16xf32>
        %add3A_1396 = arith.addf %get3A_1395, %mul3A_952 : vector<16xf32>
        %swap3A_1397 = arith.index_cast %multiple_of3A_482 : i32 to index
        %swap3A_1398 = tpu.vector_load %arg10[%swap3A_1397] {strides = array<i32>} : memref<48000xf32, #tpu.memory_space<vmem>>, vector<16xf32>,
        %swap3A_1399 = vector.shape_cast %swap3A_1398 : vector<16xf32> to vector<16xf32>
        %swap3A_1400 = vector.shape_cast %add3A_1396 : vector<16xf32> to vector<16xf32>
        tpu.vector_store %arg10[%swap3A_1397], %swap3A_1400 {strides = array<i32>} : memref<48000xf32, #tpu.memory_space<vmem>>, vector<16xf32>,
        %get3A_1401 = arith.index_cast %multiple_of3A_485 : i32 to index
        %get3A_1402 = tpu.vector_load %arg10[%get3A_1401] {strides = array<i32>} : memref<48000xf32, #tpu.memory_space<vmem>>, vector<16xf32>,
        %get3A_1403 = vector.shape_cast %get3A_1402 : vector<16xf32> to vector<16xf32>
        %add3A_1404 = arith.addf %get3A_1403, %mul3A_957 : vector<16xf32>
        %swap3A_1405 = arith.index_cast %multiple_of3A_485 : i32 to index
        %swap3A_1406 = tpu.vector_load %arg10[%swap3A_1405] {strides = array<i32>} : memref<48000xf32, #tpu.memory_space<vmem>>, vector<16xf32>,
        %swap3A_1407 = vector.shape_cast %swap3A_1406 : vector<16xf32> to vector<16xf32>
        %swap3A_1408 = vector.shape_cast %add3A_1404 : vector<16xf32> to vector<16xf32>
        tpu.vector_store %arg10[%swap3A_1405], %swap3A_1408 {strides = array<i32>} : memref<48000xf32, #tpu.memory_space<vmem>>, vector<16xf32>,
        %get3A_1409 = arith.index_cast %multiple_of3A_488 : i32 to index
        %get3A_1410 = tpu.vector_load %arg10[%get3A_1409] {strides = array<i32>} : memref<48000xf32, #tpu.memory_space<vmem>>, vector<16xf32>,
        %get3A_1411 = vector.shape_cast %get3A_1410 : vector<16xf32> to vector<16xf32>
        %add3A_1412 = arith.addf %get3A_1411, %mul3A_962 : vector<16xf32>
        %swap3A_1413 = arith.index_cast %multiple_of3A_488 : i32 to index
        %swap3A_1414 = tpu.vector_load %arg10[%swap3A_1413] {strides = array<i32>} : memref<48000xf32, #tpu.memory_space<vmem>>, vector<16xf32>,
        %swap3A_1415 = vector.shape_cast %swap3A_1414 : vector<16xf32> to vector<16xf32>
        %swap3A_1416 = vector.shape_cast %add3A_1412 : vector<16xf32> to vector<16xf32>
        tpu.vector_store %arg10[%swap3A_1413], %swap3A_1416 {strides = array<i32>} : memref<48000xf32, #tpu.memory_space<vmem>>, vector<16xf32>,
        %get3A_1417 = arith.index_cast %multiple_of3A_491 : i32 to index
        %get3A_1418 = tpu.vector_load %arg10[%get3A_1417] {strides = array<i32>} : memref<48000xf32, #tpu.memory_space<vmem>>, vector<16xf32>,
        %get3A_1419 = vector.shape_cast %get3A_1418 : vector<16xf32> to vector<16xf32>
        %add3A_1420 = arith.addf %get3A_1419, %mul3A_967 : vector<16xf32>
        %swap3A_1421 = arith.index_cast %multiple_of3A_491 : i32 to index
        %swap3A_1422 = tpu.vector_load %arg10[%swap3A_1421] {strides = array<i32>} : memref<48000xf32, #tpu.memory_space<vmem>>, vector<16xf32>,
        %swap3A_1423 = vector.shape_cast %swap3A_1422 : vector<16xf32> to vector<16xf32>
        %swap3A_1424 = vector.shape_cast %add3A_1420 : vector<16xf32> to vector<16xf32>
        tpu.vector_store %arg10[%swap3A_1421], %swap3A_1424 {strides = array<i32>} : memref<48000xf32, #tpu.memory_space<vmem>>, vector<16xf32>,
        %get3A_1425 = arith.index_cast %multiple_of3A_494 : i32 to index
        %get3A_1426 = tpu.vector_load %arg10[%get3A_1425] {strides = array<i32>} : memref<48000xf32, #tpu.memory_space<vmem>>, vector<16xf32>,
        %get3A_1427 = vector.shape_cast %get3A_1426 : vector<16xf32> to vector<16xf32>
        %add3A_1428 = arith.addf %get3A_1427, %mul3A_972 : vector<16xf32>
        %swap3A_1429 = arith.index_cast %multiple_of3A_494 : i32 to index
        %swap3A_1430 = tpu.vector_load %arg10[%swap3A_1429] {strides = array<i32>} : memref<48000xf32, #tpu.memory_space<vmem>>, vector<16xf32>,
        %swap3A_1431 = vector.shape_cast %swap3A_1430 : vector<16xf32> to vector<16xf32>
        %swap3A_1432 = vector.shape_cast %add3A_1428 : vector<16xf32> to vector<16xf32>
        tpu.vector_store %arg10[%swap3A_1429], %swap3A_1432 {strides = array<i32>} : memref<48000xf32, #tpu.memory_space<vmem>>, vector<16xf32>,
        %get3A_1433 = arith.index_cast %multiple_of3A_497 : i32 to index
        %get3A_1434 = tpu.vector_load %arg10[%get3A_1433] {strides = array<i32>} : memref<48000xf32, #tpu.memory_space<vmem>>, vector<16xf32>,
        %get3A_1435 = vector.shape_cast %get3A_1434 : vector<16xf32> to vector<16xf32>
        %add3A_1436 = arith.addf %get3A_1435, %mul3A_977 : vector<16xf32>
        %swap3A_1437 = arith.index_cast %multiple_of3A_497 : i32 to index
        %swap3A_1438 = tpu.vector_load %arg10[%swap3A_1437] {strides = array<i32>} : memref<48000xf32, #tpu.memory_space<vmem>>, vector<16xf32>,
        %swap3A_1439 = vector.shape_cast %swap3A_1438 : vector<16xf32> to vector<16xf32>
        %swap3A_1440 = vector.shape_cast %add3A_1436 : vector<16xf32> to vector<16xf32>
        tpu.vector_store %arg10[%swap3A_1437], %swap3A_1440 {strides = array<i32>} : memref<48000xf32, #tpu.memory_space<vmem>>, vector<16xf32>,
        %get3A_1441 = arith.index_cast %multiple_of3A_612 : i32 to index
        %get3A_1442 = tpu.vector_load %arg10[%get3A_1441] {strides = array<i32>} : memref<48000xf32, #tpu.memory_space<vmem>>, vector<16xf32>,
        %get3A_1443 = vector.shape_cast %get3A_1442 : vector<16xf32> to vector<16xf32>
        %add3A_1444 = arith.addf %get3A_1443, %mul3A_982 : vector<16xf32>
        %swap3A_1445 = arith.index_cast %multiple_of3A_612 : i32 to index
        %swap3A_1446 = tpu.vector_load %arg10[%swap3A_1445] {strides = array<i32>} : memref<48000xf32, #tpu.memory_space<vmem>>, vector<16xf32>,
        %swap3A_1447 = vector.shape_cast %swap3A_1446 : vector<16xf32> to vector<16xf32>
        %swap3A_1448 = vector.shape_cast %add3A_1444 : vector<16xf32> to vector<16xf32>
        tpu.vector_store %arg10[%swap3A_1445], %swap3A_1448 {strides = array<i32>} : memref<48000xf32, #tpu.memory_space<vmem>>, vector<16xf32>,
        %get3A_1449 = arith.index_cast %multiple_of3A_615 : i32 to index
        %get3A_1450 = tpu.vector_load %arg10[%get3A_1449] {strides = array<i32>} : memref<48000xf32, #tpu.memory_space<vmem>>, vector<16xf32>,
        %get3A_1451 = vector.shape_cast %get3A_1450 : vector<16xf32> to vector<16xf32>
        %add3A_1452 = arith.addf %get3A_1451, %mul3A_987 : vector<16xf32>
        %swap3A_1453 = arith.index_cast %multiple_of3A_615 : i32 to index
        %swap3A_1454 = tpu.vector_load %arg10[%swap3A_1453] {strides = array<i32>} : memref<48000xf32, #tpu.memory_space<vmem>>, vector<16xf32>,
        %swap3A_1455 = vector.shape_cast %swap3A_1454 : vector<16xf32> to vector<16xf32>
        %swap3A_1456 = vector.shape_cast %add3A_1452 : vector<16xf32> to vector<16xf32>
        tpu.vector_store %arg10[%swap3A_1453], %swap3A_1456 {strides = array<i32>} : memref<48000xf32, #tpu.memory_space<vmem>>, vector<16xf32>,
        %get3A_1457 = arith.index_cast %multiple_of3A_618 : i32 to index
        %get3A_1458 = tpu.vector_load %arg10[%get3A_1457] {strides = array<i32>} : memref<48000xf32, #tpu.memory_space<vmem>>, vector<16xf32>,
        %get3A_1459 = vector.shape_cast %get3A_1458 : vector<16xf32> to vector<16xf32>
        %add3A_1460 = arith.addf %get3A_1459, %mul3A_992 : vector<16xf32>
        %swap3A_1461 = arith.index_cast %multiple_of3A_618 : i32 to index
        %swap3A_1462 = tpu.vector_load %arg10[%swap3A_1461] {strides = array<i32>} : memref<48000xf32, #tpu.memory_space<vmem>>, vector<16xf32>,
        %swap3A_1463 = vector.shape_cast %swap3A_1462 : vector<16xf32> to vector<16xf32>
        %swap3A_1464 = vector.shape_cast %add3A_1460 : vector<16xf32> to vector<16xf32>
        tpu.vector_store %arg10[%swap3A_1461], %swap3A_1464 {strides = array<i32>} : memref<48000xf32, #tpu.memory_space<vmem>>, vector<16xf32>,
        %get3A_1465 = arith.index_cast %multiple_of3A_621 : i32 to index
        %get3A_1466 = tpu.vector_load %arg10[%get3A_1465] {strides = array<i32>} : memref<48000xf32, #tpu.memory_space<vmem>>, vector<16xf32>,
        %get3A_1467 = vector.shape_cast %get3A_1466 : vector<16xf32> to vector<16xf32>
        %add3A_1468 = arith.addf %get3A_1467, %mul3A_997 : vector<16xf32>
        %swap3A_1469 = arith.index_cast %multiple_of3A_621 : i32 to index
        %swap3A_1470 = tpu.vector_load %arg10[%swap3A_1469] {strides = array<i32>} : memref<48000xf32, #tpu.memory_space<vmem>>, vector<16xf32>,
        %swap3A_1471 = vector.shape_cast %swap3A_1470 : vector<16xf32> to vector<16xf32>
        %swap3A_1472 = vector.shape_cast %add3A_1468 : vector<16xf32> to vector<16xf32>
        tpu.vector_store %arg10[%swap3A_1469], %swap3A_1472 {strides = array<i32>} : memref<48000xf32, #tpu.memory_space<vmem>>, vector<16xf32>,
        %get3A_1473 = arith.index_cast %multiple_of3A_624 : i32 to index
        %get3A_1474 = tpu.vector_load %arg10[%get3A_1473] {strides = array<i32>} : memref<48000xf32, #tpu.memory_space<vmem>>, vector<16xf32>,
        %get3A_1475 = vector.shape_cast %get3A_1474 : vector<16xf32> to vector<16xf32>
        %add3A_1476 = arith.addf %get3A_1475, %mul3A_1002 : vector<16xf32>
        %swap3A_1477 = arith.index_cast %multiple_of3A_624 : i32 to index
        %swap3A_1478 = tpu.vector_load %arg10[%swap3A_1477] {strides = array<i32>} : memref<48000xf32, #tpu.memory_space<vmem>>, vector<16xf32>,
        %swap3A_1479 = vector.shape_cast %swap3A_1478 : vector<16xf32> to vector<16xf32>
        %swap3A_1480 = vector.shape_cast %add3A_1476 : vector<16xf32> to vector<16xf32>
        tpu.vector_store %arg10[%swap3A_1477], %swap3A_1480 {strides = array<i32>} : memref<48000xf32, #tpu.memory_space<vmem>>, vector<16xf32>,
        %get3A_1481 = arith.index_cast %multiple_of3A_627 : i32 to index
        %get3A_1482 = tpu.vector_load %arg10[%get3A_1481] {strides = array<i32>} : memref<48000xf32, #tpu.memory_space<vmem>>, vector<16xf32>,
        %get3A_1483 = vector.shape_cast %get3A_1482 : vector<16xf32> to vector<16xf32>
        %add3A_1484 = arith.addf %get3A_1483, %mul3A_1007 : vector<16xf32>
        %swap3A_1485 = arith.index_cast %multiple_of3A_627 : i32 to index
        %swap3A_1486 = tpu.vector_load %arg10[%swap3A_1485] {strides = array<i32>} : memref<48000xf32, #tpu.memory_space<vmem>>, vector<16xf32>,
        %swap3A_1487 = vector.shape_cast %swap3A_1486 : vector<16xf32> to vector<16xf32>
        %swap3A_1488 = vector.shape_cast %add3A_1484 : vector<16xf32> to vector<16xf32>
        tpu.vector_store %arg10[%swap3A_1485], %swap3A_1488 {strides = array<i32>} : memref<48000xf32, #tpu.memory_space<vmem>>, vector<16xf32>,
        %get3A_1489 = arith.index_cast %multiple_of3A_630 : i32 to index
        %get3A_1490 = tpu.vector_load %arg10[%get3A_1489] {strides = array<i32>} : memref<48000xf32, #tpu.memory_space<vmem>>, vector<16xf32>,
        %get3A_1491 = vector.shape_cast %get3A_1490 : vector<16xf32> to vector<16xf32>
        %add3A_1492 = arith.addf %get3A_1491, %mul3A_1012 : vector<16xf32>
        %swap3A_1493 = arith.index_cast %multiple_of3A_630 : i32 to index
        %swap3A_1494 = tpu.vector_load %arg10[%swap3A_1493] {strides = array<i32>} : memref<48000xf32, #tpu.memory_space<vmem>>, vector<16xf32>,
        %swap3A_1495 = vector.shape_cast %swap3A_1494 : vector<16xf32> to vector<16xf32>
        %swap3A_1496 = vector.shape_cast %add3A_1492 : vector<16xf32> to vector<16xf32>
        tpu.vector_store %arg10[%swap3A_1493], %swap3A_1496 {strides = array<i32>} : memref<48000xf32, #tpu.memory_space<vmem>>, vector<16xf32>,
        %get3A_1497 = arith.index_cast %multiple_of3A_633 : i32 to index
        %get3A_1498 = tpu.vector_load %arg10[%get3A_1497] {strides = array<i32>} : memref<48000xf32, #tpu.memory_space<vmem>>, vector<16xf32>,
        %get3A_1499 = vector.shape_cast %get3A_1498 : vector<16xf32> to vector<16xf32>
        %add3A_1500 = arith.addf %get3A_1499, %mul3A_1017 : vector<16xf32>
        %swap3A_1501 = arith.index_cast %multiple_of3A_633 : i32 to index
        %swap3A_1502 = tpu.vector_load %arg10[%swap3A_1501] {strides = array<i32>} : memref<48000xf32, #tpu.memory_space<vmem>>, vector<16xf32>,
        %swap3A_1503 = vector.shape_cast %swap3A_1502 : vector<16xf32> to vector<16xf32>
        %swap3A_1504 = vector.shape_cast %add3A_1500 : vector<16xf32> to vector<16xf32>
        tpu.vector_store %arg10[%swap3A_1501], %swap3A_1504 {strides = array<i32>} : memref<48000xf32, #tpu.memory_space<vmem>>, vector<16xf32>,
        %get3A_1505 = arith.index_cast %multiple_of3A_636 : i32 to index
        %get3A_1506 = tpu.vector_load %arg10[%get3A_1505] {strides = array<i32>} : memref<48000xf32, #tpu.memory_space<vmem>>, vector<16xf32>,
        %get3A_1507 = vector.shape_cast %get3A_1506 : vector<16xf32> to vector<16xf32>
        %add3A_1508 = arith.addf %get3A_1507, %mul3A_1022 : vector<16xf32>
        %swap3A_1509 = arith.index_cast %multiple_of3A_636 : i32 to index
        %swap3A_1510 = tpu.vector_load %arg10[%swap3A_1509] {strides = array<i32>} : memref<48000xf32, #tpu.memory_space<vmem>>, vector<16xf32>,
        %swap3A_1511 = vector.shape_cast %swap3A_1510 : vector<16xf32> to vector<16xf32>
        %swap3A_1512 = vector.shape_cast %add3A_1508 : vector<16xf32> to vector<16xf32>
        tpu.vector_store %arg10[%swap3A_1509], %swap3A_1512 {strides = array<i32>} : memref<48000xf32, #tpu.memory_space<vmem>>, vector<16xf32>,
        %get3A_1513 = arith.index_cast %multiple_of3A_639 : i32 to index
        %get3A_1514 = tpu.vector_load %arg10[%get3A_1513] {strides = array<i32>} : memref<48000xf32, #tpu.memory_space<vmem>>, vector<16xf32>,
        %get3A_1515 = vector.shape_cast %get3A_1514 : vector<16xf32> to vector<16xf32>
        %add3A_1516 = arith.addf %get3A_1515, %mul3A_1027 : vector<16xf32>
        %swap3A_1517 = arith.index_cast %multiple_of3A_639 : i32 to index
        %swap3A_1518 = tpu.vector_load %arg10[%swap3A_1517] {strides = array<i32>} : memref<48000xf32, #tpu.memory_space<vmem>>, vector<16xf32>,
        %swap3A_1519 = vector.shape_cast %swap3A_1518 : vector<16xf32> to vector<16xf32>
        %swap3A_1520 = vector.shape_cast %add3A_1516 : vector<16xf32> to vector<16xf32>
        tpu.vector_store %arg10[%swap3A_1517], %swap3A_1520 {strides = array<i32>} : memref<48000xf32, #tpu.memory_space<vmem>>, vector<16xf32>,
        %get3A_1521 = arith.index_cast %multiple_of3A_642 : i32 to index
        %get3A_1522 = tpu.vector_load %arg10[%get3A_1521] {strides = array<i32>} : memref<48000xf32, #tpu.memory_space<vmem>>, vector<16xf32>,
        %get3A_1523 = vector.shape_cast %get3A_1522 : vector<16xf32> to vector<16xf32>
        %add3A_1524 = arith.addf %get3A_1523, %mul3A_1032 : vector<16xf32>
        %swap3A_1525 = arith.index_cast %multiple_of3A_642 : i32 to index
        %swap3A_1526 = tpu.vector_load %arg10[%swap3A_1525] {strides = array<i32>} : memref<48000xf32, #tpu.memory_space<vmem>>, vector<16xf32>,
        %swap3A_1527 = vector.shape_cast %swap3A_1526 : vector<16xf32> to vector<16xf32>
        %swap3A_1528 = vector.shape_cast %add3A_1524 : vector<16xf32> to vector<16xf32>
        tpu.vector_store %arg10[%swap3A_1525], %swap3A_1528 {strides = array<i32>} : memref<48000xf32, #tpu.memory_space<vmem>>, vector<16xf32>,
        %get3A_1529 = arith.index_cast %multiple_of3A_645 : i32 to index
        %get3A_1530 = tpu.vector_load %arg10[%get3A_1529] {strides = array<i32>} : memref<48000xf32, #tpu.memory_space<vmem>>, vector<16xf32>,
        %get3A_1531 = vector.shape_cast %get3A_1530 : vector<16xf32> to vector<16xf32>
        %add3A_1532 = arith.addf %get3A_1531, %mul3A_1037 : vector<16xf32>
        %swap3A_1533 = arith.index_cast %multiple_of3A_645 : i32 to index
        %swap3A_1534 = tpu.vector_load %arg10[%swap3A_1533] {strides = array<i32>} : memref<48000xf32, #tpu.memory_space<vmem>>, vector<16xf32>,
        %swap3A_1535 = vector.shape_cast %swap3A_1534 : vector<16xf32> to vector<16xf32>
        %swap3A_1536 = vector.shape_cast %add3A_1532 : vector<16xf32> to vector<16xf32>
        tpu.vector_store %arg10[%swap3A_1533], %swap3A_1536 {strides = array<i32>} : memref<48000xf32, #tpu.memory_space<vmem>>, vector<16xf32>,
        %get3A_1537 = arith.index_cast %multiple_of3A_648 : i32 to index
        %get3A_1538 = tpu.vector_load %arg10[%get3A_1537] {strides = array<i32>} : memref<48000xf32, #tpu.memory_space<vmem>>, vector<16xf32>,
        %get3A_1539 = vector.shape_cast %get3A_1538 : vector<16xf32> to vector<16xf32>
        %add3A_1540 = arith.addf %get3A_1539, %mul3A_1042 : vector<16xf32>
        %swap3A_1541 = arith.index_cast %multiple_of3A_648 : i32 to index
        %swap3A_1542 = tpu.vector_load %arg10[%swap3A_1541] {strides = array<i32>} : memref<48000xf32, #tpu.memory_space<vmem>>, vector<16xf32>,
        %swap3A_1543 = vector.shape_cast %swap3A_1542 : vector<16xf32> to vector<16xf32>
        %swap3A_1544 = vector.shape_cast %add3A_1540 : vector<16xf32> to vector<16xf32>
        tpu.vector_store %arg10[%swap3A_1541], %swap3A_1544 {strides = array<i32>} : memref<48000xf32, #tpu.memory_space<vmem>>, vector<16xf32>,
        %get3A_1545 = arith.index_cast %multiple_of3A_651 : i32 to index
        %get3A_1546 = tpu.vector_load %arg10[%get3A_1545] {strides = array<i32>} : memref<48000xf32, #tpu.memory_space<vmem>>, vector<16xf32>,
        %get3A_1547 = vector.shape_cast %get3A_1546 : vector<16xf32> to vector<16xf32>
        %add3A_1548 = arith.addf %get3A_1547, %mul3A_1047 : vector<16xf32>
        %swap3A_1549 = arith.index_cast %multiple_of3A_651 : i32 to index
        %swap3A_1550 = tpu.vector_load %arg10[%swap3A_1549] {strides = array<i32>} : memref<48000xf32, #tpu.memory_space<vmem>>, vector<16xf32>,
        %swap3A_1551 = vector.shape_cast %swap3A_1550 : vector<16xf32> to vector<16xf32>
        %swap3A_1552 = vector.shape_cast %add3A_1548 : vector<16xf32> to vector<16xf32>
        tpu.vector_store %arg10[%swap3A_1549], %swap3A_1552 {strides = array<i32>} : memref<48000xf32, #tpu.memory_space<vmem>>, vector<16xf32>,
        %get3A_1553 = arith.index_cast %multiple_of3A_654 : i32 to index
        %get3A_1554 = tpu.vector_load %arg10[%get3A_1553] {strides = array<i32>} : memref<48000xf32, #tpu.memory_space<vmem>>, vector<16xf32>,
        %get3A_1555 = vector.shape_cast %get3A_1554 : vector<16xf32> to vector<16xf32>
        %add3A_1556 = arith.addf %get3A_1555, %mul3A_1052 : vector<16xf32>
        %swap3A_1557 = arith.index_cast %multiple_of3A_654 : i32 to index
        %swap3A_1558 = tpu.vector_load %arg10[%swap3A_1557] {strides = array<i32>} : memref<48000xf32, #tpu.memory_space<vmem>>, vector<16xf32>,
        %swap3A_1559 = vector.shape_cast %swap3A_1558 : vector<16xf32> to vector<16xf32>
        %swap3A_1560 = vector.shape_cast %add3A_1556 : vector<16xf32> to vector<16xf32>
        tpu.vector_store %arg10[%swap3A_1557], %swap3A_1560 {strides = array<i32>} : memref<48000xf32, #tpu.memory_space<vmem>>, vector<16xf32>,
        %get3A_1561 = arith.index_cast %multiple_of3A_657 : i32 to index
        %get3A_1562 = tpu.vector_load %arg10[%get3A_1561] {strides = array<i32>} : memref<48000xf32, #tpu.memory_space<vmem>>, vector<16xf32>,
        %get3A_1563 = vector.shape_cast %get3A_1562 : vector<16xf32> to vector<16xf32>
        %add3A_1564 = arith.addf %get3A_1563, %mul3A_1057 : vector<16xf32>
        %swap3A_1565 = arith.index_cast %multiple_of3A_657 : i32 to index
        %swap3A_1566 = tpu.vector_load %arg10[%swap3A_1565] {strides = array<i32>} : memref<48000xf32, #tpu.memory_space<vmem>>, vector<16xf32>,
        %swap3A_1567 = vector.shape_cast %swap3A_1566 : vector<16xf32> to vector<16xf32>
        %swap3A_1568 = vector.shape_cast %add3A_1564 : vector<16xf32> to vector<16xf32>
        tpu.vector_store %arg10[%swap3A_1565], %swap3A_1568 {strides = array<i32>} : memref<48000xf32, #tpu.memory_space<vmem>>, vector<16xf32>,
        %scan3A_1569 = arith.constant 0 : i32
        scf.yield %scan3A_1569 : i32
      }
      %scan3A_98 = arith.constant 15 : i32
      %scan3A_99 = arith.constant 0 : i32
      scf.yield %scan3A_99 : i32
    }
    %scan3A_48 = arith.constant 100 : i32
    "tpu.region"() ({
      %run_scoped3A = tpu.sem_alloc : memref<!tpu.dma_semaphore, #tpu.memory_space<semaphore_mem>>
      %dma_start3A_49 = arith.constant 0 : i32
      %dma_start3A_50 = tpu.memref_slice %arg7[%add3A, %dma_start3A_49] : memref<32x48000xf32, #tpu.memory_space<hbm>> -> memref<1x48000xf32, #tpu.memory_space<hbm>>
      %dma_start3A_51 = tpu.memref_squeeze %dma_start3A_50 : memref<1x48000xf32, #tpu.memory_space<hbm>> -> memref<48000xf32, #tpu.memory_space<hbm>>
      %dma_start3A_52 = arith.constant 0 : i32
      %dma_start3A_53 = tpu.memref_slice %arg7[%add3A, %dma_start3A_52] : memref<32x48000xf32, #tpu.memory_space<hbm>> -> memref<1x48000xf32, #tpu.memory_space<hbm>>
      %dma_start3A_54 = tpu.memref_squeeze %dma_start3A_53 : memref<1x48000xf32, #tpu.memory_space<hbm>> -> memref<48000xf32, #tpu.memory_space<hbm>>
      tpu.enqueue_dma source(%arg10 : memref<48000xf32, #tpu.memory_space<vmem>>) target(%dma_start3A_54 : memref<48000xf32, #tpu.memory_space<hbm>>) target_semaphore(%run_scoped3A : memref<!tpu.dma_semaphore, #tpu.memory_space<semaphore_mem>>)
      %dma_wait3A = arith.constant 0 : i32
      %dma_wait3A_55 = tpu.memref_slice %arg7[%add3A, %dma_wait3A] : memref<32x48000xf32, #tpu.memory_space<hbm>> -> memref<1x48000xf32, #tpu.memory_space<hbm>>
      %dma_wait3A_56 = tpu.memref_squeeze %dma_wait3A_55 : memref<1x48000xf32, #tpu.memory_space<hbm>> -> memref<48000xf32, #tpu.memory_space<hbm>>
      %dma_wait3A_57 = arith.constant 0 : i32
      %dma_wait3A_58 = tpu.memref_slice %arg7[%add3A, %dma_wait3A_57] : memref<32x48000xf32, #tpu.memory_space<hbm>> -> memref<1x48000xf32, #tpu.memory_space<hbm>>
      %dma_wait3A_59 = tpu.memref_squeeze %dma_wait3A_58 : memref<1x48000xf32, #tpu.memory_space<hbm>> -> memref<48000xf32, #tpu.memory_space<hbm>>
      tpu.wait_dma2 semaphore(%run_scoped3A : memref<!tpu.dma_semaphore, #tpu.memory_space<semaphore_mem>>) src(%arg10 : memref<48000xf32, #tpu.memory_space<vmem>>) dst(%dma_wait3A_59 : memref<48000xf32, #tpu.memory_space<hbm>>)
      tpu.yield
    }) : () -> ()
    return
  }
}

#map = affine_map<(d0, d1) -> (0, 0)>
#map1 = affine_map<(d0, d1) -> (0)>
module attributes {stable_mosaic.version = 14 : i64} {
  func.func @_sc_update_body(%arg0: i32, %arg1: i32, %arg2: memref<14000x512xf32, #tpu.memory_space<hbm>>, %arg3: memref<3000x512xf32, #tpu.memory_space<hbm>>, %arg4: memref<3000xi32, #tpu.memory_space<hbm>>, %arg5: memref<3000x512xf32, #tpu.memory_space<hbm>>, %arg6: memref<96x512xf32, #tpu.memory_space<vmem>>, %arg7: memref<96x512xf32, #tpu.memory_space<vmem>>, %arg8: memref<96xi32, #tpu.memory_space<vmem>>, %arg9: memref<3000xi32, #tpu.memory_space<vmem>>, %arg10: memref<96xi32, #tpu.memory_space<smem>>, %arg11: memref<!tpu.dma_semaphore, #tpu.memory_space<semaphore_mem>>) attributes {dimension_semantics = [#tpu.dimension_semantics<core_parallel>, #tpu.dimension_semantics<subcore_parallel>], iteration_bounds = array<i64: 2, 16>, scalar_prefetch = 0 : i64, scratch_operands = 6 : i64, tpu.core_type = #tpu.core_type<sc_vector_subcore>, window_params = [{transform_indices = #map}, {transform_indices = #map}, {transform_indices = #map1}, {transform_indices = #map}]} {
    %mul3A = arith.constant 2 : i32
    %mul3A_0 = arith.muli %arg1, %mul3A : i32
    %add3A = arith.addi %mul3A_0, %arg0 : i32
    %mul3A_1 = arith.constant 96 : i32
    %mul3A_2 = arith.muli %add3A, %mul3A_1 : i32
    "tpu.region"() ({
      %run_scoped3A = tpu.sem_alloc : memref<!tpu.dma_semaphore, #tpu.memory_space<semaphore_mem>>
      %dma_start3A_1244 = arith.constant 0 : i32
      %dma_start3A_1245 = tpu.memref_slice %arg2[%mul3A_2, %dma_start3A_1244] : memref<14000x512xf32, #tpu.memory_space<hbm>> -> memref<96x512xf32, #tpu.memory_space<hbm>>
      %dma_start3A_1246 = arith.constant 0 : i32
      %dma_start3A_1247 = tpu.memref_slice %arg2[%mul3A_2, %dma_start3A_1246] : memref<14000x512xf32, #tpu.memory_space<hbm>> -> memref<96x512xf32, #tpu.memory_space<hbm>>
      tpu.enqueue_dma source(%dma_start3A_1247 : memref<96x512xf32, #tpu.memory_space<hbm>>) target(%arg6 : memref<96x512xf32, #tpu.memory_space<vmem>>) target_semaphore(%run_scoped3A : memref<!tpu.dma_semaphore, #tpu.memory_space<semaphore_mem>>)
      %dma_wait3A_1248 = arith.constant 0 : i32
      %dma_wait3A_1249 = tpu.memref_slice %arg2[%mul3A_2, %dma_wait3A_1248] : memref<14000x512xf32, #tpu.memory_space<hbm>> -> memref<96x512xf32, #tpu.memory_space<hbm>>
      %dma_wait3A_1250 = arith.constant 0 : i32
      %dma_wait3A_1251 = tpu.memref_slice %arg2[%mul3A_2, %dma_wait3A_1250] : memref<14000x512xf32, #tpu.memory_space<hbm>> -> memref<96x512xf32, #tpu.memory_space<hbm>>
      tpu.wait_dma2 semaphore(%run_scoped3A : memref<!tpu.dma_semaphore, #tpu.memory_space<semaphore_mem>>) src(%dma_wait3A_1251 : memref<96x512xf32, #tpu.memory_space<hbm>>) dst(%arg6 : memref<96x512xf32, #tpu.memory_space<vmem>>)
      tpu.yield
    }) : () -> ()
    "tpu.region"() ({
      %run_scoped3A = tpu.sem_alloc : memref<!tpu.dma_semaphore, #tpu.memory_space<semaphore_mem>>
      tpu.enqueue_dma source(%arg4 : memref<3000xi32, #tpu.memory_space<hbm>>) target(%arg9 : memref<3000xi32, #tpu.memory_space<vmem>>) target_semaphore(%run_scoped3A : memref<!tpu.dma_semaphore, #tpu.memory_space<semaphore_mem>>)
      tpu.wait_dma2 semaphore(%run_scoped3A : memref<!tpu.dma_semaphore, #tpu.memory_space<semaphore_mem>>) src(%arg4 : memref<3000xi32, #tpu.memory_space<hbm>>) dst(%arg9 : memref<3000xi32, #tpu.memory_space<vmem>>)
      tpu.yield
    }) : () -> ()
    %scan3A = arith.constant 0 : i32
    %scan3A_3 = arith.constant 0 : i32
    %scan3A_4 = arith.constant 96 : i32
    %scan3A_5 = arith.addi %scan3A_3, %scan3A_4 : i32
    %scan3A_6 = arith.constant 1 : i32
    %scan3A_7 = scf.for %scan3A_1244 = %scan3A_3 to %scan3A_5 step %scan3A_6 iter_args(%scan3A_1245 = %scan3A) -> (i32)  : i32 {
      %swap3A_1246 = arith.constant -1 : i32
      %swap3A_1247 = arith.index_cast %scan3A_1244 : i32 to index
      %swap3A_1248 = memref.load %arg10[%swap3A_1247] : memref<96xi32, #tpu.memory_space<smem>>
      memref.store %swap3A_1246, %arg10[%swap3A_1247] : memref<96xi32, #tpu.memory_space<smem>>
      %scan3A_1249 = arith.constant 0 : i32
      scf.yield %scan3A_1249 : i32
    }
    %scan3A_8 = arith.constant 96 : i32
    %scan3A_9 = arith.constant 0 : i32
    %scan3A_10 = arith.constant 0 : i32
    %scan3A_11 = arith.constant 187 : i32
    %scan3A_12 = arith.addi %scan3A_10, %scan3A_11 : i32
    %scan3A_13 = arith.constant 1 : i32
    %scan3A_14 = scf.for %scan3A_1244 = %scan3A_10 to %scan3A_12 step %scan3A_13 iter_args(%scan3A_1245 = %scan3A_9) -> (i32)  : i32 {
      %mul3A_1246 = arith.constant 16 : i32
      %mul3A_1247 = arith.muli %scan3A_1244, %mul3A_1246 : i32
      %get3A_1248 = arith.index_cast %mul3A_1247 : i32 to index
      %get3A_1249 = tpu.vector_load %arg9[%get3A_1248] {strides = array<i32>} : memref<3000xi32, #tpu.memory_space<vmem>>, vector<16xi32>,
      %get3A_1250 = vector.shape_cast %get3A_1249 : vector<16xi32> to vector<16xi32>
      %mul3A_1251 = arith.constant 16 : i32
      %mul3A_1252 = arith.muli %scan3A_1244, %mul3A_1251 : i32
      %add3A_1253 = arith.constant 0 : i32
      %add3A_1254 = arith.addi %mul3A_1252, %add3A_1253 : i32
      %slice3A_1255 = vector.extract_strided_slice %get3A_1250 {offsets = [0], sizes = [1], strides = [1]} : vector<16xi32> to vector<1xi32>
      %squeeze3A_1256 = vector.extract %slice3A_1255[0] : i32 from vector<1xi32>
      %sub3A_1257 = arith.subi %squeeze3A_1256, %mul3A_2 : i32
      %ge3A_1258 = arith.constant 0 : i32
      %ge3A_1259 = arith.cmpi sge, %sub3A_1257, %ge3A_1258 : i32
      %lt3A_1260 = arith.constant 96 : i32
      %lt3A_1261 = arith.cmpi slt, %sub3A_1257, %lt3A_1260 : i32
      %and3A_1262 = arith.andi %ge3A_1259, %lt3A_1261 : i1
      %jit3A_1263 = arith.constant 0 : i32
      %select_n3A_1264 = arith.select %and3A_1262, %sub3A_1257, %jit3A_1263 : i32
      %get3A_1265 = arith.index_cast %select_n3A_1264 : i32 to index
      %get3A_1266 = memref.load %arg10[%get3A_1265] : memref<96xi32, #tpu.memory_space<smem>>
      %select_n3A_1267 = arith.select %and3A_1262, %add3A_1254, %get3A_1266 : i32
      %swap3A_1268 = arith.index_cast %select_n3A_1264 : i32 to index
      %swap3A_1269 = memref.load %arg10[%swap3A_1268] : memref<96xi32, #tpu.memory_space<smem>>
      memref.store %select_n3A_1267, %arg10[%swap3A_1268] : memref<96xi32, #tpu.memory_space<smem>>
      %mul3A_1270 = arith.constant 16 : i32
      %mul3A_1271 = arith.muli %scan3A_1244, %mul3A_1270 : i32
      %add3A_1272 = arith.constant 1 : i32
      %add3A_1273 = arith.addi %mul3A_1271, %add3A_1272 : i32
      %slice3A_1274 = vector.extract_strided_slice %get3A_1250 {offsets = [1], sizes = [1], strides = [1]} : vector<16xi32> to vector<1xi32>
      %squeeze3A_1275 = vector.extract %slice3A_1274[0] : i32 from vector<1xi32>
      %sub3A_1276 = arith.subi %squeeze3A_1275, %mul3A_2 : i32
      %ge3A_1277 = arith.constant 0 : i32
      %ge3A_1278 = arith.cmpi sge, %sub3A_1276, %ge3A_1277 : i32
      %lt3A_1279 = arith.constant 96 : i32
      %lt3A_1280 = arith.cmpi slt, %sub3A_1276, %lt3A_1279 : i32
      %and3A_1281 = arith.andi %ge3A_1278, %lt3A_1280 : i1
      %jit3A_1282 = arith.constant 0 : i32
      %select_n3A_1283 = arith.select %and3A_1281, %sub3A_1276, %jit3A_1282 : i32
      %get3A_1284 = arith.index_cast %select_n3A_1283 : i32 to index
      %get3A_1285 = memref.load %arg10[%get3A_1284] : memref<96xi32, #tpu.memory_space<smem>>
      %select_n3A_1286 = arith.select %and3A_1281, %add3A_1273, %get3A_1285 : i32
      %swap3A_1287 = arith.index_cast %select_n3A_1283 : i32 to index
      %swap3A_1288 = memref.load %arg10[%swap3A_1287] : memref<96xi32, #tpu.memory_space<smem>>
      memref.store %select_n3A_1286, %arg10[%swap3A_1287] : memref<96xi32, #tpu.memory_space<smem>>
      %mul3A_1289 = arith.constant 16 : i32
      %mul3A_1290 = arith.muli %scan3A_1244, %mul3A_1289 : i32
      %add3A_1291 = arith.constant 2 : i32
      %add3A_1292 = arith.addi %mul3A_1290, %add3A_1291 : i32
      %slice3A_1293 = vector.extract_strided_slice %get3A_1250 {offsets = [2], sizes = [1], strides = [1]} : vector<16xi32> to vector<1xi32>
      %squeeze3A_1294 = vector.extract %slice3A_1293[0] : i32 from vector<1xi32>
      %sub3A_1295 = arith.subi %squeeze3A_1294, %mul3A_2 : i32
      %ge3A_1296 = arith.constant 0 : i32
      %ge3A_1297 = arith.cmpi sge, %sub3A_1295, %ge3A_1296 : i32
      %lt3A_1298 = arith.constant 96 : i32
      %lt3A_1299 = arith.cmpi slt, %sub3A_1295, %lt3A_1298 : i32
      %and3A_1300 = arith.andi %ge3A_1297, %lt3A_1299 : i1
      %jit3A_1301 = arith.constant 0 : i32
      %select_n3A_1302 = arith.select %and3A_1300, %sub3A_1295, %jit3A_1301 : i32
      %get3A_1303 = arith.index_cast %select_n3A_1302 : i32 to index
      %get3A_1304 = memref.load %arg10[%get3A_1303] : memref<96xi32, #tpu.memory_space<smem>>
      %select_n3A_1305 = arith.select %and3A_1300, %add3A_1292, %get3A_1304 : i32
      %swap3A_1306 = arith.index_cast %select_n3A_1302 : i32 to index
      %swap3A_1307 = memref.load %arg10[%swap3A_1306] : memref<96xi32, #tpu.memory_space<smem>>
      memref.store %select_n3A_1305, %arg10[%swap3A_1306] : memref<96xi32, #tpu.memory_space<smem>>
      %mul3A_1308 = arith.constant 16 : i32
      %mul3A_1309 = arith.muli %scan3A_1244, %mul3A_1308 : i32
      %add3A_1310 = arith.constant 3 : i32
      %add3A_1311 = arith.addi %mul3A_1309, %add3A_1310 : i32
      %slice3A_1312 = vector.extract_strided_slice %get3A_1250 {offsets = [3], sizes = [1], strides = [1]} : vector<16xi32> to vector<1xi32>
      %squeeze3A_1313 = vector.extract %slice3A_1312[0] : i32 from vector<1xi32>
      %sub3A_1314 = arith.subi %squeeze3A_1313, %mul3A_2 : i32
      %ge3A_1315 = arith.constant 0 : i32
      %ge3A_1316 = arith.cmpi sge, %sub3A_1314, %ge3A_1315 : i32
      %lt3A_1317 = arith.constant 96 : i32
      %lt3A_1318 = arith.cmpi slt, %sub3A_1314, %lt3A_1317 : i32
      %and3A_1319 = arith.andi %ge3A_1316, %lt3A_1318 : i1
      %jit3A_1320 = arith.constant 0 : i32
      %select_n3A_1321 = arith.select %and3A_1319, %sub3A_1314, %jit3A_1320 : i32
      %get3A_1322 = arith.index_cast %select_n3A_1321 : i32 to index
      %get3A_1323 = memref.load %arg10[%get3A_1322] : memref<96xi32, #tpu.memory_space<smem>>
      %select_n3A_1324 = arith.select %and3A_1319, %add3A_1311, %get3A_1323 : i32
      %swap3A_1325 = arith.index_cast %select_n3A_1321 : i32 to index
      %swap3A_1326 = memref.load %arg10[%swap3A_1325] : memref<96xi32, #tpu.memory_space<smem>>
      memref.store %select_n3A_1324, %arg10[%swap3A_1325] : memref<96xi32, #tpu.memory_space<smem>>
      %mul3A_1327 = arith.constant 16 : i32
      %mul3A_1328 = arith.muli %scan3A_1244, %mul3A_1327 : i32
      %add3A_1329 = arith.constant 4 : i32
      %add3A_1330 = arith.addi %mul3A_1328, %add3A_1329 : i32
      %slice3A_1331 = vector.extract_strided_slice %get3A_1250 {offsets = [4], sizes = [1], strides = [1]} : vector<16xi32> to vector<1xi32>
      %squeeze3A_1332 = vector.extract %slice3A_1331[0] : i32 from vector<1xi32>
      %sub3A_1333 = arith.subi %squeeze3A_1332, %mul3A_2 : i32
      %ge3A_1334 = arith.constant 0 : i32
      %ge3A_1335 = arith.cmpi sge, %sub3A_1333, %ge3A_1334 : i32
      %lt3A_1336 = arith.constant 96 : i32
      %lt3A_1337 = arith.cmpi slt, %sub3A_1333, %lt3A_1336 : i32
      %and3A_1338 = arith.andi %ge3A_1335, %lt3A_1337 : i1
      %jit3A_1339 = arith.constant 0 : i32
      %select_n3A_1340 = arith.select %and3A_1338, %sub3A_1333, %jit3A_1339 : i32
      %get3A_1341 = arith.index_cast %select_n3A_1340 : i32 to index
      %get3A_1342 = memref.load %arg10[%get3A_1341] : memref<96xi32, #tpu.memory_space<smem>>
      %select_n3A_1343 = arith.select %and3A_1338, %add3A_1330, %get3A_1342 : i32
      %swap3A_1344 = arith.index_cast %select_n3A_1340 : i32 to index
      %swap3A_1345 = memref.load %arg10[%swap3A_1344] : memref<96xi32, #tpu.memory_space<smem>>
      memref.store %select_n3A_1343, %arg10[%swap3A_1344] : memref<96xi32, #tpu.memory_space<smem>>
      %mul3A_1346 = arith.constant 16 : i32
      %mul3A_1347 = arith.muli %scan3A_1244, %mul3A_1346 : i32
      %add3A_1348 = arith.constant 5 : i32
      %add3A_1349 = arith.addi %mul3A_1347, %add3A_1348 : i32
      %slice3A_1350 = vector.extract_strided_slice %get3A_1250 {offsets = [5], sizes = [1], strides = [1]} : vector<16xi32> to vector<1xi32>
      %squeeze3A_1351 = vector.extract %slice3A_1350[0] : i32 from vector<1xi32>
      %sub3A_1352 = arith.subi %squeeze3A_1351, %mul3A_2 : i32
      %ge3A_1353 = arith.constant 0 : i32
      %ge3A_1354 = arith.cmpi sge, %sub3A_1352, %ge3A_1353 : i32
      %lt3A_1355 = arith.constant 96 : i32
      %lt3A_1356 = arith.cmpi slt, %sub3A_1352, %lt3A_1355 : i32
      %and3A_1357 = arith.andi %ge3A_1354, %lt3A_1356 : i1
      %jit3A_1358 = arith.constant 0 : i32
      %select_n3A_1359 = arith.select %and3A_1357, %sub3A_1352, %jit3A_1358 : i32
      %get3A_1360 = arith.index_cast %select_n3A_1359 : i32 to index
      %get3A_1361 = memref.load %arg10[%get3A_1360] : memref<96xi32, #tpu.memory_space<smem>>
      %select_n3A_1362 = arith.select %and3A_1357, %add3A_1349, %get3A_1361 : i32
      %swap3A_1363 = arith.index_cast %select_n3A_1359 : i32 to index
      %swap3A_1364 = memref.load %arg10[%swap3A_1363] : memref<96xi32, #tpu.memory_space<smem>>
      memref.store %select_n3A_1362, %arg10[%swap3A_1363] : memref<96xi32, #tpu.memory_space<smem>>
      %mul3A_1365 = arith.constant 16 : i32
      %mul3A_1366 = arith.muli %scan3A_1244, %mul3A_1365 : i32
      %add3A_1367 = arith.constant 6 : i32
      %add3A_1368 = arith.addi %mul3A_1366, %add3A_1367 : i32
      %slice3A_1369 = vector.extract_strided_slice %get3A_1250 {offsets = [6], sizes = [1], strides = [1]} : vector<16xi32> to vector<1xi32>
      %squeeze3A_1370 = vector.extract %slice3A_1369[0] : i32 from vector<1xi32>
      %sub3A_1371 = arith.subi %squeeze3A_1370, %mul3A_2 : i32
      %ge3A_1372 = arith.constant 0 : i32
      %ge3A_1373 = arith.cmpi sge, %sub3A_1371, %ge3A_1372 : i32
      %lt3A_1374 = arith.constant 96 : i32
      %lt3A_1375 = arith.cmpi slt, %sub3A_1371, %lt3A_1374 : i32
      %and3A_1376 = arith.andi %ge3A_1373, %lt3A_1375 : i1
      %jit3A_1377 = arith.constant 0 : i32
      %select_n3A_1378 = arith.select %and3A_1376, %sub3A_1371, %jit3A_1377 : i32
      %get3A_1379 = arith.index_cast %select_n3A_1378 : i32 to index
      %get3A_1380 = memref.load %arg10[%get3A_1379] : memref<96xi32, #tpu.memory_space<smem>>
      %select_n3A_1381 = arith.select %and3A_1376, %add3A_1368, %get3A_1380 : i32
      %swap3A_1382 = arith.index_cast %select_n3A_1378 : i32 to index
      %swap3A_1383 = memref.load %arg10[%swap3A_1382] : memref<96xi32, #tpu.memory_space<smem>>
      memref.store %select_n3A_1381, %arg10[%swap3A_1382] : memref<96xi32, #tpu.memory_space<smem>>
      %mul3A_1384 = arith.constant 16 : i32
      %mul3A_1385 = arith.muli %scan3A_1244, %mul3A_1384 : i32
      %add3A_1386 = arith.constant 7 : i32
      %add3A_1387 = arith.addi %mul3A_1385, %add3A_1386 : i32
      %slice3A_1388 = vector.extract_strided_slice %get3A_1250 {offsets = [7], sizes = [1], strides = [1]} : vector<16xi32> to vector<1xi32>
      %squeeze3A_1389 = vector.extract %slice3A_1388[0] : i32 from vector<1xi32>
      %sub3A_1390 = arith.subi %squeeze3A_1389, %mul3A_2 : i32
      %ge3A_1391 = arith.constant 0 : i32
      %ge3A_1392 = arith.cmpi sge, %sub3A_1390, %ge3A_1391 : i32
      %lt3A_1393 = arith.constant 96 : i32
      %lt3A_1394 = arith.cmpi slt, %sub3A_1390, %lt3A_1393 : i32
      %and3A_1395 = arith.andi %ge3A_1392, %lt3A_1394 : i1
      %jit3A_1396 = arith.constant 0 : i32
      %select_n3A_1397 = arith.select %and3A_1395, %sub3A_1390, %jit3A_1396 : i32
      %get3A_1398 = arith.index_cast %select_n3A_1397 : i32 to index
      %get3A_1399 = memref.load %arg10[%get3A_1398] : memref<96xi32, #tpu.memory_space<smem>>
      %select_n3A_1400 = arith.select %and3A_1395, %add3A_1387, %get3A_1399 : i32
      %swap3A_1401 = arith.index_cast %select_n3A_1397 : i32 to index
      %swap3A_1402 = memref.load %arg10[%swap3A_1401] : memref<96xi32, #tpu.memory_space<smem>>
      memref.store %select_n3A_1400, %arg10[%swap3A_1401] : memref<96xi32, #tpu.memory_space<smem>>
      %mul3A_1403 = arith.constant 16 : i32
      %mul3A_1404 = arith.muli %scan3A_1244, %mul3A_1403 : i32
      %add3A_1405 = arith.constant 8 : i32
      %add3A_1406 = arith.addi %mul3A_1404, %add3A_1405 : i32
      %slice3A_1407 = vector.extract_strided_slice %get3A_1250 {offsets = [8], sizes = [1], strides = [1]} : vector<16xi32> to vector<1xi32>
      %squeeze3A_1408 = vector.extract %slice3A_1407[0] : i32 from vector<1xi32>
      %sub3A_1409 = arith.subi %squeeze3A_1408, %mul3A_2 : i32
      %ge3A_1410 = arith.constant 0 : i32
      %ge3A_1411 = arith.cmpi sge, %sub3A_1409, %ge3A_1410 : i32
      %lt3A_1412 = arith.constant 96 : i32
      %lt3A_1413 = arith.cmpi slt, %sub3A_1409, %lt3A_1412 : i32
      %and3A_1414 = arith.andi %ge3A_1411, %lt3A_1413 : i1
      %jit3A_1415 = arith.constant 0 : i32
      %select_n3A_1416 = arith.select %and3A_1414, %sub3A_1409, %jit3A_1415 : i32
      %get3A_1417 = arith.index_cast %select_n3A_1416 : i32 to index
      %get3A_1418 = memref.load %arg10[%get3A_1417] : memref<96xi32, #tpu.memory_space<smem>>
      %select_n3A_1419 = arith.select %and3A_1414, %add3A_1406, %get3A_1418 : i32
      %swap3A_1420 = arith.index_cast %select_n3A_1416 : i32 to index
      %swap3A_1421 = memref.load %arg10[%swap3A_1420] : memref<96xi32, #tpu.memory_space<smem>>
      memref.store %select_n3A_1419, %arg10[%swap3A_1420] : memref<96xi32, #tpu.memory_space<smem>>
      %mul3A_1422 = arith.constant 16 : i32
      %mul3A_1423 = arith.muli %scan3A_1244, %mul3A_1422 : i32
      %add3A_1424 = arith.constant 9 : i32
      %add3A_1425 = arith.addi %mul3A_1423, %add3A_1424 : i32
      %slice3A_1426 = vector.extract_strided_slice %get3A_1250 {offsets = [9], sizes = [1], strides = [1]} : vector<16xi32> to vector<1xi32>
      %squeeze3A_1427 = vector.extract %slice3A_1426[0] : i32 from vector<1xi32>
      %sub3A_1428 = arith.subi %squeeze3A_1427, %mul3A_2 : i32
      %ge3A_1429 = arith.constant 0 : i32
      %ge3A_1430 = arith.cmpi sge, %sub3A_1428, %ge3A_1429 : i32
      %lt3A_1431 = arith.constant 96 : i32
      %lt3A_1432 = arith.cmpi slt, %sub3A_1428, %lt3A_1431 : i32
      %and3A_1433 = arith.andi %ge3A_1430, %lt3A_1432 : i1
      %jit3A_1434 = arith.constant 0 : i32
      %select_n3A_1435 = arith.select %and3A_1433, %sub3A_1428, %jit3A_1434 : i32
      %get3A_1436 = arith.index_cast %select_n3A_1435 : i32 to index
      %get3A_1437 = memref.load %arg10[%get3A_1436] : memref<96xi32, #tpu.memory_space<smem>>
      %select_n3A_1438 = arith.select %and3A_1433, %add3A_1425, %get3A_1437 : i32
      %swap3A_1439 = arith.index_cast %select_n3A_1435 : i32 to index
      %swap3A_1440 = memref.load %arg10[%swap3A_1439] : memref<96xi32, #tpu.memory_space<smem>>
      memref.store %select_n3A_1438, %arg10[%swap3A_1439] : memref<96xi32, #tpu.memory_space<smem>>
      %mul3A_1441 = arith.constant 16 : i32
      %mul3A_1442 = arith.muli %scan3A_1244, %mul3A_1441 : i32
      %add3A_1443 = arith.constant 10 : i32
      %add3A_1444 = arith.addi %mul3A_1442, %add3A_1443 : i32
      %slice3A_1445 = vector.extract_strided_slice %get3A_1250 {offsets = [10], sizes = [1], strides = [1]} : vector<16xi32> to vector<1xi32>
      %squeeze3A_1446 = vector.extract %slice3A_1445[0] : i32 from vector<1xi32>
      %sub3A_1447 = arith.subi %squeeze3A_1446, %mul3A_2 : i32
      %ge3A_1448 = arith.constant 0 : i32
      %ge3A_1449 = arith.cmpi sge, %sub3A_1447, %ge3A_1448 : i32
      %lt3A_1450 = arith.constant 96 : i32
      %lt3A_1451 = arith.cmpi slt, %sub3A_1447, %lt3A_1450 : i32
      %and3A_1452 = arith.andi %ge3A_1449, %lt3A_1451 : i1
      %jit3A_1453 = arith.constant 0 : i32
      %select_n3A_1454 = arith.select %and3A_1452, %sub3A_1447, %jit3A_1453 : i32
      %get3A_1455 = arith.index_cast %select_n3A_1454 : i32 to index
      %get3A_1456 = memref.load %arg10[%get3A_1455] : memref<96xi32, #tpu.memory_space<smem>>
      %select_n3A_1457 = arith.select %and3A_1452, %add3A_1444, %get3A_1456 : i32
      %swap3A_1458 = arith.index_cast %select_n3A_1454 : i32 to index
      %swap3A_1459 = memref.load %arg10[%swap3A_1458] : memref<96xi32, #tpu.memory_space<smem>>
      memref.store %select_n3A_1457, %arg10[%swap3A_1458] : memref<96xi32, #tpu.memory_space<smem>>
      %mul3A_1460 = arith.constant 16 : i32
      %mul3A_1461 = arith.muli %scan3A_1244, %mul3A_1460 : i32
      %add3A_1462 = arith.constant 11 : i32
      %add3A_1463 = arith.addi %mul3A_1461, %add3A_1462 : i32
      %slice3A_1464 = vector.extract_strided_slice %get3A_1250 {offsets = [11], sizes = [1], strides = [1]} : vector<16xi32> to vector<1xi32>
      %squeeze3A_1465 = vector.extract %slice3A_1464[0] : i32 from vector<1xi32>
      %sub3A_1466 = arith.subi %squeeze3A_1465, %mul3A_2 : i32
      %ge3A_1467 = arith.constant 0 : i32
      %ge3A_1468 = arith.cmpi sge, %sub3A_1466, %ge3A_1467 : i32
      %lt3A_1469 = arith.constant 96 : i32
      %lt3A_1470 = arith.cmpi slt, %sub3A_1466, %lt3A_1469 : i32
      %and3A_1471 = arith.andi %ge3A_1468, %lt3A_1470 : i1
      %jit3A_1472 = arith.constant 0 : i32
      %select_n3A_1473 = arith.select %and3A_1471, %sub3A_1466, %jit3A_1472 : i32
      %get3A_1474 = arith.index_cast %select_n3A_1473 : i32 to index
      %get3A_1475 = memref.load %arg10[%get3A_1474] : memref<96xi32, #tpu.memory_space<smem>>
      %select_n3A_1476 = arith.select %and3A_1471, %add3A_1463, %get3A_1475 : i32
      %swap3A_1477 = arith.index_cast %select_n3A_1473 : i32 to index
      %swap3A_1478 = memref.load %arg10[%swap3A_1477] : memref<96xi32, #tpu.memory_space<smem>>
      memref.store %select_n3A_1476, %arg10[%swap3A_1477] : memref<96xi32, #tpu.memory_space<smem>>
      %mul3A_1479 = arith.constant 16 : i32
      %mul3A_1480 = arith.muli %scan3A_1244, %mul3A_1479 : i32
      %add3A_1481 = arith.constant 12 : i32
      %add3A_1482 = arith.addi %mul3A_1480, %add3A_1481 : i32
      %slice3A_1483 = vector.extract_strided_slice %get3A_1250 {offsets = [12], sizes = [1], strides = [1]} : vector<16xi32> to vector<1xi32>
      %squeeze3A_1484 = vector.extract %slice3A_1483[0] : i32 from vector<1xi32>
      %sub3A_1485 = arith.subi %squeeze3A_1484, %mul3A_2 : i32
      %ge3A_1486 = arith.constant 0 : i32
      %ge3A_1487 = arith.cmpi sge, %sub3A_1485, %ge3A_1486 : i32
      %lt3A_1488 = arith.constant 96 : i32
      %lt3A_1489 = arith.cmpi slt, %sub3A_1485, %lt3A_1488 : i32
      %and3A_1490 = arith.andi %ge3A_1487, %lt3A_1489 : i1
      %jit3A_1491 = arith.constant 0 : i32
      %select_n3A_1492 = arith.select %and3A_1490, %sub3A_1485, %jit3A_1491 : i32
      %get3A_1493 = arith.index_cast %select_n3A_1492 : i32 to index
      %get3A_1494 = memref.load %arg10[%get3A_1493] : memref<96xi32, #tpu.memory_space<smem>>
      %select_n3A_1495 = arith.select %and3A_1490, %add3A_1482, %get3A_1494 : i32
      %swap3A_1496 = arith.index_cast %select_n3A_1492 : i32 to index
      %swap3A_1497 = memref.load %arg10[%swap3A_1496] : memref<96xi32, #tpu.memory_space<smem>>
      memref.store %select_n3A_1495, %arg10[%swap3A_1496] : memref<96xi32, #tpu.memory_space<smem>>
      %mul3A_1498 = arith.constant 16 : i32
      %mul3A_1499 = arith.muli %scan3A_1244, %mul3A_1498 : i32
      %add3A_1500 = arith.constant 13 : i32
      %add3A_1501 = arith.addi %mul3A_1499, %add3A_1500 : i32
      %slice3A_1502 = vector.extract_strided_slice %get3A_1250 {offsets = [13], sizes = [1], strides = [1]} : vector<16xi32> to vector<1xi32>
      %squeeze3A_1503 = vector.extract %slice3A_1502[0] : i32 from vector<1xi32>
      %sub3A_1504 = arith.subi %squeeze3A_1503, %mul3A_2 : i32
      %ge3A_1505 = arith.constant 0 : i32
      %ge3A_1506 = arith.cmpi sge, %sub3A_1504, %ge3A_1505 : i32
      %lt3A_1507 = arith.constant 96 : i32
      %lt3A_1508 = arith.cmpi slt, %sub3A_1504, %lt3A_1507 : i32
      %and3A_1509 = arith.andi %ge3A_1506, %lt3A_1508 : i1
      %jit3A_1510 = arith.constant 0 : i32
      %select_n3A_1511 = arith.select %and3A_1509, %sub3A_1504, %jit3A_1510 : i32
      %get3A_1512 = arith.index_cast %select_n3A_1511 : i32 to index
      %get3A_1513 = memref.load %arg10[%get3A_1512] : memref<96xi32, #tpu.memory_space<smem>>
      %select_n3A_1514 = arith.select %and3A_1509, %add3A_1501, %get3A_1513 : i32
      %swap3A_1515 = arith.index_cast %select_n3A_1511 : i32 to index
      %swap3A_1516 = memref.load %arg10[%swap3A_1515] : memref<96xi32, #tpu.memory_space<smem>>
      memref.store %select_n3A_1514, %arg10[%swap3A_1515] : memref<96xi32, #tpu.memory_space<smem>>
      %mul3A_1517 = arith.constant 16 : i32
      %mul3A_1518 = arith.muli %scan3A_1244, %mul3A_1517 : i32
      %add3A_1519 = arith.constant 14 : i32
      %add3A_1520 = arith.addi %mul3A_1518, %add3A_1519 : i32
      %slice3A_1521 = vector.extract_strided_slice %get3A_1250 {offsets = [14], sizes = [1], strides = [1]} : vector<16xi32> to vector<1xi32>
      %squeeze3A_1522 = vector.extract %slice3A_1521[0] : i32 from vector<1xi32>
      %sub3A_1523 = arith.subi %squeeze3A_1522, %mul3A_2 : i32
      %ge3A_1524 = arith.constant 0 : i32
      %ge3A_1525 = arith.cmpi sge, %sub3A_1523, %ge3A_1524 : i32
      %lt3A_1526 = arith.constant 96 : i32
      %lt3A_1527 = arith.cmpi slt, %sub3A_1523, %lt3A_1526 : i32
      %and3A_1528 = arith.andi %ge3A_1525, %lt3A_1527 : i1
      %jit3A_1529 = arith.constant 0 : i32
      %select_n3A_1530 = arith.select %and3A_1528, %sub3A_1523, %jit3A_1529 : i32
      %get3A_1531 = arith.index_cast %select_n3A_1530 : i32 to index
      %get3A_1532 = memref.load %arg10[%get3A_1531] : memref<96xi32, #tpu.memory_space<smem>>
      %select_n3A_1533 = arith.select %and3A_1528, %add3A_1520, %get3A_1532 : i32
      %swap3A_1534 = arith.index_cast %select_n3A_1530 : i32 to index
      %swap3A_1535 = memref.load %arg10[%swap3A_1534] : memref<96xi32, #tpu.memory_space<smem>>
      memref.store %select_n3A_1533, %arg10[%swap3A_1534] : memref<96xi32, #tpu.memory_space<smem>>
      %mul3A_1536 = arith.constant 16 : i32
      %mul3A_1537 = arith.muli %scan3A_1244, %mul3A_1536 : i32
      %add3A_1538 = arith.constant 15 : i32
      %add3A_1539 = arith.addi %mul3A_1537, %add3A_1538 : i32
      %slice3A_1540 = vector.extract_strided_slice %get3A_1250 {offsets = [15], sizes = [1], strides = [1]} : vector<16xi32> to vector<1xi32>
      %squeeze3A_1541 = vector.extract %slice3A_1540[0] : i32 from vector<1xi32>
      %sub3A_1542 = arith.subi %squeeze3A_1541, %mul3A_2 : i32
      %ge3A_1543 = arith.constant 0 : i32
      %ge3A_1544 = arith.cmpi sge, %sub3A_1542, %ge3A_1543 : i32
      %lt3A_1545 = arith.constant 96 : i32
      %lt3A_1546 = arith.cmpi slt, %sub3A_1542, %lt3A_1545 : i32
      %and3A_1547 = arith.andi %ge3A_1544, %lt3A_1546 : i1
      %jit3A_1548 = arith.constant 0 : i32
      %select_n3A_1549 = arith.select %and3A_1547, %sub3A_1542, %jit3A_1548 : i32
      %get3A_1550 = arith.index_cast %select_n3A_1549 : i32 to index
      %get3A_1551 = memref.load %arg10[%get3A_1550] : memref<96xi32, #tpu.memory_space<smem>>
      %select_n3A_1552 = arith.select %and3A_1547, %add3A_1539, %get3A_1551 : i32
      %swap3A_1553 = arith.index_cast %select_n3A_1549 : i32 to index
      %swap3A_1554 = memref.load %arg10[%swap3A_1553] : memref<96xi32, #tpu.memory_space<smem>>
      memref.store %select_n3A_1552, %arg10[%swap3A_1553] : memref<96xi32, #tpu.memory_space<smem>>
      %scan3A_1555 = arith.constant 0 : i32
      scf.yield %scan3A_1555 : i32
    }
    %scan3A_15 = arith.constant 187 : i32
    %get3A = arith.constant 2984 : index
    %get3A_16 = tpu.vector_load %arg9[%get3A] {strides = array<i32>} : memref<3000xi32, #tpu.memory_space<vmem>>, vector<16xi32>,
    %get3A_17 = vector.shape_cast %get3A_16 : vector<16xi32> to vector<16xi32>
    %slice3A = vector.extract_strided_slice %get3A_17 {offsets = [8], sizes = [1], strides = [1]} : vector<16xi32> to vector<1xi32>
    %squeeze3A = vector.extract %slice3A[0] : i32 from vector<1xi32>
    %sub3A = arith.subi %squeeze3A, %mul3A_2 : i32
    %ge3A = arith.constant 0 : i32
    %ge3A_18 = arith.cmpi sge, %sub3A, %ge3A : i32
    %lt3A = arith.constant 96 : i32
    %lt3A_19 = arith.cmpi slt, %sub3A, %lt3A : i32
    %and3A = arith.andi %ge3A_18, %lt3A_19 : i1
    %jit3A = arith.constant 0 : i32
    %select_n3A = arith.select %and3A, %sub3A, %jit3A : i32
    %get3A_20 = arith.index_cast %select_n3A : i32 to index
    %get3A_21 = memref.load %arg10[%get3A_20] : memref<96xi32, #tpu.memory_space<smem>>
    %jit3A_22 = arith.constant 2992 : i32
    %select_n3A_23 = arith.select %and3A, %jit3A_22, %get3A_21 : i32
    %swap3A = arith.index_cast %select_n3A : i32 to index
    %swap3A_24 = memref.load %arg10[%swap3A] : memref<96xi32, #tpu.memory_space<smem>>
    memref.store %select_n3A_23, %arg10[%swap3A] : memref<96xi32, #tpu.memory_space<smem>>
    %slice3A_25 = vector.extract_strided_slice %get3A_17 {offsets = [9], sizes = [1], strides = [1]} : vector<16xi32> to vector<1xi32>
    %squeeze3A_26 = vector.extract %slice3A_25[0] : i32 from vector<1xi32>
    %sub3A_27 = arith.subi %squeeze3A_26, %mul3A_2 : i32
    %ge3A_28 = arith.constant 0 : i32
    %ge3A_29 = arith.cmpi sge, %sub3A_27, %ge3A_28 : i32
    %lt3A_30 = arith.constant 96 : i32
    %lt3A_31 = arith.cmpi slt, %sub3A_27, %lt3A_30 : i32
    %and3A_32 = arith.andi %ge3A_29, %lt3A_31 : i1
    %jit3A_33 = arith.constant 0 : i32
    %select_n3A_34 = arith.select %and3A_32, %sub3A_27, %jit3A_33 : i32
    %get3A_35 = arith.index_cast %select_n3A_34 : i32 to index
    %get3A_36 = memref.load %arg10[%get3A_35] : memref<96xi32, #tpu.memory_space<smem>>
    %jit3A_37 = arith.constant 2993 : i32
    %select_n3A_38 = arith.select %and3A_32, %jit3A_37, %get3A_36 : i32
    %swap3A_39 = arith.index_cast %select_n3A_34 : i32 to index
    %swap3A_40 = memref.load %arg10[%swap3A_39] : memref<96xi32, #tpu.memory_space<smem>>
    memref.store %select_n3A_38, %arg10[%swap3A_39] : memref<96xi32, #tpu.memory_space<smem>>
    %slice3A_41 = vector.extract_strided_slice %get3A_17 {offsets = [10], sizes = [1], strides = [1]} : vector<16xi32> to vector<1xi32>
    %squeeze3A_42 = vector.extract %slice3A_41[0] : i32 from vector<1xi32>
    %sub3A_43 = arith.subi %squeeze3A_42, %mul3A_2 : i32
    %ge3A_44 = arith.constant 0 : i32
    %ge3A_45 = arith.cmpi sge, %sub3A_43, %ge3A_44 : i32
    %lt3A_46 = arith.constant 96 : i32
    %lt3A_47 = arith.cmpi slt, %sub3A_43, %lt3A_46 : i32
    %and3A_48 = arith.andi %ge3A_45, %lt3A_47 : i1
    %jit3A_49 = arith.constant 0 : i32
    %select_n3A_50 = arith.select %and3A_48, %sub3A_43, %jit3A_49 : i32
    %get3A_51 = arith.index_cast %select_n3A_50 : i32 to index
    %get3A_52 = memref.load %arg10[%get3A_51] : memref<96xi32, #tpu.memory_space<smem>>
    %jit3A_53 = arith.constant 2994 : i32
    %select_n3A_54 = arith.select %and3A_48, %jit3A_53, %get3A_52 : i32
    %swap3A_55 = arith.index_cast %select_n3A_50 : i32 to index
    %swap3A_56 = memref.load %arg10[%swap3A_55] : memref<96xi32, #tpu.memory_space<smem>>
    memref.store %select_n3A_54, %arg10[%swap3A_55] : memref<96xi32, #tpu.memory_space<smem>>
    %slice3A_57 = vector.extract_strided_slice %get3A_17 {offsets = [11], sizes = [1], strides = [1]} : vector<16xi32> to vector<1xi32>
    %squeeze3A_58 = vector.extract %slice3A_57[0] : i32 from vector<1xi32>
    %sub3A_59 = arith.subi %squeeze3A_58, %mul3A_2 : i32
    %ge3A_60 = arith.constant 0 : i32
    %ge3A_61 = arith.cmpi sge, %sub3A_59, %ge3A_60 : i32
    %lt3A_62 = arith.constant 96 : i32
    %lt3A_63 = arith.cmpi slt, %sub3A_59, %lt3A_62 : i32
    %and3A_64 = arith.andi %ge3A_61, %lt3A_63 : i1
    %jit3A_65 = arith.constant 0 : i32
    %select_n3A_66 = arith.select %and3A_64, %sub3A_59, %jit3A_65 : i32
    %get3A_67 = arith.index_cast %select_n3A_66 : i32 to index
    %get3A_68 = memref.load %arg10[%get3A_67] : memref<96xi32, #tpu.memory_space<smem>>
    %jit3A_69 = arith.constant 2995 : i32
    %select_n3A_70 = arith.select %and3A_64, %jit3A_69, %get3A_68 : i32
    %swap3A_71 = arith.index_cast %select_n3A_66 : i32 to index
    %swap3A_72 = memref.load %arg10[%swap3A_71] : memref<96xi32, #tpu.memory_space<smem>>
    memref.store %select_n3A_70, %arg10[%swap3A_71] : memref<96xi32, #tpu.memory_space<smem>>
    %slice3A_73 = vector.extract_strided_slice %get3A_17 {offsets = [12], sizes = [1], strides = [1]} : vector<16xi32> to vector<1xi32>
    %squeeze3A_74 = vector.extract %slice3A_73[0] : i32 from vector<1xi32>
    %sub3A_75 = arith.subi %squeeze3A_74, %mul3A_2 : i32
    %ge3A_76 = arith.constant 0 : i32
    %ge3A_77 = arith.cmpi sge, %sub3A_75, %ge3A_76 : i32
    %lt3A_78 = arith.constant 96 : i32
    %lt3A_79 = arith.cmpi slt, %sub3A_75, %lt3A_78 : i32
    %and3A_80 = arith.andi %ge3A_77, %lt3A_79 : i1
    %jit3A_81 = arith.constant 0 : i32
    %select_n3A_82 = arith.select %and3A_80, %sub3A_75, %jit3A_81 : i32
    %get3A_83 = arith.index_cast %select_n3A_82 : i32 to index
    %get3A_84 = memref.load %arg10[%get3A_83] : memref<96xi32, #tpu.memory_space<smem>>
    %jit3A_85 = arith.constant 2996 : i32
    %select_n3A_86 = arith.select %and3A_80, %jit3A_85, %get3A_84 : i32
    %swap3A_87 = arith.index_cast %select_n3A_82 : i32 to index
    %swap3A_88 = memref.load %arg10[%swap3A_87] : memref<96xi32, #tpu.memory_space<smem>>
    memref.store %select_n3A_86, %arg10[%swap3A_87] : memref<96xi32, #tpu.memory_space<smem>>
    %slice3A_89 = vector.extract_strided_slice %get3A_17 {offsets = [13], sizes = [1], strides = [1]} : vector<16xi32> to vector<1xi32>
    %squeeze3A_90 = vector.extract %slice3A_89[0] : i32 from vector<1xi32>
    %sub3A_91 = arith.subi %squeeze3A_90, %mul3A_2 : i32
    %ge3A_92 = arith.constant 0 : i32
    %ge3A_93 = arith.cmpi sge, %sub3A_91, %ge3A_92 : i32
    %lt3A_94 = arith.constant 96 : i32
    %lt3A_95 = arith.cmpi slt, %sub3A_91, %lt3A_94 : i32
    %and3A_96 = arith.andi %ge3A_93, %lt3A_95 : i1
    %jit3A_97 = arith.constant 0 : i32
    %select_n3A_98 = arith.select %and3A_96, %sub3A_91, %jit3A_97 : i32
    %get3A_99 = arith.index_cast %select_n3A_98 : i32 to index
    %get3A_100 = memref.load %arg10[%get3A_99] : memref<96xi32, #tpu.memory_space<smem>>
    %jit3A_101 = arith.constant 2997 : i32
    %select_n3A_102 = arith.select %and3A_96, %jit3A_101, %get3A_100 : i32
    %swap3A_103 = arith.index_cast %select_n3A_98 : i32 to index
    %swap3A_104 = memref.load %arg10[%swap3A_103] : memref<96xi32, #tpu.memory_space<smem>>
    memref.store %select_n3A_102, %arg10[%swap3A_103] : memref<96xi32, #tpu.memory_space<smem>>
    %slice3A_105 = vector.extract_strided_slice %get3A_17 {offsets = [14], sizes = [1], strides = [1]} : vector<16xi32> to vector<1xi32>
    %squeeze3A_106 = vector.extract %slice3A_105[0] : i32 from vector<1xi32>
    %sub3A_107 = arith.subi %squeeze3A_106, %mul3A_2 : i32
    %ge3A_108 = arith.constant 0 : i32
    %ge3A_109 = arith.cmpi sge, %sub3A_107, %ge3A_108 : i32
    %lt3A_110 = arith.constant 96 : i32
    %lt3A_111 = arith.cmpi slt, %sub3A_107, %lt3A_110 : i32
    %and3A_112 = arith.andi %ge3A_109, %lt3A_111 : i1
    %jit3A_113 = arith.constant 0 : i32
    %select_n3A_114 = arith.select %and3A_112, %sub3A_107, %jit3A_113 : i32
    %get3A_115 = arith.index_cast %select_n3A_114 : i32 to index
    %get3A_116 = memref.load %arg10[%get3A_115] : memref<96xi32, #tpu.memory_space<smem>>
    %jit3A_117 = arith.constant 2998 : i32
    %select_n3A_118 = arith.select %and3A_112, %jit3A_117, %get3A_116 : i32
    %swap3A_119 = arith.index_cast %select_n3A_114 : i32 to index
    %swap3A_120 = memref.load %arg10[%swap3A_119] : memref<96xi32, #tpu.memory_space<smem>>
    memref.store %select_n3A_118, %arg10[%swap3A_119] : memref<96xi32, #tpu.memory_space<smem>>
    %slice3A_121 = vector.extract_strided_slice %get3A_17 {offsets = [15], sizes = [1], strides = [1]} : vector<16xi32> to vector<1xi32>
    %squeeze3A_122 = vector.extract %slice3A_121[0] : i32 from vector<1xi32>
    %sub3A_123 = arith.subi %squeeze3A_122, %mul3A_2 : i32
    %ge3A_124 = arith.constant 0 : i32
    %ge3A_125 = arith.cmpi sge, %sub3A_123, %ge3A_124 : i32
    %lt3A_126 = arith.constant 96 : i32
    %lt3A_127 = arith.cmpi slt, %sub3A_123, %lt3A_126 : i32
    %and3A_128 = arith.andi %ge3A_125, %lt3A_127 : i1
    %jit3A_129 = arith.constant 0 : i32
    %select_n3A_130 = arith.select %and3A_128, %sub3A_123, %jit3A_129 : i32
    %get3A_131 = arith.index_cast %select_n3A_130 : i32 to index
    %get3A_132 = memref.load %arg10[%get3A_131] : memref<96xi32, #tpu.memory_space<smem>>
    %jit3A_133 = arith.constant 2999 : i32
    %select_n3A_134 = arith.select %and3A_128, %jit3A_133, %get3A_132 : i32
    %swap3A_135 = arith.index_cast %select_n3A_130 : i32 to index
    %swap3A_136 = memref.load %arg10[%swap3A_135] : memref<96xi32, #tpu.memory_space<smem>>
    memref.store %select_n3A_134, %arg10[%swap3A_135] : memref<96xi32, #tpu.memory_space<smem>>
    %broadcast_in_dim3A = arith.constant 0 : i32
    %broadcast_in_dim3A_137 = vector.broadcast %broadcast_in_dim3A : i32 to vector<16xi32>
    %get3A_138 = arith.constant 0 : i32
    %get3A_139 = arith.index_cast %get3A_138 : i32 to index
    %get3A_140 = memref.load %arg10[%get3A_139] : memref<96xi32, #tpu.memory_space<smem>>
    %iota3A = tpu.iota {dimensions = array<i32: 0>} : vector<16xi32>
    %eq3A = arith.constant 0 : i32
    %eq3A_141 = vector.broadcast %eq3A : i32 to vector<16xi32>
    %eq3A_142 = arith.cmpi eq, %iota3A, %eq3A_141 : vector<16xi32>
    %max3A = arith.constant 0 : i32
    %max3A_143 = arith.maxsi %get3A_140, %max3A : i32
    %broadcast_in_dim3A_144 = vector.broadcast %max3A_143 : i32 to vector<16xi32>
    %select_n3A_145 = arith.select %eq3A_142, %broadcast_in_dim3A_144, %broadcast_in_dim3A_137 : vector<16xi1>, vector<16xi32>
    %get3A_146 = arith.constant 1 : i32
    %get3A_147 = arith.index_cast %get3A_146 : i32 to index
    %get3A_148 = memref.load %arg10[%get3A_147] : memref<96xi32, #tpu.memory_space<smem>>
    %iota3A_149 = tpu.iota {dimensions = array<i32: 0>} : vector<16xi32>
    %eq3A_150 = arith.constant 1 : i32
    %eq3A_151 = vector.broadcast %eq3A_150 : i32 to vector<16xi32>
    %eq3A_152 = arith.cmpi eq, %iota3A_149, %eq3A_151 : vector<16xi32>
    %max3A_153 = arith.constant 0 : i32
    %max3A_154 = arith.maxsi %get3A_148, %max3A_153 : i32
    %broadcast_in_dim3A_155 = vector.broadcast %max3A_154 : i32 to vector<16xi32>
    %select_n3A_156 = arith.select %eq3A_152, %broadcast_in_dim3A_155, %select_n3A_145 : vector<16xi1>, vector<16xi32>
    %get3A_157 = arith.constant 2 : i32
    %get3A_158 = arith.index_cast %get3A_157 : i32 to index
    %get3A_159 = memref.load %arg10[%get3A_158] : memref<96xi32, #tpu.memory_space<smem>>
    %iota3A_160 = tpu.iota {dimensions = array<i32: 0>} : vector<16xi32>
    %eq3A_161 = arith.constant 2 : i32
    %eq3A_162 = vector.broadcast %eq3A_161 : i32 to vector<16xi32>
    %eq3A_163 = arith.cmpi eq, %iota3A_160, %eq3A_162 : vector<16xi32>
    %max3A_164 = arith.constant 0 : i32
    %max3A_165 = arith.maxsi %get3A_159, %max3A_164 : i32
    %broadcast_in_dim3A_166 = vector.broadcast %max3A_165 : i32 to vector<16xi32>
    %select_n3A_167 = arith.select %eq3A_163, %broadcast_in_dim3A_166, %select_n3A_156 : vector<16xi1>, vector<16xi32>
    %get3A_168 = arith.constant 3 : i32
    %get3A_169 = arith.index_cast %get3A_168 : i32 to index
    %get3A_170 = memref.load %arg10[%get3A_169] : memref<96xi32, #tpu.memory_space<smem>>
    %iota3A_171 = tpu.iota {dimensions = array<i32: 0>} : vector<16xi32>
    %eq3A_172 = arith.constant 3 : i32
    %eq3A_173 = vector.broadcast %eq3A_172 : i32 to vector<16xi32>
    %eq3A_174 = arith.cmpi eq, %iota3A_171, %eq3A_173 : vector<16xi32>
    %max3A_175 = arith.constant 0 : i32
    %max3A_176 = arith.maxsi %get3A_170, %max3A_175 : i32
    %broadcast_in_dim3A_177 = vector.broadcast %max3A_176 : i32 to vector<16xi32>
    %select_n3A_178 = arith.select %eq3A_174, %broadcast_in_dim3A_177, %select_n3A_167 : vector<16xi1>, vector<16xi32>
    %get3A_179 = arith.constant 4 : i32
    %get3A_180 = arith.index_cast %get3A_179 : i32 to index
    %get3A_181 = memref.load %arg10[%get3A_180] : memref<96xi32, #tpu.memory_space<smem>>
    %iota3A_182 = tpu.iota {dimensions = array<i32: 0>} : vector<16xi32>
    %eq3A_183 = arith.constant 4 : i32
    %eq3A_184 = vector.broadcast %eq3A_183 : i32 to vector<16xi32>
    %eq3A_185 = arith.cmpi eq, %iota3A_182, %eq3A_184 : vector<16xi32>
    %max3A_186 = arith.constant 0 : i32
    %max3A_187 = arith.maxsi %get3A_181, %max3A_186 : i32
    %broadcast_in_dim3A_188 = vector.broadcast %max3A_187 : i32 to vector<16xi32>
    %select_n3A_189 = arith.select %eq3A_185, %broadcast_in_dim3A_188, %select_n3A_178 : vector<16xi1>, vector<16xi32>
    %get3A_190 = arith.constant 5 : i32
    %get3A_191 = arith.index_cast %get3A_190 : i32 to index
    %get3A_192 = memref.load %arg10[%get3A_191] : memref<96xi32, #tpu.memory_space<smem>>
    %iota3A_193 = tpu.iota {dimensions = array<i32: 0>} : vector<16xi32>
    %eq3A_194 = arith.constant 5 : i32
    %eq3A_195 = vector.broadcast %eq3A_194 : i32 to vector<16xi32>
    %eq3A_196 = arith.cmpi eq, %iota3A_193, %eq3A_195 : vector<16xi32>
    %max3A_197 = arith.constant 0 : i32
    %max3A_198 = arith.maxsi %get3A_192, %max3A_197 : i32
    %broadcast_in_dim3A_199 = vector.broadcast %max3A_198 : i32 to vector<16xi32>
    %select_n3A_200 = arith.select %eq3A_196, %broadcast_in_dim3A_199, %select_n3A_189 : vector<16xi1>, vector<16xi32>
    %get3A_201 = arith.constant 6 : i32
    %get3A_202 = arith.index_cast %get3A_201 : i32 to index
    %get3A_203 = memref.load %arg10[%get3A_202] : memref<96xi32, #tpu.memory_space<smem>>
    %iota3A_204 = tpu.iota {dimensions = array<i32: 0>} : vector<16xi32>
    %eq3A_205 = arith.constant 6 : i32
    %eq3A_206 = vector.broadcast %eq3A_205 : i32 to vector<16xi32>
    %eq3A_207 = arith.cmpi eq, %iota3A_204, %eq3A_206 : vector<16xi32>
    %max3A_208 = arith.constant 0 : i32
    %max3A_209 = arith.maxsi %get3A_203, %max3A_208 : i32
    %broadcast_in_dim3A_210 = vector.broadcast %max3A_209 : i32 to vector<16xi32>
    %select_n3A_211 = arith.select %eq3A_207, %broadcast_in_dim3A_210, %select_n3A_200 : vector<16xi1>, vector<16xi32>
    %get3A_212 = arith.constant 7 : i32
    %get3A_213 = arith.index_cast %get3A_212 : i32 to index
    %get3A_214 = memref.load %arg10[%get3A_213] : memref<96xi32, #tpu.memory_space<smem>>
    %iota3A_215 = tpu.iota {dimensions = array<i32: 0>} : vector<16xi32>
    %eq3A_216 = arith.constant 7 : i32
    %eq3A_217 = vector.broadcast %eq3A_216 : i32 to vector<16xi32>
    %eq3A_218 = arith.cmpi eq, %iota3A_215, %eq3A_217 : vector<16xi32>
    %max3A_219 = arith.constant 0 : i32
    %max3A_220 = arith.maxsi %get3A_214, %max3A_219 : i32
    %broadcast_in_dim3A_221 = vector.broadcast %max3A_220 : i32 to vector<16xi32>
    %select_n3A_222 = arith.select %eq3A_218, %broadcast_in_dim3A_221, %select_n3A_211 : vector<16xi1>, vector<16xi32>
    %get3A_223 = arith.constant 8 : i32
    %get3A_224 = arith.index_cast %get3A_223 : i32 to index
    %get3A_225 = memref.load %arg10[%get3A_224] : memref<96xi32, #tpu.memory_space<smem>>
    %iota3A_226 = tpu.iota {dimensions = array<i32: 0>} : vector<16xi32>
    %eq3A_227 = arith.constant 8 : i32
    %eq3A_228 = vector.broadcast %eq3A_227 : i32 to vector<16xi32>
    %eq3A_229 = arith.cmpi eq, %iota3A_226, %eq3A_228 : vector<16xi32>
    %max3A_230 = arith.constant 0 : i32
    %max3A_231 = arith.maxsi %get3A_225, %max3A_230 : i32
    %broadcast_in_dim3A_232 = vector.broadcast %max3A_231 : i32 to vector<16xi32>
    %select_n3A_233 = arith.select %eq3A_229, %broadcast_in_dim3A_232, %select_n3A_222 : vector<16xi1>, vector<16xi32>
    %get3A_234 = arith.constant 9 : i32
    %get3A_235 = arith.index_cast %get3A_234 : i32 to index
    %get3A_236 = memref.load %arg10[%get3A_235] : memref<96xi32, #tpu.memory_space<smem>>
    %iota3A_237 = tpu.iota {dimensions = array<i32: 0>} : vector<16xi32>
    %eq3A_238 = arith.constant 9 : i32
    %eq3A_239 = vector.broadcast %eq3A_238 : i32 to vector<16xi32>
    %eq3A_240 = arith.cmpi eq, %iota3A_237, %eq3A_239 : vector<16xi32>
    %max3A_241 = arith.constant 0 : i32
    %max3A_242 = arith.maxsi %get3A_236, %max3A_241 : i32
    %broadcast_in_dim3A_243 = vector.broadcast %max3A_242 : i32 to vector<16xi32>
    %select_n3A_244 = arith.select %eq3A_240, %broadcast_in_dim3A_243, %select_n3A_233 : vector<16xi1>, vector<16xi32>
    %get3A_245 = arith.constant 10 : i32
    %get3A_246 = arith.index_cast %get3A_245 : i32 to index
    %get3A_247 = memref.load %arg10[%get3A_246] : memref<96xi32, #tpu.memory_space<smem>>
    %iota3A_248 = tpu.iota {dimensions = array<i32: 0>} : vector<16xi32>
    %eq3A_249 = arith.constant 10 : i32
    %eq3A_250 = vector.broadcast %eq3A_249 : i32 to vector<16xi32>
    %eq3A_251 = arith.cmpi eq, %iota3A_248, %eq3A_250 : vector<16xi32>
    %max3A_252 = arith.constant 0 : i32
    %max3A_253 = arith.maxsi %get3A_247, %max3A_252 : i32
    %broadcast_in_dim3A_254 = vector.broadcast %max3A_253 : i32 to vector<16xi32>
    %select_n3A_255 = arith.select %eq3A_251, %broadcast_in_dim3A_254, %select_n3A_244 : vector<16xi1>, vector<16xi32>
    %get3A_256 = arith.constant 11 : i32
    %get3A_257 = arith.index_cast %get3A_256 : i32 to index
    %get3A_258 = memref.load %arg10[%get3A_257] : memref<96xi32, #tpu.memory_space<smem>>
    %iota3A_259 = tpu.iota {dimensions = array<i32: 0>} : vector<16xi32>
    %eq3A_260 = arith.constant 11 : i32
    %eq3A_261 = vector.broadcast %eq3A_260 : i32 to vector<16xi32>
    %eq3A_262 = arith.cmpi eq, %iota3A_259, %eq3A_261 : vector<16xi32>
    %max3A_263 = arith.constant 0 : i32
    %max3A_264 = arith.maxsi %get3A_258, %max3A_263 : i32
    %broadcast_in_dim3A_265 = vector.broadcast %max3A_264 : i32 to vector<16xi32>
    %select_n3A_266 = arith.select %eq3A_262, %broadcast_in_dim3A_265, %select_n3A_255 : vector<16xi1>, vector<16xi32>
    %get3A_267 = arith.constant 12 : i32
    %get3A_268 = arith.index_cast %get3A_267 : i32 to index
    %get3A_269 = memref.load %arg10[%get3A_268] : memref<96xi32, #tpu.memory_space<smem>>
    %iota3A_270 = tpu.iota {dimensions = array<i32: 0>} : vector<16xi32>
    %eq3A_271 = arith.constant 12 : i32
    %eq3A_272 = vector.broadcast %eq3A_271 : i32 to vector<16xi32>
    %eq3A_273 = arith.cmpi eq, %iota3A_270, %eq3A_272 : vector<16xi32>
    %max3A_274 = arith.constant 0 : i32
    %max3A_275 = arith.maxsi %get3A_269, %max3A_274 : i32
    %broadcast_in_dim3A_276 = vector.broadcast %max3A_275 : i32 to vector<16xi32>
    %select_n3A_277 = arith.select %eq3A_273, %broadcast_in_dim3A_276, %select_n3A_266 : vector<16xi1>, vector<16xi32>
    %get3A_278 = arith.constant 13 : i32
    %get3A_279 = arith.index_cast %get3A_278 : i32 to index
    %get3A_280 = memref.load %arg10[%get3A_279] : memref<96xi32, #tpu.memory_space<smem>>
    %iota3A_281 = tpu.iota {dimensions = array<i32: 0>} : vector<16xi32>
    %eq3A_282 = arith.constant 13 : i32
    %eq3A_283 = vector.broadcast %eq3A_282 : i32 to vector<16xi32>
    %eq3A_284 = arith.cmpi eq, %iota3A_281, %eq3A_283 : vector<16xi32>
    %max3A_285 = arith.constant 0 : i32
    %max3A_286 = arith.maxsi %get3A_280, %max3A_285 : i32
    %broadcast_in_dim3A_287 = vector.broadcast %max3A_286 : i32 to vector<16xi32>
    %select_n3A_288 = arith.select %eq3A_284, %broadcast_in_dim3A_287, %select_n3A_277 : vector<16xi1>, vector<16xi32>
    %get3A_289 = arith.constant 14 : i32
    %get3A_290 = arith.index_cast %get3A_289 : i32 to index
    %get3A_291 = memref.load %arg10[%get3A_290] : memref<96xi32, #tpu.memory_space<smem>>
    %iota3A_292 = tpu.iota {dimensions = array<i32: 0>} : vector<16xi32>
    %eq3A_293 = arith.constant 14 : i32
    %eq3A_294 = vector.broadcast %eq3A_293 : i32 to vector<16xi32>
    %eq3A_295 = arith.cmpi eq, %iota3A_292, %eq3A_294 : vector<16xi32>
    %max3A_296 = arith.constant 0 : i32
    %max3A_297 = arith.maxsi %get3A_291, %max3A_296 : i32
    %broadcast_in_dim3A_298 = vector.broadcast %max3A_297 : i32 to vector<16xi32>
    %select_n3A_299 = arith.select %eq3A_295, %broadcast_in_dim3A_298, %select_n3A_288 : vector<16xi1>, vector<16xi32>
    %get3A_300 = arith.constant 15 : i32
    %get3A_301 = arith.index_cast %get3A_300 : i32 to index
    %get3A_302 = memref.load %arg10[%get3A_301] : memref<96xi32, #tpu.memory_space<smem>>
    %iota3A_303 = tpu.iota {dimensions = array<i32: 0>} : vector<16xi32>
    %eq3A_304 = arith.constant 15 : i32
    %eq3A_305 = vector.broadcast %eq3A_304 : i32 to vector<16xi32>
    %eq3A_306 = arith.cmpi eq, %iota3A_303, %eq3A_305 : vector<16xi32>
    %max3A_307 = arith.constant 0 : i32
    %max3A_308 = arith.maxsi %get3A_302, %max3A_307 : i32
    %broadcast_in_dim3A_309 = vector.broadcast %max3A_308 : i32 to vector<16xi32>
    %select_n3A_310 = arith.select %eq3A_306, %broadcast_in_dim3A_309, %select_n3A_299 : vector<16xi1>, vector<16xi32>
    %swap3A_311 = arith.constant 0 : index
    %swap3A_312 = tpu.vector_load %arg8[%swap3A_311] {strides = array<i32>} : memref<96xi32, #tpu.memory_space<vmem>>, vector<16xi32>,
    %swap3A_313 = vector.shape_cast %swap3A_312 : vector<16xi32> to vector<16xi32>
    %swap3A_314 = vector.shape_cast %select_n3A_310 : vector<16xi32> to vector<16xi32>
    tpu.vector_store %arg8[%swap3A_311], %swap3A_314 {strides = array<i32>} : memref<96xi32, #tpu.memory_space<vmem>>, vector<16xi32>,
    %broadcast_in_dim3A_315 = arith.constant 0 : i32
    %broadcast_in_dim3A_316 = vector.broadcast %broadcast_in_dim3A_315 : i32 to vector<16xi32>
    %get3A_317 = arith.constant 16 : i32
    %get3A_318 = arith.index_cast %get3A_317 : i32 to index
    %get3A_319 = memref.load %arg10[%get3A_318] : memref<96xi32, #tpu.memory_space<smem>>
    %iota3A_320 = tpu.iota {dimensions = array<i32: 0>} : vector<16xi32>
    %eq3A_321 = arith.constant 0 : i32
    %eq3A_322 = vector.broadcast %eq3A_321 : i32 to vector<16xi32>
    %eq3A_323 = arith.cmpi eq, %iota3A_320, %eq3A_322 : vector<16xi32>
    %max3A_324 = arith.constant 0 : i32
    %max3A_325 = arith.maxsi %get3A_319, %max3A_324 : i32
    %broadcast_in_dim3A_326 = vector.broadcast %max3A_325 : i32 to vector<16xi32>
    %select_n3A_327 = arith.select %eq3A_323, %broadcast_in_dim3A_326, %broadcast_in_dim3A_316 : vector<16xi1>, vector<16xi32>
    %get3A_328 = arith.constant 17 : i32
    %get3A_329 = arith.index_cast %get3A_328 : i32 to index
    %get3A_330 = memref.load %arg10[%get3A_329] : memref<96xi32, #tpu.memory_space<smem>>
    %iota3A_331 = tpu.iota {dimensions = array<i32: 0>} : vector<16xi32>
    %eq3A_332 = arith.constant 1 : i32
    %eq3A_333 = vector.broadcast %eq3A_332 : i32 to vector<16xi32>
    %eq3A_334 = arith.cmpi eq, %iota3A_331, %eq3A_333 : vector<16xi32>
    %max3A_335 = arith.constant 0 : i32
    %max3A_336 = arith.maxsi %get3A_330, %max3A_335 : i32
    %broadcast_in_dim3A_337 = vector.broadcast %max3A_336 : i32 to vector<16xi32>
    %select_n3A_338 = arith.select %eq3A_334, %broadcast_in_dim3A_337, %select_n3A_327 : vector<16xi1>, vector<16xi32>
    %get3A_339 = arith.constant 18 : i32
    %get3A_340 = arith.index_cast %get3A_339 : i32 to index
    %get3A_341 = memref.load %arg10[%get3A_340] : memref<96xi32, #tpu.memory_space<smem>>
    %iota3A_342 = tpu.iota {dimensions = array<i32: 0>} : vector<16xi32>
    %eq3A_343 = arith.constant 2 : i32
    %eq3A_344 = vector.broadcast %eq3A_343 : i32 to vector<16xi32>
    %eq3A_345 = arith.cmpi eq, %iota3A_342, %eq3A_344 : vector<16xi32>
    %max3A_346 = arith.constant 0 : i32
    %max3A_347 = arith.maxsi %get3A_341, %max3A_346 : i32
    %broadcast_in_dim3A_348 = vector.broadcast %max3A_347 : i32 to vector<16xi32>
    %select_n3A_349 = arith.select %eq3A_345, %broadcast_in_dim3A_348, %select_n3A_338 : vector<16xi1>, vector<16xi32>
    %get3A_350 = arith.constant 19 : i32
    %get3A_351 = arith.index_cast %get3A_350 : i32 to index
    %get3A_352 = memref.load %arg10[%get3A_351] : memref<96xi32, #tpu.memory_space<smem>>
    %iota3A_353 = tpu.iota {dimensions = array<i32: 0>} : vector<16xi32>
    %eq3A_354 = arith.constant 3 : i32
    %eq3A_355 = vector.broadcast %eq3A_354 : i32 to vector<16xi32>
    %eq3A_356 = arith.cmpi eq, %iota3A_353, %eq3A_355 : vector<16xi32>
    %max3A_357 = arith.constant 0 : i32
    %max3A_358 = arith.maxsi %get3A_352, %max3A_357 : i32
    %broadcast_in_dim3A_359 = vector.broadcast %max3A_358 : i32 to vector<16xi32>
    %select_n3A_360 = arith.select %eq3A_356, %broadcast_in_dim3A_359, %select_n3A_349 : vector<16xi1>, vector<16xi32>
    %get3A_361 = arith.constant 20 : i32
    %get3A_362 = arith.index_cast %get3A_361 : i32 to index
    %get3A_363 = memref.load %arg10[%get3A_362] : memref<96xi32, #tpu.memory_space<smem>>
    %iota3A_364 = tpu.iota {dimensions = array<i32: 0>} : vector<16xi32>
    %eq3A_365 = arith.constant 4 : i32
    %eq3A_366 = vector.broadcast %eq3A_365 : i32 to vector<16xi32>
    %eq3A_367 = arith.cmpi eq, %iota3A_364, %eq3A_366 : vector<16xi32>
    %max3A_368 = arith.constant 0 : i32
    %max3A_369 = arith.maxsi %get3A_363, %max3A_368 : i32
    %broadcast_in_dim3A_370 = vector.broadcast %max3A_369 : i32 to vector<16xi32>
    %select_n3A_371 = arith.select %eq3A_367, %broadcast_in_dim3A_370, %select_n3A_360 : vector<16xi1>, vector<16xi32>
    %get3A_372 = arith.constant 21 : i32
    %get3A_373 = arith.index_cast %get3A_372 : i32 to index
    %get3A_374 = memref.load %arg10[%get3A_373] : memref<96xi32, #tpu.memory_space<smem>>
    %iota3A_375 = tpu.iota {dimensions = array<i32: 0>} : vector<16xi32>
    %eq3A_376 = arith.constant 5 : i32
    %eq3A_377 = vector.broadcast %eq3A_376 : i32 to vector<16xi32>
    %eq3A_378 = arith.cmpi eq, %iota3A_375, %eq3A_377 : vector<16xi32>
    %max3A_379 = arith.constant 0 : i32
    %max3A_380 = arith.maxsi %get3A_374, %max3A_379 : i32
    %broadcast_in_dim3A_381 = vector.broadcast %max3A_380 : i32 to vector<16xi32>
    %select_n3A_382 = arith.select %eq3A_378, %broadcast_in_dim3A_381, %select_n3A_371 : vector<16xi1>, vector<16xi32>
    %get3A_383 = arith.constant 22 : i32
    %get3A_384 = arith.index_cast %get3A_383 : i32 to index
    %get3A_385 = memref.load %arg10[%get3A_384] : memref<96xi32, #tpu.memory_space<smem>>
    %iota3A_386 = tpu.iota {dimensions = array<i32: 0>} : vector<16xi32>
    %eq3A_387 = arith.constant 6 : i32
    %eq3A_388 = vector.broadcast %eq3A_387 : i32 to vector<16xi32>
    %eq3A_389 = arith.cmpi eq, %iota3A_386, %eq3A_388 : vector<16xi32>
    %max3A_390 = arith.constant 0 : i32
    %max3A_391 = arith.maxsi %get3A_385, %max3A_390 : i32
    %broadcast_in_dim3A_392 = vector.broadcast %max3A_391 : i32 to vector<16xi32>
    %select_n3A_393 = arith.select %eq3A_389, %broadcast_in_dim3A_392, %select_n3A_382 : vector<16xi1>, vector<16xi32>
    %get3A_394 = arith.constant 23 : i32
    %get3A_395 = arith.index_cast %get3A_394 : i32 to index
    %get3A_396 = memref.load %arg10[%get3A_395] : memref<96xi32, #tpu.memory_space<smem>>
    %iota3A_397 = tpu.iota {dimensions = array<i32: 0>} : vector<16xi32>
    %eq3A_398 = arith.constant 7 : i32
    %eq3A_399 = vector.broadcast %eq3A_398 : i32 to vector<16xi32>
    %eq3A_400 = arith.cmpi eq, %iota3A_397, %eq3A_399 : vector<16xi32>
    %max3A_401 = arith.constant 0 : i32
    %max3A_402 = arith.maxsi %get3A_396, %max3A_401 : i32
    %broadcast_in_dim3A_403 = vector.broadcast %max3A_402 : i32 to vector<16xi32>
    %select_n3A_404 = arith.select %eq3A_400, %broadcast_in_dim3A_403, %select_n3A_393 : vector<16xi1>, vector<16xi32>
    %get3A_405 = arith.constant 24 : i32
    %get3A_406 = arith.index_cast %get3A_405 : i32 to index
    %get3A_407 = memref.load %arg10[%get3A_406] : memref<96xi32, #tpu.memory_space<smem>>
    %iota3A_408 = tpu.iota {dimensions = array<i32: 0>} : vector<16xi32>
    %eq3A_409 = arith.constant 8 : i32
    %eq3A_410 = vector.broadcast %eq3A_409 : i32 to vector<16xi32>
    %eq3A_411 = arith.cmpi eq, %iota3A_408, %eq3A_410 : vector<16xi32>
    %max3A_412 = arith.constant 0 : i32
    %max3A_413 = arith.maxsi %get3A_407, %max3A_412 : i32
    %broadcast_in_dim3A_414 = vector.broadcast %max3A_413 : i32 to vector<16xi32>
    %select_n3A_415 = arith.select %eq3A_411, %broadcast_in_dim3A_414, %select_n3A_404 : vector<16xi1>, vector<16xi32>
    %get3A_416 = arith.constant 25 : i32
    %get3A_417 = arith.index_cast %get3A_416 : i32 to index
    %get3A_418 = memref.load %arg10[%get3A_417] : memref<96xi32, #tpu.memory_space<smem>>
    %iota3A_419 = tpu.iota {dimensions = array<i32: 0>} : vector<16xi32>
    %eq3A_420 = arith.constant 9 : i32
    %eq3A_421 = vector.broadcast %eq3A_420 : i32 to vector<16xi32>
    %eq3A_422 = arith.cmpi eq, %iota3A_419, %eq3A_421 : vector<16xi32>
    %max3A_423 = arith.constant 0 : i32
    %max3A_424 = arith.maxsi %get3A_418, %max3A_423 : i32
    %broadcast_in_dim3A_425 = vector.broadcast %max3A_424 : i32 to vector<16xi32>
    %select_n3A_426 = arith.select %eq3A_422, %broadcast_in_dim3A_425, %select_n3A_415 : vector<16xi1>, vector<16xi32>
    %get3A_427 = arith.constant 26 : i32
    %get3A_428 = arith.index_cast %get3A_427 : i32 to index
    %get3A_429 = memref.load %arg10[%get3A_428] : memref<96xi32, #tpu.memory_space<smem>>
    %iota3A_430 = tpu.iota {dimensions = array<i32: 0>} : vector<16xi32>
    %eq3A_431 = arith.constant 10 : i32
    %eq3A_432 = vector.broadcast %eq3A_431 : i32 to vector<16xi32>
    %eq3A_433 = arith.cmpi eq, %iota3A_430, %eq3A_432 : vector<16xi32>
    %max3A_434 = arith.constant 0 : i32
    %max3A_435 = arith.maxsi %get3A_429, %max3A_434 : i32
    %broadcast_in_dim3A_436 = vector.broadcast %max3A_435 : i32 to vector<16xi32>
    %select_n3A_437 = arith.select %eq3A_433, %broadcast_in_dim3A_436, %select_n3A_426 : vector<16xi1>, vector<16xi32>
    %get3A_438 = arith.constant 27 : i32
    %get3A_439 = arith.index_cast %get3A_438 : i32 to index
    %get3A_440 = memref.load %arg10[%get3A_439] : memref<96xi32, #tpu.memory_space<smem>>
    %iota3A_441 = tpu.iota {dimensions = array<i32: 0>} : vector<16xi32>
    %eq3A_442 = arith.constant 11 : i32
    %eq3A_443 = vector.broadcast %eq3A_442 : i32 to vector<16xi32>
    %eq3A_444 = arith.cmpi eq, %iota3A_441, %eq3A_443 : vector<16xi32>
    %max3A_445 = arith.constant 0 : i32
    %max3A_446 = arith.maxsi %get3A_440, %max3A_445 : i32
    %broadcast_in_dim3A_447 = vector.broadcast %max3A_446 : i32 to vector<16xi32>
    %select_n3A_448 = arith.select %eq3A_444, %broadcast_in_dim3A_447, %select_n3A_437 : vector<16xi1>, vector<16xi32>
    %get3A_449 = arith.constant 28 : i32
    %get3A_450 = arith.index_cast %get3A_449 : i32 to index
    %get3A_451 = memref.load %arg10[%get3A_450] : memref<96xi32, #tpu.memory_space<smem>>
    %iota3A_452 = tpu.iota {dimensions = array<i32: 0>} : vector<16xi32>
    %eq3A_453 = arith.constant 12 : i32
    %eq3A_454 = vector.broadcast %eq3A_453 : i32 to vector<16xi32>
    %eq3A_455 = arith.cmpi eq, %iota3A_452, %eq3A_454 : vector<16xi32>
    %max3A_456 = arith.constant 0 : i32
    %max3A_457 = arith.maxsi %get3A_451, %max3A_456 : i32
    %broadcast_in_dim3A_458 = vector.broadcast %max3A_457 : i32 to vector<16xi32>
    %select_n3A_459 = arith.select %eq3A_455, %broadcast_in_dim3A_458, %select_n3A_448 : vector<16xi1>, vector<16xi32>
    %get3A_460 = arith.constant 29 : i32
    %get3A_461 = arith.index_cast %get3A_460 : i32 to index
    %get3A_462 = memref.load %arg10[%get3A_461] : memref<96xi32, #tpu.memory_space<smem>>
    %iota3A_463 = tpu.iota {dimensions = array<i32: 0>} : vector<16xi32>
    %eq3A_464 = arith.constant 13 : i32
    %eq3A_465 = vector.broadcast %eq3A_464 : i32 to vector<16xi32>
    %eq3A_466 = arith.cmpi eq, %iota3A_463, %eq3A_465 : vector<16xi32>
    %max3A_467 = arith.constant 0 : i32
    %max3A_468 = arith.maxsi %get3A_462, %max3A_467 : i32
    %broadcast_in_dim3A_469 = vector.broadcast %max3A_468 : i32 to vector<16xi32>
    %select_n3A_470 = arith.select %eq3A_466, %broadcast_in_dim3A_469, %select_n3A_459 : vector<16xi1>, vector<16xi32>
    %get3A_471 = arith.constant 30 : i32
    %get3A_472 = arith.index_cast %get3A_471 : i32 to index
    %get3A_473 = memref.load %arg10[%get3A_472] : memref<96xi32, #tpu.memory_space<smem>>
    %iota3A_474 = tpu.iota {dimensions = array<i32: 0>} : vector<16xi32>
    %eq3A_475 = arith.constant 14 : i32
    %eq3A_476 = vector.broadcast %eq3A_475 : i32 to vector<16xi32>
    %eq3A_477 = arith.cmpi eq, %iota3A_474, %eq3A_476 : vector<16xi32>
    %max3A_478 = arith.constant 0 : i32
    %max3A_479 = arith.maxsi %get3A_473, %max3A_478 : i32
    %broadcast_in_dim3A_480 = vector.broadcast %max3A_479 : i32 to vector<16xi32>
    %select_n3A_481 = arith.select %eq3A_477, %broadcast_in_dim3A_480, %select_n3A_470 : vector<16xi1>, vector<16xi32>
    %get3A_482 = arith.constant 31 : i32
    %get3A_483 = arith.index_cast %get3A_482 : i32 to index
    %get3A_484 = memref.load %arg10[%get3A_483] : memref<96xi32, #tpu.memory_space<smem>>
    %iota3A_485 = tpu.iota {dimensions = array<i32: 0>} : vector<16xi32>
    %eq3A_486 = arith.constant 15 : i32
    %eq3A_487 = vector.broadcast %eq3A_486 : i32 to vector<16xi32>
    %eq3A_488 = arith.cmpi eq, %iota3A_485, %eq3A_487 : vector<16xi32>
    %max3A_489 = arith.constant 0 : i32
    %max3A_490 = arith.maxsi %get3A_484, %max3A_489 : i32
    %broadcast_in_dim3A_491 = vector.broadcast %max3A_490 : i32 to vector<16xi32>
    %select_n3A_492 = arith.select %eq3A_488, %broadcast_in_dim3A_491, %select_n3A_481 : vector<16xi1>, vector<16xi32>
    %swap3A_493 = arith.constant 16 : index
    %swap3A_494 = tpu.vector_load %arg8[%swap3A_493] {strides = array<i32>} : memref<96xi32, #tpu.memory_space<vmem>>, vector<16xi32>,
    %swap3A_495 = vector.shape_cast %swap3A_494 : vector<16xi32> to vector<16xi32>
    %swap3A_496 = vector.shape_cast %select_n3A_492 : vector<16xi32> to vector<16xi32>
    tpu.vector_store %arg8[%swap3A_493], %swap3A_496 {strides = array<i32>} : memref<96xi32, #tpu.memory_space<vmem>>, vector<16xi32>,
    %broadcast_in_dim3A_497 = arith.constant 0 : i32
    %broadcast_in_dim3A_498 = vector.broadcast %broadcast_in_dim3A_497 : i32 to vector<16xi32>
    %get3A_499 = arith.constant 32 : i32
    %get3A_500 = arith.index_cast %get3A_499 : i32 to index
    %get3A_501 = memref.load %arg10[%get3A_500] : memref<96xi32, #tpu.memory_space<smem>>
    %iota3A_502 = tpu.iota {dimensions = array<i32: 0>} : vector<16xi32>
    %eq3A_503 = arith.constant 0 : i32
    %eq3A_504 = vector.broadcast %eq3A_503 : i32 to vector<16xi32>
    %eq3A_505 = arith.cmpi eq, %iota3A_502, %eq3A_504 : vector<16xi32>
    %max3A_506 = arith.constant 0 : i32
    %max3A_507 = arith.maxsi %get3A_501, %max3A_506 : i32
    %broadcast_in_dim3A_508 = vector.broadcast %max3A_507 : i32 to vector<16xi32>
    %select_n3A_509 = arith.select %eq3A_505, %broadcast_in_dim3A_508, %broadcast_in_dim3A_498 : vector<16xi1>, vector<16xi32>
    %get3A_510 = arith.constant 33 : i32
    %get3A_511 = arith.index_cast %get3A_510 : i32 to index
    %get3A_512 = memref.load %arg10[%get3A_511] : memref<96xi32, #tpu.memory_space<smem>>
    %iota3A_513 = tpu.iota {dimensions = array<i32: 0>} : vector<16xi32>
    %eq3A_514 = arith.constant 1 : i32
    %eq3A_515 = vector.broadcast %eq3A_514 : i32 to vector<16xi32>
    %eq3A_516 = arith.cmpi eq, %iota3A_513, %eq3A_515 : vector<16xi32>
    %max3A_517 = arith.constant 0 : i32
    %max3A_518 = arith.maxsi %get3A_512, %max3A_517 : i32
    %broadcast_in_dim3A_519 = vector.broadcast %max3A_518 : i32 to vector<16xi32>
    %select_n3A_520 = arith.select %eq3A_516, %broadcast_in_dim3A_519, %select_n3A_509 : vector<16xi1>, vector<16xi32>
    %get3A_521 = arith.constant 34 : i32
    %get3A_522 = arith.index_cast %get3A_521 : i32 to index
    %get3A_523 = memref.load %arg10[%get3A_522] : memref<96xi32, #tpu.memory_space<smem>>
    %iota3A_524 = tpu.iota {dimensions = array<i32: 0>} : vector<16xi32>
    %eq3A_525 = arith.constant 2 : i32
    %eq3A_526 = vector.broadcast %eq3A_525 : i32 to vector<16xi32>
    %eq3A_527 = arith.cmpi eq, %iota3A_524, %eq3A_526 : vector<16xi32>
    %max3A_528 = arith.constant 0 : i32
    %max3A_529 = arith.maxsi %get3A_523, %max3A_528 : i32
    %broadcast_in_dim3A_530 = vector.broadcast %max3A_529 : i32 to vector<16xi32>
    %select_n3A_531 = arith.select %eq3A_527, %broadcast_in_dim3A_530, %select_n3A_520 : vector<16xi1>, vector<16xi32>
    %get3A_532 = arith.constant 35 : i32
    %get3A_533 = arith.index_cast %get3A_532 : i32 to index
    %get3A_534 = memref.load %arg10[%get3A_533] : memref<96xi32, #tpu.memory_space<smem>>
    %iota3A_535 = tpu.iota {dimensions = array<i32: 0>} : vector<16xi32>
    %eq3A_536 = arith.constant 3 : i32
    %eq3A_537 = vector.broadcast %eq3A_536 : i32 to vector<16xi32>
    %eq3A_538 = arith.cmpi eq, %iota3A_535, %eq3A_537 : vector<16xi32>
    %max3A_539 = arith.constant 0 : i32
    %max3A_540 = arith.maxsi %get3A_534, %max3A_539 : i32
    %broadcast_in_dim3A_541 = vector.broadcast %max3A_540 : i32 to vector<16xi32>
    %select_n3A_542 = arith.select %eq3A_538, %broadcast_in_dim3A_541, %select_n3A_531 : vector<16xi1>, vector<16xi32>
    %get3A_543 = arith.constant 36 : i32
    %get3A_544 = arith.index_cast %get3A_543 : i32 to index
    %get3A_545 = memref.load %arg10[%get3A_544] : memref<96xi32, #tpu.memory_space<smem>>
    %iota3A_546 = tpu.iota {dimensions = array<i32: 0>} : vector<16xi32>
    %eq3A_547 = arith.constant 4 : i32
    %eq3A_548 = vector.broadcast %eq3A_547 : i32 to vector<16xi32>
    %eq3A_549 = arith.cmpi eq, %iota3A_546, %eq3A_548 : vector<16xi32>
    %max3A_550 = arith.constant 0 : i32
    %max3A_551 = arith.maxsi %get3A_545, %max3A_550 : i32
    %broadcast_in_dim3A_552 = vector.broadcast %max3A_551 : i32 to vector<16xi32>
    %select_n3A_553 = arith.select %eq3A_549, %broadcast_in_dim3A_552, %select_n3A_542 : vector<16xi1>, vector<16xi32>
    %get3A_554 = arith.constant 37 : i32
    %get3A_555 = arith.index_cast %get3A_554 : i32 to index
    %get3A_556 = memref.load %arg10[%get3A_555] : memref<96xi32, #tpu.memory_space<smem>>
    %iota3A_557 = tpu.iota {dimensions = array<i32: 0>} : vector<16xi32>
    %eq3A_558 = arith.constant 5 : i32
    %eq3A_559 = vector.broadcast %eq3A_558 : i32 to vector<16xi32>
    %eq3A_560 = arith.cmpi eq, %iota3A_557, %eq3A_559 : vector<16xi32>
    %max3A_561 = arith.constant 0 : i32
    %max3A_562 = arith.maxsi %get3A_556, %max3A_561 : i32
    %broadcast_in_dim3A_563 = vector.broadcast %max3A_562 : i32 to vector<16xi32>
    %select_n3A_564 = arith.select %eq3A_560, %broadcast_in_dim3A_563, %select_n3A_553 : vector<16xi1>, vector<16xi32>
    %get3A_565 = arith.constant 38 : i32
    %get3A_566 = arith.index_cast %get3A_565 : i32 to index
    %get3A_567 = memref.load %arg10[%get3A_566] : memref<96xi32, #tpu.memory_space<smem>>
    %iota3A_568 = tpu.iota {dimensions = array<i32: 0>} : vector<16xi32>
    %eq3A_569 = arith.constant 6 : i32
    %eq3A_570 = vector.broadcast %eq3A_569 : i32 to vector<16xi32>
    %eq3A_571 = arith.cmpi eq, %iota3A_568, %eq3A_570 : vector<16xi32>
    %max3A_572 = arith.constant 0 : i32
    %max3A_573 = arith.maxsi %get3A_567, %max3A_572 : i32
    %broadcast_in_dim3A_574 = vector.broadcast %max3A_573 : i32 to vector<16xi32>
    %select_n3A_575 = arith.select %eq3A_571, %broadcast_in_dim3A_574, %select_n3A_564 : vector<16xi1>, vector<16xi32>
    %get3A_576 = arith.constant 39 : i32
    %get3A_577 = arith.index_cast %get3A_576 : i32 to index
    %get3A_578 = memref.load %arg10[%get3A_577] : memref<96xi32, #tpu.memory_space<smem>>
    %iota3A_579 = tpu.iota {dimensions = array<i32: 0>} : vector<16xi32>
    %eq3A_580 = arith.constant 7 : i32
    %eq3A_581 = vector.broadcast %eq3A_580 : i32 to vector<16xi32>
    %eq3A_582 = arith.cmpi eq, %iota3A_579, %eq3A_581 : vector<16xi32>
    %max3A_583 = arith.constant 0 : i32
    %max3A_584 = arith.maxsi %get3A_578, %max3A_583 : i32
    %broadcast_in_dim3A_585 = vector.broadcast %max3A_584 : i32 to vector<16xi32>
    %select_n3A_586 = arith.select %eq3A_582, %broadcast_in_dim3A_585, %select_n3A_575 : vector<16xi1>, vector<16xi32>
    %get3A_587 = arith.constant 40 : i32
    %get3A_588 = arith.index_cast %get3A_587 : i32 to index
    %get3A_589 = memref.load %arg10[%get3A_588] : memref<96xi32, #tpu.memory_space<smem>>
    %iota3A_590 = tpu.iota {dimensions = array<i32: 0>} : vector<16xi32>
    %eq3A_591 = arith.constant 8 : i32
    %eq3A_592 = vector.broadcast %eq3A_591 : i32 to vector<16xi32>
    %eq3A_593 = arith.cmpi eq, %iota3A_590, %eq3A_592 : vector<16xi32>
    %max3A_594 = arith.constant 0 : i32
    %max3A_595 = arith.maxsi %get3A_589, %max3A_594 : i32
    %broadcast_in_dim3A_596 = vector.broadcast %max3A_595 : i32 to vector<16xi32>
    %select_n3A_597 = arith.select %eq3A_593, %broadcast_in_dim3A_596, %select_n3A_586 : vector<16xi1>, vector<16xi32>
    %get3A_598 = arith.constant 41 : i32
    %get3A_599 = arith.index_cast %get3A_598 : i32 to index
    %get3A_600 = memref.load %arg10[%get3A_599] : memref<96xi32, #tpu.memory_space<smem>>
    %iota3A_601 = tpu.iota {dimensions = array<i32: 0>} : vector<16xi32>
    %eq3A_602 = arith.constant 9 : i32
    %eq3A_603 = vector.broadcast %eq3A_602 : i32 to vector<16xi32>
    %eq3A_604 = arith.cmpi eq, %iota3A_601, %eq3A_603 : vector<16xi32>
    %max3A_605 = arith.constant 0 : i32
    %max3A_606 = arith.maxsi %get3A_600, %max3A_605 : i32
    %broadcast_in_dim3A_607 = vector.broadcast %max3A_606 : i32 to vector<16xi32>
    %select_n3A_608 = arith.select %eq3A_604, %broadcast_in_dim3A_607, %select_n3A_597 : vector<16xi1>, vector<16xi32>
    %get3A_609 = arith.constant 42 : i32
    %get3A_610 = arith.index_cast %get3A_609 : i32 to index
    %get3A_611 = memref.load %arg10[%get3A_610] : memref<96xi32, #tpu.memory_space<smem>>
    %iota3A_612 = tpu.iota {dimensions = array<i32: 0>} : vector<16xi32>
    %eq3A_613 = arith.constant 10 : i32
    %eq3A_614 = vector.broadcast %eq3A_613 : i32 to vector<16xi32>
    %eq3A_615 = arith.cmpi eq, %iota3A_612, %eq3A_614 : vector<16xi32>
    %max3A_616 = arith.constant 0 : i32
    %max3A_617 = arith.maxsi %get3A_611, %max3A_616 : i32
    %broadcast_in_dim3A_618 = vector.broadcast %max3A_617 : i32 to vector<16xi32>
    %select_n3A_619 = arith.select %eq3A_615, %broadcast_in_dim3A_618, %select_n3A_608 : vector<16xi1>, vector<16xi32>
    %get3A_620 = arith.constant 43 : i32
    %get3A_621 = arith.index_cast %get3A_620 : i32 to index
    %get3A_622 = memref.load %arg10[%get3A_621] : memref<96xi32, #tpu.memory_space<smem>>
    %iota3A_623 = tpu.iota {dimensions = array<i32: 0>} : vector<16xi32>
    %eq3A_624 = arith.constant 11 : i32
    %eq3A_625 = vector.broadcast %eq3A_624 : i32 to vector<16xi32>
    %eq3A_626 = arith.cmpi eq, %iota3A_623, %eq3A_625 : vector<16xi32>
    %max3A_627 = arith.constant 0 : i32
    %max3A_628 = arith.maxsi %get3A_622, %max3A_627 : i32
    %broadcast_in_dim3A_629 = vector.broadcast %max3A_628 : i32 to vector<16xi32>
    %select_n3A_630 = arith.select %eq3A_626, %broadcast_in_dim3A_629, %select_n3A_619 : vector<16xi1>, vector<16xi32>
    %get3A_631 = arith.constant 44 : i32
    %get3A_632 = arith.index_cast %get3A_631 : i32 to index
    %get3A_633 = memref.load %arg10[%get3A_632] : memref<96xi32, #tpu.memory_space<smem>>
    %iota3A_634 = tpu.iota {dimensions = array<i32: 0>} : vector<16xi32>
    %eq3A_635 = arith.constant 12 : i32
    %eq3A_636 = vector.broadcast %eq3A_635 : i32 to vector<16xi32>
    %eq3A_637 = arith.cmpi eq, %iota3A_634, %eq3A_636 : vector<16xi32>
    %max3A_638 = arith.constant 0 : i32
    %max3A_639 = arith.maxsi %get3A_633, %max3A_638 : i32
    %broadcast_in_dim3A_640 = vector.broadcast %max3A_639 : i32 to vector<16xi32>
    %select_n3A_641 = arith.select %eq3A_637, %broadcast_in_dim3A_640, %select_n3A_630 : vector<16xi1>, vector<16xi32>
    %get3A_642 = arith.constant 45 : i32
    %get3A_643 = arith.index_cast %get3A_642 : i32 to index
    %get3A_644 = memref.load %arg10[%get3A_643] : memref<96xi32, #tpu.memory_space<smem>>
    %iota3A_645 = tpu.iota {dimensions = array<i32: 0>} : vector<16xi32>
    %eq3A_646 = arith.constant 13 : i32
    %eq3A_647 = vector.broadcast %eq3A_646 : i32 to vector<16xi32>
    %eq3A_648 = arith.cmpi eq, %iota3A_645, %eq3A_647 : vector<16xi32>
    %max3A_649 = arith.constant 0 : i32
    %max3A_650 = arith.maxsi %get3A_644, %max3A_649 : i32
    %broadcast_in_dim3A_651 = vector.broadcast %max3A_650 : i32 to vector<16xi32>
    %select_n3A_652 = arith.select %eq3A_648, %broadcast_in_dim3A_651, %select_n3A_641 : vector<16xi1>, vector<16xi32>
    %get3A_653 = arith.constant 46 : i32
    %get3A_654 = arith.index_cast %get3A_653 : i32 to index
    %get3A_655 = memref.load %arg10[%get3A_654] : memref<96xi32, #tpu.memory_space<smem>>
    %iota3A_656 = tpu.iota {dimensions = array<i32: 0>} : vector<16xi32>
    %eq3A_657 = arith.constant 14 : i32
    %eq3A_658 = vector.broadcast %eq3A_657 : i32 to vector<16xi32>
    %eq3A_659 = arith.cmpi eq, %iota3A_656, %eq3A_658 : vector<16xi32>
    %max3A_660 = arith.constant 0 : i32
    %max3A_661 = arith.maxsi %get3A_655, %max3A_660 : i32
    %broadcast_in_dim3A_662 = vector.broadcast %max3A_661 : i32 to vector<16xi32>
    %select_n3A_663 = arith.select %eq3A_659, %broadcast_in_dim3A_662, %select_n3A_652 : vector<16xi1>, vector<16xi32>
    %get3A_664 = arith.constant 47 : i32
    %get3A_665 = arith.index_cast %get3A_664 : i32 to index
    %get3A_666 = memref.load %arg10[%get3A_665] : memref<96xi32, #tpu.memory_space<smem>>
    %iota3A_667 = tpu.iota {dimensions = array<i32: 0>} : vector<16xi32>
    %eq3A_668 = arith.constant 15 : i32
    %eq3A_669 = vector.broadcast %eq3A_668 : i32 to vector<16xi32>
    %eq3A_670 = arith.cmpi eq, %iota3A_667, %eq3A_669 : vector<16xi32>
    %max3A_671 = arith.constant 0 : i32
    %max3A_672 = arith.maxsi %get3A_666, %max3A_671 : i32
    %broadcast_in_dim3A_673 = vector.broadcast %max3A_672 : i32 to vector<16xi32>
    %select_n3A_674 = arith.select %eq3A_670, %broadcast_in_dim3A_673, %select_n3A_663 : vector<16xi1>, vector<16xi32>
    %swap3A_675 = arith.constant 32 : index
    %swap3A_676 = tpu.vector_load %arg8[%swap3A_675] {strides = array<i32>} : memref<96xi32, #tpu.memory_space<vmem>>, vector<16xi32>,
    %swap3A_677 = vector.shape_cast %swap3A_676 : vector<16xi32> to vector<16xi32>
    %swap3A_678 = vector.shape_cast %select_n3A_674 : vector<16xi32> to vector<16xi32>
    tpu.vector_store %arg8[%swap3A_675], %swap3A_678 {strides = array<i32>} : memref<96xi32, #tpu.memory_space<vmem>>, vector<16xi32>,
    %broadcast_in_dim3A_679 = arith.constant 0 : i32
    %broadcast_in_dim3A_680 = vector.broadcast %broadcast_in_dim3A_679 : i32 to vector<16xi32>
    %get3A_681 = arith.constant 48 : i32
    %get3A_682 = arith.index_cast %get3A_681 : i32 to index
    %get3A_683 = memref.load %arg10[%get3A_682] : memref<96xi32, #tpu.memory_space<smem>>
    %iota3A_684 = tpu.iota {dimensions = array<i32: 0>} : vector<16xi32>
    %eq3A_685 = arith.constant 0 : i32
    %eq3A_686 = vector.broadcast %eq3A_685 : i32 to vector<16xi32>
    %eq3A_687 = arith.cmpi eq, %iota3A_684, %eq3A_686 : vector<16xi32>
    %max3A_688 = arith.constant 0 : i32
    %max3A_689 = arith.maxsi %get3A_683, %max3A_688 : i32
    %broadcast_in_dim3A_690 = vector.broadcast %max3A_689 : i32 to vector<16xi32>
    %select_n3A_691 = arith.select %eq3A_687, %broadcast_in_dim3A_690, %broadcast_in_dim3A_680 : vector<16xi1>, vector<16xi32>
    %get3A_692 = arith.constant 49 : i32
    %get3A_693 = arith.index_cast %get3A_692 : i32 to index
    %get3A_694 = memref.load %arg10[%get3A_693] : memref<96xi32, #tpu.memory_space<smem>>
    %iota3A_695 = tpu.iota {dimensions = array<i32: 0>} : vector<16xi32>
    %eq3A_696 = arith.constant 1 : i32
    %eq3A_697 = vector.broadcast %eq3A_696 : i32 to vector<16xi32>
    %eq3A_698 = arith.cmpi eq, %iota3A_695, %eq3A_697 : vector<16xi32>
    %max3A_699 = arith.constant 0 : i32
    %max3A_700 = arith.maxsi %get3A_694, %max3A_699 : i32
    %broadcast_in_dim3A_701 = vector.broadcast %max3A_700 : i32 to vector<16xi32>
    %select_n3A_702 = arith.select %eq3A_698, %broadcast_in_dim3A_701, %select_n3A_691 : vector<16xi1>, vector<16xi32>
    %get3A_703 = arith.constant 50 : i32
    %get3A_704 = arith.index_cast %get3A_703 : i32 to index
    %get3A_705 = memref.load %arg10[%get3A_704] : memref<96xi32, #tpu.memory_space<smem>>
    %iota3A_706 = tpu.iota {dimensions = array<i32: 0>} : vector<16xi32>
    %eq3A_707 = arith.constant 2 : i32
    %eq3A_708 = vector.broadcast %eq3A_707 : i32 to vector<16xi32>
    %eq3A_709 = arith.cmpi eq, %iota3A_706, %eq3A_708 : vector<16xi32>
    %max3A_710 = arith.constant 0 : i32
    %max3A_711 = arith.maxsi %get3A_705, %max3A_710 : i32
    %broadcast_in_dim3A_712 = vector.broadcast %max3A_711 : i32 to vector<16xi32>
    %select_n3A_713 = arith.select %eq3A_709, %broadcast_in_dim3A_712, %select_n3A_702 : vector<16xi1>, vector<16xi32>
    %get3A_714 = arith.constant 51 : i32
    %get3A_715 = arith.index_cast %get3A_714 : i32 to index
    %get3A_716 = memref.load %arg10[%get3A_715] : memref<96xi32, #tpu.memory_space<smem>>
    %iota3A_717 = tpu.iota {dimensions = array<i32: 0>} : vector<16xi32>
    %eq3A_718 = arith.constant 3 : i32
    %eq3A_719 = vector.broadcast %eq3A_718 : i32 to vector<16xi32>
    %eq3A_720 = arith.cmpi eq, %iota3A_717, %eq3A_719 : vector<16xi32>
    %max3A_721 = arith.constant 0 : i32
    %max3A_722 = arith.maxsi %get3A_716, %max3A_721 : i32
    %broadcast_in_dim3A_723 = vector.broadcast %max3A_722 : i32 to vector<16xi32>
    %select_n3A_724 = arith.select %eq3A_720, %broadcast_in_dim3A_723, %select_n3A_713 : vector<16xi1>, vector<16xi32>
    %get3A_725 = arith.constant 52 : i32
    %get3A_726 = arith.index_cast %get3A_725 : i32 to index
    %get3A_727 = memref.load %arg10[%get3A_726] : memref<96xi32, #tpu.memory_space<smem>>
    %iota3A_728 = tpu.iota {dimensions = array<i32: 0>} : vector<16xi32>
    %eq3A_729 = arith.constant 4 : i32
    %eq3A_730 = vector.broadcast %eq3A_729 : i32 to vector<16xi32>
    %eq3A_731 = arith.cmpi eq, %iota3A_728, %eq3A_730 : vector<16xi32>
    %max3A_732 = arith.constant 0 : i32
    %max3A_733 = arith.maxsi %get3A_727, %max3A_732 : i32
    %broadcast_in_dim3A_734 = vector.broadcast %max3A_733 : i32 to vector<16xi32>
    %select_n3A_735 = arith.select %eq3A_731, %broadcast_in_dim3A_734, %select_n3A_724 : vector<16xi1>, vector<16xi32>
    %get3A_736 = arith.constant 53 : i32
    %get3A_737 = arith.index_cast %get3A_736 : i32 to index
    %get3A_738 = memref.load %arg10[%get3A_737] : memref<96xi32, #tpu.memory_space<smem>>
    %iota3A_739 = tpu.iota {dimensions = array<i32: 0>} : vector<16xi32>
    %eq3A_740 = arith.constant 5 : i32
    %eq3A_741 = vector.broadcast %eq3A_740 : i32 to vector<16xi32>
    %eq3A_742 = arith.cmpi eq, %iota3A_739, %eq3A_741 : vector<16xi32>
    %max3A_743 = arith.constant 0 : i32
    %max3A_744 = arith.maxsi %get3A_738, %max3A_743 : i32
    %broadcast_in_dim3A_745 = vector.broadcast %max3A_744 : i32 to vector<16xi32>
    %select_n3A_746 = arith.select %eq3A_742, %broadcast_in_dim3A_745, %select_n3A_735 : vector<16xi1>, vector<16xi32>
    %get3A_747 = arith.constant 54 : i32
    %get3A_748 = arith.index_cast %get3A_747 : i32 to index
    %get3A_749 = memref.load %arg10[%get3A_748] : memref<96xi32, #tpu.memory_space<smem>>
    %iota3A_750 = tpu.iota {dimensions = array<i32: 0>} : vector<16xi32>
    %eq3A_751 = arith.constant 6 : i32
    %eq3A_752 = vector.broadcast %eq3A_751 : i32 to vector<16xi32>
    %eq3A_753 = arith.cmpi eq, %iota3A_750, %eq3A_752 : vector<16xi32>
    %max3A_754 = arith.constant 0 : i32
    %max3A_755 = arith.maxsi %get3A_749, %max3A_754 : i32
    %broadcast_in_dim3A_756 = vector.broadcast %max3A_755 : i32 to vector<16xi32>
    %select_n3A_757 = arith.select %eq3A_753, %broadcast_in_dim3A_756, %select_n3A_746 : vector<16xi1>, vector<16xi32>
    %get3A_758 = arith.constant 55 : i32
    %get3A_759 = arith.index_cast %get3A_758 : i32 to index
    %get3A_760 = memref.load %arg10[%get3A_759] : memref<96xi32, #tpu.memory_space<smem>>
    %iota3A_761 = tpu.iota {dimensions = array<i32: 0>} : vector<16xi32>
    %eq3A_762 = arith.constant 7 : i32
    %eq3A_763 = vector.broadcast %eq3A_762 : i32 to vector<16xi32>
    %eq3A_764 = arith.cmpi eq, %iota3A_761, %eq3A_763 : vector<16xi32>
    %max3A_765 = arith.constant 0 : i32
    %max3A_766 = arith.maxsi %get3A_760, %max3A_765 : i32
    %broadcast_in_dim3A_767 = vector.broadcast %max3A_766 : i32 to vector<16xi32>
    %select_n3A_768 = arith.select %eq3A_764, %broadcast_in_dim3A_767, %select_n3A_757 : vector<16xi1>, vector<16xi32>
    %get3A_769 = arith.constant 56 : i32
    %get3A_770 = arith.index_cast %get3A_769 : i32 to index
    %get3A_771 = memref.load %arg10[%get3A_770] : memref<96xi32, #tpu.memory_space<smem>>
    %iota3A_772 = tpu.iota {dimensions = array<i32: 0>} : vector<16xi32>
    %eq3A_773 = arith.constant 8 : i32
    %eq3A_774 = vector.broadcast %eq3A_773 : i32 to vector<16xi32>
    %eq3A_775 = arith.cmpi eq, %iota3A_772, %eq3A_774 : vector<16xi32>
    %max3A_776 = arith.constant 0 : i32
    %max3A_777 = arith.maxsi %get3A_771, %max3A_776 : i32
    %broadcast_in_dim3A_778 = vector.broadcast %max3A_777 : i32 to vector<16xi32>
    %select_n3A_779 = arith.select %eq3A_775, %broadcast_in_dim3A_778, %select_n3A_768 : vector<16xi1>, vector<16xi32>
    %get3A_780 = arith.constant 57 : i32
    %get3A_781 = arith.index_cast %get3A_780 : i32 to index
    %get3A_782 = memref.load %arg10[%get3A_781] : memref<96xi32, #tpu.memory_space<smem>>
    %iota3A_783 = tpu.iota {dimensions = array<i32: 0>} : vector<16xi32>
    %eq3A_784 = arith.constant 9 : i32
    %eq3A_785 = vector.broadcast %eq3A_784 : i32 to vector<16xi32>
    %eq3A_786 = arith.cmpi eq, %iota3A_783, %eq3A_785 : vector<16xi32>
    %max3A_787 = arith.constant 0 : i32
    %max3A_788 = arith.maxsi %get3A_782, %max3A_787 : i32
    %broadcast_in_dim3A_789 = vector.broadcast %max3A_788 : i32 to vector<16xi32>
    %select_n3A_790 = arith.select %eq3A_786, %broadcast_in_dim3A_789, %select_n3A_779 : vector<16xi1>, vector<16xi32>
    %get3A_791 = arith.constant 58 : i32
    %get3A_792 = arith.index_cast %get3A_791 : i32 to index
    %get3A_793 = memref.load %arg10[%get3A_792] : memref<96xi32, #tpu.memory_space<smem>>
    %iota3A_794 = tpu.iota {dimensions = array<i32: 0>} : vector<16xi32>
    %eq3A_795 = arith.constant 10 : i32
    %eq3A_796 = vector.broadcast %eq3A_795 : i32 to vector<16xi32>
    %eq3A_797 = arith.cmpi eq, %iota3A_794, %eq3A_796 : vector<16xi32>
    %max3A_798 = arith.constant 0 : i32
    %max3A_799 = arith.maxsi %get3A_793, %max3A_798 : i32
    %broadcast_in_dim3A_800 = vector.broadcast %max3A_799 : i32 to vector<16xi32>
    %select_n3A_801 = arith.select %eq3A_797, %broadcast_in_dim3A_800, %select_n3A_790 : vector<16xi1>, vector<16xi32>
    %get3A_802 = arith.constant 59 : i32
    %get3A_803 = arith.index_cast %get3A_802 : i32 to index
    %get3A_804 = memref.load %arg10[%get3A_803] : memref<96xi32, #tpu.memory_space<smem>>
    %iota3A_805 = tpu.iota {dimensions = array<i32: 0>} : vector<16xi32>
    %eq3A_806 = arith.constant 11 : i32
    %eq3A_807 = vector.broadcast %eq3A_806 : i32 to vector<16xi32>
    %eq3A_808 = arith.cmpi eq, %iota3A_805, %eq3A_807 : vector<16xi32>
    %max3A_809 = arith.constant 0 : i32
    %max3A_810 = arith.maxsi %get3A_804, %max3A_809 : i32
    %broadcast_in_dim3A_811 = vector.broadcast %max3A_810 : i32 to vector<16xi32>
    %select_n3A_812 = arith.select %eq3A_808, %broadcast_in_dim3A_811, %select_n3A_801 : vector<16xi1>, vector<16xi32>
    %get3A_813 = arith.constant 60 : i32
    %get3A_814 = arith.index_cast %get3A_813 : i32 to index
    %get3A_815 = memref.load %arg10[%get3A_814] : memref<96xi32, #tpu.memory_space<smem>>
    %iota3A_816 = tpu.iota {dimensions = array<i32: 0>} : vector<16xi32>
    %eq3A_817 = arith.constant 12 : i32
    %eq3A_818 = vector.broadcast %eq3A_817 : i32 to vector<16xi32>
    %eq3A_819 = arith.cmpi eq, %iota3A_816, %eq3A_818 : vector<16xi32>
    %max3A_820 = arith.constant 0 : i32
    %max3A_821 = arith.maxsi %get3A_815, %max3A_820 : i32
    %broadcast_in_dim3A_822 = vector.broadcast %max3A_821 : i32 to vector<16xi32>
    %select_n3A_823 = arith.select %eq3A_819, %broadcast_in_dim3A_822, %select_n3A_812 : vector<16xi1>, vector<16xi32>
    %get3A_824 = arith.constant 61 : i32
    %get3A_825 = arith.index_cast %get3A_824 : i32 to index
    %get3A_826 = memref.load %arg10[%get3A_825] : memref<96xi32, #tpu.memory_space<smem>>
    %iota3A_827 = tpu.iota {dimensions = array<i32: 0>} : vector<16xi32>
    %eq3A_828 = arith.constant 13 : i32
    %eq3A_829 = vector.broadcast %eq3A_828 : i32 to vector<16xi32>
    %eq3A_830 = arith.cmpi eq, %iota3A_827, %eq3A_829 : vector<16xi32>
    %max3A_831 = arith.constant 0 : i32
    %max3A_832 = arith.maxsi %get3A_826, %max3A_831 : i32
    %broadcast_in_dim3A_833 = vector.broadcast %max3A_832 : i32 to vector<16xi32>
    %select_n3A_834 = arith.select %eq3A_830, %broadcast_in_dim3A_833, %select_n3A_823 : vector<16xi1>, vector<16xi32>
    %get3A_835 = arith.constant 62 : i32
    %get3A_836 = arith.index_cast %get3A_835 : i32 to index
    %get3A_837 = memref.load %arg10[%get3A_836] : memref<96xi32, #tpu.memory_space<smem>>
    %iota3A_838 = tpu.iota {dimensions = array<i32: 0>} : vector<16xi32>
    %eq3A_839 = arith.constant 14 : i32
    %eq3A_840 = vector.broadcast %eq3A_839 : i32 to vector<16xi32>
    %eq3A_841 = arith.cmpi eq, %iota3A_838, %eq3A_840 : vector<16xi32>
    %max3A_842 = arith.constant 0 : i32
    %max3A_843 = arith.maxsi %get3A_837, %max3A_842 : i32
    %broadcast_in_dim3A_844 = vector.broadcast %max3A_843 : i32 to vector<16xi32>
    %select_n3A_845 = arith.select %eq3A_841, %broadcast_in_dim3A_844, %select_n3A_834 : vector<16xi1>, vector<16xi32>
    %get3A_846 = arith.constant 63 : i32
    %get3A_847 = arith.index_cast %get3A_846 : i32 to index
    %get3A_848 = memref.load %arg10[%get3A_847] : memref<96xi32, #tpu.memory_space<smem>>
    %iota3A_849 = tpu.iota {dimensions = array<i32: 0>} : vector<16xi32>
    %eq3A_850 = arith.constant 15 : i32
    %eq3A_851 = vector.broadcast %eq3A_850 : i32 to vector<16xi32>
    %eq3A_852 = arith.cmpi eq, %iota3A_849, %eq3A_851 : vector<16xi32>
    %max3A_853 = arith.constant 0 : i32
    %max3A_854 = arith.maxsi %get3A_848, %max3A_853 : i32
    %broadcast_in_dim3A_855 = vector.broadcast %max3A_854 : i32 to vector<16xi32>
    %select_n3A_856 = arith.select %eq3A_852, %broadcast_in_dim3A_855, %select_n3A_845 : vector<16xi1>, vector<16xi32>
    %swap3A_857 = arith.constant 48 : index
    %swap3A_858 = tpu.vector_load %arg8[%swap3A_857] {strides = array<i32>} : memref<96xi32, #tpu.memory_space<vmem>>, vector<16xi32>,
    %swap3A_859 = vector.shape_cast %swap3A_858 : vector<16xi32> to vector<16xi32>
    %swap3A_860 = vector.shape_cast %select_n3A_856 : vector<16xi32> to vector<16xi32>
    tpu.vector_store %arg8[%swap3A_857], %swap3A_860 {strides = array<i32>} : memref<96xi32, #tpu.memory_space<vmem>>, vector<16xi32>,
    %broadcast_in_dim3A_861 = arith.constant 0 : i32
    %broadcast_in_dim3A_862 = vector.broadcast %broadcast_in_dim3A_861 : i32 to vector<16xi32>
    %get3A_863 = arith.constant 64 : i32
    %get3A_864 = arith.index_cast %get3A_863 : i32 to index
    %get3A_865 = memref.load %arg10[%get3A_864] : memref<96xi32, #tpu.memory_space<smem>>
    %iota3A_866 = tpu.iota {dimensions = array<i32: 0>} : vector<16xi32>
    %eq3A_867 = arith.constant 0 : i32
    %eq3A_868 = vector.broadcast %eq3A_867 : i32 to vector<16xi32>
    %eq3A_869 = arith.cmpi eq, %iota3A_866, %eq3A_868 : vector<16xi32>
    %max3A_870 = arith.constant 0 : i32
    %max3A_871 = arith.maxsi %get3A_865, %max3A_870 : i32
    %broadcast_in_dim3A_872 = vector.broadcast %max3A_871 : i32 to vector<16xi32>
    %select_n3A_873 = arith.select %eq3A_869, %broadcast_in_dim3A_872, %broadcast_in_dim3A_862 : vector<16xi1>, vector<16xi32>
    %get3A_874 = arith.constant 65 : i32
    %get3A_875 = arith.index_cast %get3A_874 : i32 to index
    %get3A_876 = memref.load %arg10[%get3A_875] : memref<96xi32, #tpu.memory_space<smem>>
    %iota3A_877 = tpu.iota {dimensions = array<i32: 0>} : vector<16xi32>
    %eq3A_878 = arith.constant 1 : i32
    %eq3A_879 = vector.broadcast %eq3A_878 : i32 to vector<16xi32>
    %eq3A_880 = arith.cmpi eq, %iota3A_877, %eq3A_879 : vector<16xi32>
    %max3A_881 = arith.constant 0 : i32
    %max3A_882 = arith.maxsi %get3A_876, %max3A_881 : i32
    %broadcast_in_dim3A_883 = vector.broadcast %max3A_882 : i32 to vector<16xi32>
    %select_n3A_884 = arith.select %eq3A_880, %broadcast_in_dim3A_883, %select_n3A_873 : vector<16xi1>, vector<16xi32>
    %get3A_885 = arith.constant 66 : i32
    %get3A_886 = arith.index_cast %get3A_885 : i32 to index
    %get3A_887 = memref.load %arg10[%get3A_886] : memref<96xi32, #tpu.memory_space<smem>>
    %iota3A_888 = tpu.iota {dimensions = array<i32: 0>} : vector<16xi32>
    %eq3A_889 = arith.constant 2 : i32
    %eq3A_890 = vector.broadcast %eq3A_889 : i32 to vector<16xi32>
    %eq3A_891 = arith.cmpi eq, %iota3A_888, %eq3A_890 : vector<16xi32>
    %max3A_892 = arith.constant 0 : i32
    %max3A_893 = arith.maxsi %get3A_887, %max3A_892 : i32
    %broadcast_in_dim3A_894 = vector.broadcast %max3A_893 : i32 to vector<16xi32>
    %select_n3A_895 = arith.select %eq3A_891, %broadcast_in_dim3A_894, %select_n3A_884 : vector<16xi1>, vector<16xi32>
    %get3A_896 = arith.constant 67 : i32
    %get3A_897 = arith.index_cast %get3A_896 : i32 to index
    %get3A_898 = memref.load %arg10[%get3A_897] : memref<96xi32, #tpu.memory_space<smem>>
    %iota3A_899 = tpu.iota {dimensions = array<i32: 0>} : vector<16xi32>
    %eq3A_900 = arith.constant 3 : i32
    %eq3A_901 = vector.broadcast %eq3A_900 : i32 to vector<16xi32>
    %eq3A_902 = arith.cmpi eq, %iota3A_899, %eq3A_901 : vector<16xi32>
    %max3A_903 = arith.constant 0 : i32
    %max3A_904 = arith.maxsi %get3A_898, %max3A_903 : i32
    %broadcast_in_dim3A_905 = vector.broadcast %max3A_904 : i32 to vector<16xi32>
    %select_n3A_906 = arith.select %eq3A_902, %broadcast_in_dim3A_905, %select_n3A_895 : vector<16xi1>, vector<16xi32>
    %get3A_907 = arith.constant 68 : i32
    %get3A_908 = arith.index_cast %get3A_907 : i32 to index
    %get3A_909 = memref.load %arg10[%get3A_908] : memref<96xi32, #tpu.memory_space<smem>>
    %iota3A_910 = tpu.iota {dimensions = array<i32: 0>} : vector<16xi32>
    %eq3A_911 = arith.constant 4 : i32
    %eq3A_912 = vector.broadcast %eq3A_911 : i32 to vector<16xi32>
    %eq3A_913 = arith.cmpi eq, %iota3A_910, %eq3A_912 : vector<16xi32>
    %max3A_914 = arith.constant 0 : i32
    %max3A_915 = arith.maxsi %get3A_909, %max3A_914 : i32
    %broadcast_in_dim3A_916 = vector.broadcast %max3A_915 : i32 to vector<16xi32>
    %select_n3A_917 = arith.select %eq3A_913, %broadcast_in_dim3A_916, %select_n3A_906 : vector<16xi1>, vector<16xi32>
    %get3A_918 = arith.constant 69 : i32
    %get3A_919 = arith.index_cast %get3A_918 : i32 to index
    %get3A_920 = memref.load %arg10[%get3A_919] : memref<96xi32, #tpu.memory_space<smem>>
    %iota3A_921 = tpu.iota {dimensions = array<i32: 0>} : vector<16xi32>
    %eq3A_922 = arith.constant 5 : i32
    %eq3A_923 = vector.broadcast %eq3A_922 : i32 to vector<16xi32>
    %eq3A_924 = arith.cmpi eq, %iota3A_921, %eq3A_923 : vector<16xi32>
    %max3A_925 = arith.constant 0 : i32
    %max3A_926 = arith.maxsi %get3A_920, %max3A_925 : i32
    %broadcast_in_dim3A_927 = vector.broadcast %max3A_926 : i32 to vector<16xi32>
    %select_n3A_928 = arith.select %eq3A_924, %broadcast_in_dim3A_927, %select_n3A_917 : vector<16xi1>, vector<16xi32>
    %get3A_929 = arith.constant 70 : i32
    %get3A_930 = arith.index_cast %get3A_929 : i32 to index
    %get3A_931 = memref.load %arg10[%get3A_930] : memref<96xi32, #tpu.memory_space<smem>>
    %iota3A_932 = tpu.iota {dimensions = array<i32: 0>} : vector<16xi32>
    %eq3A_933 = arith.constant 6 : i32
    %eq3A_934 = vector.broadcast %eq3A_933 : i32 to vector<16xi32>
    %eq3A_935 = arith.cmpi eq, %iota3A_932, %eq3A_934 : vector<16xi32>
    %max3A_936 = arith.constant 0 : i32
    %max3A_937 = arith.maxsi %get3A_931, %max3A_936 : i32
    %broadcast_in_dim3A_938 = vector.broadcast %max3A_937 : i32 to vector<16xi32>
    %select_n3A_939 = arith.select %eq3A_935, %broadcast_in_dim3A_938, %select_n3A_928 : vector<16xi1>, vector<16xi32>
    %get3A_940 = arith.constant 71 : i32
    %get3A_941 = arith.index_cast %get3A_940 : i32 to index
    %get3A_942 = memref.load %arg10[%get3A_941] : memref<96xi32, #tpu.memory_space<smem>>
    %iota3A_943 = tpu.iota {dimensions = array<i32: 0>} : vector<16xi32>
    %eq3A_944 = arith.constant 7 : i32
    %eq3A_945 = vector.broadcast %eq3A_944 : i32 to vector<16xi32>
    %eq3A_946 = arith.cmpi eq, %iota3A_943, %eq3A_945 : vector<16xi32>
    %max3A_947 = arith.constant 0 : i32
    %max3A_948 = arith.maxsi %get3A_942, %max3A_947 : i32
    %broadcast_in_dim3A_949 = vector.broadcast %max3A_948 : i32 to vector<16xi32>
    %select_n3A_950 = arith.select %eq3A_946, %broadcast_in_dim3A_949, %select_n3A_939 : vector<16xi1>, vector<16xi32>
    %get3A_951 = arith.constant 72 : i32
    %get3A_952 = arith.index_cast %get3A_951 : i32 to index
    %get3A_953 = memref.load %arg10[%get3A_952] : memref<96xi32, #tpu.memory_space<smem>>
    %iota3A_954 = tpu.iota {dimensions = array<i32: 0>} : vector<16xi32>
    %eq3A_955 = arith.constant 8 : i32
    %eq3A_956 = vector.broadcast %eq3A_955 : i32 to vector<16xi32>
    %eq3A_957 = arith.cmpi eq, %iota3A_954, %eq3A_956 : vector<16xi32>
    %max3A_958 = arith.constant 0 : i32
    %max3A_959 = arith.maxsi %get3A_953, %max3A_958 : i32
    %broadcast_in_dim3A_960 = vector.broadcast %max3A_959 : i32 to vector<16xi32>
    %select_n3A_961 = arith.select %eq3A_957, %broadcast_in_dim3A_960, %select_n3A_950 : vector<16xi1>, vector<16xi32>
    %get3A_962 = arith.constant 73 : i32
    %get3A_963 = arith.index_cast %get3A_962 : i32 to index
    %get3A_964 = memref.load %arg10[%get3A_963] : memref<96xi32, #tpu.memory_space<smem>>
    %iota3A_965 = tpu.iota {dimensions = array<i32: 0>} : vector<16xi32>
    %eq3A_966 = arith.constant 9 : i32
    %eq3A_967 = vector.broadcast %eq3A_966 : i32 to vector<16xi32>
    %eq3A_968 = arith.cmpi eq, %iota3A_965, %eq3A_967 : vector<16xi32>
    %max3A_969 = arith.constant 0 : i32
    %max3A_970 = arith.maxsi %get3A_964, %max3A_969 : i32
    %broadcast_in_dim3A_971 = vector.broadcast %max3A_970 : i32 to vector<16xi32>
    %select_n3A_972 = arith.select %eq3A_968, %broadcast_in_dim3A_971, %select_n3A_961 : vector<16xi1>, vector<16xi32>
    %get3A_973 = arith.constant 74 : i32
    %get3A_974 = arith.index_cast %get3A_973 : i32 to index
    %get3A_975 = memref.load %arg10[%get3A_974] : memref<96xi32, #tpu.memory_space<smem>>
    %iota3A_976 = tpu.iota {dimensions = array<i32: 0>} : vector<16xi32>
    %eq3A_977 = arith.constant 10 : i32
    %eq3A_978 = vector.broadcast %eq3A_977 : i32 to vector<16xi32>
    %eq3A_979 = arith.cmpi eq, %iota3A_976, %eq3A_978 : vector<16xi32>
    %max3A_980 = arith.constant 0 : i32
    %max3A_981 = arith.maxsi %get3A_975, %max3A_980 : i32
    %broadcast_in_dim3A_982 = vector.broadcast %max3A_981 : i32 to vector<16xi32>
    %select_n3A_983 = arith.select %eq3A_979, %broadcast_in_dim3A_982, %select_n3A_972 : vector<16xi1>, vector<16xi32>
    %get3A_984 = arith.constant 75 : i32
    %get3A_985 = arith.index_cast %get3A_984 : i32 to index
    %get3A_986 = memref.load %arg10[%get3A_985] : memref<96xi32, #tpu.memory_space<smem>>
    %iota3A_987 = tpu.iota {dimensions = array<i32: 0>} : vector<16xi32>
    %eq3A_988 = arith.constant 11 : i32
    %eq3A_989 = vector.broadcast %eq3A_988 : i32 to vector<16xi32>
    %eq3A_990 = arith.cmpi eq, %iota3A_987, %eq3A_989 : vector<16xi32>
    %max3A_991 = arith.constant 0 : i32
    %max3A_992 = arith.maxsi %get3A_986, %max3A_991 : i32
    %broadcast_in_dim3A_993 = vector.broadcast %max3A_992 : i32 to vector<16xi32>
    %select_n3A_994 = arith.select %eq3A_990, %broadcast_in_dim3A_993, %select_n3A_983 : vector<16xi1>, vector<16xi32>
    %get3A_995 = arith.constant 76 : i32
    %get3A_996 = arith.index_cast %get3A_995 : i32 to index
    %get3A_997 = memref.load %arg10[%get3A_996] : memref<96xi32, #tpu.memory_space<smem>>
    %iota3A_998 = tpu.iota {dimensions = array<i32: 0>} : vector<16xi32>
    %eq3A_999 = arith.constant 12 : i32
    %eq3A_1000 = vector.broadcast %eq3A_999 : i32 to vector<16xi32>
    %eq3A_1001 = arith.cmpi eq, %iota3A_998, %eq3A_1000 : vector<16xi32>
    %max3A_1002 = arith.constant 0 : i32
    %max3A_1003 = arith.maxsi %get3A_997, %max3A_1002 : i32
    %broadcast_in_dim3A_1004 = vector.broadcast %max3A_1003 : i32 to vector<16xi32>
    %select_n3A_1005 = arith.select %eq3A_1001, %broadcast_in_dim3A_1004, %select_n3A_994 : vector<16xi1>, vector<16xi32>
    %get3A_1006 = arith.constant 77 : i32
    %get3A_1007 = arith.index_cast %get3A_1006 : i32 to index
    %get3A_1008 = memref.load %arg10[%get3A_1007] : memref<96xi32, #tpu.memory_space<smem>>
    %iota3A_1009 = tpu.iota {dimensions = array<i32: 0>} : vector<16xi32>
    %eq3A_1010 = arith.constant 13 : i32
    %eq3A_1011 = vector.broadcast %eq3A_1010 : i32 to vector<16xi32>
    %eq3A_1012 = arith.cmpi eq, %iota3A_1009, %eq3A_1011 : vector<16xi32>
    %max3A_1013 = arith.constant 0 : i32
    %max3A_1014 = arith.maxsi %get3A_1008, %max3A_1013 : i32
    %broadcast_in_dim3A_1015 = vector.broadcast %max3A_1014 : i32 to vector<16xi32>
    %select_n3A_1016 = arith.select %eq3A_1012, %broadcast_in_dim3A_1015, %select_n3A_1005 : vector<16xi1>, vector<16xi32>
    %get3A_1017 = arith.constant 78 : i32
    %get3A_1018 = arith.index_cast %get3A_1017 : i32 to index
    %get3A_1019 = memref.load %arg10[%get3A_1018] : memref<96xi32, #tpu.memory_space<smem>>
    %iota3A_1020 = tpu.iota {dimensions = array<i32: 0>} : vector<16xi32>
    %eq3A_1021 = arith.constant 14 : i32
    %eq3A_1022 = vector.broadcast %eq3A_1021 : i32 to vector<16xi32>
    %eq3A_1023 = arith.cmpi eq, %iota3A_1020, %eq3A_1022 : vector<16xi32>
    %max3A_1024 = arith.constant 0 : i32
    %max3A_1025 = arith.maxsi %get3A_1019, %max3A_1024 : i32
    %broadcast_in_dim3A_1026 = vector.broadcast %max3A_1025 : i32 to vector<16xi32>
    %select_n3A_1027 = arith.select %eq3A_1023, %broadcast_in_dim3A_1026, %select_n3A_1016 : vector<16xi1>, vector<16xi32>
    %get3A_1028 = arith.constant 79 : i32
    %get3A_1029 = arith.index_cast %get3A_1028 : i32 to index
    %get3A_1030 = memref.load %arg10[%get3A_1029] : memref<96xi32, #tpu.memory_space<smem>>
    %iota3A_1031 = tpu.iota {dimensions = array<i32: 0>} : vector<16xi32>
    %eq3A_1032 = arith.constant 15 : i32
    %eq3A_1033 = vector.broadcast %eq3A_1032 : i32 to vector<16xi32>
    %eq3A_1034 = arith.cmpi eq, %iota3A_1031, %eq3A_1033 : vector<16xi32>
    %max3A_1035 = arith.constant 0 : i32
    %max3A_1036 = arith.maxsi %get3A_1030, %max3A_1035 : i32
    %broadcast_in_dim3A_1037 = vector.broadcast %max3A_1036 : i32 to vector<16xi32>
    %select_n3A_1038 = arith.select %eq3A_1034, %broadcast_in_dim3A_1037, %select_n3A_1027 : vector<16xi1>, vector<16xi32>
    %swap3A_1039 = arith.constant 64 : index
    %swap3A_1040 = tpu.vector_load %arg8[%swap3A_1039] {strides = array<i32>} : memref<96xi32, #tpu.memory_space<vmem>>, vector<16xi32>,
    %swap3A_1041 = vector.shape_cast %swap3A_1040 : vector<16xi32> to vector<16xi32>
    %swap3A_1042 = vector.shape_cast %select_n3A_1038 : vector<16xi32> to vector<16xi32>
    tpu.vector_store %arg8[%swap3A_1039], %swap3A_1042 {strides = array<i32>} : memref<96xi32, #tpu.memory_space<vmem>>, vector<16xi32>,
    %broadcast_in_dim3A_1043 = arith.constant 0 : i32
    %broadcast_in_dim3A_1044 = vector.broadcast %broadcast_in_dim3A_1043 : i32 to vector<16xi32>
    %get3A_1045 = arith.constant 80 : i32
    %get3A_1046 = arith.index_cast %get3A_1045 : i32 to index
    %get3A_1047 = memref.load %arg10[%get3A_1046] : memref<96xi32, #tpu.memory_space<smem>>
    %iota3A_1048 = tpu.iota {dimensions = array<i32: 0>} : vector<16xi32>
    %eq3A_1049 = arith.constant 0 : i32
    %eq3A_1050 = vector.broadcast %eq3A_1049 : i32 to vector<16xi32>
    %eq3A_1051 = arith.cmpi eq, %iota3A_1048, %eq3A_1050 : vector<16xi32>
    %max3A_1052 = arith.constant 0 : i32
    %max3A_1053 = arith.maxsi %get3A_1047, %max3A_1052 : i32
    %broadcast_in_dim3A_1054 = vector.broadcast %max3A_1053 : i32 to vector<16xi32>
    %select_n3A_1055 = arith.select %eq3A_1051, %broadcast_in_dim3A_1054, %broadcast_in_dim3A_1044 : vector<16xi1>, vector<16xi32>
    %get3A_1056 = arith.constant 81 : i32
    %get3A_1057 = arith.index_cast %get3A_1056 : i32 to index
    %get3A_1058 = memref.load %arg10[%get3A_1057] : memref<96xi32, #tpu.memory_space<smem>>
    %iota3A_1059 = tpu.iota {dimensions = array<i32: 0>} : vector<16xi32>
    %eq3A_1060 = arith.constant 1 : i32
    %eq3A_1061 = vector.broadcast %eq3A_1060 : i32 to vector<16xi32>
    %eq3A_1062 = arith.cmpi eq, %iota3A_1059, %eq3A_1061 : vector<16xi32>
    %max3A_1063 = arith.constant 0 : i32
    %max3A_1064 = arith.maxsi %get3A_1058, %max3A_1063 : i32
    %broadcast_in_dim3A_1065 = vector.broadcast %max3A_1064 : i32 to vector<16xi32>
    %select_n3A_1066 = arith.select %eq3A_1062, %broadcast_in_dim3A_1065, %select_n3A_1055 : vector<16xi1>, vector<16xi32>
    %get3A_1067 = arith.constant 82 : i32
    %get3A_1068 = arith.index_cast %get3A_1067 : i32 to index
    %get3A_1069 = memref.load %arg10[%get3A_1068] : memref<96xi32, #tpu.memory_space<smem>>
    %iota3A_1070 = tpu.iota {dimensions = array<i32: 0>} : vector<16xi32>
    %eq3A_1071 = arith.constant 2 : i32
    %eq3A_1072 = vector.broadcast %eq3A_1071 : i32 to vector<16xi32>
    %eq3A_1073 = arith.cmpi eq, %iota3A_1070, %eq3A_1072 : vector<16xi32>
    %max3A_1074 = arith.constant 0 : i32
    %max3A_1075 = arith.maxsi %get3A_1069, %max3A_1074 : i32
    %broadcast_in_dim3A_1076 = vector.broadcast %max3A_1075 : i32 to vector<16xi32>
    %select_n3A_1077 = arith.select %eq3A_1073, %broadcast_in_dim3A_1076, %select_n3A_1066 : vector<16xi1>, vector<16xi32>
    %get3A_1078 = arith.constant 83 : i32
    %get3A_1079 = arith.index_cast %get3A_1078 : i32 to index
    %get3A_1080 = memref.load %arg10[%get3A_1079] : memref<96xi32, #tpu.memory_space<smem>>
    %iota3A_1081 = tpu.iota {dimensions = array<i32: 0>} : vector<16xi32>
    %eq3A_1082 = arith.constant 3 : i32
    %eq3A_1083 = vector.broadcast %eq3A_1082 : i32 to vector<16xi32>
    %eq3A_1084 = arith.cmpi eq, %iota3A_1081, %eq3A_1083 : vector<16xi32>
    %max3A_1085 = arith.constant 0 : i32
    %max3A_1086 = arith.maxsi %get3A_1080, %max3A_1085 : i32
    %broadcast_in_dim3A_1087 = vector.broadcast %max3A_1086 : i32 to vector<16xi32>
    %select_n3A_1088 = arith.select %eq3A_1084, %broadcast_in_dim3A_1087, %select_n3A_1077 : vector<16xi1>, vector<16xi32>
    %get3A_1089 = arith.constant 84 : i32
    %get3A_1090 = arith.index_cast %get3A_1089 : i32 to index
    %get3A_1091 = memref.load %arg10[%get3A_1090] : memref<96xi32, #tpu.memory_space<smem>>
    %iota3A_1092 = tpu.iota {dimensions = array<i32: 0>} : vector<16xi32>
    %eq3A_1093 = arith.constant 4 : i32
    %eq3A_1094 = vector.broadcast %eq3A_1093 : i32 to vector<16xi32>
    %eq3A_1095 = arith.cmpi eq, %iota3A_1092, %eq3A_1094 : vector<16xi32>
    %max3A_1096 = arith.constant 0 : i32
    %max3A_1097 = arith.maxsi %get3A_1091, %max3A_1096 : i32
    %broadcast_in_dim3A_1098 = vector.broadcast %max3A_1097 : i32 to vector<16xi32>
    %select_n3A_1099 = arith.select %eq3A_1095, %broadcast_in_dim3A_1098, %select_n3A_1088 : vector<16xi1>, vector<16xi32>
    %get3A_1100 = arith.constant 85 : i32
    %get3A_1101 = arith.index_cast %get3A_1100 : i32 to index
    %get3A_1102 = memref.load %arg10[%get3A_1101] : memref<96xi32, #tpu.memory_space<smem>>
    %iota3A_1103 = tpu.iota {dimensions = array<i32: 0>} : vector<16xi32>
    %eq3A_1104 = arith.constant 5 : i32
    %eq3A_1105 = vector.broadcast %eq3A_1104 : i32 to vector<16xi32>
    %eq3A_1106 = arith.cmpi eq, %iota3A_1103, %eq3A_1105 : vector<16xi32>
    %max3A_1107 = arith.constant 0 : i32
    %max3A_1108 = arith.maxsi %get3A_1102, %max3A_1107 : i32
    %broadcast_in_dim3A_1109 = vector.broadcast %max3A_1108 : i32 to vector<16xi32>
    %select_n3A_1110 = arith.select %eq3A_1106, %broadcast_in_dim3A_1109, %select_n3A_1099 : vector<16xi1>, vector<16xi32>
    %get3A_1111 = arith.constant 86 : i32
    %get3A_1112 = arith.index_cast %get3A_1111 : i32 to index
    %get3A_1113 = memref.load %arg10[%get3A_1112] : memref<96xi32, #tpu.memory_space<smem>>
    %iota3A_1114 = tpu.iota {dimensions = array<i32: 0>} : vector<16xi32>
    %eq3A_1115 = arith.constant 6 : i32
    %eq3A_1116 = vector.broadcast %eq3A_1115 : i32 to vector<16xi32>
    %eq3A_1117 = arith.cmpi eq, %iota3A_1114, %eq3A_1116 : vector<16xi32>
    %max3A_1118 = arith.constant 0 : i32
    %max3A_1119 = arith.maxsi %get3A_1113, %max3A_1118 : i32
    %broadcast_in_dim3A_1120 = vector.broadcast %max3A_1119 : i32 to vector<16xi32>
    %select_n3A_1121 = arith.select %eq3A_1117, %broadcast_in_dim3A_1120, %select_n3A_1110 : vector<16xi1>, vector<16xi32>
    %get3A_1122 = arith.constant 87 : i32
    %get3A_1123 = arith.index_cast %get3A_1122 : i32 to index
    %get3A_1124 = memref.load %arg10[%get3A_1123] : memref<96xi32, #tpu.memory_space<smem>>
    %iota3A_1125 = tpu.iota {dimensions = array<i32: 0>} : vector<16xi32>
    %eq3A_1126 = arith.constant 7 : i32
    %eq3A_1127 = vector.broadcast %eq3A_1126 : i32 to vector<16xi32>
    %eq3A_1128 = arith.cmpi eq, %iota3A_1125, %eq3A_1127 : vector<16xi32>
    %max3A_1129 = arith.constant 0 : i32
    %max3A_1130 = arith.maxsi %get3A_1124, %max3A_1129 : i32
    %broadcast_in_dim3A_1131 = vector.broadcast %max3A_1130 : i32 to vector<16xi32>
    %select_n3A_1132 = arith.select %eq3A_1128, %broadcast_in_dim3A_1131, %select_n3A_1121 : vector<16xi1>, vector<16xi32>
    %get3A_1133 = arith.constant 88 : i32
    %get3A_1134 = arith.index_cast %get3A_1133 : i32 to index
    %get3A_1135 = memref.load %arg10[%get3A_1134] : memref<96xi32, #tpu.memory_space<smem>>
    %iota3A_1136 = tpu.iota {dimensions = array<i32: 0>} : vector<16xi32>
    %eq3A_1137 = arith.constant 8 : i32
    %eq3A_1138 = vector.broadcast %eq3A_1137 : i32 to vector<16xi32>
    %eq3A_1139 = arith.cmpi eq, %iota3A_1136, %eq3A_1138 : vector<16xi32>
    %max3A_1140 = arith.constant 0 : i32
    %max3A_1141 = arith.maxsi %get3A_1135, %max3A_1140 : i32
    %broadcast_in_dim3A_1142 = vector.broadcast %max3A_1141 : i32 to vector<16xi32>
    %select_n3A_1143 = arith.select %eq3A_1139, %broadcast_in_dim3A_1142, %select_n3A_1132 : vector<16xi1>, vector<16xi32>
    %get3A_1144 = arith.constant 89 : i32
    %get3A_1145 = arith.index_cast %get3A_1144 : i32 to index
    %get3A_1146 = memref.load %arg10[%get3A_1145] : memref<96xi32, #tpu.memory_space<smem>>
    %iota3A_1147 = tpu.iota {dimensions = array<i32: 0>} : vector<16xi32>
    %eq3A_1148 = arith.constant 9 : i32
    %eq3A_1149 = vector.broadcast %eq3A_1148 : i32 to vector<16xi32>
    %eq3A_1150 = arith.cmpi eq, %iota3A_1147, %eq3A_1149 : vector<16xi32>
    %max3A_1151 = arith.constant 0 : i32
    %max3A_1152 = arith.maxsi %get3A_1146, %max3A_1151 : i32
    %broadcast_in_dim3A_1153 = vector.broadcast %max3A_1152 : i32 to vector<16xi32>
    %select_n3A_1154 = arith.select %eq3A_1150, %broadcast_in_dim3A_1153, %select_n3A_1143 : vector<16xi1>, vector<16xi32>
    %get3A_1155 = arith.constant 90 : i32
    %get3A_1156 = arith.index_cast %get3A_1155 : i32 to index
    %get3A_1157 = memref.load %arg10[%get3A_1156] : memref<96xi32, #tpu.memory_space<smem>>
    %iota3A_1158 = tpu.iota {dimensions = array<i32: 0>} : vector<16xi32>
    %eq3A_1159 = arith.constant 10 : i32
    %eq3A_1160 = vector.broadcast %eq3A_1159 : i32 to vector<16xi32>
    %eq3A_1161 = arith.cmpi eq, %iota3A_1158, %eq3A_1160 : vector<16xi32>
    %max3A_1162 = arith.constant 0 : i32
    %max3A_1163 = arith.maxsi %get3A_1157, %max3A_1162 : i32
    %broadcast_in_dim3A_1164 = vector.broadcast %max3A_1163 : i32 to vector<16xi32>
    %select_n3A_1165 = arith.select %eq3A_1161, %broadcast_in_dim3A_1164, %select_n3A_1154 : vector<16xi1>, vector<16xi32>
    %get3A_1166 = arith.constant 91 : i32
    %get3A_1167 = arith.index_cast %get3A_1166 : i32 to index
    %get3A_1168 = memref.load %arg10[%get3A_1167] : memref<96xi32, #tpu.memory_space<smem>>
    %iota3A_1169 = tpu.iota {dimensions = array<i32: 0>} : vector<16xi32>
    %eq3A_1170 = arith.constant 11 : i32
    %eq3A_1171 = vector.broadcast %eq3A_1170 : i32 to vector<16xi32>
    %eq3A_1172 = arith.cmpi eq, %iota3A_1169, %eq3A_1171 : vector<16xi32>
    %max3A_1173 = arith.constant 0 : i32
    %max3A_1174 = arith.maxsi %get3A_1168, %max3A_1173 : i32
    %broadcast_in_dim3A_1175 = vector.broadcast %max3A_1174 : i32 to vector<16xi32>
    %select_n3A_1176 = arith.select %eq3A_1172, %broadcast_in_dim3A_1175, %select_n3A_1165 : vector<16xi1>, vector<16xi32>
    %get3A_1177 = arith.constant 92 : i32
    %get3A_1178 = arith.index_cast %get3A_1177 : i32 to index
    %get3A_1179 = memref.load %arg10[%get3A_1178] : memref<96xi32, #tpu.memory_space<smem>>
    %iota3A_1180 = tpu.iota {dimensions = array<i32: 0>} : vector<16xi32>
    %eq3A_1181 = arith.constant 12 : i32
    %eq3A_1182 = vector.broadcast %eq3A_1181 : i32 to vector<16xi32>
    %eq3A_1183 = arith.cmpi eq, %iota3A_1180, %eq3A_1182 : vector<16xi32>
    %max3A_1184 = arith.constant 0 : i32
    %max3A_1185 = arith.maxsi %get3A_1179, %max3A_1184 : i32
    %broadcast_in_dim3A_1186 = vector.broadcast %max3A_1185 : i32 to vector<16xi32>
    %select_n3A_1187 = arith.select %eq3A_1183, %broadcast_in_dim3A_1186, %select_n3A_1176 : vector<16xi1>, vector<16xi32>
    %get3A_1188 = arith.constant 93 : i32
    %get3A_1189 = arith.index_cast %get3A_1188 : i32 to index
    %get3A_1190 = memref.load %arg10[%get3A_1189] : memref<96xi32, #tpu.memory_space<smem>>
    %iota3A_1191 = tpu.iota {dimensions = array<i32: 0>} : vector<16xi32>
    %eq3A_1192 = arith.constant 13 : i32
    %eq3A_1193 = vector.broadcast %eq3A_1192 : i32 to vector<16xi32>
    %eq3A_1194 = arith.cmpi eq, %iota3A_1191, %eq3A_1193 : vector<16xi32>
    %max3A_1195 = arith.constant 0 : i32
    %max3A_1196 = arith.maxsi %get3A_1190, %max3A_1195 : i32
    %broadcast_in_dim3A_1197 = vector.broadcast %max3A_1196 : i32 to vector<16xi32>
    %select_n3A_1198 = arith.select %eq3A_1194, %broadcast_in_dim3A_1197, %select_n3A_1187 : vector<16xi1>, vector<16xi32>
    %get3A_1199 = arith.constant 94 : i32
    %get3A_1200 = arith.index_cast %get3A_1199 : i32 to index
    %get3A_1201 = memref.load %arg10[%get3A_1200] : memref<96xi32, #tpu.memory_space<smem>>
    %iota3A_1202 = tpu.iota {dimensions = array<i32: 0>} : vector<16xi32>
    %eq3A_1203 = arith.constant 14 : i32
    %eq3A_1204 = vector.broadcast %eq3A_1203 : i32 to vector<16xi32>
    %eq3A_1205 = arith.cmpi eq, %iota3A_1202, %eq3A_1204 : vector<16xi32>
    %max3A_1206 = arith.constant 0 : i32
    %max3A_1207 = arith.maxsi %get3A_1201, %max3A_1206 : i32
    %broadcast_in_dim3A_1208 = vector.broadcast %max3A_1207 : i32 to vector<16xi32>
    %select_n3A_1209 = arith.select %eq3A_1205, %broadcast_in_dim3A_1208, %select_n3A_1198 : vector<16xi1>, vector<16xi32>
    %get3A_1210 = arith.constant 95 : i32
    %get3A_1211 = arith.index_cast %get3A_1210 : i32 to index
    %get3A_1212 = memref.load %arg10[%get3A_1211] : memref<96xi32, #tpu.memory_space<smem>>
    %iota3A_1213 = tpu.iota {dimensions = array<i32: 0>} : vector<16xi32>
    %eq3A_1214 = arith.constant 15 : i32
    %eq3A_1215 = vector.broadcast %eq3A_1214 : i32 to vector<16xi32>
    %eq3A_1216 = arith.cmpi eq, %iota3A_1213, %eq3A_1215 : vector<16xi32>
    %max3A_1217 = arith.constant 0 : i32
    %max3A_1218 = arith.maxsi %get3A_1212, %max3A_1217 : i32
    %broadcast_in_dim3A_1219 = vector.broadcast %max3A_1218 : i32 to vector<16xi32>
    %select_n3A_1220 = arith.select %eq3A_1216, %broadcast_in_dim3A_1219, %select_n3A_1209 : vector<16xi1>, vector<16xi32>
    %swap3A_1221 = arith.constant 80 : index
    %swap3A_1222 = tpu.vector_load %arg8[%swap3A_1221] {strides = array<i32>} : memref<96xi32, #tpu.memory_space<vmem>>, vector<16xi32>,
    %swap3A_1223 = vector.shape_cast %swap3A_1222 : vector<16xi32> to vector<16xi32>
    %swap3A_1224 = vector.shape_cast %select_n3A_1220 : vector<16xi32> to vector<16xi32>
    tpu.vector_store %arg8[%swap3A_1221], %swap3A_1224 {strides = array<i32>} : memref<96xi32, #tpu.memory_space<vmem>>, vector<16xi32>,
    %dma_start3A = arith.constant 0 : i32
    %dma_start3A_1225 = arith.constant 0 : i32
    %dma_start3A_1226 = tpu.memref_slice %arg3[%dma_start3A, %dma_start3A_1225] : memref<3000x512xf32, #tpu.memory_space<hbm>> -> memref<3000x512xf32, #tpu.memory_space<hbm>>
    tpu.enqueue_indirect_dma source(%dma_start3A_1226 : memref<3000x512xf32, #tpu.memory_space<hbm>>) target(%arg7 : memref<96x512xf32, #tpu.memory_space<vmem>>) offsets(%arg8 : memref<96xi32, #tpu.memory_space<vmem>>) semaphore(%arg11 : memref<!tpu.dma_semaphore, #tpu.memory_space<semaphore_mem>>)
    %dma_wait3A = arith.constant 0 : i32
    %dma_wait3A_1227 = arith.constant 0 : i32
    %dma_wait3A_1228 = tpu.memref_slice %arg3[%dma_wait3A, %dma_wait3A_1227] : memref<3000x512xf32, #tpu.memory_space<hbm>> -> memref<3000x512xf32, #tpu.memory_space<hbm>>
    tpu.wait_indirect_dma semaphore(%arg11 : memref<!tpu.dma_semaphore, #tpu.memory_space<semaphore_mem>>) src(%dma_wait3A_1228 : memref<3000x512xf32, #tpu.memory_space<hbm>>) dst(%arg7 : memref<96x512xf32, #tpu.memory_space<vmem>>)
    %scan3A_1229 = arith.constant 0 : i32
    %scan3A_1230 = arith.constant 0 : i32
    %scan3A_1231 = arith.constant 96 : i32
    %scan3A_1232 = arith.addi %scan3A_1230, %scan3A_1231 : i32
    %scan3A_1233 = arith.constant 1 : i32
    %scan3A_1234 = scf.for %scan3A_1244 = %scan3A_1230 to %scan3A_1232 step %scan3A_1233 iter_args(%scan3A_1245 = %scan3A_1229) -> (i32)  : i32 {
      %get3A_1246 = arith.index_cast %scan3A_1244 : i32 to index
      %get3A_1247 = memref.load %arg10[%get3A_1246] : memref<96xi32, #tpu.memory_space<smem>>
      %ge3A_1248 = arith.constant 0 : i32
      %ge3A_1249 = arith.cmpi sge, %get3A_1247, %ge3A_1248 : i32
      %jit3A_1250 = arith.constant 1.000000e+00 : f32
      %jit3A_1251 = arith.constant 0.000000e+00 : f32
      %select_n3A_1252 = arith.select %ge3A_1249, %jit3A_1250, %jit3A_1251 : f32
      %broadcast_in_dim3A_1253 = vector.broadcast %select_n3A_1252 : f32 to vector<16xf32>
      %ge3A_1254 = arith.constant 0 : i32
      %ge3A_1255 = arith.cmpi sge, %get3A_1247, %ge3A_1254 : i32
      %jit3A_1256 = arith.constant 0.000000e+00 : f32
      %jit3A_1257 = arith.constant 1.000000e-01 : f32
      %select_n3A_1258 = arith.select %ge3A_1255, %jit3A_1256, %jit3A_1257 : f32
      %broadcast_in_dim3A_1259 = vector.broadcast %select_n3A_1258 : f32 to vector<16xf32>
      %get3A_1260 = arith.index_cast %scan3A_1244 : i32 to index
      %get3A_1261 = arith.constant 0 : index
      %get3A_1262 = tpu.vector_load %arg7[%get3A_1260, %get3A_1261] {strides = array<i32>} : memref<96x512xf32, #tpu.memory_space<vmem>>, vector<1x16xf32>,
      %get3A_1263 = vector.shape_cast %get3A_1262 : vector<1x16xf32> to vector<16xf32>
      %mul3A_1264 = arith.mulf %get3A_1263, %broadcast_in_dim3A_1253 : vector<16xf32>
      %get3A_1265 = arith.index_cast %scan3A_1244 : i32 to index
      %get3A_1266 = arith.constant 0 : index
      %get3A_1267 = tpu.vector_load %arg6[%get3A_1265, %get3A_1266] {strides = array<i32>} : memref<96x512xf32, #tpu.memory_space<vmem>>, vector<1x16xf32>,
      %get3A_1268 = vector.shape_cast %get3A_1267 : vector<1x16xf32> to vector<16xf32>
      %mul3A_1269 = arith.mulf %get3A_1268, %broadcast_in_dim3A_1259 : vector<16xf32>
      %add3A_1270 = arith.addf %mul3A_1264, %mul3A_1269 : vector<16xf32>
      %swap3A_1271 = arith.index_cast %scan3A_1244 : i32 to index
      %swap3A_1272 = arith.constant 0 : index
      %swap3A_1273 = tpu.vector_load %arg6[%swap3A_1271, %swap3A_1272] {strides = array<i32>} : memref<96x512xf32, #tpu.memory_space<vmem>>, vector<1x16xf32>,
      %swap3A_1274 = vector.shape_cast %swap3A_1273 : vector<1x16xf32> to vector<16xf32>
      %swap3A_1275 = vector.shape_cast %add3A_1270 : vector<16xf32> to vector<1x16xf32>
      tpu.vector_store %arg6[%swap3A_1271, %swap3A_1272], %swap3A_1275 {strides = array<i32>} : memref<96x512xf32, #tpu.memory_space<vmem>>, vector<1x16xf32>,
      %get3A_1276 = arith.index_cast %scan3A_1244 : i32 to index
      %get3A_1277 = arith.constant 16 : index
      %get3A_1278 = tpu.vector_load %arg7[%get3A_1276, %get3A_1277] {strides = array<i32>} : memref<96x512xf32, #tpu.memory_space<vmem>>, vector<1x16xf32>,
      %get3A_1279 = vector.shape_cast %get3A_1278 : vector<1x16xf32> to vector<16xf32>
      %mul3A_1280 = arith.mulf %get3A_1279, %broadcast_in_dim3A_1253 : vector<16xf32>
      %get3A_1281 = arith.index_cast %scan3A_1244 : i32 to index
      %get3A_1282 = arith.constant 16 : index
      %get3A_1283 = tpu.vector_load %arg6[%get3A_1281, %get3A_1282] {strides = array<i32>} : memref<96x512xf32, #tpu.memory_space<vmem>>, vector<1x16xf32>,
      %get3A_1284 = vector.shape_cast %get3A_1283 : vector<1x16xf32> to vector<16xf32>
      %mul3A_1285 = arith.mulf %get3A_1284, %broadcast_in_dim3A_1259 : vector<16xf32>
      %add3A_1286 = arith.addf %mul3A_1280, %mul3A_1285 : vector<16xf32>
      %swap3A_1287 = arith.index_cast %scan3A_1244 : i32 to index
      %swap3A_1288 = arith.constant 16 : index
      %swap3A_1289 = tpu.vector_load %arg6[%swap3A_1287, %swap3A_1288] {strides = array<i32>} : memref<96x512xf32, #tpu.memory_space<vmem>>, vector<1x16xf32>,
      %swap3A_1290 = vector.shape_cast %swap3A_1289 : vector<1x16xf32> to vector<16xf32>
      %swap3A_1291 = vector.shape_cast %add3A_1286 : vector<16xf32> to vector<1x16xf32>
      tpu.vector_store %arg6[%swap3A_1287, %swap3A_1288], %swap3A_1291 {strides = array<i32>} : memref<96x512xf32, #tpu.memory_space<vmem>>, vector<1x16xf32>,
      %get3A_1292 = arith.index_cast %scan3A_1244 : i32 to index
      %get3A_1293 = arith.constant 32 : index
      %get3A_1294 = tpu.vector_load %arg7[%get3A_1292, %get3A_1293] {strides = array<i32>} : memref<96x512xf32, #tpu.memory_space<vmem>>, vector<1x16xf32>,
      %get3A_1295 = vector.shape_cast %get3A_1294 : vector<1x16xf32> to vector<16xf32>
      %mul3A_1296 = arith.mulf %get3A_1295, %broadcast_in_dim3A_1253 : vector<16xf32>
      %get3A_1297 = arith.index_cast %scan3A_1244 : i32 to index
      %get3A_1298 = arith.constant 32 : index
      %get3A_1299 = tpu.vector_load %arg6[%get3A_1297, %get3A_1298] {strides = array<i32>} : memref<96x512xf32, #tpu.memory_space<vmem>>, vector<1x16xf32>,
      %get3A_1300 = vector.shape_cast %get3A_1299 : vector<1x16xf32> to vector<16xf32>
      %mul3A_1301 = arith.mulf %get3A_1300, %broadcast_in_dim3A_1259 : vector<16xf32>
      %add3A_1302 = arith.addf %mul3A_1296, %mul3A_1301 : vector<16xf32>
      %swap3A_1303 = arith.index_cast %scan3A_1244 : i32 to index
      %swap3A_1304 = arith.constant 32 : index
      %swap3A_1305 = tpu.vector_load %arg6[%swap3A_1303, %swap3A_1304] {strides = array<i32>} : memref<96x512xf32, #tpu.memory_space<vmem>>, vector<1x16xf32>,
      %swap3A_1306 = vector.shape_cast %swap3A_1305 : vector<1x16xf32> to vector<16xf32>
      %swap3A_1307 = vector.shape_cast %add3A_1302 : vector<16xf32> to vector<1x16xf32>
      tpu.vector_store %arg6[%swap3A_1303, %swap3A_1304], %swap3A_1307 {strides = array<i32>} : memref<96x512xf32, #tpu.memory_space<vmem>>, vector<1x16xf32>,
      %get3A_1308 = arith.index_cast %scan3A_1244 : i32 to index
      %get3A_1309 = arith.constant 48 : index
      %get3A_1310 = tpu.vector_load %arg7[%get3A_1308, %get3A_1309] {strides = array<i32>} : memref<96x512xf32, #tpu.memory_space<vmem>>, vector<1x16xf32>,
      %get3A_1311 = vector.shape_cast %get3A_1310 : vector<1x16xf32> to vector<16xf32>
      %mul3A_1312 = arith.mulf %get3A_1311, %broadcast_in_dim3A_1253 : vector<16xf32>
      %get3A_1313 = arith.index_cast %scan3A_1244 : i32 to index
      %get3A_1314 = arith.constant 48 : index
      %get3A_1315 = tpu.vector_load %arg6[%get3A_1313, %get3A_1314] {strides = array<i32>} : memref<96x512xf32, #tpu.memory_space<vmem>>, vector<1x16xf32>,
      %get3A_1316 = vector.shape_cast %get3A_1315 : vector<1x16xf32> to vector<16xf32>
      %mul3A_1317 = arith.mulf %get3A_1316, %broadcast_in_dim3A_1259 : vector<16xf32>
      %add3A_1318 = arith.addf %mul3A_1312, %mul3A_1317 : vector<16xf32>
      %swap3A_1319 = arith.index_cast %scan3A_1244 : i32 to index
      %swap3A_1320 = arith.constant 48 : index
      %swap3A_1321 = tpu.vector_load %arg6[%swap3A_1319, %swap3A_1320] {strides = array<i32>} : memref<96x512xf32, #tpu.memory_space<vmem>>, vector<1x16xf32>,
      %swap3A_1322 = vector.shape_cast %swap3A_1321 : vector<1x16xf32> to vector<16xf32>
      %swap3A_1323 = vector.shape_cast %add3A_1318 : vector<16xf32> to vector<1x16xf32>
      tpu.vector_store %arg6[%swap3A_1319, %swap3A_1320], %swap3A_1323 {strides = array<i32>} : memref<96x512xf32, #tpu.memory_space<vmem>>, vector<1x16xf32>,
      %get3A_1324 = arith.index_cast %scan3A_1244 : i32 to index
      %get3A_1325 = arith.constant 64 : index
      %get3A_1326 = tpu.vector_load %arg7[%get3A_1324, %get3A_1325] {strides = array<i32>} : memref<96x512xf32, #tpu.memory_space<vmem>>, vector<1x16xf32>,
      %get3A_1327 = vector.shape_cast %get3A_1326 : vector<1x16xf32> to vector<16xf32>
      %mul3A_1328 = arith.mulf %get3A_1327, %broadcast_in_dim3A_1253 : vector<16xf32>
      %get3A_1329 = arith.index_cast %scan3A_1244 : i32 to index
      %get3A_1330 = arith.constant 64 : index
      %get3A_1331 = tpu.vector_load %arg6[%get3A_1329, %get3A_1330] {strides = array<i32>} : memref<96x512xf32, #tpu.memory_space<vmem>>, vector<1x16xf32>,
      %get3A_1332 = vector.shape_cast %get3A_1331 : vector<1x16xf32> to vector<16xf32>
      %mul3A_1333 = arith.mulf %get3A_1332, %broadcast_in_dim3A_1259 : vector<16xf32>
      %add3A_1334 = arith.addf %mul3A_1328, %mul3A_1333 : vector<16xf32>
      %swap3A_1335 = arith.index_cast %scan3A_1244 : i32 to index
      %swap3A_1336 = arith.constant 64 : index
      %swap3A_1337 = tpu.vector_load %arg6[%swap3A_1335, %swap3A_1336] {strides = array<i32>} : memref<96x512xf32, #tpu.memory_space<vmem>>, vector<1x16xf32>,
      %swap3A_1338 = vector.shape_cast %swap3A_1337 : vector<1x16xf32> to vector<16xf32>
      %swap3A_1339 = vector.shape_cast %add3A_1334 : vector<16xf32> to vector<1x16xf32>
      tpu.vector_store %arg6[%swap3A_1335, %swap3A_1336], %swap3A_1339 {strides = array<i32>} : memref<96x512xf32, #tpu.memory_space<vmem>>, vector<1x16xf32>,
      %get3A_1340 = arith.index_cast %scan3A_1244 : i32 to index
      %get3A_1341 = arith.constant 80 : index
      %get3A_1342 = tpu.vector_load %arg7[%get3A_1340, %get3A_1341] {strides = array<i32>} : memref<96x512xf32, #tpu.memory_space<vmem>>, vector<1x16xf32>,
      %get3A_1343 = vector.shape_cast %get3A_1342 : vector<1x16xf32> to vector<16xf32>
      %mul3A_1344 = arith.mulf %get3A_1343, %broadcast_in_dim3A_1253 : vector<16xf32>
      %get3A_1345 = arith.index_cast %scan3A_1244 : i32 to index
      %get3A_1346 = arith.constant 80 : index
      %get3A_1347 = tpu.vector_load %arg6[%get3A_1345, %get3A_1346] {strides = array<i32>} : memref<96x512xf32, #tpu.memory_space<vmem>>, vector<1x16xf32>,
      %get3A_1348 = vector.shape_cast %get3A_1347 : vector<1x16xf32> to vector<16xf32>
      %mul3A_1349 = arith.mulf %get3A_1348, %broadcast_in_dim3A_1259 : vector<16xf32>
      %add3A_1350 = arith.addf %mul3A_1344, %mul3A_1349 : vector<16xf32>
      %swap3A_1351 = arith.index_cast %scan3A_1244 : i32 to index
      %swap3A_1352 = arith.constant 80 : index
      %swap3A_1353 = tpu.vector_load %arg6[%swap3A_1351, %swap3A_1352] {strides = array<i32>} : memref<96x512xf32, #tpu.memory_space<vmem>>, vector<1x16xf32>,
      %swap3A_1354 = vector.shape_cast %swap3A_1353 : vector<1x16xf32> to vector<16xf32>
      %swap3A_1355 = vector.shape_cast %add3A_1350 : vector<16xf32> to vector<1x16xf32>
      tpu.vector_store %arg6[%swap3A_1351, %swap3A_1352], %swap3A_1355 {strides = array<i32>} : memref<96x512xf32, #tpu.memory_space<vmem>>, vector<1x16xf32>,
      %get3A_1356 = arith.index_cast %scan3A_1244 : i32 to index
      %get3A_1357 = arith.constant 96 : index
      %get3A_1358 = tpu.vector_load %arg7[%get3A_1356, %get3A_1357] {strides = array<i32>} : memref<96x512xf32, #tpu.memory_space<vmem>>, vector<1x16xf32>,
      %get3A_1359 = vector.shape_cast %get3A_1358 : vector<1x16xf32> to vector<16xf32>
      %mul3A_1360 = arith.mulf %get3A_1359, %broadcast_in_dim3A_1253 : vector<16xf32>
      %get3A_1361 = arith.index_cast %scan3A_1244 : i32 to index
      %get3A_1362 = arith.constant 96 : index
      %get3A_1363 = tpu.vector_load %arg6[%get3A_1361, %get3A_1362] {strides = array<i32>} : memref<96x512xf32, #tpu.memory_space<vmem>>, vector<1x16xf32>,
      %get3A_1364 = vector.shape_cast %get3A_1363 : vector<1x16xf32> to vector<16xf32>
      %mul3A_1365 = arith.mulf %get3A_1364, %broadcast_in_dim3A_1259 : vector<16xf32>
      %add3A_1366 = arith.addf %mul3A_1360, %mul3A_1365 : vector<16xf32>
      %swap3A_1367 = arith.index_cast %scan3A_1244 : i32 to index
      %swap3A_1368 = arith.constant 96 : index
      %swap3A_1369 = tpu.vector_load %arg6[%swap3A_1367, %swap3A_1368] {strides = array<i32>} : memref<96x512xf32, #tpu.memory_space<vmem>>, vector<1x16xf32>,
      %swap3A_1370 = vector.shape_cast %swap3A_1369 : vector<1x16xf32> to vector<16xf32>
      %swap3A_1371 = vector.shape_cast %add3A_1366 : vector<16xf32> to vector<1x16xf32>
      tpu.vector_store %arg6[%swap3A_1367, %swap3A_1368], %swap3A_1371 {strides = array<i32>} : memref<96x512xf32, #tpu.memory_space<vmem>>, vector<1x16xf32>,
      %get3A_1372 = arith.index_cast %scan3A_1244 : i32 to index
      %get3A_1373 = arith.constant 112 : index
      %get3A_1374 = tpu.vector_load %arg7[%get3A_1372, %get3A_1373] {strides = array<i32>} : memref<96x512xf32, #tpu.memory_space<vmem>>, vector<1x16xf32>,
      %get3A_1375 = vector.shape_cast %get3A_1374 : vector<1x16xf32> to vector<16xf32>
      %mul3A_1376 = arith.mulf %get3A_1375, %broadcast_in_dim3A_1253 : vector<16xf32>
      %get3A_1377 = arith.index_cast %scan3A_1244 : i32 to index
      %get3A_1378 = arith.constant 112 : index
      %get3A_1379 = tpu.vector_load %arg6[%get3A_1377, %get3A_1378] {strides = array<i32>} : memref<96x512xf32, #tpu.memory_space<vmem>>, vector<1x16xf32>,
      %get3A_1380 = vector.shape_cast %get3A_1379 : vector<1x16xf32> to vector<16xf32>
      %mul3A_1381 = arith.mulf %get3A_1380, %broadcast_in_dim3A_1259 : vector<16xf32>
      %add3A_1382 = arith.addf %mul3A_1376, %mul3A_1381 : vector<16xf32>
      %swap3A_1383 = arith.index_cast %scan3A_1244 : i32 to index
      %swap3A_1384 = arith.constant 112 : index
      %swap3A_1385 = tpu.vector_load %arg6[%swap3A_1383, %swap3A_1384] {strides = array<i32>} : memref<96x512xf32, #tpu.memory_space<vmem>>, vector<1x16xf32>,
      %swap3A_1386 = vector.shape_cast %swap3A_1385 : vector<1x16xf32> to vector<16xf32>
      %swap3A_1387 = vector.shape_cast %add3A_1382 : vector<16xf32> to vector<1x16xf32>
      tpu.vector_store %arg6[%swap3A_1383, %swap3A_1384], %swap3A_1387 {strides = array<i32>} : memref<96x512xf32, #tpu.memory_space<vmem>>, vector<1x16xf32>,
      %get3A_1388 = arith.index_cast %scan3A_1244 : i32 to index
      %get3A_1389 = arith.constant 128 : index
      %get3A_1390 = tpu.vector_load %arg7[%get3A_1388, %get3A_1389] {strides = array<i32>} : memref<96x512xf32, #tpu.memory_space<vmem>>, vector<1x16xf32>,
      %get3A_1391 = vector.shape_cast %get3A_1390 : vector<1x16xf32> to vector<16xf32>
      %mul3A_1392 = arith.mulf %get3A_1391, %broadcast_in_dim3A_1253 : vector<16xf32>
      %get3A_1393 = arith.index_cast %scan3A_1244 : i32 to index
      %get3A_1394 = arith.constant 128 : index
      %get3A_1395 = tpu.vector_load %arg6[%get3A_1393, %get3A_1394] {strides = array<i32>} : memref<96x512xf32, #tpu.memory_space<vmem>>, vector<1x16xf32>,
      %get3A_1396 = vector.shape_cast %get3A_1395 : vector<1x16xf32> to vector<16xf32>
      %mul3A_1397 = arith.mulf %get3A_1396, %broadcast_in_dim3A_1259 : vector<16xf32>
      %add3A_1398 = arith.addf %mul3A_1392, %mul3A_1397 : vector<16xf32>
      %swap3A_1399 = arith.index_cast %scan3A_1244 : i32 to index
      %swap3A_1400 = arith.constant 128 : index
      %swap3A_1401 = tpu.vector_load %arg6[%swap3A_1399, %swap3A_1400] {strides = array<i32>} : memref<96x512xf32, #tpu.memory_space<vmem>>, vector<1x16xf32>,
      %swap3A_1402 = vector.shape_cast %swap3A_1401 : vector<1x16xf32> to vector<16xf32>
      %swap3A_1403 = vector.shape_cast %add3A_1398 : vector<16xf32> to vector<1x16xf32>
      tpu.vector_store %arg6[%swap3A_1399, %swap3A_1400], %swap3A_1403 {strides = array<i32>} : memref<96x512xf32, #tpu.memory_space<vmem>>, vector<1x16xf32>,
      %get3A_1404 = arith.index_cast %scan3A_1244 : i32 to index
      %get3A_1405 = arith.constant 144 : index
      %get3A_1406 = tpu.vector_load %arg7[%get3A_1404, %get3A_1405] {strides = array<i32>} : memref<96x512xf32, #tpu.memory_space<vmem>>, vector<1x16xf32>,
      %get3A_1407 = vector.shape_cast %get3A_1406 : vector<1x16xf32> to vector<16xf32>
      %mul3A_1408 = arith.mulf %get3A_1407, %broadcast_in_dim3A_1253 : vector<16xf32>
      %get3A_1409 = arith.index_cast %scan3A_1244 : i32 to index
      %get3A_1410 = arith.constant 144 : index
      %get3A_1411 = tpu.vector_load %arg6[%get3A_1409, %get3A_1410] {strides = array<i32>} : memref<96x512xf32, #tpu.memory_space<vmem>>, vector<1x16xf32>,
      %get3A_1412 = vector.shape_cast %get3A_1411 : vector<1x16xf32> to vector<16xf32>
      %mul3A_1413 = arith.mulf %get3A_1412, %broadcast_in_dim3A_1259 : vector<16xf32>
      %add3A_1414 = arith.addf %mul3A_1408, %mul3A_1413 : vector<16xf32>
      %swap3A_1415 = arith.index_cast %scan3A_1244 : i32 to index
      %swap3A_1416 = arith.constant 144 : index
      %swap3A_1417 = tpu.vector_load %arg6[%swap3A_1415, %swap3A_1416] {strides = array<i32>} : memref<96x512xf32, #tpu.memory_space<vmem>>, vector<1x16xf32>,
      %swap3A_1418 = vector.shape_cast %swap3A_1417 : vector<1x16xf32> to vector<16xf32>
      %swap3A_1419 = vector.shape_cast %add3A_1414 : vector<16xf32> to vector<1x16xf32>
      tpu.vector_store %arg6[%swap3A_1415, %swap3A_1416], %swap3A_1419 {strides = array<i32>} : memref<96x512xf32, #tpu.memory_space<vmem>>, vector<1x16xf32>,
      %get3A_1420 = arith.index_cast %scan3A_1244 : i32 to index
      %get3A_1421 = arith.constant 160 : index
      %get3A_1422 = tpu.vector_load %arg7[%get3A_1420, %get3A_1421] {strides = array<i32>} : memref<96x512xf32, #tpu.memory_space<vmem>>, vector<1x16xf32>,
      %get3A_1423 = vector.shape_cast %get3A_1422 : vector<1x16xf32> to vector<16xf32>
      %mul3A_1424 = arith.mulf %get3A_1423, %broadcast_in_dim3A_1253 : vector<16xf32>
      %get3A_1425 = arith.index_cast %scan3A_1244 : i32 to index
      %get3A_1426 = arith.constant 160 : index
      %get3A_1427 = tpu.vector_load %arg6[%get3A_1425, %get3A_1426] {strides = array<i32>} : memref<96x512xf32, #tpu.memory_space<vmem>>, vector<1x16xf32>,
      %get3A_1428 = vector.shape_cast %get3A_1427 : vector<1x16xf32> to vector<16xf32>
      %mul3A_1429 = arith.mulf %get3A_1428, %broadcast_in_dim3A_1259 : vector<16xf32>
      %add3A_1430 = arith.addf %mul3A_1424, %mul3A_1429 : vector<16xf32>
      %swap3A_1431 = arith.index_cast %scan3A_1244 : i32 to index
      %swap3A_1432 = arith.constant 160 : index
      %swap3A_1433 = tpu.vector_load %arg6[%swap3A_1431, %swap3A_1432] {strides = array<i32>} : memref<96x512xf32, #tpu.memory_space<vmem>>, vector<1x16xf32>,
      %swap3A_1434 = vector.shape_cast %swap3A_1433 : vector<1x16xf32> to vector<16xf32>
      %swap3A_1435 = vector.shape_cast %add3A_1430 : vector<16xf32> to vector<1x16xf32>
      tpu.vector_store %arg6[%swap3A_1431, %swap3A_1432], %swap3A_1435 {strides = array<i32>} : memref<96x512xf32, #tpu.memory_space<vmem>>, vector<1x16xf32>,
      %get3A_1436 = arith.index_cast %scan3A_1244 : i32 to index
      %get3A_1437 = arith.constant 176 : index
      %get3A_1438 = tpu.vector_load %arg7[%get3A_1436, %get3A_1437] {strides = array<i32>} : memref<96x512xf32, #tpu.memory_space<vmem>>, vector<1x16xf32>,
      %get3A_1439 = vector.shape_cast %get3A_1438 : vector<1x16xf32> to vector<16xf32>
      %mul3A_1440 = arith.mulf %get3A_1439, %broadcast_in_dim3A_1253 : vector<16xf32>
      %get3A_1441 = arith.index_cast %scan3A_1244 : i32 to index
      %get3A_1442 = arith.constant 176 : index
      %get3A_1443 = tpu.vector_load %arg6[%get3A_1441, %get3A_1442] {strides = array<i32>} : memref<96x512xf32, #tpu.memory_space<vmem>>, vector<1x16xf32>,
      %get3A_1444 = vector.shape_cast %get3A_1443 : vector<1x16xf32> to vector<16xf32>
      %mul3A_1445 = arith.mulf %get3A_1444, %broadcast_in_dim3A_1259 : vector<16xf32>
      %add3A_1446 = arith.addf %mul3A_1440, %mul3A_1445 : vector<16xf32>
      %swap3A_1447 = arith.index_cast %scan3A_1244 : i32 to index
      %swap3A_1448 = arith.constant 176 : index
      %swap3A_1449 = tpu.vector_load %arg6[%swap3A_1447, %swap3A_1448] {strides = array<i32>} : memref<96x512xf32, #tpu.memory_space<vmem>>, vector<1x16xf32>,
      %swap3A_1450 = vector.shape_cast %swap3A_1449 : vector<1x16xf32> to vector<16xf32>
      %swap3A_1451 = vector.shape_cast %add3A_1446 : vector<16xf32> to vector<1x16xf32>
      tpu.vector_store %arg6[%swap3A_1447, %swap3A_1448], %swap3A_1451 {strides = array<i32>} : memref<96x512xf32, #tpu.memory_space<vmem>>, vector<1x16xf32>,
      %get3A_1452 = arith.index_cast %scan3A_1244 : i32 to index
      %get3A_1453 = arith.constant 192 : index
      %get3A_1454 = tpu.vector_load %arg7[%get3A_1452, %get3A_1453] {strides = array<i32>} : memref<96x512xf32, #tpu.memory_space<vmem>>, vector<1x16xf32>,
      %get3A_1455 = vector.shape_cast %get3A_1454 : vector<1x16xf32> to vector<16xf32>
      %mul3A_1456 = arith.mulf %get3A_1455, %broadcast_in_dim3A_1253 : vector<16xf32>
      %get3A_1457 = arith.index_cast %scan3A_1244 : i32 to index
      %get3A_1458 = arith.constant 192 : index
      %get3A_1459 = tpu.vector_load %arg6[%get3A_1457, %get3A_1458] {strides = array<i32>} : memref<96x512xf32, #tpu.memory_space<vmem>>, vector<1x16xf32>,
      %get3A_1460 = vector.shape_cast %get3A_1459 : vector<1x16xf32> to vector<16xf32>
      %mul3A_1461 = arith.mulf %get3A_1460, %broadcast_in_dim3A_1259 : vector<16xf32>
      %add3A_1462 = arith.addf %mul3A_1456, %mul3A_1461 : vector<16xf32>
      %swap3A_1463 = arith.index_cast %scan3A_1244 : i32 to index
      %swap3A_1464 = arith.constant 192 : index
      %swap3A_1465 = tpu.vector_load %arg6[%swap3A_1463, %swap3A_1464] {strides = array<i32>} : memref<96x512xf32, #tpu.memory_space<vmem>>, vector<1x16xf32>,
      %swap3A_1466 = vector.shape_cast %swap3A_1465 : vector<1x16xf32> to vector<16xf32>
      %swap3A_1467 = vector.shape_cast %add3A_1462 : vector<16xf32> to vector<1x16xf32>
      tpu.vector_store %arg6[%swap3A_1463, %swap3A_1464], %swap3A_1467 {strides = array<i32>} : memref<96x512xf32, #tpu.memory_space<vmem>>, vector<1x16xf32>,
      %get3A_1468 = arith.index_cast %scan3A_1244 : i32 to index
      %get3A_1469 = arith.constant 208 : index
      %get3A_1470 = tpu.vector_load %arg7[%get3A_1468, %get3A_1469] {strides = array<i32>} : memref<96x512xf32, #tpu.memory_space<vmem>>, vector<1x16xf32>,
      %get3A_1471 = vector.shape_cast %get3A_1470 : vector<1x16xf32> to vector<16xf32>
      %mul3A_1472 = arith.mulf %get3A_1471, %broadcast_in_dim3A_1253 : vector<16xf32>
      %get3A_1473 = arith.index_cast %scan3A_1244 : i32 to index
      %get3A_1474 = arith.constant 208 : index
      %get3A_1475 = tpu.vector_load %arg6[%get3A_1473, %get3A_1474] {strides = array<i32>} : memref<96x512xf32, #tpu.memory_space<vmem>>, vector<1x16xf32>,
      %get3A_1476 = vector.shape_cast %get3A_1475 : vector<1x16xf32> to vector<16xf32>
      %mul3A_1477 = arith.mulf %get3A_1476, %broadcast_in_dim3A_1259 : vector<16xf32>
      %add3A_1478 = arith.addf %mul3A_1472, %mul3A_1477 : vector<16xf32>
      %swap3A_1479 = arith.index_cast %scan3A_1244 : i32 to index
      %swap3A_1480 = arith.constant 208 : index
      %swap3A_1481 = tpu.vector_load %arg6[%swap3A_1479, %swap3A_1480] {strides = array<i32>} : memref<96x512xf32, #tpu.memory_space<vmem>>, vector<1x16xf32>,
      %swap3A_1482 = vector.shape_cast %swap3A_1481 : vector<1x16xf32> to vector<16xf32>
      %swap3A_1483 = vector.shape_cast %add3A_1478 : vector<16xf32> to vector<1x16xf32>
      tpu.vector_store %arg6[%swap3A_1479, %swap3A_1480], %swap3A_1483 {strides = array<i32>} : memref<96x512xf32, #tpu.memory_space<vmem>>, vector<1x16xf32>,
      %get3A_1484 = arith.index_cast %scan3A_1244 : i32 to index
      %get3A_1485 = arith.constant 224 : index
      %get3A_1486 = tpu.vector_load %arg7[%get3A_1484, %get3A_1485] {strides = array<i32>} : memref<96x512xf32, #tpu.memory_space<vmem>>, vector<1x16xf32>,
      %get3A_1487 = vector.shape_cast %get3A_1486 : vector<1x16xf32> to vector<16xf32>
      %mul3A_1488 = arith.mulf %get3A_1487, %broadcast_in_dim3A_1253 : vector<16xf32>
      %get3A_1489 = arith.index_cast %scan3A_1244 : i32 to index
      %get3A_1490 = arith.constant 224 : index
      %get3A_1491 = tpu.vector_load %arg6[%get3A_1489, %get3A_1490] {strides = array<i32>} : memref<96x512xf32, #tpu.memory_space<vmem>>, vector<1x16xf32>,
      %get3A_1492 = vector.shape_cast %get3A_1491 : vector<1x16xf32> to vector<16xf32>
      %mul3A_1493 = arith.mulf %get3A_1492, %broadcast_in_dim3A_1259 : vector<16xf32>
      %add3A_1494 = arith.addf %mul3A_1488, %mul3A_1493 : vector<16xf32>
      %swap3A_1495 = arith.index_cast %scan3A_1244 : i32 to index
      %swap3A_1496 = arith.constant 224 : index
      %swap3A_1497 = tpu.vector_load %arg6[%swap3A_1495, %swap3A_1496] {strides = array<i32>} : memref<96x512xf32, #tpu.memory_space<vmem>>, vector<1x16xf32>,
      %swap3A_1498 = vector.shape_cast %swap3A_1497 : vector<1x16xf32> to vector<16xf32>
      %swap3A_1499 = vector.shape_cast %add3A_1494 : vector<16xf32> to vector<1x16xf32>
      tpu.vector_store %arg6[%swap3A_1495, %swap3A_1496], %swap3A_1499 {strides = array<i32>} : memref<96x512xf32, #tpu.memory_space<vmem>>, vector<1x16xf32>,
      %get3A_1500 = arith.index_cast %scan3A_1244 : i32 to index
      %get3A_1501 = arith.constant 240 : index
      %get3A_1502 = tpu.vector_load %arg7[%get3A_1500, %get3A_1501] {strides = array<i32>} : memref<96x512xf32, #tpu.memory_space<vmem>>, vector<1x16xf32>,
      %get3A_1503 = vector.shape_cast %get3A_1502 : vector<1x16xf32> to vector<16xf32>
      %mul3A_1504 = arith.mulf %get3A_1503, %broadcast_in_dim3A_1253 : vector<16xf32>
      %get3A_1505 = arith.index_cast %scan3A_1244 : i32 to index
      %get3A_1506 = arith.constant 240 : index
      %get3A_1507 = tpu.vector_load %arg6[%get3A_1505, %get3A_1506] {strides = array<i32>} : memref<96x512xf32, #tpu.memory_space<vmem>>, vector<1x16xf32>,
      %get3A_1508 = vector.shape_cast %get3A_1507 : vector<1x16xf32> to vector<16xf32>
      %mul3A_1509 = arith.mulf %get3A_1508, %broadcast_in_dim3A_1259 : vector<16xf32>
      %add3A_1510 = arith.addf %mul3A_1504, %mul3A_1509 : vector<16xf32>
      %swap3A_1511 = arith.index_cast %scan3A_1244 : i32 to index
      %swap3A_1512 = arith.constant 240 : index
      %swap3A_1513 = tpu.vector_load %arg6[%swap3A_1511, %swap3A_1512] {strides = array<i32>} : memref<96x512xf32, #tpu.memory_space<vmem>>, vector<1x16xf32>,
      %swap3A_1514 = vector.shape_cast %swap3A_1513 : vector<1x16xf32> to vector<16xf32>
      %swap3A_1515 = vector.shape_cast %add3A_1510 : vector<16xf32> to vector<1x16xf32>
      tpu.vector_store %arg6[%swap3A_1511, %swap3A_1512], %swap3A_1515 {strides = array<i32>} : memref<96x512xf32, #tpu.memory_space<vmem>>, vector<1x16xf32>,
      %get3A_1516 = arith.index_cast %scan3A_1244 : i32 to index
      %get3A_1517 = arith.constant 256 : index
      %get3A_1518 = tpu.vector_load %arg7[%get3A_1516, %get3A_1517] {strides = array<i32>} : memref<96x512xf32, #tpu.memory_space<vmem>>, vector<1x16xf32>,
      %get3A_1519 = vector.shape_cast %get3A_1518 : vector<1x16xf32> to vector<16xf32>
      %mul3A_1520 = arith.mulf %get3A_1519, %broadcast_in_dim3A_1253 : vector<16xf32>
      %get3A_1521 = arith.index_cast %scan3A_1244 : i32 to index
      %get3A_1522 = arith.constant 256 : index
      %get3A_1523 = tpu.vector_load %arg6[%get3A_1521, %get3A_1522] {strides = array<i32>} : memref<96x512xf32, #tpu.memory_space<vmem>>, vector<1x16xf32>,
      %get3A_1524 = vector.shape_cast %get3A_1523 : vector<1x16xf32> to vector<16xf32>
      %mul3A_1525 = arith.mulf %get3A_1524, %broadcast_in_dim3A_1259 : vector<16xf32>
      %add3A_1526 = arith.addf %mul3A_1520, %mul3A_1525 : vector<16xf32>
      %swap3A_1527 = arith.index_cast %scan3A_1244 : i32 to index
      %swap3A_1528 = arith.constant 256 : index
      %swap3A_1529 = tpu.vector_load %arg6[%swap3A_1527, %swap3A_1528] {strides = array<i32>} : memref<96x512xf32, #tpu.memory_space<vmem>>, vector<1x16xf32>,
      %swap3A_1530 = vector.shape_cast %swap3A_1529 : vector<1x16xf32> to vector<16xf32>
      %swap3A_1531 = vector.shape_cast %add3A_1526 : vector<16xf32> to vector<1x16xf32>
      tpu.vector_store %arg6[%swap3A_1527, %swap3A_1528], %swap3A_1531 {strides = array<i32>} : memref<96x512xf32, #tpu.memory_space<vmem>>, vector<1x16xf32>,
      %get3A_1532 = arith.index_cast %scan3A_1244 : i32 to index
      %get3A_1533 = arith.constant 272 : index
      %get3A_1534 = tpu.vector_load %arg7[%get3A_1532, %get3A_1533] {strides = array<i32>} : memref<96x512xf32, #tpu.memory_space<vmem>>, vector<1x16xf32>,
      %get3A_1535 = vector.shape_cast %get3A_1534 : vector<1x16xf32> to vector<16xf32>
      %mul3A_1536 = arith.mulf %get3A_1535, %broadcast_in_dim3A_1253 : vector<16xf32>
      %get3A_1537 = arith.index_cast %scan3A_1244 : i32 to index
      %get3A_1538 = arith.constant 272 : index
      %get3A_1539 = tpu.vector_load %arg6[%get3A_1537, %get3A_1538] {strides = array<i32>} : memref<96x512xf32, #tpu.memory_space<vmem>>, vector<1x16xf32>,
      %get3A_1540 = vector.shape_cast %get3A_1539 : vector<1x16xf32> to vector<16xf32>
      %mul3A_1541 = arith.mulf %get3A_1540, %broadcast_in_dim3A_1259 : vector<16xf32>
      %add3A_1542 = arith.addf %mul3A_1536, %mul3A_1541 : vector<16xf32>
      %swap3A_1543 = arith.index_cast %scan3A_1244 : i32 to index
      %swap3A_1544 = arith.constant 272 : index
      %swap3A_1545 = tpu.vector_load %arg6[%swap3A_1543, %swap3A_1544] {strides = array<i32>} : memref<96x512xf32, #tpu.memory_space<vmem>>, vector<1x16xf32>,
      %swap3A_1546 = vector.shape_cast %swap3A_1545 : vector<1x16xf32> to vector<16xf32>
      %swap3A_1547 = vector.shape_cast %add3A_1542 : vector<16xf32> to vector<1x16xf32>
      tpu.vector_store %arg6[%swap3A_1543, %swap3A_1544], %swap3A_1547 {strides = array<i32>} : memref<96x512xf32, #tpu.memory_space<vmem>>, vector<1x16xf32>,
      %get3A_1548 = arith.index_cast %scan3A_1244 : i32 to index
      %get3A_1549 = arith.constant 288 : index
      %get3A_1550 = tpu.vector_load %arg7[%get3A_1548, %get3A_1549] {strides = array<i32>} : memref<96x512xf32, #tpu.memory_space<vmem>>, vector<1x16xf32>,
      %get3A_1551 = vector.shape_cast %get3A_1550 : vector<1x16xf32> to vector<16xf32>
      %mul3A_1552 = arith.mulf %get3A_1551, %broadcast_in_dim3A_1253 : vector<16xf32>
      %get3A_1553 = arith.index_cast %scan3A_1244 : i32 to index
      %get3A_1554 = arith.constant 288 : index
      %get3A_1555 = tpu.vector_load %arg6[%get3A_1553, %get3A_1554] {strides = array<i32>} : memref<96x512xf32, #tpu.memory_space<vmem>>, vector<1x16xf32>,
      %get3A_1556 = vector.shape_cast %get3A_1555 : vector<1x16xf32> to vector<16xf32>
      %mul3A_1557 = arith.mulf %get3A_1556, %broadcast_in_dim3A_1259 : vector<16xf32>
      %add3A_1558 = arith.addf %mul3A_1552, %mul3A_1557 : vector<16xf32>
      %swap3A_1559 = arith.index_cast %scan3A_1244 : i32 to index
      %swap3A_1560 = arith.constant 288 : index
      %swap3A_1561 = tpu.vector_load %arg6[%swap3A_1559, %swap3A_1560] {strides = array<i32>} : memref<96x512xf32, #tpu.memory_space<vmem>>, vector<1x16xf32>,
      %swap3A_1562 = vector.shape_cast %swap3A_1561 : vector<1x16xf32> to vector<16xf32>
      %swap3A_1563 = vector.shape_cast %add3A_1558 : vector<16xf32> to vector<1x16xf32>
      tpu.vector_store %arg6[%swap3A_1559, %swap3A_1560], %swap3A_1563 {strides = array<i32>} : memref<96x512xf32, #tpu.memory_space<vmem>>, vector<1x16xf32>,
      %get3A_1564 = arith.index_cast %scan3A_1244 : i32 to index
      %get3A_1565 = arith.constant 304 : index
      %get3A_1566 = tpu.vector_load %arg7[%get3A_1564, %get3A_1565] {strides = array<i32>} : memref<96x512xf32, #tpu.memory_space<vmem>>, vector<1x16xf32>,
      %get3A_1567 = vector.shape_cast %get3A_1566 : vector<1x16xf32> to vector<16xf32>
      %mul3A_1568 = arith.mulf %get3A_1567, %broadcast_in_dim3A_1253 : vector<16xf32>
      %get3A_1569 = arith.index_cast %scan3A_1244 : i32 to index
      %get3A_1570 = arith.constant 304 : index
      %get3A_1571 = tpu.vector_load %arg6[%get3A_1569, %get3A_1570] {strides = array<i32>} : memref<96x512xf32, #tpu.memory_space<vmem>>, vector<1x16xf32>,
      %get3A_1572 = vector.shape_cast %get3A_1571 : vector<1x16xf32> to vector<16xf32>
      %mul3A_1573 = arith.mulf %get3A_1572, %broadcast_in_dim3A_1259 : vector<16xf32>
      %add3A_1574 = arith.addf %mul3A_1568, %mul3A_1573 : vector<16xf32>
      %swap3A_1575 = arith.index_cast %scan3A_1244 : i32 to index
      %swap3A_1576 = arith.constant 304 : index
      %swap3A_1577 = tpu.vector_load %arg6[%swap3A_1575, %swap3A_1576] {strides = array<i32>} : memref<96x512xf32, #tpu.memory_space<vmem>>, vector<1x16xf32>,
      %swap3A_1578 = vector.shape_cast %swap3A_1577 : vector<1x16xf32> to vector<16xf32>
      %swap3A_1579 = vector.shape_cast %add3A_1574 : vector<16xf32> to vector<1x16xf32>
      tpu.vector_store %arg6[%swap3A_1575, %swap3A_1576], %swap3A_1579 {strides = array<i32>} : memref<96x512xf32, #tpu.memory_space<vmem>>, vector<1x16xf32>,
      %get3A_1580 = arith.index_cast %scan3A_1244 : i32 to index
      %get3A_1581 = arith.constant 320 : index
      %get3A_1582 = tpu.vector_load %arg7[%get3A_1580, %get3A_1581] {strides = array<i32>} : memref<96x512xf32, #tpu.memory_space<vmem>>, vector<1x16xf32>,
      %get3A_1583 = vector.shape_cast %get3A_1582 : vector<1x16xf32> to vector<16xf32>
      %mul3A_1584 = arith.mulf %get3A_1583, %broadcast_in_dim3A_1253 : vector<16xf32>
      %get3A_1585 = arith.index_cast %scan3A_1244 : i32 to index
      %get3A_1586 = arith.constant 320 : index
      %get3A_1587 = tpu.vector_load %arg6[%get3A_1585, %get3A_1586] {strides = array<i32>} : memref<96x512xf32, #tpu.memory_space<vmem>>, vector<1x16xf32>,
      %get3A_1588 = vector.shape_cast %get3A_1587 : vector<1x16xf32> to vector<16xf32>
      %mul3A_1589 = arith.mulf %get3A_1588, %broadcast_in_dim3A_1259 : vector<16xf32>
      %add3A_1590 = arith.addf %mul3A_1584, %mul3A_1589 : vector<16xf32>
      %swap3A_1591 = arith.index_cast %scan3A_1244 : i32 to index
      %swap3A_1592 = arith.constant 320 : index
      %swap3A_1593 = tpu.vector_load %arg6[%swap3A_1591, %swap3A_1592] {strides = array<i32>} : memref<96x512xf32, #tpu.memory_space<vmem>>, vector<1x16xf32>,
      %swap3A_1594 = vector.shape_cast %swap3A_1593 : vector<1x16xf32> to vector<16xf32>
      %swap3A_1595 = vector.shape_cast %add3A_1590 : vector<16xf32> to vector<1x16xf32>
      tpu.vector_store %arg6[%swap3A_1591, %swap3A_1592], %swap3A_1595 {strides = array<i32>} : memref<96x512xf32, #tpu.memory_space<vmem>>, vector<1x16xf32>,
      %get3A_1596 = arith.index_cast %scan3A_1244 : i32 to index
      %get3A_1597 = arith.constant 336 : index
      %get3A_1598 = tpu.vector_load %arg7[%get3A_1596, %get3A_1597] {strides = array<i32>} : memref<96x512xf32, #tpu.memory_space<vmem>>, vector<1x16xf32>,
      %get3A_1599 = vector.shape_cast %get3A_1598 : vector<1x16xf32> to vector<16xf32>
      %mul3A_1600 = arith.mulf %get3A_1599, %broadcast_in_dim3A_1253 : vector<16xf32>
      %get3A_1601 = arith.index_cast %scan3A_1244 : i32 to index
      %get3A_1602 = arith.constant 336 : index
      %get3A_1603 = tpu.vector_load %arg6[%get3A_1601, %get3A_1602] {strides = array<i32>} : memref<96x512xf32, #tpu.memory_space<vmem>>, vector<1x16xf32>,
      %get3A_1604 = vector.shape_cast %get3A_1603 : vector<1x16xf32> to vector<16xf32>
      %mul3A_1605 = arith.mulf %get3A_1604, %broadcast_in_dim3A_1259 : vector<16xf32>
      %add3A_1606 = arith.addf %mul3A_1600, %mul3A_1605 : vector<16xf32>
      %swap3A_1607 = arith.index_cast %scan3A_1244 : i32 to index
      %swap3A_1608 = arith.constant 336 : index
      %swap3A_1609 = tpu.vector_load %arg6[%swap3A_1607, %swap3A_1608] {strides = array<i32>} : memref<96x512xf32, #tpu.memory_space<vmem>>, vector<1x16xf32>,
      %swap3A_1610 = vector.shape_cast %swap3A_1609 : vector<1x16xf32> to vector<16xf32>
      %swap3A_1611 = vector.shape_cast %add3A_1606 : vector<16xf32> to vector<1x16xf32>
      tpu.vector_store %arg6[%swap3A_1607, %swap3A_1608], %swap3A_1611 {strides = array<i32>} : memref<96x512xf32, #tpu.memory_space<vmem>>, vector<1x16xf32>,
      %get3A_1612 = arith.index_cast %scan3A_1244 : i32 to index
      %get3A_1613 = arith.constant 352 : index
      %get3A_1614 = tpu.vector_load %arg7[%get3A_1612, %get3A_1613] {strides = array<i32>} : memref<96x512xf32, #tpu.memory_space<vmem>>, vector<1x16xf32>,
      %get3A_1615 = vector.shape_cast %get3A_1614 : vector<1x16xf32> to vector<16xf32>
      %mul3A_1616 = arith.mulf %get3A_1615, %broadcast_in_dim3A_1253 : vector<16xf32>
      %get3A_1617 = arith.index_cast %scan3A_1244 : i32 to index
      %get3A_1618 = arith.constant 352 : index
      %get3A_1619 = tpu.vector_load %arg6[%get3A_1617, %get3A_1618] {strides = array<i32>} : memref<96x512xf32, #tpu.memory_space<vmem>>, vector<1x16xf32>,
      %get3A_1620 = vector.shape_cast %get3A_1619 : vector<1x16xf32> to vector<16xf32>
      %mul3A_1621 = arith.mulf %get3A_1620, %broadcast_in_dim3A_1259 : vector<16xf32>
      %add3A_1622 = arith.addf %mul3A_1616, %mul3A_1621 : vector<16xf32>
      %swap3A_1623 = arith.index_cast %scan3A_1244 : i32 to index
      %swap3A_1624 = arith.constant 352 : index
      %swap3A_1625 = tpu.vector_load %arg6[%swap3A_1623, %swap3A_1624] {strides = array<i32>} : memref<96x512xf32, #tpu.memory_space<vmem>>, vector<1x16xf32>,
      %swap3A_1626 = vector.shape_cast %swap3A_1625 : vector<1x16xf32> to vector<16xf32>
      %swap3A_1627 = vector.shape_cast %add3A_1622 : vector<16xf32> to vector<1x16xf32>
      tpu.vector_store %arg6[%swap3A_1623, %swap3A_1624], %swap3A_1627 {strides = array<i32>} : memref<96x512xf32, #tpu.memory_space<vmem>>, vector<1x16xf32>,
      %get3A_1628 = arith.index_cast %scan3A_1244 : i32 to index
      %get3A_1629 = arith.constant 368 : index
      %get3A_1630 = tpu.vector_load %arg7[%get3A_1628, %get3A_1629] {strides = array<i32>} : memref<96x512xf32, #tpu.memory_space<vmem>>, vector<1x16xf32>,
      %get3A_1631 = vector.shape_cast %get3A_1630 : vector<1x16xf32> to vector<16xf32>
      %mul3A_1632 = arith.mulf %get3A_1631, %broadcast_in_dim3A_1253 : vector<16xf32>
      %get3A_1633 = arith.index_cast %scan3A_1244 : i32 to index
      %get3A_1634 = arith.constant 368 : index
      %get3A_1635 = tpu.vector_load %arg6[%get3A_1633, %get3A_1634] {strides = array<i32>} : memref<96x512xf32, #tpu.memory_space<vmem>>, vector<1x16xf32>,
      %get3A_1636 = vector.shape_cast %get3A_1635 : vector<1x16xf32> to vector<16xf32>
      %mul3A_1637 = arith.mulf %get3A_1636, %broadcast_in_dim3A_1259 : vector<16xf32>
      %add3A_1638 = arith.addf %mul3A_1632, %mul3A_1637 : vector<16xf32>
      %swap3A_1639 = arith.index_cast %scan3A_1244 : i32 to index
      %swap3A_1640 = arith.constant 368 : index
      %swap3A_1641 = tpu.vector_load %arg6[%swap3A_1639, %swap3A_1640] {strides = array<i32>} : memref<96x512xf32, #tpu.memory_space<vmem>>, vector<1x16xf32>,
      %swap3A_1642 = vector.shape_cast %swap3A_1641 : vector<1x16xf32> to vector<16xf32>
      %swap3A_1643 = vector.shape_cast %add3A_1638 : vector<16xf32> to vector<1x16xf32>
      tpu.vector_store %arg6[%swap3A_1639, %swap3A_1640], %swap3A_1643 {strides = array<i32>} : memref<96x512xf32, #tpu.memory_space<vmem>>, vector<1x16xf32>,
      %get3A_1644 = arith.index_cast %scan3A_1244 : i32 to index
      %get3A_1645 = arith.constant 384 : index
      %get3A_1646 = tpu.vector_load %arg7[%get3A_1644, %get3A_1645] {strides = array<i32>} : memref<96x512xf32, #tpu.memory_space<vmem>>, vector<1x16xf32>,
      %get3A_1647 = vector.shape_cast %get3A_1646 : vector<1x16xf32> to vector<16xf32>
      %mul3A_1648 = arith.mulf %get3A_1647, %broadcast_in_dim3A_1253 : vector<16xf32>
      %get3A_1649 = arith.index_cast %scan3A_1244 : i32 to index
      %get3A_1650 = arith.constant 384 : index
      %get3A_1651 = tpu.vector_load %arg6[%get3A_1649, %get3A_1650] {strides = array<i32>} : memref<96x512xf32, #tpu.memory_space<vmem>>, vector<1x16xf32>,
      %get3A_1652 = vector.shape_cast %get3A_1651 : vector<1x16xf32> to vector<16xf32>
      %mul3A_1653 = arith.mulf %get3A_1652, %broadcast_in_dim3A_1259 : vector<16xf32>
      %add3A_1654 = arith.addf %mul3A_1648, %mul3A_1653 : vector<16xf32>
      %swap3A_1655 = arith.index_cast %scan3A_1244 : i32 to index
      %swap3A_1656 = arith.constant 384 : index
      %swap3A_1657 = tpu.vector_load %arg6[%swap3A_1655, %swap3A_1656] {strides = array<i32>} : memref<96x512xf32, #tpu.memory_space<vmem>>, vector<1x16xf32>,
      %swap3A_1658 = vector.shape_cast %swap3A_1657 : vector<1x16xf32> to vector<16xf32>
      %swap3A_1659 = vector.shape_cast %add3A_1654 : vector<16xf32> to vector<1x16xf32>
      tpu.vector_store %arg6[%swap3A_1655, %swap3A_1656], %swap3A_1659 {strides = array<i32>} : memref<96x512xf32, #tpu.memory_space<vmem>>, vector<1x16xf32>,
      %get3A_1660 = arith.index_cast %scan3A_1244 : i32 to index
      %get3A_1661 = arith.constant 400 : index
      %get3A_1662 = tpu.vector_load %arg7[%get3A_1660, %get3A_1661] {strides = array<i32>} : memref<96x512xf32, #tpu.memory_space<vmem>>, vector<1x16xf32>,
      %get3A_1663 = vector.shape_cast %get3A_1662 : vector<1x16xf32> to vector<16xf32>
      %mul3A_1664 = arith.mulf %get3A_1663, %broadcast_in_dim3A_1253 : vector<16xf32>
      %get3A_1665 = arith.index_cast %scan3A_1244 : i32 to index
      %get3A_1666 = arith.constant 400 : index
      %get3A_1667 = tpu.vector_load %arg6[%get3A_1665, %get3A_1666] {strides = array<i32>} : memref<96x512xf32, #tpu.memory_space<vmem>>, vector<1x16xf32>,
      %get3A_1668 = vector.shape_cast %get3A_1667 : vector<1x16xf32> to vector<16xf32>
      %mul3A_1669 = arith.mulf %get3A_1668, %broadcast_in_dim3A_1259 : vector<16xf32>
      %add3A_1670 = arith.addf %mul3A_1664, %mul3A_1669 : vector<16xf32>
      %swap3A_1671 = arith.index_cast %scan3A_1244 : i32 to index
      %swap3A_1672 = arith.constant 400 : index
      %swap3A_1673 = tpu.vector_load %arg6[%swap3A_1671, %swap3A_1672] {strides = array<i32>} : memref<96x512xf32, #tpu.memory_space<vmem>>, vector<1x16xf32>,
      %swap3A_1674 = vector.shape_cast %swap3A_1673 : vector<1x16xf32> to vector<16xf32>
      %swap3A_1675 = vector.shape_cast %add3A_1670 : vector<16xf32> to vector<1x16xf32>
      tpu.vector_store %arg6[%swap3A_1671, %swap3A_1672], %swap3A_1675 {strides = array<i32>} : memref<96x512xf32, #tpu.memory_space<vmem>>, vector<1x16xf32>,
      %get3A_1676 = arith.index_cast %scan3A_1244 : i32 to index
      %get3A_1677 = arith.constant 416 : index
      %get3A_1678 = tpu.vector_load %arg7[%get3A_1676, %get3A_1677] {strides = array<i32>} : memref<96x512xf32, #tpu.memory_space<vmem>>, vector<1x16xf32>,
      %get3A_1679 = vector.shape_cast %get3A_1678 : vector<1x16xf32> to vector<16xf32>
      %mul3A_1680 = arith.mulf %get3A_1679, %broadcast_in_dim3A_1253 : vector<16xf32>
      %get3A_1681 = arith.index_cast %scan3A_1244 : i32 to index
      %get3A_1682 = arith.constant 416 : index
      %get3A_1683 = tpu.vector_load %arg6[%get3A_1681, %get3A_1682] {strides = array<i32>} : memref<96x512xf32, #tpu.memory_space<vmem>>, vector<1x16xf32>,
      %get3A_1684 = vector.shape_cast %get3A_1683 : vector<1x16xf32> to vector<16xf32>
      %mul3A_1685 = arith.mulf %get3A_1684, %broadcast_in_dim3A_1259 : vector<16xf32>
      %add3A_1686 = arith.addf %mul3A_1680, %mul3A_1685 : vector<16xf32>
      %swap3A_1687 = arith.index_cast %scan3A_1244 : i32 to index
      %swap3A_1688 = arith.constant 416 : index
      %swap3A_1689 = tpu.vector_load %arg6[%swap3A_1687, %swap3A_1688] {strides = array<i32>} : memref<96x512xf32, #tpu.memory_space<vmem>>, vector<1x16xf32>,
      %swap3A_1690 = vector.shape_cast %swap3A_1689 : vector<1x16xf32> to vector<16xf32>
      %swap3A_1691 = vector.shape_cast %add3A_1686 : vector<16xf32> to vector<1x16xf32>
      tpu.vector_store %arg6[%swap3A_1687, %swap3A_1688], %swap3A_1691 {strides = array<i32>} : memref<96x512xf32, #tpu.memory_space<vmem>>, vector<1x16xf32>,
      %get3A_1692 = arith.index_cast %scan3A_1244 : i32 to index
      %get3A_1693 = arith.constant 432 : index
      %get3A_1694 = tpu.vector_load %arg7[%get3A_1692, %get3A_1693] {strides = array<i32>} : memref<96x512xf32, #tpu.memory_space<vmem>>, vector<1x16xf32>,
      %get3A_1695 = vector.shape_cast %get3A_1694 : vector<1x16xf32> to vector<16xf32>
      %mul3A_1696 = arith.mulf %get3A_1695, %broadcast_in_dim3A_1253 : vector<16xf32>
      %get3A_1697 = arith.index_cast %scan3A_1244 : i32 to index
      %get3A_1698 = arith.constant 432 : index
      %get3A_1699 = tpu.vector_load %arg6[%get3A_1697, %get3A_1698] {strides = array<i32>} : memref<96x512xf32, #tpu.memory_space<vmem>>, vector<1x16xf32>,
      %get3A_1700 = vector.shape_cast %get3A_1699 : vector<1x16xf32> to vector<16xf32>
      %mul3A_1701 = arith.mulf %get3A_1700, %broadcast_in_dim3A_1259 : vector<16xf32>
      %add3A_1702 = arith.addf %mul3A_1696, %mul3A_1701 : vector<16xf32>
      %swap3A_1703 = arith.index_cast %scan3A_1244 : i32 to index
      %swap3A_1704 = arith.constant 432 : index
      %swap3A_1705 = tpu.vector_load %arg6[%swap3A_1703, %swap3A_1704] {strides = array<i32>} : memref<96x512xf32, #tpu.memory_space<vmem>>, vector<1x16xf32>,
      %swap3A_1706 = vector.shape_cast %swap3A_1705 : vector<1x16xf32> to vector<16xf32>
      %swap3A_1707 = vector.shape_cast %add3A_1702 : vector<16xf32> to vector<1x16xf32>
      tpu.vector_store %arg6[%swap3A_1703, %swap3A_1704], %swap3A_1707 {strides = array<i32>} : memref<96x512xf32, #tpu.memory_space<vmem>>, vector<1x16xf32>,
      %get3A_1708 = arith.index_cast %scan3A_1244 : i32 to index
      %get3A_1709 = arith.constant 448 : index
      %get3A_1710 = tpu.vector_load %arg7[%get3A_1708, %get3A_1709] {strides = array<i32>} : memref<96x512xf32, #tpu.memory_space<vmem>>, vector<1x16xf32>,
      %get3A_1711 = vector.shape_cast %get3A_1710 : vector<1x16xf32> to vector<16xf32>
      %mul3A_1712 = arith.mulf %get3A_1711, %broadcast_in_dim3A_1253 : vector<16xf32>
      %get3A_1713 = arith.index_cast %scan3A_1244 : i32 to index
      %get3A_1714 = arith.constant 448 : index
      %get3A_1715 = tpu.vector_load %arg6[%get3A_1713, %get3A_1714] {strides = array<i32>} : memref<96x512xf32, #tpu.memory_space<vmem>>, vector<1x16xf32>,
      %get3A_1716 = vector.shape_cast %get3A_1715 : vector<1x16xf32> to vector<16xf32>
      %mul3A_1717 = arith.mulf %get3A_1716, %broadcast_in_dim3A_1259 : vector<16xf32>
      %add3A_1718 = arith.addf %mul3A_1712, %mul3A_1717 : vector<16xf32>
      %swap3A_1719 = arith.index_cast %scan3A_1244 : i32 to index
      %swap3A_1720 = arith.constant 448 : index
      %swap3A_1721 = tpu.vector_load %arg6[%swap3A_1719, %swap3A_1720] {strides = array<i32>} : memref<96x512xf32, #tpu.memory_space<vmem>>, vector<1x16xf32>,
      %swap3A_1722 = vector.shape_cast %swap3A_1721 : vector<1x16xf32> to vector<16xf32>
      %swap3A_1723 = vector.shape_cast %add3A_1718 : vector<16xf32> to vector<1x16xf32>
      tpu.vector_store %arg6[%swap3A_1719, %swap3A_1720], %swap3A_1723 {strides = array<i32>} : memref<96x512xf32, #tpu.memory_space<vmem>>, vector<1x16xf32>,
      %get3A_1724 = arith.index_cast %scan3A_1244 : i32 to index
      %get3A_1725 = arith.constant 464 : index
      %get3A_1726 = tpu.vector_load %arg7[%get3A_1724, %get3A_1725] {strides = array<i32>} : memref<96x512xf32, #tpu.memory_space<vmem>>, vector<1x16xf32>,
      %get3A_1727 = vector.shape_cast %get3A_1726 : vector<1x16xf32> to vector<16xf32>
      %mul3A_1728 = arith.mulf %get3A_1727, %broadcast_in_dim3A_1253 : vector<16xf32>
      %get3A_1729 = arith.index_cast %scan3A_1244 : i32 to index
      %get3A_1730 = arith.constant 464 : index
      %get3A_1731 = tpu.vector_load %arg6[%get3A_1729, %get3A_1730] {strides = array<i32>} : memref<96x512xf32, #tpu.memory_space<vmem>>, vector<1x16xf32>,
      %get3A_1732 = vector.shape_cast %get3A_1731 : vector<1x16xf32> to vector<16xf32>
      %mul3A_1733 = arith.mulf %get3A_1732, %broadcast_in_dim3A_1259 : vector<16xf32>
      %add3A_1734 = arith.addf %mul3A_1728, %mul3A_1733 : vector<16xf32>
      %swap3A_1735 = arith.index_cast %scan3A_1244 : i32 to index
      %swap3A_1736 = arith.constant 464 : index
      %swap3A_1737 = tpu.vector_load %arg6[%swap3A_1735, %swap3A_1736] {strides = array<i32>} : memref<96x512xf32, #tpu.memory_space<vmem>>, vector<1x16xf32>,
      %swap3A_1738 = vector.shape_cast %swap3A_1737 : vector<1x16xf32> to vector<16xf32>
      %swap3A_1739 = vector.shape_cast %add3A_1734 : vector<16xf32> to vector<1x16xf32>
      tpu.vector_store %arg6[%swap3A_1735, %swap3A_1736], %swap3A_1739 {strides = array<i32>} : memref<96x512xf32, #tpu.memory_space<vmem>>, vector<1x16xf32>,
      %get3A_1740 = arith.index_cast %scan3A_1244 : i32 to index
      %get3A_1741 = arith.constant 480 : index
      %get3A_1742 = tpu.vector_load %arg7[%get3A_1740, %get3A_1741] {strides = array<i32>} : memref<96x512xf32, #tpu.memory_space<vmem>>, vector<1x16xf32>,
      %get3A_1743 = vector.shape_cast %get3A_1742 : vector<1x16xf32> to vector<16xf32>
      %mul3A_1744 = arith.mulf %get3A_1743, %broadcast_in_dim3A_1253 : vector<16xf32>
      %get3A_1745 = arith.index_cast %scan3A_1244 : i32 to index
      %get3A_1746 = arith.constant 480 : index
      %get3A_1747 = tpu.vector_load %arg6[%get3A_1745, %get3A_1746] {strides = array<i32>} : memref<96x512xf32, #tpu.memory_space<vmem>>, vector<1x16xf32>,
      %get3A_1748 = vector.shape_cast %get3A_1747 : vector<1x16xf32> to vector<16xf32>
      %mul3A_1749 = arith.mulf %get3A_1748, %broadcast_in_dim3A_1259 : vector<16xf32>
      %add3A_1750 = arith.addf %mul3A_1744, %mul3A_1749 : vector<16xf32>
      %swap3A_1751 = arith.index_cast %scan3A_1244 : i32 to index
      %swap3A_1752 = arith.constant 480 : index
      %swap3A_1753 = tpu.vector_load %arg6[%swap3A_1751, %swap3A_1752] {strides = array<i32>} : memref<96x512xf32, #tpu.memory_space<vmem>>, vector<1x16xf32>,
      %swap3A_1754 = vector.shape_cast %swap3A_1753 : vector<1x16xf32> to vector<16xf32>
      %swap3A_1755 = vector.shape_cast %add3A_1750 : vector<16xf32> to vector<1x16xf32>
      tpu.vector_store %arg6[%swap3A_1751, %swap3A_1752], %swap3A_1755 {strides = array<i32>} : memref<96x512xf32, #tpu.memory_space<vmem>>, vector<1x16xf32>,
      %get3A_1756 = arith.index_cast %scan3A_1244 : i32 to index
      %get3A_1757 = arith.constant 496 : index
      %get3A_1758 = tpu.vector_load %arg7[%get3A_1756, %get3A_1757] {strides = array<i32>} : memref<96x512xf32, #tpu.memory_space<vmem>>, vector<1x16xf32>,
      %get3A_1759 = vector.shape_cast %get3A_1758 : vector<1x16xf32> to vector<16xf32>
      %mul3A_1760 = arith.mulf %get3A_1759, %broadcast_in_dim3A_1253 : vector<16xf32>
      %get3A_1761 = arith.index_cast %scan3A_1244 : i32 to index
      %get3A_1762 = arith.constant 496 : index
      %get3A_1763 = tpu.vector_load %arg6[%get3A_1761, %get3A_1762] {strides = array<i32>} : memref<96x512xf32, #tpu.memory_space<vmem>>, vector<1x16xf32>,
      %get3A_1764 = vector.shape_cast %get3A_1763 : vector<1x16xf32> to vector<16xf32>
      %mul3A_1765 = arith.mulf %get3A_1764, %broadcast_in_dim3A_1259 : vector<16xf32>
      %add3A_1766 = arith.addf %mul3A_1760, %mul3A_1765 : vector<16xf32>
      %swap3A_1767 = arith.index_cast %scan3A_1244 : i32 to index
      %swap3A_1768 = arith.constant 496 : index
      %swap3A_1769 = tpu.vector_load %arg6[%swap3A_1767, %swap3A_1768] {strides = array<i32>} : memref<96x512xf32, #tpu.memory_space<vmem>>, vector<1x16xf32>,
      %swap3A_1770 = vector.shape_cast %swap3A_1769 : vector<1x16xf32> to vector<16xf32>
      %swap3A_1771 = vector.shape_cast %add3A_1766 : vector<16xf32> to vector<1x16xf32>
      tpu.vector_store %arg6[%swap3A_1767, %swap3A_1768], %swap3A_1771 {strides = array<i32>} : memref<96x512xf32, #tpu.memory_space<vmem>>, vector<1x16xf32>,
      %scan3A_1772 = arith.constant 0 : i32
      scf.yield %scan3A_1772 : i32
    }
    %scan3A_1235 = arith.constant 96 : i32
    %lt3A_1236 = arith.constant 31 : i32
    %lt3A_1237 = arith.cmpi slt, %add3A, %lt3A_1236 : i32
    %convert_element_type3A = arith.extui %lt3A_1237 : i1 to i32
    %cond3A = arith.constant 0 : i32
    %cond3A_1238 = arith.cmpi ne, %convert_element_type3A, %cond3A : i32
    scf.if %cond3A_1238 {
      "tpu.region"() ({
        %run_scoped3A = tpu.sem_alloc : memref<!tpu.dma_semaphore, #tpu.memory_space<semaphore_mem>>
        %dma_start3A_1244 = arith.constant 0 : i32
        %dma_start3A_1245 = tpu.memref_slice %arg5[%mul3A_2, %dma_start3A_1244] : memref<3000x512xf32, #tpu.memory_space<hbm>> -> memref<96x512xf32, #tpu.memory_space<hbm>>
        %dma_start3A_1246 = arith.constant 0 : i32
        %dma_start3A_1247 = tpu.memref_slice %arg5[%mul3A_2, %dma_start3A_1246] : memref<3000x512xf32, #tpu.memory_space<hbm>> -> memref<96x512xf32, #tpu.memory_space<hbm>>
        tpu.enqueue_dma source(%arg6 : memref<96x512xf32, #tpu.memory_space<vmem>>) target(%dma_start3A_1247 : memref<96x512xf32, #tpu.memory_space<hbm>>) target_semaphore(%run_scoped3A : memref<!tpu.dma_semaphore, #tpu.memory_space<semaphore_mem>>)
        %dma_wait3A_1248 = arith.constant 0 : i32
        %dma_wait3A_1249 = tpu.memref_slice %arg5[%mul3A_2, %dma_wait3A_1248] : memref<3000x512xf32, #tpu.memory_space<hbm>> -> memref<96x512xf32, #tpu.memory_space<hbm>>
        %dma_wait3A_1250 = arith.constant 0 : i32
        %dma_wait3A_1251 = tpu.memref_slice %arg5[%mul3A_2, %dma_wait3A_1250] : memref<3000x512xf32, #tpu.memory_space<hbm>> -> memref<96x512xf32, #tpu.memory_space<hbm>>
        tpu.wait_dma2 semaphore(%run_scoped3A : memref<!tpu.dma_semaphore, #tpu.memory_space<semaphore_mem>>) src(%arg6 : memref<96x512xf32, #tpu.memory_space<vmem>>) dst(%dma_wait3A_1251 : memref<96x512xf32, #tpu.memory_space<hbm>>)
        tpu.yield
      }) : () -> ()
    } else {
    }
    %eq3A_1239 = arith.constant 31 : i32
    %eq3A_1240 = arith.cmpi eq, %add3A, %eq3A_1239 : i32
    %convert_element_type3A_1241 = arith.extui %eq3A_1240 : i1 to i32
    %cond3A_1242 = arith.constant 0 : i32
    %cond3A_1243 = arith.cmpi ne, %convert_element_type3A_1241, %cond3A_1242 : i32
    scf.if %cond3A_1243 {
      "tpu.region"() ({
        %run_scoped3A = tpu.sem_alloc : memref<!tpu.dma_semaphore, #tpu.memory_space<semaphore_mem>>
        %dma_start3A_1244 = arith.constant 0 : i32
        %dma_start3A_1245 = arith.constant 0 : i32
        %dma_start3A_1246 = tpu.memref_slice %arg6[%dma_start3A_1244, %dma_start3A_1245] : memref<96x512xf32, #tpu.memory_space<vmem>> -> memref<24x512xf32, #tpu.memory_space<vmem>>
        %dma_start3A_1247 = arith.constant 0 : i32
        %dma_start3A_1248 = tpu.memref_slice %arg5[%mul3A_2, %dma_start3A_1247] : memref<3000x512xf32, #tpu.memory_space<hbm>> -> memref<24x512xf32, #tpu.memory_space<hbm>>
        %dma_start3A_1249 = arith.constant 0 : i32
        %dma_start3A_1250 = tpu.memref_slice %arg5[%mul3A_2, %dma_start3A_1249] : memref<3000x512xf32, #tpu.memory_space<hbm>> -> memref<24x512xf32, #tpu.memory_space<hbm>>
        %dma_start3A_1251 = arith.constant 0 : i32
        %dma_start3A_1252 = arith.constant 0 : i32
        %dma_start3A_1253 = tpu.memref_slice %arg6[%dma_start3A_1251, %dma_start3A_1252] : memref<96x512xf32, #tpu.memory_space<vmem>> -> memref<24x512xf32, #tpu.memory_space<vmem>>
        tpu.enqueue_dma source(%dma_start3A_1253 : memref<24x512xf32, #tpu.memory_space<vmem>>) target(%dma_start3A_1250 : memref<24x512xf32, #tpu.memory_space<hbm>>) target_semaphore(%run_scoped3A : memref<!tpu.dma_semaphore, #tpu.memory_space<semaphore_mem>>)
        %dma_wait3A_1254 = arith.constant 0 : i32
        %dma_wait3A_1255 = arith.constant 0 : i32
        %dma_wait3A_1256 = tpu.memref_slice %arg6[%dma_wait3A_1254, %dma_wait3A_1255] : memref<96x512xf32, #tpu.memory_space<vmem>> -> memref<24x512xf32, #tpu.memory_space<vmem>>
        %dma_wait3A_1257 = arith.constant 0 : i32
        %dma_wait3A_1258 = tpu.memref_slice %arg5[%mul3A_2, %dma_wait3A_1257] : memref<3000x512xf32, #tpu.memory_space<hbm>> -> memref<24x512xf32, #tpu.memory_space<hbm>>
        %dma_wait3A_1259 = arith.constant 0 : i32
        %dma_wait3A_1260 = tpu.memref_slice %arg5[%mul3A_2, %dma_wait3A_1259] : memref<3000x512xf32, #tpu.memory_space<hbm>> -> memref<24x512xf32, #tpu.memory_space<hbm>>
        %dma_wait3A_1261 = arith.constant 0 : i32
        %dma_wait3A_1262 = arith.constant 0 : i32
        %dma_wait3A_1263 = tpu.memref_slice %arg6[%dma_wait3A_1261, %dma_wait3A_1262] : memref<96x512xf32, #tpu.memory_space<vmem>> -> memref<24x512xf32, #tpu.memory_space<vmem>>
        tpu.wait_dma2 semaphore(%run_scoped3A : memref<!tpu.dma_semaphore, #tpu.memory_space<semaphore_mem>>) src(%dma_wait3A_1263 : memref<24x512xf32, #tpu.memory_space<vmem>>) dst(%dma_wait3A_1260 : memref<24x512xf32, #tpu.memory_space<hbm>>)
        tpu.yield
      }) : () -> ()
    } else {
    }
    return
  }
}

module attributes {stable_mosaic.version = 14 : i64} {
  func.func @_tc_body(%arg0: i32, %arg1: memref<200x512xf32, #tpu.memory_space<vmem>>, %arg2: memref<200x512xf32, #tpu.memory_space<vmem>>, %arg3: memref<512x512xf32, #tpu.memory_space<vmem>>, %arg4: memref<1x512xf32, #tpu.memory_space<vmem>>, %arg5: memref<1x512xf32, #tpu.memory_space<vmem>>, %arg6: memref<1x512xf32, #tpu.memory_space<vmem>>, %arg7: memref<200x512xf32, #tpu.memory_space<vmem>>, %arg8: memref<200x512xf32, #tpu.memory_space<vmem>>) attributes {dimension_semantics = [#tpu.dimension_semantics<arbitrary>], iteration_bounds = array<i64: 15>, scalar_prefetch = 0 : i64, scratch_operands = 0 : i64, tpu.core_type = #tpu.core_type<tc>, window_params = [{transform_indices = @transform_0, window_bounds = array<i64: 200, 512>}, {transform_indices = @transform_1, window_bounds = array<i64: 200, 512>}, {pipeline_mode = #tpu.pipeline_mode<synchronous>, transform_indices = @transform_2, window_bounds = array<i64: 512, 512>}, {pipeline_mode = #tpu.pipeline_mode<synchronous>, transform_indices = @transform_3, window_bounds = array<i64: 1, 512>}, {pipeline_mode = #tpu.pipeline_mode<synchronous>, transform_indices = @transform_4, window_bounds = array<i64: 1, 512>}, {pipeline_mode = #tpu.pipeline_mode<synchronous>, transform_indices = @transform_5, window_bounds = array<i64: 1, 512>}, {transform_indices = @transform_6, window_bounds = array<i64: 200, 512>}, {transform_indices = @transform_7, window_bounds = array<i64: 200, 512>}]} {
    %get3A = arith.constant 0 : index
    %get3A_0 = arith.constant 0 : index
    %get3A_1 = vector.load %arg1[%get3A, %get3A_0] : memref<200x512xf32, #tpu.memory_space<vmem>>, vector<200x512xf32>
    %get3A_2 = arith.constant 0 : index
    %get3A_3 = arith.constant 0 : index
    %get3A_4 = vector.load %arg3[%get3A_2, %get3A_3] : memref<512x512xf32, #tpu.memory_space<vmem>>, vector<512x512xf32>
    %dot_general3A = arith.constant dense<0.000000e+00> : vector<200x512xf32>
    %dot_general3A_5 = tpu.matmul %get3A_1, %get3A_4, %dot_general3A {dimension_numbers = #tpu.dot_dimension_numbers<[1], [0], [0], [1], [0, 0, 1, 1], [], []>, transpose_lhs_hint = false} : vector<200x512xf32>, vector<512x512xf32>, vector<200x512xf32> -> vector<200x512xf32>
    %get3A_6 = arith.constant 0 : index
    %get3A_7 = arith.constant 0 : index
    %get3A_8 = vector.load %arg4[%get3A_6, %get3A_7] : memref<1x512xf32, #tpu.memory_space<vmem>>, vector<1x512xf32>
    %add3A = vector.broadcast %get3A_8 : vector<1x512xf32> to vector<200x512xf32>
    %add3A_9 = arith.addf %dot_general3A_5, %add3A : vector<200x512xf32>
    %mul3A = arith.constant 0.899999976 : f32
    %mul3A_10 = vector.broadcast %mul3A : f32 to vector<200x512xf32>
    %mul3A_11 = arith.mulf %mul3A_10, %add3A_9 : vector<200x512xf32>
    %get3A_12 = arith.constant 0 : index
    %get3A_13 = arith.constant 0 : index
    %get3A_14 = vector.load %arg2[%get3A_12, %get3A_13] : memref<200x512xf32, #tpu.memory_space<vmem>>, vector<200x512xf32>
    %mul3A_15 = arith.constant 1.000000e-01 : f32
    %mul3A_16 = vector.broadcast %mul3A_15 : f32 to vector<200x512xf32>
    %mul3A_17 = arith.mulf %mul3A_16, %get3A_14 : vector<200x512xf32>
    %add3A_18 = arith.addf %mul3A_11, %mul3A_17 : vector<200x512xf32>
    %swap3A = arith.constant 0 : index
    %swap3A_19 = arith.constant 0 : index
    %swap3A_20 = vector.load %arg8[%swap3A, %swap3A_19] : memref<200x512xf32, #tpu.memory_space<vmem>>, vector<200x512xf32>
    tpu.vector_store %arg8[%swap3A, %swap3A_19], %add3A_18 {strides = array<i32>} : memref<200x512xf32, #tpu.memory_space<vmem>>, vector<200x512xf32>,
    %gt3A = arith.constant 0.000000e+00 : f32
    %gt3A_21 = vector.broadcast %gt3A : f32 to vector<200x512xf32>
    %gt3A_22 = arith.cmpf ogt, %add3A_18, %gt3A_21 : vector<200x512xf32>
    %min3A = arith.constant 0.000000e+00 : f32
    %min3A_23 = vector.broadcast %min3A : f32 to vector<200x512xf32>
    %min3A_24 = arith.minimumf %add3A_18, %min3A_23 : vector<200x512xf32>
    %exp3A = math.exp %min3A_24 : vector<200x512xf32>
    %sub3A = arith.constant 1.000000e+00 : f32
    %sub3A_25 = vector.broadcast %sub3A : f32 to vector<200x512xf32>
    %sub3A_26 = arith.subf %exp3A, %sub3A_25 : vector<200x512xf32>
    %select_n3A = arith.select %gt3A_22, %add3A_18, %sub3A_26 : vector<200x512xi1>, vector<200x512xf32>
    %reduce_sum3A = arith.constant dense<0.000000e+00> : vector<200xf32>
    %reduce_sum3A_27 = vector.multi_reduction <add>, %select_n3A, %reduce_sum3A [1] : vector<200x512xf32> to vector<200xf32>
    %broadcast_in_dim3A = vector.shape_cast %reduce_sum3A_27 : vector<200xf32> to vector<200x1xf32>
    %div3A = arith.constant 5.120000e+02 : f32
    %div3A_28 = vector.broadcast %div3A : f32 to vector<200x1xf32>
    %div3A_29 = arith.divf %broadcast_in_dim3A, %div3A_28 : vector<200x1xf32>
    %sub3A_30 = vector.broadcast %div3A_29 : vector<200x1xf32> to vector<200x512xf32>
    %sub3A_31 = arith.subf %select_n3A, %sub3A_30 : vector<200x512xf32>
    %mul3A_32 = arith.mulf %sub3A_31, %sub3A_31 : vector<200x512xf32>
    %reduce_sum3A_33 = arith.constant dense<0.000000e+00> : vector<200xf32>
    %reduce_sum3A_34 = vector.multi_reduction <add>, %mul3A_32, %reduce_sum3A_33 [1] : vector<200x512xf32> to vector<200xf32>
    %broadcast_in_dim3A_35 = vector.shape_cast %reduce_sum3A_34 : vector<200xf32> to vector<200x1xf32>
    %div3A_36 = arith.constant 5.120000e+02 : f32
    %div3A_37 = vector.broadcast %div3A_36 : f32 to vector<200x1xf32>
    %div3A_38 = arith.divf %broadcast_in_dim3A_35, %div3A_37 : vector<200x1xf32>
    %add3A_39 = arith.constant 9.99999971E-10 : f32
    %add3A_40 = vector.broadcast %add3A_39 : f32 to vector<200x1xf32>
    %add3A_41 = arith.addf %div3A_38, %add3A_40 : vector<200x1xf32>
    %get3A_42 = arith.constant 0 : index
    %get3A_43 = arith.constant 0 : index
    %get3A_44 = vector.load %arg5[%get3A_42, %get3A_43] : memref<1x512xf32, #tpu.memory_space<vmem>>, vector<1x512xf32>
    %mul3A_45 = vector.broadcast %get3A_44 : vector<1x512xf32> to vector<200x512xf32>
    %mul3A_46 = arith.mulf %sub3A_31, %mul3A_45 : vector<200x512xf32>
    %rsqrt3A = math.rsqrt %add3A_41 : vector<200x1xf32>
    %mul3A_47 = vector.broadcast %rsqrt3A : vector<200x1xf32> to vector<200x512xf32>
    %mul3A_48 = arith.mulf %mul3A_46, %mul3A_47 : vector<200x512xf32>
    %get3A_49 = arith.constant 0 : index
    %get3A_50 = arith.constant 0 : index
    %get3A_51 = vector.load %arg6[%get3A_49, %get3A_50] : memref<1x512xf32, #tpu.memory_space<vmem>>, vector<1x512xf32>
    %add3A_52 = vector.broadcast %get3A_51 : vector<1x512xf32> to vector<200x512xf32>
    %add3A_53 = arith.addf %mul3A_48, %add3A_52 : vector<200x512xf32>
    %swap3A_54 = arith.constant 0 : index
    %swap3A_55 = arith.constant 0 : index
    %swap3A_56 = vector.load %arg7[%swap3A_54, %swap3A_55] : memref<200x512xf32, #tpu.memory_space<vmem>>, vector<200x512xf32>
    tpu.vector_store %arg7[%swap3A_54, %swap3A_55], %add3A_53 {strides = array<i32>} : memref<200x512xf32, #tpu.memory_space<vmem>>, vector<200x512xf32>,
    return
  }
  func.func @transform_0(%arg0: i32) -> (i32, i32) {
    %c0_i32 = arith.constant 0 : i32
    %c0_i32_0 = arith.constant 0 : i32
    return %arg0, %c0_i32 : i32, i32
  }
  func.func @transform_1(%arg0: i32) -> (i32, i32) {
    %c0_i32 = arith.constant 0 : i32
    %c0_i32_0 = arith.constant 0 : i32
    return %arg0, %c0_i32 : i32, i32
  }
  func.func @transform_2(%arg0: i32) -> (i32, i32) {
    %c0_i32 = arith.constant 0 : i32
    %c0_i32_0 = arith.constant 0 : i32
    %c0_i32_1 = arith.constant 0 : i32
    return %c0_i32, %c0_i32_0 : i32, i32
  }
  func.func @transform_3(%arg0: i32) -> (i32, i32) {
    %c0_i32 = arith.constant 0 : i32
    %c0_i32_0 = arith.constant 0 : i32
    %c0_i32_1 = arith.constant 0 : i32
    return %c0_i32, %c0_i32_0 : i32, i32
  }
  func.func @transform_4(%arg0: i32) -> (i32, i32) {
    %c0_i32 = arith.constant 0 : i32
    %c0_i32_0 = arith.constant 0 : i32
    %c0_i32_1 = arith.constant 0 : i32
    return %c0_i32, %c0_i32_0 : i32, i32
  }
  func.func @transform_5(%arg0: i32) -> (i32, i32) {
    %c0_i32 = arith.constant 0 : i32
    %c0_i32_0 = arith.constant 0 : i32
    %c0_i32_1 = arith.constant 0 : i32
    return %c0_i32, %c0_i32_0 : i32, i32
  }
  func.func @transform_6(%arg0: i32) -> (i32, i32) {
    %c0_i32 = arith.constant 0 : i32
    %c0_i32_0 = arith.constant 0 : i32
    return %arg0, %c0_i32 : i32, i32
  }
  func.func @transform_7(%arg0: i32) -> (i32, i32) {
    %c0_i32 = arith.constant 0 : i32
    %c0_i32_0 = arith.constant 0 : i32
    return %arg0, %c0_i32 : i32, i32
  }
}

</mosaic_0001>

<sc_bundles>
// kernel: kernel.5.cloned.1.call-start
scs
__scs_entry_jumppad:
0x0: {  	(pc) =	sbr.rel $0x88, $3  }
0x1: {  	(tag) =	ssettag $0x0;
	lr =	simm.s32 $0x1  }
0x2: {  	[smem:$0x3F98] =	sst lr;
	_ =	strace $0xD0000000  }
0x3: {  	_ = 	snop  }
0x4: {  	_ = 	snop  }
0x5: {  	_ = 	snop  }
0x6: {  	_ = 	snop  }
0x7: {  	_ = 	snop  }
__scs_overlays_trampoline_lowered:
0x8: {  	[smem:$0x3FA7] =	sst s0  }
0x9: {  	[smem:$0x3FA8] =	sst s1  }
0xa: {  	[smem:$0x3FA9] =	sst s2  }
0xb: {  	[smem:$0x3FAA] =	sst s3  }
0xc: {  	[smem:$0x3FAB] =	sst s4  }
0xd: {  	[smem:$0x3FAC] =	sst s5  }
0xe: {  	[smem:$0x3FAD] =	sst s6  }
0xf: {  	[smem:$0x3FAE] =	sst s7  }
0x10: {  	[smem:$0x3FAF] =	sst s8  }
0x11: {  	[smem:$0x3FB0] =	sst s9;
	s0 =	simm.s32 @!p0 $0x0  }
0x12: {  	s1 =	sld [smem:$0x3F96];
	s0 =	simm.s32 @p0 $0x1  }
0x13: {  	[smem:$0x3FB1] =	sst s0;
	s0 =	simm.s32 @!p1 $0x0  }
0x14: {  	s2 =	sld [smem:$0x3F95];
	s0 =	simm.s32 @p1 $0x1  }
0x15: {  	[smem:$0x3FB2] =	sst s0;
	s0 =	simm.s32 @!p2 $0x0  }
0x16: {  	s3 =	sld [smem:$0x3FDB];
	s0 =	simm.s32 @p2 $0x1  }
0x17: {  	s4 =	simm.s32 $0x1BF5;
	[smem:$0x3FB4] =	sst s0  }
0x18: {  	s0 =	sld [smem:$0x3F97];
	_ =	swait.ge [sflag:s4], $0x0  }
0x19: {  	s7 =	sld [smem:$0x3F98]  }
0x1a: {  	s8 =	sadd.s32 $0xFFFFE003, lr  }
0x1b: {  	s9 =	sadd.s32 $0xFFFFFEF7, lr;
	s5 =	simm.s32 $0xFFFFFFFF;
	p2 =	slt.u32 s8, $0xFFFFF086  }
0x1c: {  	p1 =	slt.u32 s9, $0xF7A;
	s5 =	simm.s32 @!p2 $0x0  }
0x1d: {  	s5 =	simm.s32 @p1 $0x1;
	p0 =	seq.s32 s7, s2  }
0x1e: {  	s7 =	smul.u32 @!p0 $0xF7A, s2;
	p2 =	seq.s32 @!p0 s5, $0x0  }
0x1f: {  	s9 =	smul.u32 $0xF7A, s1;
	s8 =	simm.s32 @!p0 $0x1BF5;
	p2 =	por !p2, p0  }
0x20: {  	[sflag:s8] =	ssyncset.s32 @!p0 $0xFFFFF086;
	s6 =	sadd.s32 @!p0 s3, s7;
	s7 =	simm.s32 @!p0 $0x108  }
0x21: {  	s3 =	sadd.s32 s3, s9;
	s6 =	sadd.s32 @!p0 $0x88, s6;
	s7 =	simm.s32 @p2 $0x1082  }
0x22: {  	[simem:s7], [sflag:s8] =	dma.local @!p0 [hbm:s6], $0xF7A  }
0x23: {  	s9 =	sor.u32 $0xD0000000, s2;
	s6 =	simm.s32 $0x108;
	_ =	swait.ge @!p0 [sflag:s8], $0x0  }
0x24: {  	s3 =	sadd.s32 $0x88, s3;
	s6 =	simm.s32 @!p1 $0x1082;
	[sflag:s4] =	ssyncset.s32 $0xFFFFF086  }
0x25: {  	[simem:s6], [sflag:s4] =	dma.local [hbm:s3], $0xF7A  }
0x26: {  	[smem:$0x3F98] =	sst s1;
	(tag) =	ssettag s2;
	_ =	strace s9  }
0x27: {  	s1 =	sld [smem:$0x3FA8]  }
0x28: {  	s2 =	sld [smem:$0x3FA9]  }
0x29: {  	s4 =	sld [smem:$0x3FAB]  }
0x2a: {  	p0 =	seq.s32 s5, $0x0;
	s5 =	sld [smem:$0x3FAC]  }
0x2b: {  	s6 =	sld [smem:$0x3FAD]  }
0x2c: {  	s7 =	sld [smem:$0x3FAE]  }
0x2d: {  	s3 =	simm.s32 $0x108;
	s8 =	sld [smem:$0x3FAF]  }
0x2e: {  	s3 =	simm.s32 @!p0 $0x1082;
	s9 =	sld [smem:$0x3FB0]  }
0x2f: {  	lr =	sadd.s32 s0, s3;
	s0 =	sld [smem:$0x3FA7]  }
0x30: {  	s3 =	sld [smem:$0x3FAA]  }
0x31: {  	[smem:$0x3FB3] =	sst s10  }
0x32: {  	s10 =	sld [smem:$0x3FB1];
	_ =	sdelay $0x3  }
0x33: {  	p0 =	seq.s32 s10, $0x1;
	s10 =	sld [smem:$0x3FB3];
	_ =	sdelay $0x3  }
0x34: {  	[smem:$0x3FB3] =	sst s10  }
0x35: {  	s10 =	sld [smem:$0x3FB2];
	_ =	sdelay $0x3  }
0x36: {  	p1 =	seq.s32 s10, $0x1;
	s10 =	sld [smem:$0x3FB3];
	_ =	sdelay $0x3  }
0x37: {  	[smem:$0x3FB3] =	sst s10  }
0x38: {  	s10 =	sld [smem:$0x3FB4]  }
0x39: {  	_ = 	snop;
	(pc) =	sbr.ind lr, $3  }
0x3a: {  	_ = 	snop  }
0x3b: {  	_ = 	snop  }
0x3c: {  	p2 =	seq.s32 s10, $0x1;
	s10 =	sld [smem:$0x3FB3]  }
0x3d: {  	_ =	shalt  }
0x3e: {  	_ =	shalt  }
0x3f: {  	_ =	shalt  }
0x40: {  	_ =	shalt  }
0x41: {  	_ =	shalt  }
0x42: {  	_ =	shalt  }
0x43: {  	_ =	shalt  }
0x44: {  	_ =	shalt  }
0x45: {  	_ =	shalt  }
0x46: {  	_ =	shalt  }
0x47: {  	_ =	shalt  }
0x48: {  	_ =	shalt  }
0x49: {  	_ =	shalt  }
0x4a: {  	_ =	shalt  }
0x4b: {  	_ =	shalt  }
0x4c: {  	_ =	shalt  }
0x4d: {  	_ =	shalt  }
0x4e: {  	_ =	shalt  }
0x4f: {  	_ =	shalt  }
0x50: {  	_ =	shalt  }
0x51: {  	_ =	shalt  }
0x52: {  	_ =	shalt  }
0x53: {  	_ =	shalt  }
0x54: {  	_ =	shalt  }
0x55: {  	_ =	shalt  }
0x56: {  	_ =	shalt  }
0x57: {  	_ =	shalt  }
0x58: {  	_ =	shalt  }
0x59: {  	_ =	shalt  }
0x5a: {  	_ =	shalt  }
0x5b: {  	_ =	shalt  }
0x5c: {  	_ =	shalt  }
0x5d: {  	_ =	shalt  }
0x5e: {  	_ =	shalt  }
0x5f: {  	_ =	shalt  }
0x60: {  	_ =	shalt  }
0x61: {  	_ =	shalt  }
0x62: {  	_ =	shalt  }
0x63: {  	_ =	shalt  }
0x64: {  	_ =	shalt  }
0x65: {  	_ =	shalt  }
0x66: {  	_ =	shalt  }
0x67: {  	_ =	shalt  }
0x68: {  	_ =	shalt  }
0x69: {  	_ =	shalt  }
0x6a: {  	_ =	shalt  }
0x6b: {  	_ =	shalt  }
0x6c: {  	_ =	shalt  }
0x6d: {  	_ =	shalt  }
0x6e: {  	_ =	shalt  }
0x6f: {  	_ =	shalt  }
0x70: {  	_ =	shalt  }
0x71: {  	_ =	shalt  }
0x72: {  	_ =	shalt  }
0x73: {  	_ =	shalt  }
0x74: {  	_ =	shalt  }
0x75: {  	_ =	shalt  }
0x76: {  	_ =	shalt  }
0x77: {  	_ =	shalt  }
0x78: {  	_ =	shalt  }
0x79: {  	_ =	shalt  }
0x7a: {  	_ =	shalt  }
0x7b: {  	_ =	shalt  }
0x7c: {  	_ =	shalt  }
0x7d: {  	_ =	shalt  }
0x7e: {  	_ =	shalt  }
0x7f: {  	_ =	shalt  }
0x80: {  	_ =	shalt  }
0x81: {  	_ =	shalt  }
0x82: {  	_ =	shalt  }
0x83: {  	_ =	shalt  }
0x84: {  	_ =	shalt  }
0x85: {  	_ =	shalt  }
0x86: {  	_ =	shalt  }
0x87: {  	_ =	shalt  }
.Lfunc_end0:
.L_simem_size_0:
called_computation_lowered:
.L_overlay_start_0:
0x88: {  	s2 =	sld [smem:$0x3FD9]  }
0x89: {  	s3 =	sld [smem:$0x3FFE];
	_ =	sdelay $0x1  }
0x8a: {  	s1 =	srdreg.scid  }
0x8b: {  	s0 =	sand.u32 $0x1, s1  }
0x8c: {  	s14 =	sshll.u32 s0, $0xA;
	s2 =	sadd.s32 s3, s2  }
0x8d: {  	s2 =	sadd.s32 s2, s14  }
0x8e: {  	[smem:$0x3FBF] =	sst s2  }
0x8f: {  	_ = 	snop  }
0x90: {  	s2 =	sld [smem:$0x3FD0];
	_ =	sdelay $0x1  }
0x91: {  	s15 =	sld [smem:$0x3FC6]  }
0x92: {  	s5 =	simm.s32 $0xA;
	s6 =	simm.s32 $0x10;
	s4 =	sld [smem:$0x3FC5]  }
0x93: {  	[smem:s6], [sflag:s5] =	dma.local [hbm:s2], $0x1  }
0x94: {  	_ =	swait.eq [sflag:s5], $0x1  }
0x95: {  	[sflag:s5] =	ssyncset.done $0x0  }
0x96: {  	s16 =	sld [smem:$0x10];
	[sflag:s5] =	ssyncadd.s32 $0xFFFFFFFF  }
0x97: {  	s17 =	sld [smem:$0x11];
	(tm) =	ssettm $0x1  }
0x98: {  	s18 =	sld [smem:$0x3FFB];
	_ =	sdelay $0x3  }
0x99: {  	_ =	strace s18  }
0x9a: {  	s6 =	sld [smem:$0x3FFC];
	_ =	sdelay $0x3  }
0x9b: {  	_ =	strace s6  }
0x9c: {  	s6 =	sld [smem:$0x3FFD];
	_ =	sdelay $0x3  }
0x9d: {  	_ =	strace s6  }
0x9e: {  	_ =	strace $0x8FFFFFFF  }
0x9f: {  	s19 =	sld [smem:$0x3FDB];
	_ =	sdelay $0x1  }
0xa0: {  	s7 =	simm.s32 $_scs_section_size  }
0xa1: {  	s8 =	simm.s32 $_size__tile_overlayer_lowered;
	s9 =	simm.s32 $_tile_overlayer_lowered  }
0xa2: {  	s22 =	simm.s32 $0x1BFF;
	s21 =	sshll.u32 s9, $0x1;
	s6 =	sadd.s32 s7, s19  }
0xa3: {  	s10 =	simm.s32 $0x0;
	s20 =	sshll.u32 s8, $0x1;
	s8 =	sadd.s32 s21, s6  }
0xa4: {  	[timem:s10], [sflag:s22] =	dma.local [hbm:s8], s20  }
0xa5: {  	_ =	swait.ge [sflag:s22], s20  }
0xa6: {  	s7 =	ssub.s32 $0x0, s20;
	[sflag:s22] =	ssyncset.done $0x0  }
0xa7: {  	[sflag:s22] =	ssyncadd.s32 s7;
	_ =	sdelay $0x1  }
0xa8: {  	s23 =	simm.s32 $0x1B8B  }
0xa9: {  	_ =	swait.ge [sflag:s23], $0x1  }
0xaa: {  	[sflag:s23] =	ssyncset.done $0x0  }
0xab: {  	s25 =	simm.s32 $0x1B8E;
	s24 =	sld [smem:$0x3FFE];
	[sflag:s23] =	ssyncadd.s32 $0xFFFFFFFF  }
0xac: {  	s26 =	simm.s32 $execute0_lowered;
	[smem:$0x3FD2] =	sst s25  }
0xad: {  	s8 =	sshll.u32 s26, $0x1;
	_ =	strace $0x80000046;
	[dreg:$0x1] =	wrdreg $0xFFFFFFFF  }
0xae: {  	s28 =	simm.s32 $_size_execute0_lowered;
	s6 =	sadd.s32 s6, s8;
	[dreg:$0x0] =	wrdreg $0x0  }
0xaf: {  	s8 =	sshll.u32 s28, $0x1;
	[dreg:$0x2] =	wrdreg s6  }
0xb0: {  	[dreg:$0x3] =	wrdreg s8  }
0xb1: {  	[dreg:$0x4] =	wrdreg $0xC0  }
0xb2: {  	_ =	task [dreg:s10], $0x5FFFF  }
0xb3: {  	[dreg:$0x1] =	wrdreg $0xFFFFFFFF  }
0xb4: {  	[dreg:$0x0] =	wrdreg $0x60  }
0xb5: {  	[dreg:$0x2] =	wrdreg s16  }
0xb6: {  	[dreg:$0x3] =	wrdreg s24  }
0xb7: {  	[dreg:$0x4] =	wrdreg s15  }
0xb8: {  	[dreg:$0x5] =	wrdreg s4  }
0xb9: {  	[dreg:$0x6] =	wrdreg s17  }
0xba: {  	[dreg:$0x7] =	wrdreg $0x9  }
0xbb: {  	_ =	task.clear_ibuf [dreg:s10], $0x8FFFF;
	_ =	strace $0x90000046  }
0xbc: {  	s29 =	simm.s32 $0x9;
	_ =	strace $0x80000048  }
0xbd: {  	_ =	swait.ge [sflag:s29], $0x1  }
0xbe: {  	[sflag:s29] =	ssyncadd.s32 $0xFFFFFFFF  }
0xbf: {  	_ =	strace $0x90000048  }
0xc0: {  	_ =	sfence  }
0xc1: {  	s30 =	sld [smem:$0x0];
	_ =	sdelay $0x2  }
0xc2: {  	s31 =	sshll.u32 s1, $0xD;
	s1 =	sshrl.u32 s1, $0x2  }
0xc3: {  	s3 =	sand.u32 $0x4000, s31;
	s1 =	sadd.s32 s1, s30  }
0xc4: {  	s0 =	sor.u32 s3, s0;
	s1 =	sshll.u32 s1, $0x11  }
0xc5: {  	s0 =	sor.u32 s1, s0  }
0xc6: {  	s0 =	sadd.s32 $0x8F2B, s0  }
0xc7: {  	[sflag:s0] =	ssyncadd.remote.s32 $0x1  }
0xc8: {  	_ =	sfence.sel $0xFFFF  }
0xc9: {  	[dreg:$0x0] =	wrdreg $0xFFFFFFFF;
	(pc) =	sbr.abs _section_cstart, $3  }
0xca: {  	[dreg:$0x1] =	wrdreg $0xFFFFFFFF  }
0xcb: {  	_ =	task.clear_ibuf [dreg:s10], $0x2FFFF;
	_ =	strace $0x9FFFFFFF  }
0xcc: {  	(tm) =	ssettm $0x7FFFFFFF  }
0xcd: {  	_ =	shalt  }
tec
execute0_lowered:
.L_overlay_start_1:
0x0: {  	(tag) =	ssettag $0x1  }
0x1: {  	s0 =	rddreg [dreg:$0x0]  }
0x2: {  	s8 =	rddreg [dreg:$0x1]  }
0x3: {  	s2 =	rddreg [dreg:$0x2]  }
0x4: {  	s1 =	rddreg [dreg:$0x3]  }
0x5: {  	s6 =	rddreg [dreg:$0x4];
	s3 =	simm.s32 $0x0  }
0x6: {  	s4 =	srdreg.scid;
	s14 =	stileid.u32;
	s31 =	simm.s32 $0x19680  }
0x7: {  	[smem:$0x7FF] =	sst s3;
	s7 =	sand.u32 $0x1, s4;
	s30 =	sadd.s32 $0x3B200, s8  }
0x8: {  	s16 =	sadd.s32 $0x6B00, s8;
	_ =	strace $0x80000047;
	[dreg:$0xd] =	wrdreg s30  }
0x9: {  	s5 =	sshll.u32 s14, $0x1;
	s17 =	sadd.s32 $0x6B80, s8;
	[dreg:$0x16] =	wrdreg s16  }
0xa: {  	s4 =	sadd.s32 $0x6800, s8;
	s18 =	sadd.s32 $0x6C00, s8;
	[dreg:$0x17] =	wrdreg s17  }
0xb: {  	s11 =	sadd.s32 $0xCA00, s8;
	s19 =	sadd.s32 $0x6C80, s8;
	[dreg:$0x18] =	wrdreg s18  }
0xc: {  	s14 =	sshrl.u32 s14, $0x2;
	s20 =	sadd.s32 $0x6D00, s8;
	[dreg:$0x19] =	wrdreg s19  }
0xd: {  	s21 =	sadd.s32 $0x6D80, s8;
	s22 =	sadd.s32 $0x6E00, s8;
	[dreg:$0x1a] =	wrdreg s20  }
0xe: {  	s9 =	sor.u32 s7, s5;
	s5 =	sadd.s32 $0x3400, s8;
	[dreg:$0x1b] =	wrdreg s21  }
0xf: {  	s7 =	ssub.s32 $0x2, s7;
	s14 =	smul.u32 $0x5DC00, s14;
	[dreg:$0x1c] =	wrdreg s22  }
0x10: {  	s30 =	sadd.s32 $0x3680, s8;
	s19 =	simm.s32 $0x19E80;
	s17 =	simm.s32 $0x1  }
0x11: {  	s10 =	smul.u32 $0xC, s9;
	s12 =	sshrl.u32 s7, $0x1;
	s15 =	sshll.u32 s9, $0x7  }
0x12: {  	[smem:$0x7FD] =	sst s30;
	s7 =	ssub.s32 s7, s12;
	s12 =	sadd.s32 $0x6900, s8  }
0x13: {  	s25 =	sand.u32 $0x380, s15;
	s15 =	sadd.s32 $0x6A80, s8;
	[dreg:$0x12] =	wrdreg s12  }
0x14: {  	s13 =	smul.u32 $0xC000, s9;
	s10 =	sadd.s32 s2, s10;
	[dreg:$0x15] =	wrdreg s15  }
0x15: {  	s23 =	smul.u32 $0x1800, s9;
	s2 =	sadd.s32 $0x174, s2;
	[dreg:$0x8] =	wrdreg s10  }
0x16: {  	s28 =	sor.u32 s14, s25;
	s14 =	sadd.s32 $0x6A00, s8;
	[dreg:$0xc] =	wrdreg s2  }
0x17: {  	s13 =	sshrl.u32 s13, $0x3;
	s25 =	sadd.s32 $0x3480, s8;
	[dreg:$0x14] =	wrdreg s14  }
0x18: {  	s24 =	sadd.s32 s11, s13;
	s11 =	sadd.s32 s11, s23;
	[dreg:$0x1f] =	wrdreg s25  }
0x19: {  	s22 =	simm.s32 $0x80;
	s13 =	sadd.s32 $0x6980, s8;
	[dreg:$0x9] =	wrdreg s11  }
0x1a: {  	s20 =	simm.s32 $0x2;
	s23 =	sadd.s32 $0x6E80, s8;
	[dreg:$0x13] =	wrdreg s13  }
0x1b: {  	s29 =	sshrl.u32 s28, $0x3;
	s28 =	sadd.s32 $0x3580, s8;
	[dreg:$0x1d] =	wrdreg s23  }
0x1c: {  	s21 =	simm.s32 $0x0;
	s26 =	sadd.s32 $0x800, s24;
	[smem:$0x7FB] =	sst s28  }
0x1d: {  	p0 =	seq.s32 s9, $0x1F;
	s10 =	sadd.s32 $0x1000, s24;
	[dreg:$0xa] =	wrdreg s26  }
0x1e: {  	s9 =	sadd.s32 $0x100, s1;
	s0 =	sadd.s32 s0, s29;
	[dreg:$0xb] =	wrdreg s10  }
0x1f: {  	s2 =	simm.s32 $0x1AE80;
	s6 =	sadd.s32 s6, s29;
	[dreg:$0xe] =	wrdreg s0  }
0x20: {  	s11 =	sadd.s32 $0x6880, s8;
	s24 =	sadd.s32 $0x6F00, s8;
	[dreg:$0xf] =	wrdreg s6  }
0x21: {  	v0 =	vlaneseq.u32;
	s29 =	sadd.s32 $0x3600, s8;
	s23 =	simm.s32 $0x400;
	[dreg:$0x11] =	wrdreg s11  }
0x22: {  	v1 =	vshrl.u32 v0, $0x3;
	v2 =	vand.u32 $0x7, v0;
	s10 =	smax.u32 s7, $0x1;
	[dreg:$0x1e] =	wrdreg s24;
	s26 =	sadd.s32 $0x3500, s8  }
0x23: {  	v0 =	vor.u32 $0x8, v0;
	[tilespmem:$0x1FFD0] =	vst v2;
	v1 =	vmul.u32 $0x8, v1;
	[smem:$0x7FC] =	sst s29;
	s7 =	sadd.s32 $0x3700, s8;
	s8 =	sadd.s32 $0x3780, s8  }
0x24: {  	[tilespmem:$0x1FFF0] =	vst v0;
	s11 =	simm.s32 $0x18E80;
	s0 =	simm.s32 $0x1A680;
	[dreg:$0x10] =	wrdreg s10  }
0x25: {  	vm0 =	vmmov $0xffff;
	v5 =	vimm.f32 $0.0e+00;
	[tilespmem:$0x1FFE0] =	vst v1;
	s6 =	simm.s32 $0x1B680;
	[smem:$0x7FA] =	sst s26;
	s10 =	simm.s32 $0x3  }
.LBB2_1:
.Ltmp0:
0x26: {  	(pc) =	sbr.rel @!p0 .LBB2_2-.Ltmp0, $1  }
0x27: {  	_ =	sdelay $0x3  }
0x28: {  	s12 =	rddreg [dreg:$0xc];
	s13 =	simm.s32 $0x18E00  }
0x29: {  	[tilespmem:s13], [sflag:$0x3] =	stream.linear.gather [hbm4b:s12+s3], $0x18, $0x38;
	[tilespmem:$0x1CE80] =	vst v63  }
0x2a: {  	_ =	swait.ge [sflag:s10], $0x18  }
0x2b: {  	[sflag:s10] =	ssyncset.done $0x0  }
0x2c: {  	[sflag:s10] =	ssyncadd.s32 $0xFFFFFFE8  }
0x2d: {  	v0 =	vld [tilespmem:$0x18E00];
	_ =	sdelay $0x2  }
0x2e: {  	v2 =	vld [tilespmem:$0x1FFD0];
	_ =	sdelay $0x1  }
0x2f: {  	v3 =	vld [tilespmem:$0x1FFE0];
	v1 =	vshll.u32 v0, $0x2  }
0x30: {  	v0 =	vand.u32 $0x7, v0;
	v1 =	vand.u32 $0xFFFFFFE0, v1  }
0x31: {  	v4 =	vld [tilespmem:$0x1FFF0];
	v0 =	vor.u32 v0, v1  }
0x32: {  	v1 =	vperm.xlane v0, v2;
	_ =	sdelay $0x1  }
0x33: {  	v1 =	vadd.s32 v3, v1;
	_ =	sdelay $0x1  }
0x34: {  	v0 =	vperm.xlane v0, v4;
	_ =	sdelay $0x1  }
0x35: {  	v0 =	vadd.s32 v3, v0  }
0x36: {  	[tilespmem:s11], [sflag:$0x1] =	stream.indirect_vreg.gather [hbm4b:s1+s3], $0x80, v1, vm0, $0xb8;
	[tilespmem:$0x1CE80] =	vst v63  }
0x37: {  	_ = 	snop  }
0x38: {  	[tilespmem:s31], [sflag:$0x1] =	stream.indirect_vreg.gather [hbm4b:s9+s3], $0x80, v1, vm0, $0xb8;
	[tilespmem:$0x1CE80] =	vst v63  }
0x39: {  	_ = 	snop  }
0x3a: {  	[tilespmem:s19], [sflag:$0x1] =	stream.indirect_vreg.gather [hbm4b:s1+s3], $0x80, v0, vm0, $0xb8;
	[tilespmem:$0x1CE80] =	vst v63  }
0x3b: {  	_ = 	snop  }
0x3c: {  	[tilespmem:s0], [sflag:$0x1] =	stream.indirect_vreg.gather [hbm4b:s9+s3], $0x80, v0, vm0, $0xb8;
	[tilespmem:$0x1CE80] =	vst v63  }
0x3d: {  	v0 =	vld.msk [tilespmem:$0x18E10], $0xff;
	_ =	sdelay $0x4  }
0x3e: {  	v63 =	vshll.u32 v0, $0x2  }
0x3f: {  	v0 =	vand.u32 $0x7, v0;
	v1 =	vand.u32 $0xFFFFFFE0, v63  }
0x40: {  	v0 =	vor.u32 v0, v1  }
0x41: {  	v0 =	vperm.xlane v0, v2;
	_ =	sdelay $0x1  }
0x42: {  	v0 =	vadd.s32 v3, v0;
	_ =	sdelay $0x4  }
0x43: {  	[tilespmem:s2], [sflag:$0x1] =	stream.indirect_vreg.gather [hbm4b:s1+s3], $0x80, v0, vm0, $0xb8;
	[tilespmem:$0x1CE80] =	vst v63  }
0x44: {  	_ = 	snop  }
0x45: {  	[tilespmem:s6], [sflag:$0x1] =	stream.indirect_vreg.gather [hbm4b:s9+s3], $0x80, v0, vm0, $0xb8;
	[tilespmem:$0x1CE80] =	vst v63  }
0x46: {  	_ =	swait.ge [sflag:s17], $0x3000  }
0x47: {  	[sflag:s17] =	ssyncset.done $0x0  }
.Ltmp1:
0x48: {  	s30 =	rddreg [dreg:$0xd];
	[sflag:s17] =	ssyncadd.s32 $0xFFFFD000;
	(pc) =	sbr.rel .LBB2_4-.Ltmp1, $4  }
0x49: {  	[hbm4b:s30+s3] =	stream.linear.scatter [tilespmem:s11], [sflag:$0x3], $0x3000, $0x38;
	[tilespmem:$0x1CE80] =	vst v63  }
0x4a: {  	_ =	swait.ge [sflag:s10], $0x3000  }
0x4b: {  	[sflag:s10] =	ssyncset.done $0x0  }
0x4c: {  	[sflag:s10] =	ssyncadd.s32 $0xFFFFD000  }
.LBB2_2:
0x4d: {  	s12 =	rddreg [dreg:$0x8];
	s13 =	simm.s32 $0x18E00  }
0x4e: {  	[tilespmem:s13], [sflag:$0x3] =	stream.linear.gather [hbm4b:s12+s3], $0x60, $0x38;
	[tilespmem:$0x1CE80] =	vst v63  }
0x4f: {  	_ =	swait.ge [sflag:s10], $0x60  }
0x50: {  	[sflag:s10] =	ssyncset.done $0x0  }
0x51: {  	[sflag:s10] =	ssyncadd.s32 $0xFFFFFFA0  }
0x52: {  	v0 =	vld [tilespmem:$0x18E00];
	_ =	sdelay $0x2  }
0x53: {  	v2 =	vld [tilespmem:$0x1FFD0];
	_ =	sdelay $0x1  }
0x54: {  	v3 =	vld [tilespmem:$0x1FFE0];
	v1 =	vshll.u32 v0, $0x2  }
0x55: {  	v0 =	vand.u32 $0x7, v0;
	v1 =	vand.u32 $0xFFFFFFE0, v1  }
0x56: {  	v4 =	vld [tilespmem:$0x1FFF0];
	v0 =	vor.u32 v0, v1  }
0x57: {  	v1 =	vperm.xlane v0, v2;
	_ =	sdelay $0x1  }
0x58: {  	v1 =	vadd.s32 v3, v1;
	_ =	sdelay $0x1  }
0x59: {  	v0 =	vperm.xlane v0, v4;
	_ =	sdelay $0x1  }
0x5a: {  	v0 =	vadd.s32 v3, v0  }
0x5b: {  	[tilespmem:s11], [sflag:$0x1] =	stream.indirect_vreg.gather [hbm4b:s1+s3], $0x80, v1, vm0, $0xb8;
	[tilespmem:$0x1CE80] =	vst v63  }
0x5c: {  	s26 =	simm.s32 $0x19680  }
0x5d: {  	[tilespmem:s26], [sflag:$0x1] =	stream.indirect_vreg.gather [hbm4b:s9+s3], $0x80, v1, vm0, $0xb8;
	[tilespmem:$0x1CE80] =	vst v63  }
0x5e: {  	s14 =	simm.s32 $0x19E80  }
0x5f: {  	[tilespmem:s14], [sflag:$0x1] =	stream.indirect_vreg.gather [hbm4b:s1+s3], $0x80, v0, vm0, $0xb8;
	[tilespmem:$0x1CE80] =	vst v63  }
0x60: {  	s15 =	simm.s32 $0x1A680  }
0x61: {  	[tilespmem:s15], [sflag:$0x1] =	stream.indirect_vreg.gather [hbm4b:s9+s3], $0x80, v0, vm0, $0xb8;
	[tilespmem:$0x1CE80] =	vst v63  }
0x62: {  	v0 =	vld [tilespmem:$0x18E10];
	_ =	sdelay $0x4  }
0x63: {  	v57 =	vshll.u32 v0, $0x2  }
0x64: {  	v0 =	vand.u32 $0x7, v0;
	v1 =	vand.u32 $0xFFFFFFE0, v57  }
0x65: {  	v0 =	vor.u32 v0, v1  }
0x66: {  	v1 =	vperm.xlane v0, v2;
	_ =	sdelay $0x1  }
0x67: {  	v1 =	vadd.s32 v3, v1;
	_ =	sdelay $0x1  }
0x68: {  	v0 =	vperm.xlane v0, v4;
	_ =	sdelay $0x1  }
0x69: {  	s16 =	simm.s32 $0x1AE80;
	v0 =	vadd.s32 v3, v0  }
0x6a: {  	[tilespmem:s16], [sflag:$0x1] =	stream.indirect_vreg.gather [hbm4b:s1+s3], $0x80, v1, vm0, $0xb8;
	[tilespmem:$0x1CE80] =	vst v63  }
0x6b: {  	s18 =	simm.s32 $0x1B680  }
0x6c: {  	[tilespmem:s18], [sflag:$0x1] =	stream.indirect_vreg.gather [hbm4b:s9+s3], $0x80, v1, vm0, $0xb8;
	[tilespmem:$0x1CE80] =	vst v63  }
0x6d: {  	s24 =	simm.s32 $0x1BE80  }
0x6e: {  	[tilespmem:s24], [sflag:$0x1] =	stream.indirect_vreg.gather [hbm4b:s1+s3], $0x80, v0, vm0, $0xb8;
	[tilespmem:$0x1CE80] =	vst v63  }
0x6f: {  	s25 =	simm.s32 $0x1C680  }
0x70: {  	[tilespmem:s25], [sflag:$0x1] =	stream.indirect_vreg.gather [hbm4b:s9+s3], $0x80, v0, vm0, $0xb8;
	[tilespmem:$0x1CE80] =	vst v63  }
0x71: {  	_ =	swait.ge [sflag:s17], $0x4000  }
0x72: {  	[sflag:s17] =	ssyncset.done $0x0  }
0x73: {  	s28 =	rddreg [dreg:$0x9];
	[sflag:s17] =	ssyncadd.s32 $0xFFFFC000  }
0x74: {  	[hbm4b:s28+s3] =	stream.linear.scatter [tilespmem:s11], [sflag:$0x3], $0x4000, $0x38;
	[tilespmem:$0x1CE80] =	vst v63  }
0x75: {  	_ =	swait.ge [sflag:s10], $0x4000  }
0x76: {  	[sflag:s10] =	ssyncset.done $0x0  }
0x77: {  	[sflag:s10] =	ssyncadd.s32 $0xFFFFC000  }
0x78: {  	v58 =	vld [tilespmem:$0x18E20];
	_ =	sdelay $0x4  }
0x79: {  	v59 =	vshll.u32 v58, $0x2  }
0x7a: {  	v0 =	vand.u32 $0x7, v58;
	v1 =	vand.u32 $0xFFFFFFE0, v59  }
0x7b: {  	v0 =	vor.u32 v0, v1  }
0x7c: {  	v1 =	vperm.xlane v0, v2;
	_ =	sdelay $0x1  }
0x7d: {  	v1 =	vadd.s32 v3, v1;
	_ =	sdelay $0x1  }
0x7e: {  	v0 =	vperm.xlane v0, v4;
	_ =	sdelay $0x1  }
0x7f: {  	v0 =	vadd.s32 v3, v0  }
0x80: {  	[tilespmem:s11], [sflag:$0x1] =	stream.indirect_vreg.gather [hbm4b:s1+s3], $0x80, v1, vm0, $0xb8;
	[tilespmem:$0x1CE80] =	vst v63  }
0x81: {  	_ = 	snop  }
0x82: {  	[tilespmem:s26], [sflag:$0x1] =	stream.indirect_vreg.gather [hbm4b:s9+s3], $0x80, v1, vm0, $0xb8;
	[tilespmem:$0x1CE80] =	vst v63  }
0x83: {  	_ = 	snop  }
0x84: {  	[tilespmem:s14], [sflag:$0x1] =	stream.indirect_vreg.gather [hbm4b:s1+s3], $0x80, v0, vm0, $0xb8;
	[tilespmem:$0x1CE80] =	vst v63  }
0x85: {  	_ = 	snop  }
0x86: {  	[tilespmem:s15], [sflag:$0x1] =	stream.indirect_vreg.gather [hbm4b:s9+s3], $0x80, v0, vm0, $0xb8;
	[tilespmem:$0x1CE80] =	vst v63  }
0x87: {  	v0 =	vld [tilespmem:$0x18E30];
	_ =	sdelay $0x4  }
0x88: {  	v60 =	vshll.u32 v0, $0x2  }
0x89: {  	v0 =	vand.u32 $0x7, v0;
	v1 =	vand.u32 $0xFFFFFFE0, v60  }
0x8a: {  	v0 =	vor.u32 v0, v1  }
0x8b: {  	v1 =	vperm.xlane v0, v2;
	_ =	sdelay $0x1  }
0x8c: {  	v1 =	vadd.s32 v3, v1;
	_ =	sdelay $0x1  }
0x8d: {  	v0 =	vperm.xlane v0, v4;
	_ =	sdelay $0x1  }
0x8e: {  	v0 =	vadd.s32 v3, v0  }
0x8f: {  	[tilespmem:s16], [sflag:$0x1] =	stream.indirect_vreg.gather [hbm4b:s1+s3], $0x80, v1, vm0, $0xb8;
	[tilespmem:$0x1CE80] =	vst v63  }
0x90: {  	_ = 	snop  }
0x91: {  	[tilespmem:s18], [sflag:$0x1] =	stream.indirect_vreg.gather [hbm4b:s9+s3], $0x80, v1, vm0, $0xb8;
	[tilespmem:$0x1CE80] =	vst v63  }
0x92: {  	_ = 	snop  }
0x93: {  	[tilespmem:s24], [sflag:$0x1] =	stream.indirect_vreg.gather [hbm4b:s1+s3], $0x80, v0, vm0, $0xb8;
	[tilespmem:$0x1CE80] =	vst v63  }
0x94: {  	_ = 	snop  }
0x95: {  	[tilespmem:s25], [sflag:$0x1] =	stream.indirect_vreg.gather [hbm4b:s9+s3], $0x80, v0, vm0, $0xb8;
	[tilespmem:$0x1CE80] =	vst v63  }
0x96: {  	_ =	swait.ge [sflag:s17], $0x4000  }
0x97: {  	[sflag:s17] =	ssyncset.done $0x0  }
0x98: {  	s29 =	rddreg [dreg:$0xa];
	[sflag:s17] =	ssyncadd.s32 $0xFFFFC000  }
0x99: {  	[hbm4b:s29+s3] =	stream.linear.scatter [tilespmem:s11], [sflag:$0x3], $0x4000, $0x38;
	[tilespmem:$0x1CE80] =	vst v63  }
0x9a: {  	_ =	swait.ge [sflag:s10], $0x4000  }
0x9b: {  	[sflag:s10] =	ssyncset.done $0x0  }
0x9c: {  	[sflag:s10] =	ssyncadd.s32 $0xFFFFC000  }
0x9d: {  	v61 =	vld [tilespmem:$0x18E40];
	_ =	sdelay $0x4  }
0x9e: {  	v62 =	vshll.u32 v61, $0x2  }
0x9f: {  	v0 =	vand.u32 $0x7, v61;
	v1 =	vand.u32 $0xFFFFFFE0, v62  }
0xa0: {  	v0 =	vor.u32 v0, v1  }
0xa1: {  	v1 =	vperm.xlane v0, v2;
	_ =	sdelay $0x1  }
0xa2: {  	v1 =	vadd.s32 v3, v1;
	_ =	sdelay $0x1  }
0xa3: {  	v0 =	vperm.xlane v0, v4;
	_ =	sdelay $0x1  }
0xa4: {  	v0 =	vadd.s32 v3, v0  }
0xa5: {  	[tilespmem:s11], [sflag:$0x1] =	stream.indirect_vreg.gather [hbm4b:s1+s3], $0x80, v1, vm0, $0xb8;
	[tilespmem:$0x1CE80] =	vst v63  }
0xa6: {  	_ = 	snop  }
0xa7: {  	[tilespmem:s26], [sflag:$0x1] =	stream.indirect_vreg.gather [hbm4b:s9+s3], $0x80, v1, vm0, $0xb8;
	[tilespmem:$0x1CE80] =	vst v63  }
0xa8: {  	_ = 	snop  }
0xa9: {  	[tilespmem:s14], [sflag:$0x1] =	stream.indirect_vreg.gather [hbm4b:s1+s3], $0x80, v0, vm0, $0xb8;
	[tilespmem:$0x1CE80] =	vst v63  }
0xaa: {  	_ = 	snop  }
0xab: {  	[tilespmem:s15], [sflag:$0x1] =	stream.indirect_vreg.gather [hbm4b:s9+s3], $0x80, v0, vm0, $0xb8;
	[tilespmem:$0x1CE80] =	vst v63  }
0xac: {  	v0 =	vld [tilespmem:$0x18E50];
	_ =	sdelay $0x4  }
0xad: {  	v63 =	vshll.u32 v0, $0x2  }
0xae: {  	v0 =	vand.u32 $0x7, v0;
	v1 =	vand.u32 $0xFFFFFFE0, v63  }
0xaf: {  	v0 =	vor.u32 v0, v1  }
0xb0: {  	v1 =	vperm.xlane v0, v2;
	_ =	sdelay $0x1  }
0xb1: {  	v1 =	vadd.s32 v3, v1;
	_ =	sdelay $0x1  }
0xb2: {  	v0 =	vperm.xlane v0, v4;
	_ =	sdelay $0x1  }
0xb3: {  	v0 =	vadd.s32 v3, v0  }
0xb4: {  	[tilespmem:s16], [sflag:$0x1] =	stream.indirect_vreg.gather [hbm4b:s1+s3], $0x80, v1, vm0, $0xb8;
	[tilespmem:$0x1CE80] =	vst v63  }
0xb5: {  	_ = 	snop  }
0xb6: {  	[tilespmem:s18], [sflag:$0x1] =	stream.indirect_vreg.gather [hbm4b:s9+s3], $0x80, v1, vm0, $0xb8;
	[tilespmem:$0x1CE80] =	vst v63  }
0xb7: {  	_ = 	snop  }
0xb8: {  	[tilespmem:s24], [sflag:$0x1] =	stream.indirect_vreg.gather [hbm4b:s1+s3], $0x80, v0, vm0, $0xb8;
	[tilespmem:$0x1CE80] =	vst v63  }
0xb9: {  	_ = 	snop  }
0xba: {  	[tilespmem:s25], [sflag:$0x1] =	stream.indirect_vreg.gather [hbm4b:s9+s3], $0x80, v0, vm0, $0xb8;
	[tilespmem:$0x1CE80] =	vst v63  }
0xbb: {  	_ =	swait.ge [sflag:s17], $0x4000  }
0xbc: {  	[sflag:s17] =	ssyncset.done $0x0  }
0xbd: {  	s30 =	rddreg [dreg:$0xb];
	[sflag:s17] =	ssyncadd.s32 $0xFFFFC000  }
0xbe: {  	[hbm4b:s30+s3] =	stream.linear.scatter [tilespmem:s11], [sflag:$0x3], $0x4000, $0x38;
	[tilespmem:$0x1CE80] =	vst v63  }
0xbf: {  	s31 =	simm.s32 $0x19680;
	_ =	swait.ge [sflag:s10], $0x4000  }
0xc0: {  	s19 =	simm.s32 $0x19E80;
	s0 =	simm.s32 $0x1A680;
	[sflag:s10] =	ssyncset.done $0x0  }
0xc1: {  	s2 =	simm.s32 $0x1AE80;
	s6 =	simm.s32 $0x1B680;
	[sflag:s10] =	ssyncadd.s32 $0xFFFFC000  }
.LBB2_4:
0xc2: {  	s12 =	simm.s32 $0x0;
	s13 =	rddreg [dreg:$0xe]  }
0xc3: {  	[tilespmem:s12], [sflag:$0x3] =	stream.strided.gather [hbm4b:s13+s22], $0xBB80, s23, s22, $0x38;
	[tilespmem:$0x1CE80] =	vst v63  }
0xc4: {  	_ =	swait.ge [sflag:s10], $0xBB80  }
0xc5: {  	[sflag:s10] =	ssyncset.done $0x0  }
0xc6: {  	s12 =	simm.s32 $0x40;
	s22 =	simm.s32 $0x0;
	[sflag:s10] =	ssyncadd.s32 $0xFFFF4480  }
.LBB2_5:
0xc7: {  	p1 =	sne.s32 s12, $0x2EDC0;
	[tilespmem:s22+$0xBB80] =	vst v5;
	s22 =	smov.u32 s12;
	s12 =	sadd.s32 $0x40, s12  }
.Ltmp2:
0xc8: {  	(pc) =	sbr.rel @p1 .LBB2_5-.Ltmp2, $2  }
0xc9: {  	_ =	sdelay $0x2  }
0xca: {  	s22 =	sshra.s32 s22, $0x2  }
0xcb: {  	[tilespmem:s22+$0xBB80] =	vst v5;
	s23 =	simm.s32 $0x0;
	s12 =	simm.s32 $0x17700  }
0xcc: {  	[tilespmem:s12], [sflag:$0x2] =	stream.linear.gather [hbm4b:s4+s23], $0x80, $0x38;
	[tilespmem:$0x1CE80] =	vst v63  }
0xcd: {  	s25 =	rddreg [dreg:$0x11];
	s13 =	simm.s32 $0x17800  }
0xce: {  	[tilespmem:s13], [sflag:$0x2] =	stream.linear.gather [hbm4b:s25+s23], $0x80, $0x38;
	[tilespmem:$0x1CE80] =	vst v63  }
0xcf: {  	s26 =	rddreg [dreg:$0x12];
	s28 =	simm.s32 $0x17900  }
0xd0: {  	[tilespmem:s28], [sflag:$0x2] =	stream.linear.gather [hbm4b:s26+s23], $0x80, $0x38;
	[tilespmem:$0x1CE80] =	vst v63  }
0xd1: {  	s29 =	rddreg [dreg:$0x13];
	s30 =	simm.s32 $0x17A00  }
0xd2: {  	[tilespmem:s30], [sflag:$0x2] =	stream.linear.gather [hbm4b:s29+s23], $0x80, $0x38;
	[tilespmem:$0x1CE80] =	vst v63  }
0xd3: {  	s14 =	simm.s32 $0x17B00;
	s13 =	rddreg [dreg:$0x14]  }
0xd4: {  	[tilespmem:s14], [sflag:$0x2] =	stream.linear.gather [hbm4b:s13+s23], $0x80, $0x38;
	[tilespmem:$0x1CE80] =	vst v63  }
0xd5: {  	s15 =	rddreg [dreg:$0x15];
	s16 =	simm.s32 $0x17C00  }
0xd6: {  	[tilespmem:s16], [sflag:$0x2] =	stream.linear.gather [hbm4b:s15+s23], $0x80, $0x38;
	[tilespmem:$0x1CE80] =	vst v63  }
0xd7: {  	s18 =	rddreg [dreg:$0x16];
	s22 =	simm.s32 $0x17D00  }
0xd8: {  	[tilespmem:s22], [sflag:$0x2] =	stream.linear.gather [hbm4b:s18+s23], $0x80, $0x38;
	[tilespmem:$0x1CE80] =	vst v63  }
0xd9: {  	s24 =	rddreg [dreg:$0x17];
	s25 =	simm.s32 $0x17E00  }
0xda: {  	[tilespmem:s25], [sflag:$0x2] =	stream.linear.gather [hbm4b:s24+s23], $0x80, $0x38;
	[tilespmem:$0x1CE80] =	vst v63  }
0xdb: {  	s26 =	rddreg [dreg:$0x18];
	s28 =	simm.s32 $0x17F00  }
0xdc: {  	[tilespmem:s28], [sflag:$0x2] =	stream.linear.gather [hbm4b:s26+s23], $0x80, $0x38;
	[tilespmem:$0x1CE80] =	vst v63  }
0xdd: {  	s29 =	rddreg [dreg:$0x19];
	s30 =	simm.s32 $0x18000  }
0xde: {  	[tilespmem:s30], [sflag:$0x2] =	stream.linear.gather [hbm4b:s29+s23], $0x80, $0x38;
	[tilespmem:$0x1CE80] =	vst v63  }
0xdf: {  	s14 =	rddreg [dreg:$0x1a];
	s15 =	simm.s32 $0x18100  }
0xe0: {  	[tilespmem:s15], [sflag:$0x2] =	stream.linear.gather [hbm4b:s14+s23], $0x80, $0x38;
	[tilespmem:$0x1CE80] =	vst v63  }
0xe1: {  	s16 =	rddreg [dreg:$0x1b];
	s18 =	simm.s32 $0x18200  }
0xe2: {  	[tilespmem:s18], [sflag:$0x2] =	stream.linear.gather [hbm4b:s16+s23], $0x80, $0x38;
	[tilespmem:$0x1CE80] =	vst v63  }
0xe3: {  	s22 =	rddreg [dreg:$0x1c];
	s24 =	simm.s32 $0x18300  }
0xe4: {  	[tilespmem:s24], [sflag:$0x2] =	stream.linear.gather [hbm4b:s22+s23], $0x80, $0x38;
	[tilespmem:$0x1CE80] =	vst v63  }
0xe5: {  	s25 =	rddreg [dreg:$0x1d];
	s26 =	simm.s32 $0x18400  }
0xe6: {  	[tilespmem:s26], [sflag:$0x2] =	stream.linear.gather [hbm4b:s25+s23], $0x80, $0x38;
	[tilespmem:$0x1CE80] =	vst v63  }
0xe7: {  	s28 =	rddreg [dreg:$0x1e];
	s29 =	simm.s32 $0x18500  }
0xe8: {  	[tilespmem:s29], [sflag:$0x2] =	stream.linear.gather [hbm4b:s28+s23], $0x80, $0x38;
	[tilespmem:$0x1CE80] =	vst v63  }
0xe9: {  	s13 =	rddreg [dreg:$0x1f];
	s30 =	simm.s32 $0x18600  }
0xea: {  	[tilespmem:s30], [sflag:$0x2] =	stream.linear.gather [hbm4b:s5+s23], $0x80, $0x38;
	[tilespmem:$0x1CE80] =	vst v63  }
0xeb: {  	s14 =	simm.s32 $0x18700;
	s15 =	sld [smem:$0x7FA]  }
0xec: {  	[tilespmem:s14], [sflag:$0x2] =	stream.linear.gather [hbm4b:s13+s23], $0x80, $0x38;
	[tilespmem:$0x1CE80] =	vst v63  }
0xed: {  	s16 =	simm.s32 $0x18800;
	s18 =	sld [smem:$0x7FB]  }
0xee: {  	[tilespmem:s16], [sflag:$0x2] =	stream.linear.gather [hbm4b:s15+s23], $0x80, $0x38;
	[tilespmem:$0x1CE80] =	vst v63  }
0xef: {  	s22 =	simm.s32 $0x18900;
	s24 =	sld [smem:$0x7FC]  }
0xf0: {  	[tilespmem:s22], [sflag:$0x2] =	stream.linear.gather [hbm4b:s18+s23], $0x80, $0x38;
	[tilespmem:$0x1CE80] =	vst v63  }
0xf1: {  	s25 =	simm.s32 $0x18A00;
	s26 =	sld [smem:$0x7FD]  }
0xf2: {  	[tilespmem:s25], [sflag:$0x2] =	stream.linear.gather [hbm4b:s24+s23], $0x80, $0x38;
	[tilespmem:$0x1CE80] =	vst v63  }
0xf3: {  	s28 =	simm.s32 $0x18B00  }
0xf4: {  	[tilespmem:s28], [sflag:$0x2] =	stream.linear.gather [hbm4b:s26+s23], $0x80, $0x38;
	[tilespmem:$0x1CE80] =	vst v63  }
0xf5: {  	s29 =	simm.s32 $0x18C00  }
0xf6: {  	[tilespmem:s29], [sflag:$0x2] =	stream.linear.gather [hbm4b:s7+s23], $0x80, $0x38;
	[tilespmem:$0x1CE80] =	vst v63  }
0xf7: {  	s30 =	simm.s32 $0x18D00  }
0xf8: {  	[tilespmem:s30], [sflag:$0x2] =	stream.linear.gather [hbm4b:s8+s23], $0x80, $0x38;
	[tilespmem:$0x1CE80] =	vst v63  }
.LBB2_8:
0xf9: {  	_ =	swait.ge [sflag:s20], $0x780;
	p1 =	seq.s32 s23, $0x63  }
.Ltmp3:
0xfa: {  	[sflag:s20] =	ssyncset.done $0x0;
	(pc) =	sbr.rel @p1 .LBB2_10-.Ltmp3, $4  }
0xfb: {  	[sflag:s20] =	ssyncadd.s32 $0xFFFFF880  }
0xfc: {  	_ =	swait.ge [sflag:s20], $0x400  }
0xfd: {  	[sflag:s20] =	ssyncset.done $0x0  }
0xfe: {  	s22 =	sadd.s32 $0x1, s23;
	s12 =	simm.s32 $0x80;
	[sflag:s20] =	ssyncadd.s32 $0xFFFFFC00  }
0xff: {  	s24 =	sshrl.u32 s22, $0x3  }
0x100: {  	s12 =	sshll.u32 s22, $0x7;
	s13 =	smul.u32 $0x3C00, s24  }
0x101: {  	s23 =	sshll.u32 s23, $0x7;
	s25 =	sand.u32 $0x380, s12  }
0x102: {  	s12 =	sand.u32 $0x80, s23;
	s13 =	sor.u32 s25, s13  }
0x103: {  	s23 =	sxor.u32 $0x80, s12;
	s13 =	sshrl.u32 s13, $0x3  }
0x104: {  	s14 =	sor.u32 $0x17700, s23;
	s13 =	sadd.s32 s4, s13  }
0x105: {  	[tilespmem:s14], [sflag:$0x2] =	stream.linear.gather [hbm4b:s13+s3], $0x80, $0x38;
	[tilespmem:$0x1CE80] =	vst v63  }
0x106: {  	s26 =	sor.u32 $0x17800, s23;
	s15 =	sadd.s32 $0x80, s13  }
0x107: {  	[tilespmem:s26], [sflag:$0x2] =	stream.linear.gather [hbm4b:s15+s3], $0x80, $0x38;
	[tilespmem:$0x1CE80] =	vst v63  }
0x108: {  	s18 =	sor.u32 $0x17900, s23;
	s16 =	sadd.s32 $0x100, s13  }
0x109: {  	[tilespmem:s18], [sflag:$0x2] =	stream.linear.gather [hbm4b:s16+s3], $0x80, $0x38;
	[tilespmem:$0x1CE80] =	vst v63  }
0x10a: {  	s29 =	sor.u32 $0x17A00, s23;
	s28 =	sadd.s32 $0x180, s13  }
0x10b: {  	[tilespmem:s29], [sflag:$0x2] =	stream.linear.gather [hbm4b:s28+s3], $0x80, $0x38;
	[tilespmem:$0x1CE80] =	vst v63  }
0x10c: {  	s30 =	sadd.s32 $0x200, s13;
	s15 =	sor.u32 $0x17B00, s23  }
0x10d: {  	[tilespmem:s15], [sflag:$0x2] =	stream.linear.gather [hbm4b:s30+s3], $0x80, $0x38;
	[tilespmem:$0x1CE80] =	vst v63  }
0x10e: {  	s16 =	sadd.s32 $0x280, s13;
	s18 =	sor.u32 $0x17C00, s23  }
0x10f: {  	[tilespmem:s18], [sflag:$0x2] =	stream.linear.gather [hbm4b:s16+s3], $0x80, $0x38;
	[tilespmem:$0x1CE80] =	vst v63  }
0x110: {  	s28 =	sadd.s32 $0x300, s13;
	s29 =	sor.u32 $0x17D00, s23  }
0x111: {  	[tilespmem:s29], [sflag:$0x2] =	stream.linear.gather [hbm4b:s28+s3], $0x80, $0x38;
	[tilespmem:$0x1CE80] =	vst v63  }
0x112: {  	s30 =	sadd.s32 $0x380, s13;
	s15 =	sor.u32 $0x17E00, s23  }
0x113: {  	[tilespmem:s15], [sflag:$0x2] =	stream.linear.gather [hbm4b:s30+s3], $0x80, $0x38;
	[tilespmem:$0x1CE80] =	vst v63  }
0x114: {  	s16 =	sadd.s32 $0x400, s13;
	s18 =	sor.u32 $0x17F00, s23  }
0x115: {  	[tilespmem:s18], [sflag:$0x2] =	stream.linear.gather [hbm4b:s16+s3], $0x80, $0x38;
	[tilespmem:$0x1CE80] =	vst v63  }
0x116: {  	s28 =	sadd.s32 $0x480, s13;
	s29 =	sor.u32 $0x18000, s23  }
0x117: {  	[tilespmem:s29], [sflag:$0x2] =	stream.linear.gather [hbm4b:s28+s3], $0x80, $0x38;
	[tilespmem:$0x1CE80] =	vst v63  }
0x118: {  	s30 =	sadd.s32 $0x500, s13;
	s15 =	sor.u32 $0x18100, s23  }
0x119: {  	[tilespmem:s15], [sflag:$0x2] =	stream.linear.gather [hbm4b:s30+s3], $0x80, $0x38;
	[tilespmem:$0x1CE80] =	vst v63  }
0x11a: {  	s16 =	sadd.s32 $0x580, s13;
	s18 =	sor.u32 $0x18200, s23  }
0x11b: {  	[tilespmem:s18], [sflag:$0x2] =	stream.linear.gather [hbm4b:s16+s3], $0x80, $0x38;
	[tilespmem:$0x1CE80] =	vst v63  }
0x11c: {  	s28 =	sadd.s32 $0x600, s13;
	s29 =	sor.u32 $0x18300, s23  }
0x11d: {  	[tilespmem:s29], [sflag:$0x2] =	stream.linear.gather [hbm4b:s28+s3], $0x80, $0x38;
	[tilespmem:$0x1CE80] =	vst v63  }
0x11e: {  	s30 =	sadd.s32 $0x680, s13;
	s15 =	sor.u32 $0x18400, s23  }
0x11f: {  	[tilespmem:s15], [sflag:$0x2] =	stream.linear.gather [hbm4b:s30+s3], $0x80, $0x38;
	[tilespmem:$0x1CE80] =	vst v63  }
0x120: {  	s13 =	sadd.s32 $0x700, s13;
	s16 =	sor.u32 $0x18500, s23;
	s18 =	sshll.u32 s24, $0xD  }
0x121: {  	[tilespmem:s16], [sflag:$0x2] =	stream.linear.gather [hbm4b:s13+s3], $0x80, $0x38;
	[tilespmem:$0x1CE80] =	vst v63  }
0x122: {  	s13 =	sor.u32 s25, s18  }
0x123: {  	s13 =	sshrl.u32 s13, $0x3  }
0x124: {  	s24 =	sor.u32 $0x18600, s23;
	s13 =	sadd.s32 s5, s13  }
0x125: {  	[tilespmem:s24], [sflag:$0x2] =	stream.linear.gather [hbm4b:s13+s3], $0x80, $0x38;
	[tilespmem:$0x1CE80] =	vst v63  }
0x126: {  	s26 =	sor.u32 $0x18700, s23;
	s25 =	sadd.s32 $0x80, s13  }
0x127: {  	[tilespmem:s26], [sflag:$0x2] =	stream.linear.gather [hbm4b:s25+s3], $0x80, $0x38;
	[tilespmem:$0x1CE80] =	vst v63  }
0x128: {  	s29 =	sor.u32 $0x18800, s23;
	s28 =	sadd.s32 $0x100, s13  }
0x129: {  	[tilespmem:s29], [sflag:$0x2] =	stream.linear.gather [hbm4b:s28+s3], $0x80, $0x38;
	[tilespmem:$0x1CE80] =	vst v63  }
0x12a: {  	s15 =	sor.u32 $0x18900, s23;
	s30 =	sadd.s32 $0x180, s13  }
0x12b: {  	[tilespmem:s15], [sflag:$0x2] =	stream.linear.gather [hbm4b:s30+s3], $0x80, $0x38;
	[tilespmem:$0x1CE80] =	vst v63  }
0x12c: {  	s18 =	sor.u32 $0x18A00, s23;
	s16 =	sadd.s32 $0x200, s13  }
0x12d: {  	[tilespmem:s18], [sflag:$0x2] =	stream.linear.gather [hbm4b:s16+s3], $0x80, $0x38;
	[tilespmem:$0x1CE80] =	vst v63  }
0x12e: {  	s25 =	sadd.s32 $0x280, s13;
	s26 =	sor.u32 $0x18B00, s23  }
0x12f: {  	[tilespmem:s26], [sflag:$0x2] =	stream.linear.gather [hbm4b:s25+s3], $0x80, $0x38;
	[tilespmem:$0x1CE80] =	vst v63  }
0x130: {  	s28 =	sadd.s32 $0x300, s13;
	s29 =	sor.u32 $0x18C00, s23  }
0x131: {  	[tilespmem:s29], [sflag:$0x2] =	stream.linear.gather [hbm4b:s28+s3], $0x80, $0x38;
	[tilespmem:$0x1CE80] =	vst v63  }
0x132: {  	s13 =	sadd.s32 $0x380, s13;
	s30 =	sor.u32 $0x18D00, s23  }
0x133: {  	[tilespmem:s30], [sflag:$0x2] =	stream.linear.gather [hbm4b:s13+s3], $0x80, $0x38;
	[tilespmem:$0x1CE80] =	vst v63  }
.LBB2_10:
0x134: {  	s13 =	sor.u32 $0x17700, s12  }
0x135: {  	s30 =	sor.u32 $0x18600, s12;
	v20 =	vmov s12;
	[dreg:$0x6] =	wrdreg s13  }
0x136: {  	s23 =	simm.s32 $0x0;
	s12 =	simm.s32 $0x0;
	[dreg:$0x7] =	wrdreg s30  }
.LBB2_11:
0x137: {  	s13 =	sadd.s32 $0x3C0, s23;
	s14 =	sadd.s32 $0x780, s12  }
0x138: {  	s13 =	sand.u32 $0x40, s13;
	s14 =	sand.u32 $0xF00, s14  }
0x139: {  	s13 =	sor.u32 s13, s14  }
0x13a: {  	v0 =	vld.idx.msk [tilespmem:v20+s13+$0x17700 ss:$0x1], $0xffff;
	_ =	sdelay $0x4  }
0x13b: {  	v0 =	vshll.u32 v0, $0x4  }
0x13c: {  	(v2sf) =	vpush v0, $0x0  }
0x13d: {  	(v2sf) =	vpush v0, $0x1  }
0x13e: {  	(v2sf) =	vpush v0, $0x2  }
0x13f: {  	(v2sf) =	vpush v0, $0x3;
	_ =	sdelay $0x2  }
0x140: {  	(v2sf) =	vpush v0, $0x4;
	_ =	sdelay $0x2  }
0x141: {  	(v2sf) =	vpush v0, $0x5  }
0x142: {  	(v2sf) =	vpush v0, $0x6  }
0x143: {  	s25 =	sadd.s32 $0x3D0, s23;
	s26 =	sadd.s32 $0x7A0, s12;
	(v2sf) =	vpush v0, $0x7  }
0x144: {  	s14 =	sand.u32 $0xF00, s26;
	s13 =	sand.u32 $0x50, s25;
	(v2sf) =	vpush v0, $0x8  }
0x145: {  	s24 =	rddreg [dreg:$0x6];
	s28 =	sand.u32 $0x700, s12;
	s13 =	sor.u32 s13, s14;
	(v2sf) =	vpush v0, $0x9  }
0x146: {  	s24 =	sadd.s32 s28, s24;
	v1 =	vld.idx.msk [tilespmem:v20+s13+$0x17700 ss:$0x1], $0xffff;
	(v2sf) =	vpush v0, $0xA  }
0x147: {  	s25 =	rddreg [dreg:$0x7];
	s13 =	sand.u32 $0x40, s23;
	s26 =	spop (v2sf);
	(v2sf) =	vpush v0, $0xB  }
0x148: {  	s14 =	sadd.s32 s28, s25;
	s15 =	sadd.s32 s13, s24;
	s25 =	spop (v2sf);
	(v2sf) =	vpush v0, $0xC  }
0x149: {  	s29 =	sadd.s32 s13, s14;
	s16 =	sor.u32 $0x10, s13;
	v16 =	vld [tilespmem:s15+$0x0];
	s28 =	spop (v2sf);
	(v2sf) =	vpush v0, $0xD  }
0x14a: {  	s30 =	sadd.s32 $0x3E0, s23;
	v36 =	vld [tilespmem:s29+$0x0];
	s29 =	sadd.s32 s16, s24;
	s15 =	spop (v2sf);
	(v2sf) =	vpush v0, $0xE  }
0x14b: {  	s18 =	sadd.s32 $0x7C0, s12;
	s16 =	sadd.s32 s16, s14;
	v43 =	vld [tilespmem:s29+$0x0];
	s29 =	sor.u32 $0x20, s13;
	v61 =	vshll.u32 v1, $0x4;
	(v2sf) =	vpush v0, $0xF  }
0x14c: {  	s30 =	sand.u32 $0x60, s30;
	s18 =	sand.u32 $0xF00, s18;
	v12 =	vld [tilespmem:s16+$0x0];
	s16 =	sadd.s32 s29, s24;
	(v2sf) =	vpush v61, $0x0  }
0x14d: {  	s18 =	sor.u32 s30, s18;
	v62 =	vld [tilespmem:s16+$0x0];
	s16 =	spop (v2sf);
	(v2sf) =	vpush v61, $0x1  }
0x14e: {  	s30 =	sadd.s32 $0x7E0, s12;
	v63 =	vld.idx.msk [tilespmem:v20+s18+$0x17700 ss:$0x1], $0xffff;
	s18 =	sadd.s32 $0x3F0, s23;
	s13 =	sor.u32 $0x30, s13;
	(v2sf) =	vpush v61, $0x2  }
0x14f: {  	s30 =	sand.u32 $0xF00, s30;
	s18 =	sand.u32 $0x70, s18;
	s24 =	sadd.s32 s13, s24;
	(v2sf) =	vpush v61, $0x3  }
0x150: {  	s18 =	sor.u32 s18, s30;
	v2 =	vld [tilespmem:s24+$0x0];
	s24 =	spop (v2sf);
	(v2sf) =	vpush v61, $0x4  }
0x151: {  	v15 =	vld.idx.msk [tilespmem:v20+s18+$0x17700 ss:$0x1], $0xffff;
	s18 =	spop (v2sf);
	(v2sf) =	vpush v61, $0x5  }
0x152: {  	s29 =	sadd.s32 s29, s14;
	s13 =	sadd.s32 s13, s14;
	s14 =	spop (v2sf);
	(v2sf) =	vpush v61, $0x6  }
0x153: {  	v5 =	vld [tilespmem:s13+$0x0];
	s13 =	spop (v2sf);
	(v2sf) =	vpush v61, $0x7  }
0x154: {  	v14 =	vld [tilespmem:s26+$0x0];
	s26 =	spop (v2sf);
	(v2sf) =	vpush v61, $0x8  }
0x155: {  	v6 =	vld [tilespmem:s29+$0x0];
	s29 =	spop (v2sf);
	(v2sf) =	vpush v61, $0x9  }
0x156: {  	s30 =	spop (v2sf);
	(v2sf) =	vpush v61, $0xA  }
0x157: {  	v10 =	vld [tilespmem:s15+$0x0];
	s15 =	spop (v2sf);
	(v2sf) =	vpush v61, $0xB  }
0x158: {  	v9 =	vld [tilespmem:s16+$0x0];
	s16 =	spop (v2sf);
	(v2sf) =	vpush v61, $0xC  }
0x159: {  	v8 =	vld [tilespmem:s24+$0x0];
	s24 =	spop (v2sf);
	(v2sf) =	vpush v61, $0xD  }
0x15a: {  	v7 =	vld [tilespmem:s18+$0x0];
	s18 =	spop (v2sf);
	(v2sf) =	vpush v61, $0xE  }
0x15b: {  	v19 =	vshll.u32 v63, $0x4;
	v4 =	vld [tilespmem:s14+$0x0];
	s14 =	spop (v2sf);
	(v2sf) =	vpush v61, $0xF  }
0x15c: {  	v3 =	vld [tilespmem:s13+$0x0];
	s13 =	spop (v2sf);
	(v2sf) =	vpush v19, $0x0  }
0x15d: {  	v1 =	vld [tilespmem:s26+$0x0];
	s26 =	spop (v2sf);
	(v2sf) =	vpush v19, $0x1  }
0x15e: {  	v0 =	vld [tilespmem:s29+$0x0];
	s29 =	spop (v2sf);
	(v2sf) =	vpush v19, $0x2  }
0x15f: {  	[tilespmem:$0x1FF30] =	vst v2;
	v2 =	vld [tilespmem:s30+$0x0];
	s30 =	spop (v2sf);
	(v2sf) =	vpush v19, $0x3  }
0x160: {  	v63 =	vld [tilespmem:s15+$0x0];
	s15 =	spop (v2sf);
	(v2sf) =	vpush v19, $0x4  }
0x161: {  	[tilespmem:$0x1FF20] =	vst v62;
	v62 =	vld [tilespmem:s16+$0x0];
	s16 =	spop (v2sf);
	(v2sf) =	vpush v19, $0x5  }
0x162: {  	v61 =	vld [tilespmem:s24+$0x0];
	s24 =	spop (v2sf);
	(v2sf) =	vpush v19, $0x6  }
0x163: {  	v60 =	vld [tilespmem:s18+$0x0];
	s18 =	spop (v2sf);
	(v2sf) =	vpush v19, $0x7  }
0x164: {  	v59 =	vld [tilespmem:s14+$0x0];
	s14 =	spop (v2sf);
	(v2sf) =	vpush v19, $0x8  }
0x165: {  	v58 =	vld [tilespmem:s13+$0x0];
	s13 =	spop (v2sf);
	(v2sf) =	vpush v19, $0x9  }
0x166: {  	v57 =	vld [tilespmem:s26+$0x0];
	s26 =	spop (v2sf);
	(v2sf) =	vpush v19, $0xA  }
0x167: {  	v56 =	vld [tilespmem:s29+$0x0];
	s29 =	spop (v2sf);
	(v2sf) =	vpush v19, $0xB  }
0x168: {  	v55 =	vld [tilespmem:s30+$0x0];
	s30 =	spop (v2sf);
	(v2sf) =	vpush v19, $0xC  }
0x169: {  	v54 =	vld [tilespmem:s15+$0x0];
	s15 =	spop (v2sf);
	(v2sf) =	vpush v19, $0xD  }
0x16a: {  	v53 =	vld [tilespmem:s16+$0x0];
	s16 =	spop (v2sf);
	(v2sf) =	vpush v19, $0xE  }
0x16b: {  	v15 =	vshll.u32 v15, $0x4;
	v52 =	vld [tilespmem:s24+$0x0];
	s24 =	spop (v2sf);
	(v2sf) =	vpush v19, $0xF  }
0x16c: {  	v51 =	vld [tilespmem:s18+$0x0];
	s18 =	spop (v2sf);
	(v2sf) =	vpush v15, $0x0  }
0x16d: {  	v50 =	vld [tilespmem:s14+$0x0];
	s14 =	spop (v2sf);
	(v2sf) =	vpush v15, $0x1  }
0x16e: {  	v49 =	vld [tilespmem:s13+$0x0];
	s13 =	spop (v2sf);
	(v2sf) =	vpush v15, $0x2  }
0x16f: {  	v48 =	vld [tilespmem:s26+$0x0];
	s26 =	spop (v2sf);
	(v2sf) =	vpush v15, $0x3  }
0x170: {  	v47 =	vld [tilespmem:s29+$0x0];
	s29 =	spop (v2sf);
	(v2sf) =	vpush v15, $0x4  }
0x171: {  	v46 =	vld [tilespmem:s30+$0x0];
	s30 =	spop (v2sf);
	(v2sf) =	vpush v15, $0x5  }
0x172: {  	v45 =	vld [tilespmem:s15+$0x0];
	s15 =	spop (v2sf);
	(v2sf) =	vpush v15, $0x6  }
0x173: {  	v44 =	vld [tilespmem:s16+$0x0];
	s16 =	spop (v2sf)  }
0x174: {  	v42 =	vld [tilespmem:s24+$0x0];
	s24 =	spop (v2sf)  }
0x175: {  	v41 =	vld [tilespmem:s18+$0x0];
	s18 =	spop (v2sf)  }
0x176: {  	v40 =	vld [tilespmem:s14+$0x0];
	s14 =	spop (v2sf)  }
0x177: {  	v39 =	vld [tilespmem:s13+$0x0];
	(v2sf) =	vpush v15, $0x7;
	s13 =	spop (v2sf)  }
0x178: {  	v38 =	vld [tilespmem:s26+$0x0];
	s26 =	spop (v2sf)  }
0x179: {  	v37 =	vld [tilespmem:s29+$0x0];
	(v2sf) =	vpush v15, $0x8;
	s29 =	spop (v2sf)  }
0x17a: {  	v35 =	vld [tilespmem:s30+$0x0];
	(v2sf) =	vpush v15, $0x9;
	s30 =	spop (v2sf)  }
0x17b: {  	v34 =	vld [tilespmem:s15+$0x0];
	(v2sf) =	vpush v15, $0xA;
	s15 =	spop (v2sf)  }
0x17c: {  	v33 =	vld [tilespmem:s16+$0x0];
	s16 =	spop (v2sf)  }
0x17d: {  	v32 =	vld [tilespmem:s24+$0x0];
	s24 =	spop (v2sf)  }
0x17e: {  	v31 =	vld [tilespmem:s18+$0x0];
	s18 =	spop (v2sf)  }
0x17f: {  	v30 =	vld [tilespmem:s14+$0x0];
	s14 =	spop (v2sf)  }
0x180: {  	(v2sf) =	vpush v15, $0xB;
	v29 =	vld [tilespmem:s13+$0x0];
	s13 =	spop (v2sf)  }
0x181: {  	(v2sf) =	vpush v15, $0xC;
	v28 =	vld [tilespmem:s26+$0x0];
	s26 =	spop (v2sf)  }
0x182: {  	(v2sf) =	vpush v15, $0xD;
	v17 =	vld [tilespmem:s26+$0x0]  }
0x183: {  	v16 =	vshll.u32 v16, $0x4;
	(v2sf) =	vpush v15, $0xE  }
0x184: {  	(v2sf) =	vpush v15, $0xF;
	v15 =	vadd.s32 $0xBB80, v16  }
0x185: {  	(v2sf) =	vpush v15, $0x1  }
0x186: {  	v27 =	vld [tilespmem:s29+$0x0];
	(v2sf) =	vpush v15, $0x0;
	s29 =	spop (v2sf)  }
0x187: {  	[tilespmem:$0x1FF40] =	vst v17;
	v17 =	vld [tilespmem:s29+$0x0]  }
0x188: {  	v26 =	vld [tilespmem:s30+$0x0];
	s30 =	spop (v2sf)  }
0x189: {  	v25 =	vld [tilespmem:s15+$0x0];
	s15 =	spop (v2sf)  }
0x18a: {  	v24 =	vld [tilespmem:s16+$0x0];
	s16 =	spop (v2sf)  }
0x18b: {  	v18 =	vld [tilespmem:s16+$0x0]  }
0x18c: {  	[tilespmem:$0x1FF50] =	vst v17;
	v17 =	vld [tilespmem:s30+$0x0];
	_ =	sdelay $0x1  }
0x18d: {  	v23 =	vld [tilespmem:s24+$0x0]  }
0x18e: {  	v22 =	vld [tilespmem:s18+$0x0];
	s24 =	spop (v2sf)  }
0x18f: {  	v21 =	vld [tilespmem:s14+$0x0];
	s18 =	spop (v2sf);
	[tilespmem:$0x1FF80] =	vst v18  }
0x190: {  	s14 =	spop (v2sf);
	v18 =	vbroadcast v36, $0x0;
	[tilespmem:$0x1FF60] =	vst v17;
	v17 =	vld [tilespmem:s15+$0x0]  }
0x191: {  	v16 =	vld [tilespmem:s13+$0x0];
	s13 =	spop (v2sf)  }
0x192: {  	s26 =	spop (v2sf);
	v14 =	vmul.f32 v14, v18;
	v18 =	vld [tilespmem:s18+$0x0]  }
0x193: {  	s29 =	spop (v2sf)  }
0x194: {  	s30 =	spop (v2sf)  }
0x195: {  	(v2sf) =	vpush v15, $0x3;
	[tilespmem:$0x1FF70] =	vst v17;
	v17 =	vld [tilespmem:s30+$0x0]  }
0x196: {  	(v2sf) =	vpush v15, $0x2  }
0x197: {  	[tilespmem:$0x1FFA0] =	vst v18;
	v18 =	vld [tilespmem:s14+$0x0];
	_ =	sdelay $0x1  }
0x198: {  	v13 =	vld [tilespmem:s25+$0x0]  }
0x199: {  	v14 =	vadd.f32 v17, v14;
	v17 =	vld [tilespmem:s13+$0x0]  }
0x19a: {  	v11 =	vld [tilespmem:s28+$0x0]  }
0x19b: {  	v19 =	vld [tilespmem:s24+$0x0];
	[tilespmem:$0x1FFB0] =	vst v18  }
0x19c: {  	v18 =	vld [tilespmem:s26+$0x0];
	[tilespmem:s30+$0x0] =	vst v14  }
0x19d: {  	v14 =	vld [tilespmem:s29+$0x0]  }
0x19e: {  	[tilespmem:$0x1FFC0] =	vst v17;
	v17 =	vbroadcast v36, $0x1;
	_ =	sdelay $0x1  }
0x19f: {  	v13 =	vmul.f32 v13, v17;
	_ =	sdelay $0x1  }
0x1a0: {  	v13 =	vadd.f32 v14, v13  }
0x1a1: {  	s16 =	spop (v2sf)  }
0x1a2: {  	(v2sf) =	vpush v15, $0x5;
	s18 =	spop (v2sf);
	[tilespmem:s29+$0x0] =	vst v13  }
0x1a3: {  	(v2sf) =	vpush v15, $0x4;
	v13 =	vld [tilespmem:s18+$0x0]  }
0x1a4: {  	v17 =	vbroadcast v36, $0x2;
	_ =	sdelay $0x1  }
0x1a5: {  	v11 =	vmul.f32 v11, v17;
	_ =	sdelay $0x1  }
0x1a6: {  	v11 =	vadd.f32 v13, v11;
	_ =	sdelay $0x1  }
0x1a7: {  	[tilespmem:s18+$0x0] =	vst v11  }
0x1a8: {  	v11 =	vld [tilespmem:s16+$0x0]  }
0x1a9: {  	v17 =	vbroadcast v36, $0x3;
	_ =	sdelay $0x1  }
0x1aa: {  	v10 =	vmul.f32 v10, v17;
	_ =	sdelay $0x1  }
0x1ab: {  	v10 =	vadd.f32 v11, v10  }
0x1ac: {  	s24 =	spop (v2sf)  }
0x1ad: {  	(v2sf) =	vpush v15, $0x7;
	s25 =	spop (v2sf);
	[tilespmem:s16+$0x0] =	vst v10  }
0x1ae: {  	(v2sf) =	vpush v15, $0x6;
	v10 =	vld [tilespmem:s25+$0x0]  }
0x1af: {  	v17 =	vbroadcast v36, $0x4;
	_ =	sdelay $0x1  }
0x1b0: {  	v9 =	vmul.f32 v9, v17;
	_ =	sdelay $0x1  }
0x1b1: {  	v9 =	vadd.f32 v10, v9;
	_ =	sdelay $0x1  }
0x1b2: {  	[tilespmem:s25+$0x0] =	vst v9  }
0x1b3: {  	v9 =	vld [tilespmem:s24+$0x0]  }
0x1b4: {  	v13 =	vbroadcast v36, $0x5;
	_ =	sdelay $0x1  }
0x1b5: {  	v8 =	vmul.f32 v8, v13;
	_ =	sdelay $0x1  }
0x1b6: {  	v8 =	vadd.f32 v9, v8  }
0x1b7: {  	s26 =	spop (v2sf)  }
0x1b8: {  	(v2sf) =	vpush v15, $0x9;
	s28 =	spop (v2sf);
	[tilespmem:s24+$0x0] =	vst v8  }
0x1b9: {  	(v2sf) =	vpush v15, $0x8;
	v8 =	vld [tilespmem:s28+$0x0]  }
0x1ba: {  	v14 =	vbroadcast v36, $0x6;
	_ =	sdelay $0x1  }
0x1bb: {  	v7 =	vmul.f32 v7, v14;
	_ =	sdelay $0x1  }
0x1bc: {  	v7 =	vadd.f32 v8, v7;
	_ =	sdelay $0x1  }
0x1bd: {  	[tilespmem:s28+$0x0] =	vst v7  }
0x1be: {  	v7 =	vld [tilespmem:s26+$0x0]  }
0x1bf: {  	v17 =	vbroadcast v36, $0x7;
	_ =	sdelay $0x1  }
0x1c0: {  	v4 =	vmul.f32 v4, v17;
	_ =	sdelay $0x1  }
0x1c1: {  	v4 =	vadd.f32 v7, v4  }
0x1c2: {  	s29 =	spop (v2sf)  }
0x1c3: {  	(v2sf) =	vpush v15, $0xB;
	s30 =	spop (v2sf);
	[tilespmem:s26+$0x0] =	vst v4  }
0x1c4: {  	(v2sf) =	vpush v15, $0xA;
	v4 =	vld [tilespmem:s30+$0x0]  }
0x1c5: {  	v10 =	vbroadcast v36, $0x8;
	_ =	sdelay $0x1  }
0x1c6: {  	v3 =	vmul.f32 v3, v10;
	_ =	sdelay $0x1  }
0x1c7: {  	v3 =	vadd.f32 v4, v3;
	_ =	sdelay $0x1  }
0x1c8: {  	[tilespmem:s30+$0x0] =	vst v3  }
0x1c9: {  	v3 =	vld [tilespmem:s29+$0x0]  }
0x1ca: {  	v11 =	vbroadcast v36, $0x9;
	_ =	sdelay $0x1  }
0x1cb: {  	v1 =	vmul.f32 v1, v11;
	_ =	sdelay $0x1  }
0x1cc: {  	v1 =	vadd.f32 v3, v1  }
0x1cd: {  	s15 =	spop (v2sf)  }
0x1ce: {  	(v2sf) =	vpush v15, $0xD;
	s16 =	spop (v2sf);
	[tilespmem:s29+$0x0] =	vst v1  }
0x1cf: {  	(v2sf) =	vpush v15, $0xC;
	v1 =	vld [tilespmem:s16+$0x0]  }
0x1d0: {  	v13 =	vbroadcast v36, $0xA;
	_ =	sdelay $0x1  }
0x1d1: {  	v0 =	vmul.f32 v0, v13;
	_ =	sdelay $0x1  }
0x1d2: {  	v0 =	vadd.f32 v1, v0;
	_ =	sdelay $0x1  }
0x1d3: {  	[tilespmem:s16+$0x0] =	vst v0  }
0x1d4: {  	v0 =	vld [tilespmem:s15+$0x0]  }
0x1d5: {  	v14 =	vbroadcast v36, $0xB;
	_ =	sdelay $0x1  }
0x1d6: {  	v1 =	vmul.f32 v2, v14;
	_ =	sdelay $0x1  }
0x1d7: {  	v0 =	vadd.f32 v0, v1  }
0x1d8: {  	s18 =	spop (v2sf)  }
0x1d9: {  	(v2sf) =	vpush v15, $0xF;
	s24 =	spop (v2sf);
	[tilespmem:s15+$0x0] =	vst v0  }
0x1da: {  	(v2sf) =	vpush v15, $0xE;
	v0 =	vld [tilespmem:s24+$0x0]  }
0x1db: {  	v17 =	vbroadcast v36, $0xC;
	_ =	sdelay $0x1  }
0x1dc: {  	v1 =	vmul.f32 v63, v17;
	_ =	sdelay $0x1  }
0x1dd: {  	v0 =	vadd.f32 v0, v1;
	_ =	sdelay $0x1  }
0x1de: {  	[tilespmem:s24+$0x0] =	vst v0  }
0x1df: {  	v0 =	vld [tilespmem:s18+$0x0]  }
0x1e0: {  	v4 =	vbroadcast v36, $0xD;
	_ =	sdelay $0x1  }
0x1e1: {  	v1 =	vmul.f32 v62, v4;
	_ =	sdelay $0x1  }
0x1e2: {  	v7 =	vshll.u32 v43, $0x4;
	v0 =	vadd.f32 v0, v1  }
0x1e3: {  	v8 =	vadd.s32 $0xBB80, v7;
	s25 =	spop (v2sf)  }
0x1e4: {  	(v2sf) =	vpush v8, $0x1;
	s26 =	spop (v2sf);
	[tilespmem:s18+$0x0] =	vst v0  }
0x1e5: {  	(v2sf) =	vpush v8, $0x0;
	v0 =	vld [tilespmem:s26+$0x0]  }
0x1e6: {  	v9 =	vbroadcast v36, $0xE;
	_ =	sdelay $0x1  }
0x1e7: {  	v2 =	vmul.f32 v61, v9;
	_ =	sdelay $0x1  }
0x1e8: {  	v0 =	vadd.f32 v0, v2;
	_ =	sdelay $0x1  }
0x1e9: {  	[tilespmem:s26+$0x0] =	vst v0  }
0x1ea: {  	v0 =	vld [tilespmem:s25+$0x0]  }
0x1eb: {  	v10 =	vbroadcast v36, $0xF;
	_ =	sdelay $0x1  }
0x1ec: {  	v2 =	vmul.f32 v60, v10;
	_ =	sdelay $0x1  }
0x1ed: {  	v0 =	vadd.f32 v0, v2  }
0x1ee: {  	s28 =	spop (v2sf)  }
0x1ef: {  	(v2sf) =	vpush v8, $0x3;
	s29 =	spop (v2sf);
	[tilespmem:s25+$0x0] =	vst v0  }
0x1f0: {  	(v2sf) =	vpush v8, $0x2;
	v0 =	vld [tilespmem:s29+$0x0]  }
0x1f1: {  	v11 =	vbroadcast v12, $0x0;
	_ =	sdelay $0x1  }
0x1f2: {  	v2 =	vmul.f32 v59, v11;
	_ =	sdelay $0x1  }
0x1f3: {  	v0 =	vadd.f32 v0, v2;
	_ =	sdelay $0x1  }
0x1f4: {  	[tilespmem:s29+$0x0] =	vst v0  }
0x1f5: {  	v0 =	vld [tilespmem:s28+$0x0]  }
0x1f6: {  	v13 =	vbroadcast v12, $0x1;
	_ =	sdelay $0x1  }
0x1f7: {  	v2 =	vmul.f32 v58, v13;
	_ =	sdelay $0x1  }
0x1f8: {  	v0 =	vadd.f32 v0, v2  }
0x1f9: {  	s30 =	spop (v2sf)  }
0x1fa: {  	(v2sf) =	vpush v8, $0x5;
	s15 =	spop (v2sf);
	[tilespmem:s28+$0x0] =	vst v0  }
0x1fb: {  	(v2sf) =	vpush v8, $0x4;
	v0 =	vld [tilespmem:s15+$0x0]  }
0x1fc: {  	v14 =	vbroadcast v12, $0x2;
	_ =	sdelay $0x1  }
0x1fd: {  	v2 =	vmul.f32 v57, v14;
	_ =	sdelay $0x1  }
0x1fe: {  	v0 =	vadd.f32 v0, v2;
	_ =	sdelay $0x1  }
0x1ff: {  	[tilespmem:s15+$0x0] =	vst v0  }
0x200: {  	v0 =	vld [tilespmem:s30+$0x0]  }
0x201: {  	v15 =	vbroadcast v12, $0x3;
	_ =	sdelay $0x1  }
0x202: {  	v2 =	vmul.f32 v56, v15;
	_ =	sdelay $0x1  }
0x203: {  	v0 =	vadd.f32 v0, v2  }
0x204: {  	s16 =	spop (v2sf)  }
0x205: {  	(v2sf) =	vpush v8, $0x7;
	s18 =	spop (v2sf);
	[tilespmem:s30+$0x0] =	vst v0  }
0x206: {  	(v2sf) =	vpush v8, $0x6;
	v0 =	vld [tilespmem:s18+$0x0]  }
0x207: {  	v17 =	vbroadcast v12, $0x4;
	_ =	sdelay $0x1  }
0x208: {  	v2 =	vmul.f32 v55, v17;
	_ =	sdelay $0x1  }
0x209: {  	v0 =	vadd.f32 v0, v2;
	_ =	sdelay $0x1  }
0x20a: {  	[tilespmem:s18+$0x0] =	vst v0  }
0x20b: {  	v0 =	vld [tilespmem:s16+$0x0]  }
0x20c: {  	v36 =	vbroadcast v12, $0x5;
	_ =	sdelay $0x1  }
0x20d: {  	v2 =	vmul.f32 v54, v36;
	_ =	sdelay $0x1  }
0x20e: {  	v0 =	vadd.f32 v0, v2  }
0x20f: {  	s24 =	spop (v2sf)  }
0x210: {  	(v2sf) =	vpush v8, $0x9;
	s25 =	spop (v2sf);
	[tilespmem:s16+$0x0] =	vst v0  }
0x211: {  	(v2sf) =	vpush v8, $0x8;
	v0 =	vld [tilespmem:s25+$0x0]  }
0x212: {  	v43 =	vbroadcast v12, $0x6;
	_ =	sdelay $0x1  }
0x213: {  	v2 =	vmul.f32 v53, v43;
	_ =	sdelay $0x1  }
0x214: {  	v0 =	vadd.f32 v0, v2;
	_ =	sdelay $0x1  }
0x215: {  	[tilespmem:s25+$0x0] =	vst v0  }
0x216: {  	v0 =	vld [tilespmem:s24+$0x0]  }
0x217: {  	v53 =	vbroadcast v12, $0x7;
	_ =	sdelay $0x1  }
0x218: {  	v2 =	vmul.f32 v52, v53;
	_ =	sdelay $0x1  }
0x219: {  	v0 =	vadd.f32 v0, v2  }
0x21a: {  	s26 =	spop (v2sf)  }
0x21b: {  	(v2sf) =	vpush v8, $0xB;
	s28 =	spop (v2sf);
	[tilespmem:s24+$0x0] =	vst v0  }
0x21c: {  	(v2sf) =	vpush v8, $0xA;
	v0 =	vld [tilespmem:s28+$0x0]  }
0x21d: {  	v54 =	vbroadcast v12, $0x8;
	_ =	sdelay $0x1  }
0x21e: {  	v2 =	vmul.f32 v51, v54;
	_ =	sdelay $0x1  }
0x21f: {  	v0 =	vadd.f32 v0, v2;
	_ =	sdelay $0x1  }
0x220: {  	[tilespmem:s28+$0x0] =	vst v0  }
0x221: {  	v0 =	vld [tilespmem:s26+$0x0]  }
0x222: {  	v55 =	vbroadcast v12, $0x9;
	_ =	sdelay $0x1  }
0x223: {  	v2 =	vmul.f32 v50, v55;
	_ =	sdelay $0x1  }
0x224: {  	v0 =	vadd.f32 v0, v2  }
0x225: {  	s29 =	spop (v2sf)  }
0x226: {  	(v2sf) =	vpush v8, $0xD;
	s30 =	spop (v2sf);
	[tilespmem:s26+$0x0] =	vst v0  }
0x227: {  	(v2sf) =	vpush v8, $0xC;
	v0 =	vld [tilespmem:s30+$0x0]  }
0x228: {  	v56 =	vbroadcast v12, $0xA;
	_ =	sdelay $0x1  }
0x229: {  	v2 =	vmul.f32 v49, v56;
	_ =	sdelay $0x1  }
0x22a: {  	v0 =	vadd.f32 v0, v2;
	_ =	sdelay $0x1  }
0x22b: {  	[tilespmem:s30+$0x0] =	vst v0  }
0x22c: {  	v0 =	vld [tilespmem:s29+$0x0]  }
0x22d: {  	v57 =	vbroadcast v12, $0xB;
	_ =	sdelay $0x1  }
0x22e: {  	v2 =	vmul.f32 v48, v57;
	_ =	sdelay $0x1  }
0x22f: {  	v0 =	vadd.f32 v0, v2  }
0x230: {  	s15 =	spop (v2sf)  }
0x231: {  	(v2sf) =	vpush v8, $0xF;
	s16 =	spop (v2sf);
	[tilespmem:s29+$0x0] =	vst v0  }
0x232: {  	(v2sf) =	vpush v8, $0xE;
	v0 =	vld [tilespmem:s16+$0x0]  }
0x233: {  	v58 =	vbroadcast v12, $0xC;
	_ =	sdelay $0x1  }
0x234: {  	v1 =	vmul.f32 v47, v58;
	_ =	sdelay $0x1  }
0x235: {  	v0 =	vadd.f32 v0, v1;
	_ =	sdelay $0x1  }
0x236: {  	v60 =	vld [tilespmem:$0x1FF20];
	[tilespmem:s16+$0x0] =	vst v0  }
0x237: {  	v0 =	vld [tilespmem:s15+$0x0]  }
0x238: {  	v59 =	vbroadcast v12, $0xD;
	_ =	sdelay $0x1  }
0x239: {  	v1 =	vmul.f32 v46, v59;
	_ =	sdelay $0x1  }
0x23a: {  	v2 =	vshll.u32 v60, $0x4;
	v0 =	vadd.f32 v0, v1  }
0x23b: {  	s18 =	spop (v2sf);
	v61 =	vadd.s32 $0xBB80, v2  }
0x23c: {  	s24 =	spop (v2sf);
	(v2sf) =	vpush v61, $0x1;
	[tilespmem:s15+$0x0] =	vst v0  }
0x23d: {  	(v2sf) =	vpush v61, $0x0;
	v0 =	vld [tilespmem:s24+$0x0]  }
0x23e: {  	v62 =	vbroadcast v12, $0xE;
	_ =	sdelay $0x1  }
0x23f: {  	v2 =	vmul.f32 v45, v62;
	_ =	sdelay $0x1  }
0x240: {  	v0 =	vadd.f32 v0, v2;
	_ =	sdelay $0x1  }
0x241: {  	[tilespmem:s24+$0x0] =	vst v0  }
0x242: {  	v0 =	vld [tilespmem:s18+$0x0]  }
0x243: {  	v63 =	vbroadcast v12, $0xF;
	_ =	sdelay $0x1  }
0x244: {  	v2 =	vmul.f32 v44, v63;
	_ =	sdelay $0x1  }
0x245: {  	v0 =	vadd.f32 v0, v2  }
0x246: {  	s25 =	spop (v2sf)  }
0x247: {  	(v2sf) =	vpush v61, $0x3;
	s26 =	spop (v2sf);
	[tilespmem:s18+$0x0] =	vst v0  }
0x248: {  	(v2sf) =	vpush v61, $0x2;
	v0 =	vld [tilespmem:s26+$0x0]  }
0x249: {  	v4 =	vbroadcast v6, $0x0;
	_ =	sdelay $0x1  }
0x24a: {  	v2 =	vmul.f32 v42, v4;
	_ =	sdelay $0x1  }
0x24b: {  	v0 =	vadd.f32 v0, v2;
	_ =	sdelay $0x1  }
0x24c: {  	[tilespmem:s26+$0x0] =	vst v0  }
0x24d: {  	v0 =	vld [tilespmem:s25+$0x0]  }
0x24e: {  	v7 =	vbroadcast v6, $0x1;
	_ =	sdelay $0x1  }
0x24f: {  	v2 =	vmul.f32 v41, v7;
	_ =	sdelay $0x1  }
0x250: {  	v0 =	vadd.f32 v0, v2  }
0x251: {  	s28 =	spop (v2sf)  }
0x252: {  	(v2sf) =	vpush v61, $0x5;
	s29 =	spop (v2sf);
	[tilespmem:s25+$0x0] =	vst v0  }
0x253: {  	(v2sf) =	vpush v61, $0x4;
	v0 =	vld [tilespmem:s29+$0x0]  }
0x254: {  	v8 =	vbroadcast v6, $0x2;
	_ =	sdelay $0x1  }
0x255: {  	v2 =	vmul.f32 v40, v8;
	_ =	sdelay $0x1  }
0x256: {  	v0 =	vadd.f32 v0, v2;
	_ =	sdelay $0x1  }
0x257: {  	[tilespmem:s29+$0x0] =	vst v0  }
0x258: {  	v0 =	vld [tilespmem:s28+$0x0]  }
0x259: {  	v9 =	vbroadcast v6, $0x3;
	_ =	sdelay $0x1  }
0x25a: {  	v2 =	vmul.f32 v39, v9;
	_ =	sdelay $0x1  }
0x25b: {  	v0 =	vadd.f32 v0, v2  }
0x25c: {  	s30 =	spop (v2sf)  }
0x25d: {  	(v2sf) =	vpush v61, $0x7;
	s15 =	spop (v2sf);
	[tilespmem:s28+$0x0] =	vst v0  }
0x25e: {  	(v2sf) =	vpush v61, $0x6;
	v0 =	vld [tilespmem:s15+$0x0]  }
0x25f: {  	v10 =	vbroadcast v6, $0x4;
	_ =	sdelay $0x1  }
0x260: {  	v2 =	vmul.f32 v38, v10;
	_ =	sdelay $0x1  }
0x261: {  	v0 =	vadd.f32 v0, v2;
	_ =	sdelay $0x1  }
0x262: {  	[tilespmem:s15+$0x0] =	vst v0  }
0x263: {  	v0 =	vld [tilespmem:s30+$0x0]  }
0x264: {  	v11 =	vbroadcast v6, $0x5;
	_ =	sdelay $0x1  }
0x265: {  	v2 =	vmul.f32 v37, v11;
	_ =	sdelay $0x1  }
0x266: {  	v0 =	vadd.f32 v0, v2  }
0x267: {  	s16 =	spop (v2sf)  }
0x268: {  	(v2sf) =	vpush v61, $0x9;
	s18 =	spop (v2sf);
	[tilespmem:s30+$0x0] =	vst v0  }
0x269: {  	(v2sf) =	vpush v61, $0x8;
	v0 =	vld [tilespmem:s18+$0x0]  }
0x26a: {  	v12 =	vbroadcast v6, $0x6;
	_ =	sdelay $0x1  }
0x26b: {  	v2 =	vmul.f32 v35, v12;
	_ =	sdelay $0x1  }
0x26c: {  	v0 =	vadd.f32 v0, v2;
	_ =	sdelay $0x1  }
0x26d: {  	[tilespmem:s18+$0x0] =	vst v0  }
0x26e: {  	v0 =	vld [tilespmem:s16+$0x0]  }
0x26f: {  	v13 =	vbroadcast v6, $0x7;
	_ =	sdelay $0x1  }
0x270: {  	v2 =	vmul.f32 v34, v13;
	_ =	sdelay $0x1  }
0x271: {  	v0 =	vadd.f32 v0, v2  }
0x272: {  	s24 =	spop (v2sf)  }
0x273: {  	(v2sf) =	vpush v61, $0xB;
	s25 =	spop (v2sf);
	[tilespmem:s16+$0x0] =	vst v0  }
0x274: {  	(v2sf) =	vpush v61, $0xA;
	v0 =	vld [tilespmem:s25+$0x0]  }
0x275: {  	v14 =	vbroadcast v6, $0x8;
	_ =	sdelay $0x1  }
0x276: {  	v2 =	vmul.f32 v33, v14;
	_ =	sdelay $0x1  }
0x277: {  	v0 =	vadd.f32 v0, v2;
	_ =	sdelay $0x1  }
0x278: {  	[tilespmem:s25+$0x0] =	vst v0  }
0x279: {  	v0 =	vld [tilespmem:s24+$0x0]  }
0x27a: {  	v15 =	vbroadcast v6, $0x9;
	_ =	sdelay $0x1  }
0x27b: {  	v2 =	vmul.f32 v32, v15;
	_ =	sdelay $0x1  }
0x27c: {  	v0 =	vadd.f32 v0, v2  }
0x27d: {  	s26 =	spop (v2sf)  }
0x27e: {  	(v2sf) =	vpush v61, $0xD;
	s28 =	spop (v2sf);
	[tilespmem:s24+$0x0] =	vst v0  }
0x27f: {  	(v2sf) =	vpush v61, $0xC;
	v0 =	vld [tilespmem:s28+$0x0]  }
0x280: {  	v17 =	vbroadcast v6, $0xA;
	_ =	sdelay $0x1  }
0x281: {  	v2 =	vmul.f32 v31, v17;
	_ =	sdelay $0x1  }
0x282: {  	v0 =	vadd.f32 v0, v2;
	_ =	sdelay $0x1  }
0x283: {  	[tilespmem:s28+$0x0] =	vst v0  }
0x284: {  	v0 =	vld [tilespmem:s26+$0x0]  }
0x285: {  	v32 =	vbroadcast v6, $0xB;
	_ =	sdelay $0x1  }
0x286: {  	v2 =	vmul.f32 v30, v32;
	_ =	sdelay $0x1  }
0x287: {  	v0 =	vadd.f32 v0, v2  }
0x288: {  	s29 =	spop (v2sf)  }
0x289: {  	(v2sf) =	vpush v61, $0xF;
	s30 =	spop (v2sf);
	[tilespmem:s26+$0x0] =	vst v0  }
0x28a: {  	(v2sf) =	vpush v61, $0xE;
	v0 =	vld [tilespmem:s30+$0x0]  }
0x28b: {  	v33 =	vbroadcast v6, $0xC;
	_ =	sdelay $0x1  }
0x28c: {  	v1 =	vmul.f32 v29, v33;
	_ =	sdelay $0x1  }
0x28d: {  	v0 =	vadd.f32 v0, v1;
	_ =	sdelay $0x1  }
0x28e: {  	v35 =	vld [tilespmem:$0x1FF30];
	[tilespmem:s30+$0x0] =	vst v0  }
0x28f: {  	v0 =	vld [tilespmem:s29+$0x0]  }
0x290: {  	v34 =	vbroadcast v6, $0xD;
	_ =	sdelay $0x1  }
0x291: {  	v1 =	vmul.f32 v28, v34;
	_ =	sdelay $0x1  }
0x292: {  	v2 =	vshll.u32 v35, $0x4;
	v0 =	vadd.f32 v0, v1  }
0x293: {  	s15 =	spop (v2sf);
	v36 =	vadd.s32 $0xBB80, v2  }
0x294: {  	s16 =	spop (v2sf);
	(v2sf) =	vpush v36, $0x1;
	[tilespmem:s29+$0x0] =	vst v0  }
0x295: {  	(v2sf) =	vpush v36, $0x0;
	v0 =	vld [tilespmem:s16+$0x0]  }
0x296: {  	v37 =	vbroadcast v6, $0xE;
	_ =	sdelay $0x1  }
0x297: {  	v2 =	vmul.f32 v27, v37;
	_ =	sdelay $0x1  }
0x298: {  	v0 =	vadd.f32 v0, v2;
	_ =	sdelay $0x1  }
0x299: {  	[tilespmem:s16+$0x0] =	vst v0  }
0x29a: {  	v0 =	vld [tilespmem:s15+$0x0]  }
0x29b: {  	v38 =	vbroadcast v6, $0xF;
	_ =	sdelay $0x1  }
0x29c: {  	v2 =	vmul.f32 v26, v38;
	_ =	sdelay $0x1  }
0x29d: {  	v0 =	vadd.f32 v0, v2  }
0x29e: {  	s18 =	spop (v2sf)  }
0x29f: {  	(v2sf) =	vpush v36, $0x3;
	s24 =	spop (v2sf);
	[tilespmem:s15+$0x0] =	vst v0  }
0x2a0: {  	(v2sf) =	vpush v36, $0x2;
	v0 =	vld [tilespmem:s24+$0x0]  }
0x2a1: {  	v39 =	vbroadcast v5, $0x0;
	_ =	sdelay $0x1  }
0x2a2: {  	v2 =	vmul.f32 v25, v39;
	_ =	sdelay $0x1  }
0x2a3: {  	v0 =	vadd.f32 v0, v2;
	_ =	sdelay $0x1  }
0x2a4: {  	[tilespmem:s24+$0x0] =	vst v0  }
0x2a5: {  	v0 =	vld [tilespmem:s18+$0x0]  }
0x2a6: {  	v40 =	vbroadcast v5, $0x1;
	_ =	sdelay $0x1  }
0x2a7: {  	v2 =	vmul.f32 v24, v40;
	_ =	sdelay $0x1  }
0x2a8: {  	v0 =	vadd.f32 v0, v2  }
0x2a9: {  	s25 =	spop (v2sf)  }
0x2aa: {  	(v2sf) =	vpush v36, $0x5;
	s26 =	spop (v2sf);
	[tilespmem:s18+$0x0] =	vst v0  }
0x2ab: {  	(v2sf) =	vpush v36, $0x4;
	v0 =	vld [tilespmem:s26+$0x0]  }
0x2ac: {  	v41 =	vbroadcast v5, $0x2;
	_ =	sdelay $0x1  }
0x2ad: {  	v2 =	vmul.f32 v23, v41;
	_ =	sdelay $0x1  }
0x2ae: {  	v0 =	vadd.f32 v0, v2;
	_ =	sdelay $0x1  }
0x2af: {  	[tilespmem:s26+$0x0] =	vst v0  }
0x2b0: {  	v0 =	vld [tilespmem:s25+$0x0]  }
0x2b1: {  	v42 =	vbroadcast v5, $0x3;
	_ =	sdelay $0x1  }
0x2b2: {  	v2 =	vmul.f32 v22, v42;
	_ =	sdelay $0x1  }
0x2b3: {  	v0 =	vadd.f32 v0, v2  }
0x2b4: {  	s28 =	spop (v2sf)  }
0x2b5: {  	(v2sf) =	vpush v36, $0x7;
	s29 =	spop (v2sf);
	[tilespmem:s25+$0x0] =	vst v0  }
0x2b6: {  	(v2sf) =	vpush v36, $0x6;
	v0 =	vld [tilespmem:s29+$0x0]  }
0x2b7: {  	v43 =	vbroadcast v5, $0x4;
	_ =	sdelay $0x1  }
0x2b8: {  	v2 =	vmul.f32 v21, v43;
	_ =	sdelay $0x1  }
0x2b9: {  	v0 =	vadd.f32 v0, v2;
	_ =	sdelay $0x1  }
0x2ba: {  	[tilespmem:s29+$0x0] =	vst v0  }
0x2bb: {  	v0 =	vld [tilespmem:s28+$0x0]  }
0x2bc: {  	v44 =	vbroadcast v5, $0x5;
	_ =	sdelay $0x1  }
0x2bd: {  	v2 =	vmul.f32 v16, v44;
	_ =	sdelay $0x1  }
0x2be: {  	v0 =	vadd.f32 v0, v2  }
0x2bf: {  	v46 =	vld [tilespmem:$0x1FF40];
	s30 =	spop (v2sf)  }
0x2c0: {  	(v2sf) =	vpush v36, $0x9;
	s15 =	spop (v2sf);
	[tilespmem:s28+$0x0] =	vst v0  }
0x2c1: {  	(v2sf) =	vpush v36, $0x8;
	v0 =	vld [tilespmem:s15+$0x0]  }
0x2c2: {  	v45 =	vbroadcast v5, $0x6;
	_ =	sdelay $0x1  }
0x2c3: {  	v2 =	vmul.f32 v46, v45;
	_ =	sdelay $0x1  }
0x2c4: {  	v0 =	vadd.f32 v0, v2  }
0x2c5: {  	v48 =	vld [tilespmem:$0x1FF50]  }
0x2c6: {  	[tilespmem:s15+$0x0] =	vst v0  }
0x2c7: {  	v0 =	vld [tilespmem:s30+$0x0]  }
0x2c8: {  	v47 =	vbroadcast v5, $0x7;
	_ =	sdelay $0x1  }
0x2c9: {  	v2 =	vmul.f32 v48, v47;
	_ =	sdelay $0x1  }
0x2ca: {  	v0 =	vadd.f32 v0, v2  }
0x2cb: {  	v50 =	vld [tilespmem:$0x1FF60];
	s16 =	spop (v2sf)  }
0x2cc: {  	(v2sf) =	vpush v36, $0xB;
	s18 =	spop (v2sf);
	[tilespmem:s30+$0x0] =	vst v0  }
0x2cd: {  	(v2sf) =	vpush v36, $0xA;
	v0 =	vld [tilespmem:s18+$0x0]  }
0x2ce: {  	v49 =	vbroadcast v5, $0x8;
	_ =	sdelay $0x1  }
0x2cf: {  	v2 =	vmul.f32 v50, v49;
	_ =	sdelay $0x1  }
0x2d0: {  	v0 =	vadd.f32 v0, v2  }
0x2d1: {  	v52 =	vld [tilespmem:$0x1FF70]  }
0x2d2: {  	[tilespmem:s18+$0x0] =	vst v0  }
0x2d3: {  	v0 =	vld [tilespmem:s16+$0x0]  }
0x2d4: {  	v51 =	vbroadcast v5, $0x9;
	_ =	sdelay $0x1  }
0x2d5: {  	v2 =	vmul.f32 v52, v51;
	_ =	sdelay $0x1  }
0x2d6: {  	v0 =	vadd.f32 v0, v2  }
0x2d7: {  	v54 =	vld [tilespmem:$0x1FF80];
	s24 =	spop (v2sf)  }
0x2d8: {  	(v2sf) =	vpush v36, $0xD;
	s25 =	spop (v2sf);
	[tilespmem:s16+$0x0] =	vst v0  }
0x2d9: {  	(v2sf) =	vpush v36, $0xC;
	v0 =	vld [tilespmem:s25+$0x0]  }
0x2da: {  	v53 =	vbroadcast v5, $0xA;
	_ =	sdelay $0x1  }
0x2db: {  	v2 =	vmul.f32 v54, v53;
	_ =	sdelay $0x1  }
0x2dc: {  	[tilespmem:$0x1FF90] =	vst v19;
	v0 =	vadd.f32 v0, v2  }
0x2dd: {  	v56 =	vld [tilespmem:$0x1FF90]  }
0x2de: {  	[tilespmem:s25+$0x0] =	vst v0  }
0x2df: {  	v0 =	vld [tilespmem:s24+$0x0]  }
0x2e0: {  	v55 =	vbroadcast v5, $0xB;
	_ =	sdelay $0x1  }
0x2e1: {  	v2 =	vmul.f32 v56, v55;
	_ =	sdelay $0x1  }
0x2e2: {  	v0 =	vadd.f32 v0, v2  }
0x2e3: {  	v58 =	vld [tilespmem:$0x1FFA0];
	s26 =	spop (v2sf)  }
0x2e4: {  	(v2sf) =	vpush v36, $0xF;
	s28 =	spop (v2sf);
	[tilespmem:s24+$0x0] =	vst v0  }
0x2e5: {  	(v2sf) =	vpush v36, $0xE;
	v0 =	vld [tilespmem:s28+$0x0]  }
0x2e6: {  	v57 =	vbroadcast v5, $0xC;
	_ =	sdelay $0x1  }
0x2e7: {  	v1 =	vmul.f32 v58, v57;
	_ =	sdelay $0x1  }
0x2e8: {  	v0 =	vadd.f32 v0, v1  }
0x2e9: {  	v60 =	vld [tilespmem:$0x1FFB0]  }
0x2ea: {  	[tilespmem:s28+$0x0] =	vst v0  }
0x2eb: {  	v0 =	vld [tilespmem:s26+$0x0]  }
0x2ec: {  	v59 =	vbroadcast v5, $0xD;
	_ =	sdelay $0x1  }
0x2ed: {  	v1 =	vmul.f32 v60, v59;
	_ =	sdelay $0x1  }
0x2ee: {  	v0 =	vadd.f32 v0, v1  }
0x2ef: {  	v62 =	vld [tilespmem:$0x1FFC0];
	s29 =	spop (v2sf)  }
0x2f0: {  	s30 =	spop (v2sf);
	[tilespmem:s26+$0x0] =	vst v0  }
0x2f1: {  	v0 =	vld [tilespmem:s30+$0x0]  }
0x2f2: {  	v61 =	vbroadcast v5, $0xE;
	_ =	sdelay $0x1  }
0x2f3: {  	v1 =	vmul.f32 v62, v61;
	_ =	sdelay $0x1  }
0x2f4: {  	v0 =	vadd.f32 v0, v1;
	_ =	sdelay $0x1  }
0x2f5: {  	[tilespmem:s30+$0x0] =	vst v0  }
0x2f6: {  	v0 =	vld [tilespmem:s29+$0x0]  }
0x2f7: {  	v63 =	vbroadcast v5, $0xF  }
0x2f8: {  	p1 =	seq.s32 s12, $0x700  }
.Ltmp4:
0x2f9: {  	v1 =	vmul.f32 v18, v63;
	(pc) =	sbr.rel @!p1 .LBB2_11-.Ltmp4, $3  }
0x2fa: {  	_ = 	snop  }
0x2fb: {  	v0 =	vadd.f32 v0, v1;
	_ =	sdelay $0x1  }
0x2fc: {  	s12 =	sadd.s32 $0x80, s12;
	s23 =	sadd.s32 $0x40, s23;
	[tilespmem:s29+$0x0] =	vst v0  }
0x2fd: {  	p1 =	seq.s32 s22, $0x64  }
.Ltmp5:
0x2fe: {  	_ = 	snop;
	(pc) =	sbr.rel @!p1 .LBB2_8-.Ltmp5, $2  }
0x2ff: {  	_ =	sdelay $0x2  }
0x300: {  	s23 =	smov.u32 s22  }
0x301: {  	s12 =	rddreg [dreg:$0xf]  }
0x302: {  	s22 =	simm.s32 $0x80;
	s23 =	simm.s32 $0x400;
	s13 =	simm.s32 $0xBB80  }
0x303: {  	[hbm4b:s12+s22] =	stream.strided.scatter [tilespmem:s13], [sflag:$0x3], $0xBB80, s23, s22, $0x38;
	[tilespmem:$0x1CE80] =	vst v63  }
0x304: {  	_ =	swait.ge [sflag:s10], $0xBB80  }
0x305: {  	s21 =	sadd.s32 $0x1, s21;
	s30 =	rddreg [dreg:$0x10]  }
0x306: {  	p1 =	sne.s32 s21, s30  }
.Ltmp6:
0x307: {  	_ = 	snop;
	(pc) =	sbr.rel @p1 .LBB2_1-.Ltmp6, $3  }
0x308: {  	_ =	sdelay $0x1  }
0x309: {  	[sflag:s10] =	ssyncset.done $0x0  }
0x30a: {  	v5 =	vimm.f32 $0.0e+00;
	[sflag:s10] =	ssyncadd.s32 $0xFFFF4480  }
0x30b: {  	_ =	sfence.sel $0x180000  }
0x30c: {  	[bflag:$0x0] =	sbarrier.arrive $0xFFFF  }
0x30d: {  	_ =	strace $0x90000047  }
0x30e: {  	s0 =	stileid.u32;
	[bflag:$0x2] =	sbarrier.arrive $0xFFFF  }
0x30f: {  	p0 =	sne.s32 s0, $0x0;
	s0 =	rddreg [dreg:$0x5]  }
0x310: {  	s0 =	sadd.s32 @!p0 $0x100000, s0  }
0x311: {  	[sflag:s0] =	ssyncadd.tile.s32 @!p0 $0x1;
	_ =	shalt  }
.Lfunc_end2:
_tile_overlayer_lowered:
.L_overlay_start_2:
0x312: {  	(tag) =	ssettag $0x2  }
0x313: {  	s0 =	rddreg [dreg:$0x0];
	s2 =	stileid.u32  }
0x314: {  	s1 =	rddreg [dreg:$0x1];
	p0 =	sne.s32 s2, $0x0  }
0x315: {  	s3 =	rddreg [dreg:$0x2];
	[bflag:$0x3] =	sbarrier.arrive $0xFFFF;
	s2 =	simm.s32 @!p0 $0x1C03  }
0x316: {  	[timem:s3], [sflag:s2] =	dma.local @!p0 [hbm:s0], s1  }
0x317: {  	s0 =	simm.s32 @!p0 $0x3  }
0x318: {  	_ =	swait.ge @!p0 [sflag:s0], s1  }
0x319: {  	s1 =	ssub.s32 @!p0 $0x0, s1;
	[sflag:s0] =	ssyncset.done @!p0 $0x0  }
0x31a: {  	[sflag:s0] =	ssyncadd.s32 @!p0 s1  }
0x31b: {  	[bflag:$0x3] =	sbarrier.arrive $0xFFFF  }
0x31c: {  	_ =	shalt  }

// kernel: kernel.8.cloned.1.call-start
scs
__scs_entry_jumppad:
0x0: {  	(pc) =	sbr.rel $0x88, $3  }
0x1: {  	(tag) =	ssettag $0x0;
	lr =	simm.s32 $0x1  }
0x2: {  	[smem:$0x3F98] =	sst lr;
	_ =	strace $0xD0000000  }
0x3: {  	_ = 	snop  }
0x4: {  	_ = 	snop  }
0x5: {  	_ = 	snop  }
0x6: {  	_ = 	snop  }
0x7: {  	_ = 	snop  }
__scs_overlays_trampoline_lowered:
0x8: {  	[smem:$0x3FA7] =	sst s0  }
0x9: {  	[smem:$0x3FA8] =	sst s1  }
0xa: {  	[smem:$0x3FA9] =	sst s2  }
0xb: {  	[smem:$0x3FAA] =	sst s3  }
0xc: {  	[smem:$0x3FAB] =	sst s4  }
0xd: {  	[smem:$0x3FAC] =	sst s5  }
0xe: {  	[smem:$0x3FAD] =	sst s6  }
0xf: {  	[smem:$0x3FAE] =	sst s7  }
0x10: {  	[smem:$0x3FAF] =	sst s8  }
0x11: {  	[smem:$0x3FB0] =	sst s9;
	s0 =	simm.s32 @!p0 $0x0  }
0x12: {  	s1 =	sld [smem:$0x3F96];
	s0 =	simm.s32 @p0 $0x1  }
0x13: {  	[smem:$0x3FB1] =	sst s0;
	s0 =	simm.s32 @!p1 $0x0  }
0x14: {  	s2 =	sld [smem:$0x3F95];
	s0 =	simm.s32 @p1 $0x1  }
0x15: {  	[smem:$0x3FB2] =	sst s0;
	s0 =	simm.s32 @!p2 $0x0  }
0x16: {  	s3 =	sld [smem:$0x3FDB];
	s0 =	simm.s32 @p2 $0x1  }
0x17: {  	s4 =	simm.s32 $0x1BF5;
	[smem:$0x3FB4] =	sst s0  }
0x18: {  	s0 =	sld [smem:$0x3F97];
	_ =	swait.ge [sflag:s4], $0x0  }
0x19: {  	s7 =	sld [smem:$0x3F98]  }
0x1a: {  	s8 =	sadd.s32 $0xFFFFE003, lr  }
0x1b: {  	s9 =	sadd.s32 $0xFFFFFEF7, lr;
	s5 =	simm.s32 $0xFFFFFFFF;
	p2 =	slt.u32 s8, $0xFFFFF086  }
0x1c: {  	p1 =	slt.u32 s9, $0xF7A;
	s5 =	simm.s32 @!p2 $0x0  }
0x1d: {  	s5 =	simm.s32 @p1 $0x1;
	p0 =	seq.s32 s7, s2  }
0x1e: {  	s7 =	smul.u32 @!p0 $0xF7A, s2;
	p2 =	seq.s32 @!p0 s5, $0x0  }
0x1f: {  	s9 =	smul.u32 $0xF7A, s1;
	s8 =	simm.s32 @!p0 $0x1BF5;
	p2 =	por !p2, p0  }
0x20: {  	[sflag:s8] =	ssyncset.s32 @!p0 $0xFFFFF086;
	s6 =	sadd.s32 @!p0 s3, s7;
	s7 =	simm.s32 @!p0 $0x108  }
0x21: {  	s3 =	sadd.s32 s3, s9;
	s6 =	sadd.s32 @!p0 $0x88, s6;
	s7 =	simm.s32 @p2 $0x1082  }
0x22: {  	[simem:s7], [sflag:s8] =	dma.local @!p0 [hbm:s6], $0xF7A  }
0x23: {  	s9 =	sor.u32 $0xD0000000, s2;
	s6 =	simm.s32 $0x108;
	_ =	swait.ge @!p0 [sflag:s8], $0x0  }
0x24: {  	s3 =	sadd.s32 $0x88, s3;
	s6 =	simm.s32 @!p1 $0x1082;
	[sflag:s4] =	ssyncset.s32 $0xFFFFF086  }
0x25: {  	[simem:s6], [sflag:s4] =	dma.local [hbm:s3], $0xF7A  }
0x26: {  	[smem:$0x3F98] =	sst s1;
	(tag) =	ssettag s2;
	_ =	strace s9  }
0x27: {  	s1 =	sld [smem:$0x3FA8]  }
0x28: {  	s2 =	sld [smem:$0x3FA9]  }
0x29: {  	s4 =	sld [smem:$0x3FAB]  }
0x2a: {  	p0 =	seq.s32 s5, $0x0;
	s5 =	sld [smem:$0x3FAC]  }
0x2b: {  	s6 =	sld [smem:$0x3FAD]  }
0x2c: {  	s7 =	sld [smem:$0x3FAE]  }
0x2d: {  	s3 =	simm.s32 $0x108;
	s8 =	sld [smem:$0x3FAF]  }
0x2e: {  	s3 =	simm.s32 @!p0 $0x1082;
	s9 =	sld [smem:$0x3FB0]  }
0x2f: {  	lr =	sadd.s32 s0, s3;
	s0 =	sld [smem:$0x3FA7]  }
0x30: {  	s3 =	sld [smem:$0x3FAA]  }
0x31: {  	[smem:$0x3FB3] =	sst s10  }
0x32: {  	s10 =	sld [smem:$0x3FB1];
	_ =	sdelay $0x3  }
0x33: {  	p0 =	seq.s32 s10, $0x1;
	s10 =	sld [smem:$0x3FB3];
	_ =	sdelay $0x3  }
0x34: {  	[smem:$0x3FB3] =	sst s10  }
0x35: {  	s10 =	sld [smem:$0x3FB2];
	_ =	sdelay $0x3  }
0x36: {  	p1 =	seq.s32 s10, $0x1;
	s10 =	sld [smem:$0x3FB3];
	_ =	sdelay $0x3  }
0x37: {  	[smem:$0x3FB3] =	sst s10  }
0x38: {  	s10 =	sld [smem:$0x3FB4]  }
0x39: {  	_ = 	snop;
	(pc) =	sbr.ind lr, $3  }
0x3a: {  	_ = 	snop  }
0x3b: {  	_ = 	snop  }
0x3c: {  	p2 =	seq.s32 s10, $0x1;
	s10 =	sld [smem:$0x3FB3]  }
0x3d: {  	_ =	shalt  }
0x3e: {  	_ =	shalt  }
0x3f: {  	_ =	shalt  }
0x40: {  	_ =	shalt  }
0x41: {  	_ =	shalt  }
0x42: {  	_ =	shalt  }
0x43: {  	_ =	shalt  }
0x44: {  	_ =	shalt  }
0x45: {  	_ =	shalt  }
0x46: {  	_ =	shalt  }
0x47: {  	_ =	shalt  }
0x48: {  	_ =	shalt  }
0x49: {  	_ =	shalt  }
0x4a: {  	_ =	shalt  }
0x4b: {  	_ =	shalt  }
0x4c: {  	_ =	shalt  }
0x4d: {  	_ =	shalt  }
0x4e: {  	_ =	shalt  }
0x4f: {  	_ =	shalt  }
0x50: {  	_ =	shalt  }
0x51: {  	_ =	shalt  }
0x52: {  	_ =	shalt  }
0x53: {  	_ =	shalt  }
0x54: {  	_ =	shalt  }
0x55: {  	_ =	shalt  }
0x56: {  	_ =	shalt  }
0x57: {  	_ =	shalt  }
0x58: {  	_ =	shalt  }
0x59: {  	_ =	shalt  }
0x5a: {  	_ =	shalt  }
0x5b: {  	_ =	shalt  }
0x5c: {  	_ =	shalt  }
0x5d: {  	_ =	shalt  }
0x5e: {  	_ =	shalt  }
0x5f: {  	_ =	shalt  }
0x60: {  	_ =	shalt  }
0x61: {  	_ =	shalt  }
0x62: {  	_ =	shalt  }
0x63: {  	_ =	shalt  }
0x64: {  	_ =	shalt  }
0x65: {  	_ =	shalt  }
0x66: {  	_ =	shalt  }
0x67: {  	_ =	shalt  }
0x68: {  	_ =	shalt  }
0x69: {  	_ =	shalt  }
0x6a: {  	_ =	shalt  }
0x6b: {  	_ =	shalt  }
0x6c: {  	_ =	shalt  }
0x6d: {  	_ =	shalt  }
0x6e: {  	_ =	shalt  }
0x6f: {  	_ =	shalt  }
0x70: {  	_ =	shalt  }
0x71: {  	_ =	shalt  }
0x72: {  	_ =	shalt  }
0x73: {  	_ =	shalt  }
0x74: {  	_ =	shalt  }
0x75: {  	_ =	shalt  }
0x76: {  	_ =	shalt  }
0x77: {  	_ =	shalt  }
0x78: {  	_ =	shalt  }
0x79: {  	_ =	shalt  }
0x7a: {  	_ =	shalt  }
0x7b: {  	_ =	shalt  }
0x7c: {  	_ =	shalt  }
0x7d: {  	_ =	shalt  }
0x7e: {  	_ =	shalt  }
0x7f: {  	_ =	shalt  }
0x80: {  	_ =	shalt  }
0x81: {  	_ =	shalt  }
0x82: {  	_ =	shalt  }
0x83: {  	_ =	shalt  }
0x84: {  	_ =	shalt  }
0x85: {  	_ =	shalt  }
0x86: {  	_ =	shalt  }
0x87: {  	_ =	shalt  }
.Lfunc_end0:
.L_simem_size_0:
called_computation.1_lowered:
.L_overlay_start_0:
0x88: {  	s2 =	sld [smem:$0x3FD9]  }
0x89: {  	s3 =	sld [smem:$0x3FFE];
	_ =	sdelay $0x1  }
0x8a: {  	s1 =	srdreg.scid  }
0x8b: {  	s0 =	sand.u32 $0x1, s1  }
0x8c: {  	s14 =	sshll.u32 s0, $0xA;
	s2 =	sadd.s32 s3, s2  }
0x8d: {  	s2 =	sadd.s32 s2, s14  }
0x8e: {  	[smem:$0x3FBF] =	sst s2  }
0x8f: {  	_ = 	snop  }
0x90: {  	s2 =	sld [smem:$0x3FD0];
	_ =	sdelay $0x1  }
0x91: {  	s15 =	sld [smem:$0x3FC6]  }
0x92: {  	s5 =	simm.s32 $0xA;
	s6 =	simm.s32 $0x10;
	s4 =	sld [smem:$0x3FC5]  }
0x93: {  	[smem:s6], [sflag:s5] =	dma.local [hbm:s2], $0x1  }
0x94: {  	_ =	swait.eq [sflag:s5], $0x1  }
0x95: {  	[sflag:s5] =	ssyncset.done $0x0  }
0x96: {  	[sflag:s5] =	ssyncadd.s32 $0xFFFFFFFF  }
0x97: {  	s16 =	sld [smem:$0x11];
	(tm) =	ssettm $0x1  }
0x98: {  	s17 =	sld [smem:$0x3FFB];
	_ =	sdelay $0x3  }
0x99: {  	_ =	strace s17  }
0x9a: {  	s5 =	sld [smem:$0x3FFC];
	_ =	sdelay $0x3  }
0x9b: {  	_ =	strace s5  }
0x9c: {  	s5 =	sld [smem:$0x3FFD];
	_ =	sdelay $0x3  }
0x9d: {  	_ =	strace s5  }
0x9e: {  	_ =	strace $0x8FFFFFFF  }
0x9f: {  	s18 =	sld [smem:$0x3FDB];
	_ =	sdelay $0x1  }
0xa0: {  	s19 =	simm.s32 $_scs_section_size  }
0xa1: {  	s7 =	simm.s32 $_size__tile_overlayer_lowered;
	s8 =	simm.s32 $_tile_overlayer_lowered  }
0xa2: {  	s22 =	simm.s32 $0x1BFF;
	s21 =	sshll.u32 s8, $0x1;
	s5 =	sadd.s32 s19, s18  }
0xa3: {  	s9 =	simm.s32 $0x0;
	s20 =	sshll.u32 s7, $0x1;
	s7 =	sadd.s32 s21, s5  }
0xa4: {  	[timem:s9], [sflag:s22] =	dma.local [hbm:s7], s20  }
0xa5: {  	_ =	swait.ge [sflag:s22], s20  }
0xa6: {  	s6 =	ssub.s32 $0x0, s20;
	[sflag:s22] =	ssyncset.done $0x0  }
0xa7: {  	[sflag:s22] =	ssyncadd.s32 s6;
	_ =	sdelay $0x1  }
0xa8: {  	s23 =	simm.s32 $0x1B8B  }
0xa9: {  	_ =	swait.ge [sflag:s23], $0x1  }
0xaa: {  	[sflag:s23] =	ssyncset.done $0x0  }
0xab: {  	s25 =	simm.s32 $0x1B8E;
	s24 =	sld [smem:$0x3FFE];
	[sflag:s23] =	ssyncadd.s32 $0xFFFFFFFF  }
0xac: {  	s26 =	simm.s32 $execute0_lowered;
	[smem:$0x3FD2] =	sst s25  }
0xad: {  	s7 =	sshll.u32 s26, $0x1;
	_ =	strace $0x80000049;
	[dreg:$0x1] =	wrdreg $0xFFFFFFFF  }
0xae: {  	s28 =	simm.s32 $_size_execute0_lowered;
	s5 =	sadd.s32 s5, s7;
	[dreg:$0x0] =	wrdreg $0x0  }
0xaf: {  	s7 =	sshll.u32 s28, $0x1;
	[dreg:$0x2] =	wrdreg s5  }
0xb0: {  	[dreg:$0x3] =	wrdreg s7  }
0xb1: {  	[dreg:$0x4] =	wrdreg $0xC0  }
0xb2: {  	_ =	task [dreg:s9], $0x5FFFF  }
0xb3: {  	[dreg:$0x1] =	wrdreg $0xFFFFFFFF  }
0xb4: {  	[dreg:$0x0] =	wrdreg $0x60  }
0xb5: {  	[dreg:$0x2] =	wrdreg s4  }
0xb6: {  	[dreg:$0x3] =	wrdreg s16  }
0xb7: {  	[dreg:$0x4] =	wrdreg s15  }
0xb8: {  	[dreg:$0x5] =	wrdreg s24  }
0xb9: {  	[dreg:$0x6] =	wrdreg $0x9  }
0xba: {  	_ =	task.clear_ibuf [dreg:s9], $0x7FFFF;
	_ =	strace $0x90000049  }
0xbb: {  	s29 =	simm.s32 $0x9;
	_ =	strace $0x8000004B  }
0xbc: {  	_ =	swait.ge [sflag:s29], $0x1  }
0xbd: {  	[sflag:s29] =	ssyncadd.s32 $0xFFFFFFFF  }
0xbe: {  	_ =	strace $0x9000004B  }
0xbf: {  	_ =	sfence  }
0xc0: {  	s30 =	sld [smem:$0x0];
	_ =	sdelay $0x2  }
0xc1: {  	s31 =	sshll.u32 s1, $0xD;
	s1 =	sshrl.u32 s1, $0x2  }
0xc2: {  	s3 =	sand.u32 $0x4000, s31;
	s1 =	sadd.s32 s1, s30  }
0xc3: {  	s0 =	sor.u32 s3, s0;
	s1 =	sshll.u32 s1, $0x11  }
0xc4: {  	s0 =	sor.u32 s1, s0  }
0xc5: {  	s0 =	sadd.s32 $0x8F2B, s0  }
0xc6: {  	[sflag:s0] =	ssyncadd.remote.s32 $0x1  }
0xc7: {  	_ =	sfence.sel $0xFFFF  }
0xc8: {  	[dreg:$0x0] =	wrdreg $0xFFFFFFFF;
	(pc) =	sbr.abs _section_cstart, $3  }
0xc9: {  	[dreg:$0x1] =	wrdreg $0xFFFFFFFF  }
0xca: {  	_ =	task.clear_ibuf [dreg:s9], $0x2FFFF;
	_ =	strace $0x9FFFFFFF  }
0xcb: {  	(tm) =	ssettm $0x7FFFFFFF  }
tec
execute0_lowered:
.L_overlay_start_1:
0x0: {  	(tag) =	ssettag $0x1  }
0x1: {  	s0 =	rddreg [dreg:$0x0]  }
0x2: {  	s6 =	rddreg [dreg:$0x1];
	s1 =	srdreg.scid  }
0x3: {  	s2 =	stileid.u32;
	s3 =	rddreg [dreg:$0x3]  }
0x4: {  	s5 =	simm.s32 $0x0;
	vm0 =	vcmask $0x300;
	s1 =	sand.u32 $0x1, s1;
	s2 =	sshll.u32 s2, $0x1  }
0x5: {  	vm1 =	vcmask $0x704;
	vm2 =	vcmask $0xB08;
	vm3 =	vcmask $0xF0C;
	[smem:$0x7FF] =	sst s5;
	s2 =	sor.u32 s1, s2  }
0x6: {  	vm4 =	vcmask $0x1310;
	vm5 =	vcmask $0x1714;
	vm6 =	vcmask $0x1B18;
	s29 =	sadd.s32 $0x100, s6;
	s1 =	ssub.s32 $0x2, s1;
	s4 =	smul.u32 $0x1800, s2  }
0x7: {  	vm7 =	vcmask $0x1F1C;
	vm8 =	vcmask $0x2320;
	vm9 =	vcmask $0x2724;
	_ =	strace $0x8000004A;
	[dreg:$0x6] =	wrdreg s29;
	s26 =	sshrl.u32 s1, $0x1  }
0x8: {  	vm10 =	vcmask $0x2B28;
	vm11 =	vcmask $0x2F2C;
	vm12 =	vcmask $0x3330;
	s28 =	smul.u32 $0x60, s2;
	s1 =	ssub.s32 s1, s26;
	s0 =	sadd.s32 s0, s4  }
0x9: {  	vm13 =	vcmask $0x3734;
	v3 =	vlaneseq.u32;
	vm14 =	vcmask $0x3B38;
	s3 =	sadd.s32 s4, s3;
	s31 =	smax.u32 s1, $0x1;
	[dreg:$0x5] =	wrdreg s0  }
0xa: {  	vm15 =	vmmov $0xffff;
	v1 =	vand.u32 $0x7, v3;
	v2 =	vshrl.u32 v3, $0x3;
	p0 =	seq.s32 s2, $0x1F;
	s30 =	sadd.s32 $0x3400, s3;
	[dreg:$0x8] =	wrdreg s31  }
0xb: {  	v3 =	vor.u32 $0x8, v3;
	v2 =	vmul.u32 $0x8, v2;
	s2 =	simm.s32 $0x0;
	s4 =	simm.s32 $0xFFFFFFFF;
	v0 =	vmov s28;
	[dreg:$0x7] =	wrdreg s30  }
.LBB2_1:
0xc: {  	[dreg:$0x9] =	wrdreg s2  }
0xd: {  	s1 =	simm.s32 $0x0;
	s0 =	rddreg [dreg:$0x5];
	s30 =	simm.s32 $0x2  }
0xe: {  	[tilespmem:s1], [sflag:$0x2] =	stream.linear.gather [hbm4b:s0+s1], $0xC000, $0x38;
	[tilespmem:$0x18C80] =	vst v63  }
0xf: {  	_ =	swait.ge [sflag:s30], $0xC000  }
0x10: {  	[sflag:s30] =	ssyncset.done $0x0  }
0x11: {  	[sflag:s30] =	ssyncadd.s32 $0xFFFF4000  }
0x12: {  	s3 =	simm.s32 $0x18080;
	s31 =	rddreg [dreg:$0x2]  }
0x13: {  	[tilespmem:s3], [sflag:$0x2] =	stream.linear.gather [hbm4b:s31+s1], $0xC00, $0x38;
	[tilespmem:$0x18C80] =	vst v63  }
0x14: {  	_ =	swait.ge [sflag:s30], $0xC00  }
0x15: {  	[sflag:s30] =	ssyncset.done $0x0  }
0x16: {  	s0 =	simm.s32 $0x0;
	[sflag:s30] =	ssyncadd.s32 $0xFFFFF400  }
.LBB2_2:
0x17: {  	p1 =	sne.s32 s0, $0x17C  }
.Ltmp0:
0x18: {  	_ = 	snop;
	(pc) =	sbr.rel @p1 .LBB2_2-.Ltmp0, $3  }
0x19: {  	_ =	sdelay $0x1  }
0x1a: {  	s1 =	sshra.s32 s0, $0x2  }
0x1b: {  	s0 =	sadd.s32 $0x4, s0;
	[smem:s1] =	sst s4  }
0x1c: {  	s0 =	simm.s32 $0x18080  }
0x1d: {  	v4 =	vld [tilespmem:s0+$0x0];
	_ =	sdelay $0x4  }
0x1e: {  	v4 =	vsub.s32 v4, v0  }
0x1f: {  	(v2sf) =	vpush v4, $0x0;
	_ =	sdelay $0x4  }
0x20: {  	(v2sf) =	vpush v4, $0x1;
	_ =	sdelay $0x4  }
0x21: {  	(v2sf) =	vpush v4, $0x2;
	_ =	sdelay $0x4  }
0x22: {  	(v2sf) =	vpush v4, $0x3;
	s0 =	spop (v2sf)  }
0x23: {  	p1 =	slt.u32 s0, $0x60  }
0x24: {  	s0 =	simm.s32 @!p1 $0x0  }
0x25: {  	s1 =	sld [smem:s0+$0x0];
	_ =	sdelay $0x1  }
0x26: {  	s3 =	simm.s32 $0x0;
	(v2sf) =	vpush v4, $0x4;
	s2 =	spop (v2sf)  }
0x27: {  	s1 =	smov.u32 @p1 s3;
	p1 =	slt.u32 s2, $0x60  }
0x28: {  	[smem:s0] =	sst s1;
	s2 =	simm.s32 @!p1 $0x0  }
0x29: {  	s0 =	sld [smem:s2+$0x0];
	_ =	sdelay $0x1  }
0x2a: {  	(v2sf) =	vpush v4, $0x5;
	s3 =	simm.s32 $0x1;
	s1 =	spop (v2sf)  }
0x2b: {  	s0 =	smov.u32 @p1 s3;
	p1 =	slt.u32 s1, $0x60  }
0x2c: {  	[smem:s2] =	sst s0;
	s1 =	simm.s32 @!p1 $0x0  }
0x2d: {  	s0 =	sld [smem:s1+$0x0];
	_ =	sdelay $0x1  }
0x2e: {  	(v2sf) =	vpush v4, $0x6;
	s3 =	simm.s32 $0x2;
	s2 =	spop (v2sf)  }
0x2f: {  	s0 =	smov.u32 @p1 s3;
	p1 =	slt.u32 s2, $0x60  }
0x30: {  	[smem:s1] =	sst s0;
	s2 =	simm.s32 @!p1 $0x0  }
0x31: {  	s0 =	sld [smem:s2+$0x0];
	_ =	sdelay $0x1  }
0x32: {  	(v2sf) =	vpush v4, $0x7;
	s3 =	simm.s32 $0x3;
	s1 =	spop (v2sf)  }
0x33: {  	s0 =	smov.u32 @p1 s3;
	p1 =	slt.u32 s1, $0x60  }
0x34: {  	[smem:s2] =	sst s0;
	s1 =	simm.s32 @!p1 $0x0  }
0x35: {  	s0 =	sld [smem:s1+$0x0];
	_ =	sdelay $0x1  }
0x36: {  	(v2sf) =	vpush v4, $0x8;
	s3 =	simm.s32 $0x4;
	s2 =	spop (v2sf)  }
0x37: {  	s0 =	smov.u32 @p1 s3;
	p1 =	slt.u32 s2, $0x60  }
0x38: {  	[smem:s1] =	sst s0;
	s2 =	simm.s32 @!p1 $0x0  }
0x39: {  	s0 =	sld [smem:s2+$0x0];
	_ =	sdelay $0x1  }
0x3a: {  	(v2sf) =	vpush v4, $0x9;
	s3 =	simm.s32 $0x5;
	s1 =	spop (v2sf)  }
0x3b: {  	s0 =	smov.u32 @p1 s3;
	p1 =	slt.u32 s1, $0x60  }
0x3c: {  	[smem:s2] =	sst s0;
	s1 =	simm.s32 @!p1 $0x0  }
0x3d: {  	s0 =	sld [smem:s1+$0x0];
	_ =	sdelay $0x1  }
0x3e: {  	(v2sf) =	vpush v4, $0xA;
	s3 =	simm.s32 $0x6;
	s2 =	spop (v2sf)  }
0x3f: {  	s0 =	smov.u32 @p1 s3;
	p1 =	slt.u32 s2, $0x60  }
0x40: {  	[smem:s1] =	sst s0;
	s2 =	simm.s32 @!p1 $0x0  }
0x41: {  	s0 =	sld [smem:s2+$0x0];
	_ =	sdelay $0x1  }
0x42: {  	(v2sf) =	vpush v4, $0xB;
	s3 =	simm.s32 $0x7;
	s1 =	spop (v2sf)  }
0x43: {  	s0 =	smov.u32 @p1 s3;
	p1 =	slt.u32 s1, $0x60  }
0x44: {  	[smem:s2] =	sst s0;
	s1 =	simm.s32 @!p1 $0x0  }
0x45: {  	s0 =	sld [smem:s1+$0x0];
	_ =	sdelay $0x1  }
0x46: {  	(v2sf) =	vpush v4, $0xC;
	s3 =	simm.s32 $0x8;
	s2 =	spop (v2sf)  }
0x47: {  	s0 =	smov.u32 @p1 s3;
	p1 =	slt.u32 s2, $0x60  }
0x48: {  	[smem:s1] =	sst s0;
	s2 =	simm.s32 @!p1 $0x0  }
0x49: {  	s0 =	sld [smem:s2+$0x0];
	_ =	sdelay $0x1  }
0x4a: {  	(v2sf) =	vpush v4, $0xD;
	s3 =	simm.s32 $0x9;
	s1 =	spop (v2sf)  }
0x4b: {  	s0 =	smov.u32 @p1 s3;
	p1 =	slt.u32 s1, $0x60  }
0x4c: {  	[smem:s2] =	sst s0;
	s1 =	simm.s32 @!p1 $0x0  }
0x4d: {  	s0 =	sld [smem:s1+$0x0];
	_ =	sdelay $0x1  }
0x4e: {  	(v2sf) =	vpush v4, $0xE;
	s3 =	simm.s32 $0xA;
	s2 =	spop (v2sf)  }
0x4f: {  	s0 =	smov.u32 @p1 s3;
	p1 =	slt.u32 s2, $0x60  }
0x50: {  	[smem:s1] =	sst s0;
	s2 =	simm.s32 @!p1 $0x0  }
0x51: {  	s0 =	sld [smem:s2+$0x0]  }
0x52: {  	s16 =	simm.s32 $0x18090  }
0x53: {  	(v2sf) =	vpush v4, $0xF;
	v4 =	vld [tilespmem:s16+$0x0];
	s3 =	simm.s32 $0xB;
	s1 =	spop (v2sf)  }
0x54: {  	s0 =	smov.u32 @p1 s3;
	p1 =	slt.u32 s1, $0x60  }
0x55: {  	[smem:s2] =	sst s0;
	s1 =	simm.s32 @!p1 $0x0  }
0x56: {  	s0 =	sld [smem:s1+$0x0];
	_ =	sdelay $0x1  }
0x57: {  	v4 =	vsub.s32 v4, v0;
	s3 =	simm.s32 $0xC;
	s2 =	spop (v2sf)  }
0x58: {  	(v2sf) =	vpush v4, $0x0;
	s0 =	smov.u32 @p1 s3;
	p1 =	slt.u32 s2, $0x60  }
0x59: {  	[smem:s1] =	sst s0;
	s2 =	simm.s32 @!p1 $0x0  }
0x5a: {  	(v2sf) =	vpush v4, $0x1;
	s0 =	sld [smem:s2+$0x0]  }
0x5b: {  	(v2sf) =	vpush v4, $0x2  }
0x5c: {  	(v2sf) =	vpush v4, $0x3;
	s3 =	simm.s32 $0xD;
	s1 =	spop (v2sf)  }
0x5d: {  	(v2sf) =	vpush v4, $0x4;
	s0 =	smov.u32 @p1 s3;
	p1 =	slt.u32 s1, $0x60  }
0x5e: {  	(v2sf) =	vpush v4, $0x5;
	[smem:s2] =	sst s0;
	s1 =	simm.s32 @!p1 $0x0  }
0x5f: {  	(v2sf) =	vpush v4, $0x6;
	s2 =	sld [smem:s1+$0x0];
	_ =	sdelay $0x1  }
0x60: {  	s3 =	simm.s32 $0xE;
	s0 =	spop (v2sf);
	(v2sf) =	vpush v4, $0x7  }
0x61: {  	(v2sf) =	vpush v4, $0x8;
	s2 =	smov.u32 @p1 s3;
	p1 =	slt.u32 s0, $0x60  }
0x62: {  	(v2sf) =	vpush v4, $0x9;
	[smem:s1] =	sst s2;
	s0 =	simm.s32 @!p1 $0x0  }
0x63: {  	(v2sf) =	vpush v4, $0xA;
	s2 =	sld [smem:s0+$0x0]  }
0x64: {  	(v2sf) =	vpush v4, $0xB  }
0x65: {  	s15 =	simm.s32 $0x1F;
	s3 =	simm.s32 $0xF;
	(v2sf) =	vpush v4, $0xC  }
0x66: {  	s17 =	simm.s32 $0x2F;
	s1 =	spop (v2sf);
	(v2sf) =	vpush v4, $0xD;
	s2 =	smov.u32 @p1 s3  }
.LBB2_4:
0x67: {  	p2 =	slt.u32 s1, $0x60  }
0x68: {  	s3 =	spop (v2sf);
	(v2sf) =	vpush v4, $0xE;
	[smem:s0] =	sst s2;
	s18 =	smov.u32 s17  }
0x69: {  	p1 =	sne.s32 s17, $0xBAF;
	s1 =	simm.s32 @!p2 $0x0;
	s0 =	spop (v2sf)  }
0x6a: {  	s17 =	sadd.s32 $0x10, s17;
	s2 =	sld [smem:s1+$0x0];
	s11 =	spop (v2sf);
	(v2sf) =	vpush v4, $0xF  }
0x6b: {  	s12 =	spop (v2sf)  }
0x6c: {  	s4 =	sadd.s32 $0xFFFFFFF1, s15;
	s10 =	spop (v2sf)  }
0x6d: {  	s2 =	smov.u32 @p2 s4;
	p2 =	slt.u32 s3, $0x60;
	s9 =	spop (v2sf)  }
0x6e: {  	[smem:s1] =	sst s2;
	s3 =	simm.s32 @!p2 $0x0  }
0x6f: {  	s1 =	sld [smem:s3+$0x0];
	s8 =	spop (v2sf)  }
0x70: {  	s7 =	spop (v2sf)  }
0x71: {  	s2 =	sadd.s32 $0xFFFFFFF2, s15;
	s6 =	spop (v2sf)  }
0x72: {  	s1 =	smov.u32 @p2 s2;
	p2 =	slt.u32 s0, $0x60;
	s5 =	spop (v2sf)  }
0x73: {  	[smem:s3] =	sst s1;
	s0 =	simm.s32 @!p2 $0x0  }
0x74: {  	s13 =	sld [smem:s0+$0x0];
	s4 =	spop (v2sf)  }
0x75: {  	s3 =	spop (v2sf)  }
0x76: {  	s1 =	sadd.s32 $0xFFFFFFF3, s15;
	s2 =	spop (v2sf)  }
0x77: {  	s13 =	smov.u32 @p2 s1;
	p2 =	slt.u32 s11, $0x60;
	s1 =	spop (v2sf)  }
0x78: {  	[smem:s0] =	sst s13;
	s11 =	simm.s32 @!p2 $0x0  }
0x79: {  	s13 =	sld [smem:s11+$0x0];
	s0 =	spop (v2sf)  }
0x7a: {  	_ = 	snop  }
0x7b: {  	s14 =	sadd.s32 $0xFFFFFFF4, s15  }
0x7c: {  	s13 =	smov.u32 @p2 s14;
	p2 =	slt.u32 s12, $0x60  }
0x7d: {  	[smem:s11] =	sst s13;
	s12 =	simm.s32 @!p2 $0x0  }
0x7e: {  	s11 =	sld [smem:s12+$0x0];
	_ =	sdelay $0x1  }
0x7f: {  	s13 =	sadd.s32 $0xFFFFFFF5, s15  }
0x80: {  	s11 =	smov.u32 @p2 s13;
	p2 =	slt.u32 s10, $0x60  }
0x81: {  	[smem:s12] =	sst s11;
	s10 =	simm.s32 @!p2 $0x0  }
0x82: {  	s11 =	sld [smem:s10+$0x0];
	_ =	sdelay $0x1  }
0x83: {  	s12 =	sadd.s32 $0xFFFFFFF6, s15  }
0x84: {  	s11 =	smov.u32 @p2 s12;
	p2 =	slt.u32 s9, $0x60  }
0x85: {  	[smem:s10] =	sst s11;
	s9 =	simm.s32 @!p2 $0x0  }
0x86: {  	s10 =	sld [smem:s9+$0x0];
	_ =	sdelay $0x1  }
0x87: {  	s11 =	sadd.s32 $0xFFFFFFF7, s15  }
0x88: {  	s10 =	smov.u32 @p2 s11;
	p2 =	slt.u32 s8, $0x60  }
0x89: {  	[smem:s9] =	sst s10;
	s8 =	simm.s32 @!p2 $0x0  }
0x8a: {  	s9 =	sld [smem:s8+$0x0];
	_ =	sdelay $0x1  }
0x8b: {  	s10 =	sadd.s32 $0xFFFFFFF8, s15  }
0x8c: {  	s9 =	smov.u32 @p2 s10;
	p2 =	slt.u32 s7, $0x60  }
0x8d: {  	[smem:s8] =	sst s9;
	s7 =	simm.s32 @!p2 $0x0  }
0x8e: {  	s8 =	sld [smem:s7+$0x0];
	_ =	sdelay $0x1  }
0x8f: {  	s9 =	sadd.s32 $0xFFFFFFF9, s15  }
0x90: {  	s8 =	smov.u32 @p2 s9;
	p2 =	slt.u32 s6, $0x60  }
0x91: {  	[smem:s7] =	sst s8;
	s6 =	simm.s32 @!p2 $0x0  }
0x92: {  	s7 =	sld [smem:s6+$0x0];
	_ =	sdelay $0x1  }
0x93: {  	s8 =	sadd.s32 $0xFFFFFFFA, s15  }
0x94: {  	s7 =	smov.u32 @p2 s8;
	p2 =	slt.u32 s5, $0x60  }
0x95: {  	[smem:s6] =	sst s7;
	s5 =	simm.s32 @!p2 $0x0  }
0x96: {  	s6 =	sld [smem:s5+$0x0];
	_ =	sdelay $0x1  }
0x97: {  	s7 =	sadd.s32 $0xFFFFFFFB, s15  }
0x98: {  	s6 =	smov.u32 @p2 s7;
	p2 =	slt.u32 s4, $0x60  }
0x99: {  	[smem:s5] =	sst s6;
	s4 =	simm.s32 @!p2 $0x0  }
0x9a: {  	s5 =	sld [smem:s4+$0x0]  }
0x9b: {  	s16 =	sadd.s32 $0x10, s16  }
0x9c: {  	s6 =	sadd.s32 $0xFFFFFFFC, s15;
	v4 =	vld [tilespmem:s16+$0x0]  }
0x9d: {  	s5 =	smov.u32 @p2 s6;
	p2 =	slt.u32 s3, $0x60  }
0x9e: {  	[smem:s4] =	sst s5;
	s3 =	simm.s32 @!p2 $0x0  }
0x9f: {  	s4 =	sld [smem:s3+$0x0];
	_ =	sdelay $0x1  }
0xa0: {  	s5 =	sadd.s32 $0xFFFFFFFD, s15;
	v4 =	vsub.s32 v4, v0  }
0xa1: {  	(v2sf) =	vpush v4, $0x0;
	s4 =	smov.u32 @p2 s5;
	p2 =	slt.u32 s2, $0x60  }
0xa2: {  	(v2sf) =	vpush v4, $0x1;
	[smem:s3] =	sst s4;
	s2 =	simm.s32 @!p2 $0x0  }
0xa3: {  	(v2sf) =	vpush v4, $0x2;
	s3 =	sld [smem:s2+$0x0]  }
0xa4: {  	(v2sf) =	vpush v4, $0x3  }
0xa5: {  	s4 =	sadd.s32 $0xFFFFFFFE, s15;
	(v2sf) =	vpush v4, $0x4  }
0xa6: {  	(v2sf) =	vpush v4, $0x5;
	s3 =	smov.u32 @p2 s4;
	p2 =	slt.u32 s1, $0x60  }
0xa7: {  	(v2sf) =	vpush v4, $0x6;
	[smem:s2] =	sst s3;
	s1 =	simm.s32 @!p2 $0x0  }
0xa8: {  	s2 =	sld [smem:s1+$0x0]  }
0xa9: {  	(v2sf) =	vpush v4, $0x7  }
0xaa: {  	s3 =	sadd.s32 $0xFFFFFFFF, s15;
	(v2sf) =	vpush v4, $0x8  }
0xab: {  	(v2sf) =	vpush v4, $0x9;
	s2 =	smov.u32 @p2 s3;
	p2 =	slt.u32 s0, $0x60  }
.Ltmp1:
0xac: {  	(v2sf) =	vpush v4, $0xA;
	[smem:s1] =	sst s2;
	s0 =	simm.s32 @!p2 $0x0;
	(pc) =	sbr.rel @p1 .LBB2_4-.Ltmp1, $4  }
0xad: {  	s2 =	sld [smem:s0+$0x0]  }
0xae: {  	(v2sf) =	vpush v4, $0xB  }
0xaf: {  	(v2sf) =	vpush v4, $0xC  }
0xb0: {  	s1 =	spop (v2sf);
	(v2sf) =	vpush v4, $0xD;
	s2 =	smov.u32 @p2 s15;
	s15 =	smov.u32 s18  }
0xb1: {  	p1 =	slt.u32 s1, $0x60  }
0xb2: {  	[smem:s0] =	sst s2;
	s1 =	simm.s32 @!p1 $0x0  }
0xb3: {  	s0 =	sld [smem:s1+$0x0];
	_ =	sdelay $0x1  }
0xb4: {  	s2 =	spop (v2sf);
	s3 =	sadd.s32 $0xFFFFFFF1, s15  }
0xb5: {  	s0 =	smov.u32 @p1 s3;
	p1 =	slt.u32 s2, $0x60  }
0xb6: {  	[smem:s1] =	sst s0;
	s2 =	simm.s32 @!p1 $0x0  }
0xb7: {  	s0 =	sld [smem:s2+$0x0];
	_ =	sdelay $0x1  }
0xb8: {  	s3 =	sadd.s32 $0xFFFFFFF2, s15;
	s1 =	spop (v2sf)  }
0xb9: {  	s0 =	smov.u32 @p1 s3;
	p1 =	slt.u32 s1, $0x60  }
0xba: {  	[smem:s2] =	sst s0;
	s1 =	simm.s32 @!p1 $0x0  }
0xbb: {  	s0 =	sld [smem:s1+$0x0];
	_ =	sdelay $0x1  }
0xbc: {  	s3 =	sadd.s32 $0xFFFFFFF3, s15;
	s2 =	spop (v2sf)  }
0xbd: {  	s0 =	smov.u32 @p1 s3;
	p1 =	slt.u32 s2, $0x60  }
0xbe: {  	[smem:s1] =	sst s0;
	s2 =	simm.s32 @!p1 $0x0  }
0xbf: {  	s0 =	sld [smem:s2+$0x0];
	_ =	sdelay $0x1  }
0xc0: {  	s3 =	sadd.s32 $0xFFFFFFF4, s15;
	s1 =	spop (v2sf)  }
0xc1: {  	s0 =	smov.u32 @p1 s3;
	p1 =	slt.u32 s1, $0x60  }
0xc2: {  	[smem:s2] =	sst s0;
	s1 =	simm.s32 @!p1 $0x0  }
0xc3: {  	s0 =	sld [smem:s1+$0x0];
	_ =	sdelay $0x1  }
0xc4: {  	s3 =	sadd.s32 $0xFFFFFFF5, s15;
	s2 =	spop (v2sf)  }
0xc5: {  	s0 =	smov.u32 @p1 s3;
	p1 =	slt.u32 s2, $0x60  }
0xc6: {  	[smem:s1] =	sst s0;
	s2 =	simm.s32 @!p1 $0x0  }
0xc7: {  	s0 =	sld [smem:s2+$0x0];
	_ =	sdelay $0x1  }
0xc8: {  	s3 =	sadd.s32 $0xFFFFFFF6, s15;
	s1 =	spop (v2sf)  }
0xc9: {  	s0 =	smov.u32 @p1 s3;
	p1 =	slt.u32 s1, $0x60  }
0xca: {  	[smem:s2] =	sst s0;
	s1 =	simm.s32 @!p1 $0x0  }
0xcb: {  	s0 =	sld [smem:s1+$0x0];
	_ =	sdelay $0x1  }
0xcc: {  	s3 =	sadd.s32 $0xFFFFFFF7, s15;
	s2 =	spop (v2sf)  }
0xcd: {  	s0 =	smov.u32 @p1 s3;
	p1 =	slt.u32 s2, $0x60  }
0xce: {  	[smem:s1] =	sst s0;
	s2 =	simm.s32 @!p1 $0x0  }
0xcf: {  	s0 =	sld [smem:s2+$0x0];
	_ =	sdelay $0x1  }
0xd0: {  	s3 =	sadd.s32 $0xFFFFFFF8, s15;
	s1 =	spop (v2sf)  }
0xd1: {  	s0 =	smov.u32 @p1 s3;
	p1 =	slt.u32 s1, $0x60  }
0xd2: {  	[smem:s2] =	sst s0;
	s1 =	simm.s32 @!p1 $0x0  }
0xd3: {  	s0 =	sld [smem:s1+$0x0];
	_ =	sdelay $0x1  }
0xd4: {  	s3 =	sadd.s32 $0xFFFFFFF9, s15;
	s2 =	spop (v2sf)  }
0xd5: {  	s0 =	smov.u32 @p1 s3;
	p1 =	slt.u32 s2, $0x60  }
0xd6: {  	[smem:s1] =	sst s0;
	s2 =	simm.s32 @!p1 $0x0  }
0xd7: {  	s0 =	sld [smem:s2+$0x0];
	_ =	sdelay $0x1  }
0xd8: {  	s3 =	sadd.s32 $0xFFFFFFFA, s15;
	s1 =	spop (v2sf)  }
0xd9: {  	s0 =	smov.u32 @p1 s3;
	p1 =	slt.u32 s1, $0x60  }
0xda: {  	[smem:s2] =	sst s0;
	s1 =	simm.s32 @!p1 $0x0  }
0xdb: {  	s0 =	sld [smem:s1+$0x0];
	_ =	sdelay $0x1  }
0xdc: {  	(v2sf) =	vpush v4, $0xE;
	s3 =	sadd.s32 $0xFFFFFFFB, s15;
	s2 =	spop (v2sf)  }
0xdd: {  	s0 =	smov.u32 @p1 s3;
	p1 =	slt.u32 s2, $0x60  }
0xde: {  	[smem:s1] =	sst s0;
	s2 =	simm.s32 @!p1 $0x0  }
0xdf: {  	s0 =	sld [smem:s2+$0x0]  }
0xe0: {  	v5 =	vld [tilespmem:$0x18C28]  }
0xe1: {  	(v2sf) =	vpush v4, $0xF;
	s3 =	sadd.s32 $0xFFFFFFFC, s15;
	s1 =	spop (v2sf)  }
0xe2: {  	s0 =	smov.u32 @p1 s3;
	p1 =	slt.u32 s1, $0x60  }
0xe3: {  	[smem:s2] =	sst s0;
	s1 =	simm.s32 @!p1 $0x0  }
0xe4: {  	s0 =	sld [smem:s1+$0x0]  }
0xe5: {  	v4 =	vsub.s32 v5, v0  }
0xe6: {  	s3 =	sadd.s32 $0xFFFFFFFD, s15;
	s2 =	spop (v2sf);
	(v2sf) =	vpush v4, $0x8  }
0xe7: {  	s0 =	smov.u32 @p1 s3;
	p1 =	slt.u32 s2, $0x60  }
0xe8: {  	[smem:s1] =	sst s0;
	s2 =	simm.s32 @!p1 $0x0  }
0xe9: {  	s0 =	sld [smem:s2+$0x0];
	_ =	sdelay $0x1  }
0xea: {  	(v2sf) =	vpush v4, $0x9;
	s3 =	sadd.s32 $0xFFFFFFFE, s15;
	s1 =	spop (v2sf)  }
0xeb: {  	s0 =	smov.u32 @p1 s3;
	p1 =	slt.u32 s1, $0x60  }
0xec: {  	[smem:s2] =	sst s0;
	s1 =	simm.s32 @!p1 $0x0  }
0xed: {  	s0 =	sld [smem:s1+$0x0];
	_ =	sdelay $0x1  }
0xee: {  	s3 =	sadd.s32 $0xFFFFFFFF, s15;
	s2 =	spop (v2sf);
	(v2sf) =	vpush v4, $0xA  }
0xef: {  	s0 =	smov.u32 @p1 s3;
	p1 =	slt.u32 s2, $0x60  }
0xf0: {  	[smem:s1] =	sst s0;
	s2 =	simm.s32 @!p1 $0x0  }
0xf1: {  	s0 =	sld [smem:s2+$0x0];
	_ =	sdelay $0x1  }
0xf2: {  	s1 =	spop (v2sf);
	(v2sf) =	vpush v4, $0xB  }
0xf3: {  	s0 =	smov.u32 @p1 s15;
	p1 =	slt.u32 s1, $0x60  }
0xf4: {  	[smem:s2] =	sst s0;
	s1 =	simm.s32 @!p1 $0x0  }
0xf5: {  	s0 =	sld [smem:s1+$0x0];
	_ =	sdelay $0x1  }
0xf6: {  	s2 =	spop (v2sf);
	(v2sf) =	vpush v4, $0xC  }
0xf7: {  	s0 =	simm.s32 @p1 $0xBB0;
	p1 =	slt.u32 s2, $0x60  }
0xf8: {  	[smem:s1] =	sst s0;
	s2 =	simm.s32 @!p1 $0x0  }
0xf9: {  	s0 =	sld [smem:s2+$0x0];
	_ =	sdelay $0x1  }
0xfa: {  	s1 =	spop (v2sf);
	(v2sf) =	vpush v4, $0xD  }
0xfb: {  	s0 =	simm.s32 @p1 $0xBB1;
	p1 =	slt.u32 s1, $0x60  }
0xfc: {  	[smem:s2] =	sst s0;
	s1 =	simm.s32 @!p1 $0x0  }
0xfd: {  	s0 =	sld [smem:s1+$0x0];
	_ =	sdelay $0x1  }
0xfe: {  	s2 =	spop (v2sf);
	(v2sf) =	vpush v4, $0xE  }
0xff: {  	s0 =	simm.s32 @p1 $0xBB2;
	p1 =	slt.u32 s2, $0x60  }
0x100: {  	[smem:s1] =	sst s0;
	s2 =	simm.s32 @!p1 $0x0  }
0x101: {  	s0 =	sld [smem:s2+$0x0];
	_ =	sdelay $0x1  }
0x102: {  	s1 =	spop (v2sf);
	(v2sf) =	vpush v4, $0xF  }
0x103: {  	s0 =	simm.s32 @p1 $0xBB3;
	p1 =	slt.u32 s1, $0x60  }
0x104: {  	[smem:s2] =	sst s0;
	s1 =	simm.s32 @!p1 $0x0  }
0x105: {  	s0 =	sld [smem:s1+$0x0];
	_ =	sdelay $0x1  }
0x106: {  	s2 =	spop (v2sf)  }
0x107: {  	s0 =	simm.s32 @p1 $0xBB4;
	p1 =	slt.u32 s2, $0x60  }
0x108: {  	[smem:s1] =	sst s0;
	s2 =	simm.s32 @!p1 $0x0  }
0x109: {  	s0 =	sld [smem:s2+$0x0];
	_ =	sdelay $0x1  }
0x10a: {  	s1 =	spop (v2sf)  }
0x10b: {  	s0 =	simm.s32 @p1 $0xBB5;
	p1 =	slt.u32 s1, $0x60  }
0x10c: {  	[smem:s2] =	sst s0;
	s1 =	simm.s32 @!p1 $0x0  }
0x10d: {  	s0 =	sld [smem:s1+$0x0];
	_ =	sdelay $0x1  }
0x10e: {  	s2 =	spop (v2sf)  }
0x10f: {  	s0 =	simm.s32 @p1 $0xBB6;
	p1 =	slt.u32 s2, $0x60  }
0x110: {  	[smem:s1] =	sst s0;
	s2 =	simm.s32 @!p1 $0x0  }
0x111: {  	s0 =	sld [smem:s2+$0x0];
	_ =	sdelay $0x2  }
0x112: {  	s0 =	simm.s32 @p1 $0xBB7  }
0x113: {  	[smem:s2] =	sst s0  }
0x114: {  	s4 =	sld [smem:$0x0]  }
0x115: {  	s3 =	sld [smem:$0x1]  }
0x116: {  	s2 =	sld [smem:$0x2]  }
0x117: {  	s1 =	sld [smem:$0x3]  }
0x118: {  	s0 =	sld [smem:$0x4]  }
0x119: {  	s8 =	sld [smem:$0xF]  }
0x11a: {  	s28 =	sld [smem:$0x10]  }
0x11b: {  	s31 =	sld [smem:$0x11]  }
0x11c: {  	s10 =	sld [smem:$0x1F]  }
0x11d: {  	s5 =	sld [smem:$0x20]  }
0x11e: {  	s7 =	sld [smem:$0x21]  }
0x11f: {  	s9 =	sld [smem:$0x22]  }
0x120: {  	s13 =	sld [smem:$0x23]  }
0x121: {  	s15 =	sld [smem:$0x24]  }
0x122: {  	s16 =	sld [smem:$0x25]  }
0x123: {  	s18 =	sld [smem:$0x26]  }
0x124: {  	s21 =	sld [smem:$0x27]  }
0x125: {  	s22 =	sld [smem:$0x28]  }
0x126: {  	s24 =	sld [smem:$0x29]  }
0x127: {  	s26 =	sld [smem:$0x2A]  }
0x128: {  	s6 =	sld [smem:$0x2F]  }
0x129: {  	s11 =	sld [smem:$0x30]  }
0x12a: {  	s12 =	sld [smem:$0x31]  }
0x12b: {  	s14 =	sld [smem:$0x32]  }
0x12c: {  	s17 =	sld [smem:$0x33]  }
0x12d: {  	s19 =	sld [smem:$0x34]  }
0x12e: {  	s20 =	sld [smem:$0x35];
	p1 =	sgt.s32 s4, $0x0  }
0x12f: {  	s23 =	sld [smem:$0x37];
	s4 =	simm.s32 @!p1 $0x0  }
0x130: {  	p1 =	sgt.s32 s3, $0x0;
	[dreg:$0x1e] =	wrdreg s4  }
0x131: {  	s4 =	sld [smem:$0x5];
	s3 =	simm.s32 @!p1 $0x0  }
0x132: {  	p1 =	sgt.s32 s2, $0x0;
	[dreg:$0x1c] =	wrdreg s3  }
0x133: {  	s3 =	sld [smem:$0x6];
	s2 =	simm.s32 @!p1 $0x0  }
0x134: {  	p1 =	sgt.s32 s1, $0x0;
	[dreg:$0x1b] =	wrdreg s2  }
0x135: {  	s2 =	sld [smem:$0x7];
	s1 =	simm.s32 @!p1 $0x0;
	p1 =	sgt.s32 s0, $0x0  }
0x136: {  	s29 =	smov.u32 s1;
	s1 =	sld [smem:$0x8];
	s0 =	simm.s32 @!p1 $0x0  }
0x137: {  	p1 =	sgt.s32 s4, $0x0;
	[dreg:$0x19] =	wrdreg s0  }
0x138: {  	s0 =	sld [smem:$0x9];
	s4 =	simm.s32 @!p1 $0x0  }
0x139: {  	p1 =	sgt.s32 s3, $0x0;
	[dreg:$0x17] =	wrdreg s4  }
0x13a: {  	s4 =	sld [smem:$0xA];
	s3 =	simm.s32 @!p1 $0x0  }
0x13b: {  	p1 =	sgt.s32 s2, $0x0;
	[dreg:$0x15] =	wrdreg s3  }
0x13c: {  	s3 =	sld [smem:$0xB];
	s2 =	simm.s32 @!p1 $0x0  }
0x13d: {  	p1 =	sgt.s32 s1, $0x0;
	[dreg:$0x12] =	wrdreg s2  }
0x13e: {  	s2 =	sld [smem:$0xC];
	s1 =	simm.s32 @!p1 $0x0  }
0x13f: {  	p1 =	sgt.s32 s0, $0x0;
	[dreg:$0x10] =	wrdreg s1  }
0x140: {  	s1 =	sld [smem:$0xD];
	s0 =	simm.s32 @!p1 $0x0  }
0x141: {  	p1 =	sgt.s32 s4, $0x0;
	[dreg:$0xf] =	wrdreg s0  }
0x142: {  	s0 =	sld [smem:$0xE];
	s4 =	simm.s32 @!p1 $0x0  }
0x143: {  	p1 =	sgt.s32 s3, $0x0;
	[dreg:$0xe] =	wrdreg s4  }
0x144: {  	s3 =	simm.s32 @!p1 $0x0;
	s4 =	sld [smem:$0x15]  }
0x145: {  	p1 =	sgt.s32 s2, $0x0;
	[dreg:$0xd] =	wrdreg s3  }
0x146: {  	s2 =	simm.s32 @!p1 $0x0;
	p1 =	sgt.s32 s1, $0x0;
	s3 =	sld [smem:$0x16]  }
0x147: {  	[dreg:$0xc] =	wrdreg s2;
	s1 =	simm.s32 @!p1 $0x0;
	p1 =	sgt.s32 s0, $0x0  }
0x148: {  	s2 =	sld [smem:$0x12];
	s0 =	simm.s32 @!p1 $0x0;
	p1 =	sgt.s32 s8, $0x0  }
0x149: {  	[dreg:$0xb] =	wrdreg s1;
	s8 =	simm.s32 @!p1 $0x0;
	p1 =	sgt.s32 s28, $0x0  }
0x14a: {  	s1 =	sld [smem:$0x13];
	s28 =	simm.s32 @!p1 $0x0;
	p1 =	sgt.s32 s31, $0x0  }
0x14b: {  	[dreg:$0xa] =	wrdreg s0;
	s31 =	simm.s32 @!p1 $0x0;
	p1 =	sgt.s32 s2, $0x0  }
0x14c: {  	s0 =	sld [smem:$0x14];
	s2 =	simm.s32 @!p1 $0x0  }
0x14d: {  	p1 =	sgt.s32 s1, $0x0;
	[smem:$0x7EF] =	sst s2  }
0x14e: {  	s2 =	sld [smem:$0x17];
	s1 =	simm.s32 @!p1 $0x0  }
0x14f: {  	p1 =	sgt.s32 s0, $0x0;
	[smem:$0x7F0] =	sst s1  }
0x150: {  	s1 =	sld [smem:$0x18];
	s0 =	simm.s32 @!p1 $0x0  }
0x151: {  	p1 =	sgt.s32 s4, $0x0;
	[smem:$0x7F1] =	sst s0  }
0x152: {  	s0 =	sld [smem:$0x19];
	s4 =	simm.s32 @!p1 $0x0  }
0x153: {  	p1 =	sgt.s32 s3, $0x0;
	[smem:$0x7F2] =	sst s4  }
0x154: {  	s4 =	sld [smem:$0x1A];
	s3 =	simm.s32 @!p1 $0x0  }
0x155: {  	p1 =	sgt.s32 s2, $0x0;
	[smem:$0x7F3] =	sst s3  }
0x156: {  	s3 =	sld [smem:$0x1B];
	s2 =	simm.s32 @!p1 $0x0  }
0x157: {  	p1 =	sgt.s32 s1, $0x0;
	[smem:$0x7F4] =	sst s2  }
0x158: {  	s2 =	sld [smem:$0x1C];
	s1 =	simm.s32 @!p1 $0x0  }
0x159: {  	p1 =	sgt.s32 s0, $0x0;
	[smem:$0x7F5] =	sst s1  }
0x15a: {  	s1 =	sld [smem:$0x1D];
	s0 =	simm.s32 @!p1 $0x0  }
0x15b: {  	p1 =	sgt.s32 s4, $0x0;
	[dreg:$0x1d] =	wrdreg s0  }
0x15c: {  	s0 =	sld [smem:$0x1E];
	s4 =	simm.s32 @!p1 $0x0;
	p1 =	sgt.s32 s3, $0x0  }
0x15d: {  	s25 =	sld [smem:$0x38];
	s3 =	simm.s32 @!p1 $0x0;
	p1 =	sgt.s32 s2, $0x0  }
0x15e: {  	s30 =	sld [smem:$0x39];
	s2 =	simm.s32 @!p1 $0x0;
	p1 =	sgt.s32 s1, $0x0  }
0x15f: {  	v4 =	vmov s8;
	s8 =	sld [smem:$0x3E];
	s1 =	simm.s32 @!p1 $0x0;
	p1 =	sgt.s32 s0, $0x0  }
0x160: {  	[dreg:$0x1a] =	wrdreg s4;
	s0 =	simm.s32 @!p1 $0x0;
	p1 =	sgt.s32 s10, $0x0  }
0x161: {  	s4 =	sld [smem:$0x3A];
	s10 =	simm.s32 @!p1 $0x0;
	p1 =	sgt.s32 s5, $0x0  }
0x162: {  	[dreg:$0x18] =	wrdreg s3;
	s5 =	simm.s32 @!p1 $0x0;
	p1 =	sgt.s32 s7, $0x0  }
0x163: {  	s3 =	sld [smem:$0x2B];
	s7 =	simm.s32 @!p1 $0x0;
	p1 =	sgt.s32 s9, $0x0  }
0x164: {  	[dreg:$0x16] =	wrdreg s2;
	s9 =	simm.s32 @!p1 $0x0;
	p1 =	sgt.s32 s13, $0x0  }
0x165: {  	s2 =	sld [smem:$0x2C];
	s13 =	simm.s32 @!p1 $0x0;
	p1 =	sgt.s32 s15, $0x0  }
0x166: {  	[dreg:$0x13] =	wrdreg s1;
	s15 =	simm.s32 @!p1 $0x0;
	p1 =	sgt.s32 s16, $0x0  }
0x167: {  	s1 =	sld [smem:$0x2D];
	s16 =	simm.s32 @!p1 $0x0;
	p1 =	sgt.s32 s18, $0x0  }
0x168: {  	[dreg:$0x11] =	wrdreg s0;
	v5 =	vmov s10;
	s18 =	simm.s32 @!p1 $0x0;
	p1 =	sgt.s32 s21, $0x0  }
0x169: {  	s0 =	sld [smem:$0x2E];
	v5 =	vsel vm0, s28, v5;
	s21 =	simm.s32 @!p1 $0x0;
	p1 =	sgt.s32 s22, $0x0  }
0x16a: {  	v5 =	vsel vm1, s31, v5;
	s31 =	sld [smem:$0x7EF];
	s22 =	simm.s32 @!p1 $0x0;
	p1 =	sgt.s32 s24, $0x0  }
0x16b: {  	s10 =	sld [smem:$0x43];
	s24 =	simm.s32 @!p1 $0x0;
	p1 =	sgt.s32 s26, $0x0  }
0x16c: {  	s28 =	sld [smem:$0x45];
	s26 =	simm.s32 @!p1 $0x0;
	p1 =	sgt.s32 s3, $0x0  }
0x16d: {  	v5 =	vsel vm2, s31, v5;
	s31 =	sld [smem:$0x7F1];
	s3 =	simm.s32 @!p1 $0x0  }
0x16e: {  	p1 =	sgt.s32 s2, $0x0;
	[smem:$0x7F6] =	sst s3  }
0x16f: {  	s2 =	simm.s32 @!p1 $0x0;
	s3 =	sld [smem:$0x3D]  }
0x170: {  	p1 =	sgt.s32 s1, $0x0;
	[smem:$0x7F7] =	sst s2  }
0x171: {  	s1 =	simm.s32 @!p1 $0x0;
	s2 =	sld [smem:$0x3C]  }
0x172: {  	p1 =	sgt.s32 s0, $0x0;
	[smem:$0x7F8] =	sst s1  }
0x173: {  	s0 =	simm.s32 @!p1 $0x0;
	s1 =	sld [smem:$0x3B]  }
0x174: {  	p1 =	sgt.s32 s6, $0x0;
	[smem:$0x7F9] =	sst s0  }
0x175: {  	s6 =	simm.s32 @!p1 $0x0;
	s0 =	sld [smem:$0x36]  }
0x176: {  	v6 =	vmov s6;
	s6 =	sld [smem:$0x7F0]  }
0x177: {  	v6 =	vsel vm0, s5, v6;
	s5 =	sld [smem:$0x48]  }
0x178: {  	p1 =	sgt.s32 s11, $0x0;
	v6 =	vsel vm1, s7, v6;
	s7 =	rddreg [dreg:$0xf]  }
0x179: {  	s11 =	simm.s32 @!p1 $0x0;
	p1 =	sgt.s32 s12, $0x0;
	v5 =	vsel vm3, s6, v5;
	s6 =	sld [smem:$0x47]  }
0x17a: {  	s12 =	simm.s32 @!p1 $0x0;
	p1 =	sgt.s32 s14, $0x0;
	v6 =	vsel vm2, s9, v6;
	s9 =	sld [smem:$0x7F2]  }
0x17b: {  	s14 =	simm.s32 @!p1 $0x0;
	p1 =	sgt.s32 s17, $0x0;
	v6 =	vsel vm3, s13, v6;
	s13 =	rddreg [dreg:$0xd]  }
0x17c: {  	s17 =	simm.s32 @!p1 $0x0;
	p1 =	sgt.s32 s19, $0x0;
	v5 =	vsel vm4, s31, v5;
	s31 =	sld [smem:$0x7F3]  }
0x17d: {  	s19 =	simm.s32 @!p1 $0x0;
	p1 =	sgt.s32 s20, $0x0;
	v6 =	vsel vm4, s15, v6;
	s15 =	rddreg [dreg:$0xb]  }
0x17e: {  	s20 =	simm.s32 @!p1 $0x0;
	p1 =	sgt.s32 s0, $0x0;
	v5 =	vsel vm5, s9, v5;
	s9 =	sld [smem:$0x4B]  }
0x17f: {  	s0 =	simm.s32 @!p1 $0x0;
	v6 =	vsel vm5, s16, v6;
	s16 =	sld [smem:$0x7F5]  }
0x180: {  	[smem:$0x7FA] =	sst s0  }
0x181: {  	p1 =	sgt.s32 s23, $0x0;
	s0 =	rddreg [dreg:$0x1e]  }
0x182: {  	s23 =	simm.s32 @!p1 $0x0;
	p1 =	sgt.s32 s25, $0x0;
	v5 =	vsel vm6, s31, v5;
	s31 =	sld [smem:$0x4A]  }
0x183: {  	v6 =	vsel vm6, s18, v6;
	s18 =	rddreg [dreg:$0xa];
	s25 =	simm.s32 @!p1 $0x0  }
0x184: {  	p1 =	sgt.s32 s30, $0x0;
	v4 =	vsel vm0, s0, v4;
	s0 =	smov.u32 s1;
	v6 =	vsel vm7, s21, v6;
	s21 =	rddreg [dreg:$0x18]  }
0x185: {  	s30 =	simm.s32 @!p1 $0x0;
	p1 =	sgt.s32 s4, $0x0;
	v6 =	vsel vm8, s22, v6;
	s22 =	rddreg [dreg:$0x16]  }
0x186: {  	s4 =	simm.s32 @!p1 $0x0;
	p1 =	sgt.s32 s1, $0x0;
	s1 =	rddreg [dreg:$0x1c]  }
0x187: {  	v6 =	vsel vm9, s24, v6;
	s24 =	rddreg [dreg:$0x13]  }
0x188: {  	[smem:$0x7FB] =	sst s4  }
0x189: {  	s4 =	sld [smem:$0x3F]  }
0x18a: {  	v4 =	vsel vm1, s1, v4;
	s1 =	sld [smem:$0x40]  }
0x18b: {  	s0 =	simm.s32 @!p1 $0x0;
	v6 =	vsel vm10, s26, v6;
	s26 =	sld [smem:$0x7F6]  }
0x18c: {  	[smem:$0x7FC] =	sst s0  }
0x18d: {  	p1 =	sgt.s32 s2, $0x0;
	s0 =	smov.u32 s2;
	s2 =	rddreg [dreg:$0x1b]  }
0x18e: {  	v4 =	vsel vm2, s2, v4;
	s0 =	simm.s32 @!p1 $0x0;
	s2 =	sld [smem:$0x41]  }
0x18f: {  	[smem:$0x7FD] =	sst s0  }
0x190: {  	p1 =	sgt.s32 s3, $0x0;
	s0 =	rddreg [dreg:$0x19]  }
0x191: {  	v4 =	vsel vm3, s29, v4;
	s3 =	simm.s32 @!p1 $0x0;
	s29 =	rddreg [dreg:$0x17]  }
0x192: {  	[dreg:$0x1f] =	wrdreg s3  }
0x193: {  	p1 =	sgt.s32 s8, $0x0;
	s3 =	sld [smem:$0x42]  }
0x194: {  	v4 =	vsel vm4, s0, v4;
	s8 =	simm.s32 @!p1 $0x0;
	s0 =	rddreg [dreg:$0x15]  }
0x195: {  	[dreg:$0x14] =	wrdreg s8  }
0x196: {  	s8 =	sld [smem:$0x44]  }
0x197: {  	v4 =	vsel vm5, s29, v4;
	s29 =	rddreg [dreg:$0x12]  }
0x198: {  	v6 =	vsel vm11, s26, v6;
	p1 =	sgt.s32 s4, $0x0;
	s26 =	rddreg [dreg:$0x1f]  }
0x199: {  	s4 =	simm.s32 @!p1 $0x0;
	v4 =	vsel vm6, s0, v4;
	s0 =	rddreg [dreg:$0x10]  }
0x19a: {  	v7 =	vmov s4;
	s4 =	rddreg [dreg:$0x11]  }
0x19b: {  	v4 =	vsel vm7, s29, v4;
	s29 =	sld [smem:$0x46]  }
0x19c: {  	v7 =	vsel vm0, s11, v7;
	s11 =	sld [smem:$0x4E]  }
0x19d: {  	v4 =	vsel vm8, s0, v4;
	s0 =	rddreg [dreg:$0xe]  }
0x19e: {  	v7 =	vsel vm1, s12, v7;
	s12 =	sld [smem:$0x5F]  }
0x19f: {  	p1 =	sgt.s32 s1, $0x0;
	v4 =	vsel vm9, s7, v4;
	s7 =	sld [smem:$0x49]  }
0x1a0: {  	s1 =	simm.s32 @!p1 $0x0;
	p1 =	sgt.s32 s2, $0x0;
	v7 =	vsel vm2, s14, v7;
	s14 =	sld [smem:$0x50]  }
0x1a1: {  	s2 =	simm.s32 @!p1 $0x0;
	p1 =	sgt.s32 s3, $0x0;
	v4 =	vsel vm10, s0, v4;
	s0 =	rddreg [dreg:$0xc]  }
0x1a2: {  	s3 =	simm.s32 @!p1 $0x0;
	p1 =	sgt.s32 s10, $0x0;
	v4 =	vsel vm11, s13, v4;
	s13 =	sld [smem:$0x7F4]  }
0x1a3: {  	s10 =	simm.s32 @!p1 $0x0;
	p1 =	sgt.s32 s8, $0x0;
	v4 =	vsel vm12, s0, v4;
	s0 =	rddreg [dreg:$0x1d]  }
0x1a4: {  	s8 =	simm.s32 @!p1 $0x0;
	p1 =	sgt.s32 s28, $0x0;
	v4 =	vsel vm13, s15, v4;
	s15 =	rddreg [dreg:$0x1a]  }
0x1a5: {  	s28 =	simm.s32 @!p1 $0x0;
	p1 =	sgt.s32 s29, $0x0;
	v5 =	vsel vm7, s13, v5;
	s13 =	sld [smem:$0x4C]  }
0x1a6: {  	s29 =	simm.s32 @!p1 $0x0;
	p1 =	sgt.s32 s6, $0x0;
	v4 =	vsel vm14, s18, v4;
	s18 =	sld [smem:$0x7F8]  }
0x1a7: {  	s6 =	simm.s32 @!p1 $0x0;
	p1 =	sgt.s32 s5, $0x0;
	v5 =	vsel vm8, s16, v5;
	s16 =	sld [smem:$0x4D]  }
0x1a8: {  	s5 =	simm.s32 @!p1 $0x0;
	p1 =	sgt.s32 s7, $0x0;
	v5 =	vsel vm9, s0, v5;
	s0 =	sld [smem:$0x4F]  }
0x1a9: {  	s7 =	simm.s32 @!p1 $0x0;
	p1 =	sgt.s32 s31, $0x0;
	v5 =	vsel vm10, s15, v5;
	s15 =	sld [smem:$0x7F7]  }
0x1aa: {  	s31 =	simm.s32 @!p1 $0x0;
	p1 =	sgt.s32 s9, $0x0;
	v5 =	vsel vm11, s21, v5;
	s21 =	sld [smem:$0x7F9]  }
0x1ab: {  	s9 =	simm.s32 @!p1 $0x0;
	p1 =	sgt.s32 s13, $0x0;
	v5 =	vsel vm12, s22, v5;
	s22 =	sld [smem:$0x7FA]  }
0x1ac: {  	s13 =	simm.s32 @!p1 $0x0;
	p1 =	sgt.s32 s0, $0x0;
	v6 =	vsel vm12, s15, v6;
	s15 =	sld [smem:$0x51]  }
0x1ad: {  	v5 =	vsel vm13, s24, v5;
	s0 =	simm.s32 @!p1 $0x0;
	s24 =	sld [smem:$0x7FC]  }
0x1ae: {  	v7 =	vsel vm3, s17, v7;
	v8 =	vmov s0;
	s0 =	sld [smem:$0x52]  }
0x1af: {  	v7 =	vsel vm4, s19, v7;
	p2 =	sgt.s32 s12, $0x0;
	v5 =	vsel vm14, s4, v5;
	s4 =	sld [smem:$0x56]  }
0x1b0: {  	v7 =	vsel vm5, s20, v7;
	s12 =	simm.s32 @!p2 $0x0;
	p2 =	sgt.s32 s14, $0x0;
	v8 =	vsel vm0, s1, v8;
	s1 =	sld [smem:$0x53]  }
0x1b1: {  	s14 =	simm.s32 @!p2 $0x0;
	v9 =	vmov s12;
	p1 =	sgt.s32 s16, $0x0;
	v7 =	vsel vm6, s22, v7;
	v8 =	vsel vm1, s2, v8;
	s2 =	sld [smem:$0x54]  }
0x1b2: {  	v9 =	vsel vm0, s14, v9;
	s16 =	simm.s32 @!p1 $0x0;
	p2 =	sgt.s32 s15, $0x0;
	v7 =	vsel vm7, s23, v7;
	s23 =	sld [smem:$0x7FB]  }
0x1b3: {  	v10 =	vshll.u32 v4, $0x2;
	v11 =	vand.u32 $0x7, v4;
	v8 =	vsel vm2, s3, v8;
	s15 =	simm.s32 @!p2 $0x0;
	p2 =	sgt.s32 s0, $0x0;
	s3 =	sld [smem:$0x55]  }
0x1b4: {  	v10 =	vand.u32 $0xFFFFFFE0, v10;
	v7 =	vsel vm8, s25, v7;
	s25 =	sld [smem:$0x7FD];
	s0 =	simm.s32 @!p2 $0x0;
	p2 =	sgt.s32 s1, $0x0;
	v9 =	vsel vm1, s15, v9  }
0x1b5: {  	v10 =	vor.u32 v11, v10;
	v8 =	vsel vm3, s10, v8;
	s1 =	simm.s32 @!p2 $0x0;
	p2 =	sgt.s32 s2, $0x0;
	v9 =	vsel vm2, s0, v9;
	s0 =	sld [smem:$0x57]  }
0x1b6: {  	v11 =	vperm.xlane v10, v1;
	v8 =	vsel vm4, s8, v8;
	s2 =	simm.s32 @!p2 $0x0;
	p2 =	sgt.s32 s3, $0x0;
	v9 =	vsel vm3, s1, v9;
	s1 =	sld [smem:$0x58]  }
0x1b7: {  	v6 =	vsel vm13, s18, v6;
	v8 =	vsel vm5, s28, v8;
	s3 =	simm.s32 @!p2 $0x0;
	p2 =	sgt.s32 s4, $0x0;
	v9 =	vsel vm4, s2, v9;
	s2 =	sld [smem:$0x59]  }
0x1b8: {  	v6 =	vsel vm14, s21, v6;
	v8 =	vsel vm6, s29, v8;
	s4 =	simm.s32 @!p2 $0x0;
	p2 =	sgt.s32 s0, $0x0;
	v9 =	vsel vm5, s3, v9;
	s3 =	sld [smem:$0x5A]  }
0x1b9: {  	[tilespmem:$0x18010] =	vst v5;
	v5 =	vadd.s32 v2, v11;
	v8 =	vsel vm7, s6, v8;
	s0 =	simm.s32 @!p2 $0x0;
	p2 =	sgt.s32 s1, $0x0;
	v9 =	vsel vm6, s4, v9;
	s4 =	sld [smem:$0x5B]  }
0x1ba: {  	v7 =	vsel vm9, s30, v7;
	v8 =	vsel vm8, s5, v8;
	s1 =	simm.s32 @!p2 $0x0;
	p2 =	sgt.s32 s2, $0x0;
	v9 =	vsel vm7, s0, v9;
	s0 =	sld [smem:$0x5C]  }
0x1bb: {  	v7 =	vsel vm10, s23, v7;
	v8 =	vsel vm9, s7, v8;
	s2 =	simm.s32 @!p2 $0x0;
	p2 =	sgt.s32 s3, $0x0;
	v9 =	vsel vm8, s1, v9;
	s1 =	sld [smem:$0x5D]  }
0x1bc: {  	v7 =	vsel vm11, s24, v7;
	v8 =	vsel vm10, s31, v8;
	s3 =	simm.s32 @!p2 $0x0;
	p2 =	sgt.s32 s4, $0x0;
	v9 =	vsel vm9, s2, v9;
	s2 =	sld [smem:$0x5E]  }
0x1bd: {  	s28 =	rddreg [dreg:$0x14];
	v7 =	vsel vm12, s25, v7;
	v8 =	vsel vm11, s9, v8;
	v9 =	vsel vm10, s3, v9;
	s4 =	simm.s32 @!p2 $0x0;
	p1 =	sgt.s32 s0, $0x0  }
0x1be: {  	[tilespmem:$0x18000] =	vst v4;
	v7 =	vsel vm13, s26, v7;
	v4 =	vsel vm12, s13, v8;
	p2 =	sgt.s32 s11, $0x0;
	v8 =	vsel vm11, s4, v9;
	s0 =	simm.s32 @!p1 $0x0;
	p1 =	sgt.s32 s1, $0x0  }
0x1bf: {  	[tilespmem:$0x18020] =	vst v6;
	v6 =	vsel vm14, s28, v7;
	s11 =	simm.s32 @!p2 $0x0;
	v4 =	vsel vm13, s16, v4;
	s1 =	simm.s32 @!p1 $0x0;
	p1 =	sgt.s32 s2, $0x0;
	v7 =	vsel vm12, s0, v8  }
0x1c0: {  	[tilespmem:$0x18030] =	vst v6;
	v4 =	vsel vm14, s11, v4;
	s2 =	simm.s32 @!p1 $0x0;
	v6 =	vsel vm13, s1, v7;
	v7 =	vperm.xlane v10, v3  }
0x1c1: {  	[tilespmem:$0x18040] =	vst v4;
	v4 =	vsel vm14, s2, v6  }
0x1c2: {  	s15 =	simm.s32 $0x0;
	s30 =	simm.s32 $0xC000;
	s29 =	rddreg [dreg:$0x1];
	[tilespmem:$0x18050] =	vst v4;
	v4 =	vadd.s32 v2, v7  }
0x1c3: {  	[tilespmem:s30], [sflag:$0x1] =	stream.indirect_vreg.gather [hbm4b:s29+s15], $0x80, v5, vm15, $0xb8;
	[tilespmem:$0x18C80] =	vst v63  }
0x1c4: {  	s31 =	rddreg [dreg:$0x6];
	s3 =	simm.s32 $0xC800  }
0x1c5: {  	[tilespmem:s3], [sflag:$0x1] =	stream.indirect_vreg.gather [hbm4b:s31+s15], $0x80, v5, vm15, $0xb8;
	[tilespmem:$0x18C80] =	vst v63  }
0x1c6: {  	s4 =	simm.s32 $0xD000  }
0x1c7: {  	[tilespmem:s4], [sflag:$0x1] =	stream.indirect_vreg.gather [hbm4b:s29+s15], $0x80, v4, vm15, $0xb8;
	[tilespmem:$0x18C80] =	vst v63  }
0x1c8: {  	s5 =	simm.s32 $0xD800  }
0x1c9: {  	[tilespmem:s5], [sflag:$0x1] =	stream.indirect_vreg.gather [hbm4b:s31+s15], $0x80, v4, vm15, $0xb8;
	[tilespmem:$0x18C80] =	vst v63  }
0x1ca: {  	v4 =	vld [tilespmem:$0x18010];
	_ =	sdelay $0x4  }
0x1cb: {  	v5 =	vshll.u32 v4, $0x2  }
0x1cc: {  	v4 =	vand.u32 $0x7, v4;
	v5 =	vand.u32 $0xFFFFFFE0, v5  }
0x1cd: {  	v4 =	vor.u32 v4, v5  }
0x1ce: {  	v5 =	vperm.xlane v4, v1;
	_ =	sdelay $0x1  }
0x1cf: {  	v5 =	vadd.s32 v2, v5;
	_ =	sdelay $0x1  }
0x1d0: {  	v4 =	vperm.xlane v4, v3;
	_ =	sdelay $0x1  }
0x1d1: {  	s6 =	simm.s32 $0xE000;
	v4 =	vadd.s32 v2, v4  }
0x1d2: {  	[tilespmem:s6], [sflag:$0x1] =	stream.indirect_vreg.gather [hbm4b:s29+s15], $0x80, v5, vm15, $0xb8;
	[tilespmem:$0x18C80] =	vst v63  }
0x1d3: {  	s7 =	simm.s32 $0xE800  }
0x1d4: {  	[tilespmem:s7], [sflag:$0x1] =	stream.indirect_vreg.gather [hbm4b:s31+s15], $0x80, v5, vm15, $0xb8;
	[tilespmem:$0x18C80] =	vst v63  }
0x1d5: {  	s8 =	simm.s32 $0xF000  }
0x1d6: {  	[tilespmem:s8], [sflag:$0x1] =	stream.indirect_vreg.gather [hbm4b:s29+s15], $0x80, v4, vm15, $0xb8;
	[tilespmem:$0x18C80] =	vst v63  }
0x1d7: {  	s9 =	simm.s32 $0xF800  }
0x1d8: {  	[tilespmem:s9], [sflag:$0x1] =	stream.indirect_vreg.gather [hbm4b:s31+s15], $0x80, v4, vm15, $0xb8;
	[tilespmem:$0x18C80] =	vst v63  }
0x1d9: {  	v4 =	vld [tilespmem:$0x18020];
	_ =	sdelay $0x4  }
0x1da: {  	v5 =	vshll.u32 v4, $0x2  }
0x1db: {  	v4 =	vand.u32 $0x7, v4;
	v5 =	vand.u32 $0xFFFFFFE0, v5  }
0x1dc: {  	v4 =	vor.u32 v4, v5  }
0x1dd: {  	v5 =	vperm.xlane v4, v1;
	_ =	sdelay $0x1  }
0x1de: {  	v5 =	vadd.s32 v2, v5;
	_ =	sdelay $0x1  }
0x1df: {  	v4 =	vperm.xlane v4, v3;
	_ =	sdelay $0x1  }
0x1e0: {  	s10 =	simm.s32 $0x10000;
	v4 =	vadd.s32 v2, v4  }
0x1e1: {  	[tilespmem:s10], [sflag:$0x1] =	stream.indirect_vreg.gather [hbm4b:s29+s15], $0x80, v5, vm15, $0xb8;
	[tilespmem:$0x18C80] =	vst v63  }
0x1e2: {  	s11 =	simm.s32 $0x10800  }
0x1e3: {  	[tilespmem:s11], [sflag:$0x1] =	stream.indirect_vreg.gather [hbm4b:s31+s15], $0x80, v5, vm15, $0xb8;
	[tilespmem:$0x18C80] =	vst v63  }
0x1e4: {  	s12 =	simm.s32 $0x11000  }
0x1e5: {  	[tilespmem:s12], [sflag:$0x1] =	stream.indirect_vreg.gather [hbm4b:s29+s15], $0x80, v4, vm15, $0xb8;
	[tilespmem:$0x18C80] =	vst v63  }
0x1e6: {  	s13 =	simm.s32 $0x11800  }
0x1e7: {  	[tilespmem:s13], [sflag:$0x1] =	stream.indirect_vreg.gather [hbm4b:s31+s15], $0x80, v4, vm15, $0xb8;
	[tilespmem:$0x18C80] =	vst v63  }
0x1e8: {  	v4 =	vld [tilespmem:$0x18030];
	_ =	sdelay $0x4  }
0x1e9: {  	v5 =	vshll.u32 v4, $0x2  }
0x1ea: {  	v4 =	vand.u32 $0x7, v4;
	v5 =	vand.u32 $0xFFFFFFE0, v5  }
0x1eb: {  	v4 =	vor.u32 v4, v5  }
0x1ec: {  	v5 =	vperm.xlane v4, v1;
	_ =	sdelay $0x1  }
0x1ed: {  	v5 =	vadd.s32 v2, v5;
	_ =	sdelay $0x1  }
0x1ee: {  	v4 =	vperm.xlane v4, v3;
	_ =	sdelay $0x1  }
0x1ef: {  	s14 =	simm.s32 $0x12000;
	v4 =	vadd.s32 v2, v4  }
0x1f0: {  	[tilespmem:s14], [sflag:$0x1] =	stream.indirect_vreg.gather [hbm4b:s29+s15], $0x80, v5, vm15, $0xb8;
	[tilespmem:$0x18C80] =	vst v63  }
0x1f1: {  	s16 =	simm.s32 $0x12800  }
0x1f2: {  	[tilespmem:s16], [sflag:$0x1] =	stream.indirect_vreg.gather [hbm4b:s31+s15], $0x80, v5, vm15, $0xb8;
	[tilespmem:$0x18C80] =	vst v63  }
0x1f3: {  	s17 =	simm.s32 $0x13000  }
0x1f4: {  	[tilespmem:s17], [sflag:$0x1] =	stream.indirect_vreg.gather [hbm4b:s29+s15], $0x80, v4, vm15, $0xb8;
	[tilespmem:$0x18C80] =	vst v63  }
0x1f5: {  	s18 =	simm.s32 $0x13800  }
0x1f6: {  	[tilespmem:s18], [sflag:$0x1] =	stream.indirect_vreg.gather [hbm4b:s31+s15], $0x80, v4, vm15, $0xb8;
	[tilespmem:$0x18C80] =	vst v63  }
0x1f7: {  	v4 =	vld [tilespmem:$0x18040];
	_ =	sdelay $0x4  }
0x1f8: {  	v5 =	vshll.u32 v4, $0x2  }
0x1f9: {  	v4 =	vand.u32 $0x7, v4;
	v5 =	vand.u32 $0xFFFFFFE0, v5  }
0x1fa: {  	v4 =	vor.u32 v4, v5  }
0x1fb: {  	v5 =	vperm.xlane v4, v1;
	_ =	sdelay $0x1  }
0x1fc: {  	v5 =	vadd.s32 v2, v5;
	_ =	sdelay $0x1  }
0x1fd: {  	v4 =	vperm.xlane v4, v3;
	_ =	sdelay $0x1  }
0x1fe: {  	s19 =	simm.s32 $0x14000;
	v4 =	vadd.s32 v2, v4  }
0x1ff: {  	[tilespmem:s19], [sflag:$0x1] =	stream.indirect_vreg.gather [hbm4b:s29+s15], $0x80, v5, vm15, $0xb8;
	[tilespmem:$0x18C80] =	vst v63  }
0x200: {  	s20 =	simm.s32 $0x14800  }
0x201: {  	[tilespmem:s20], [sflag:$0x1] =	stream.indirect_vreg.gather [hbm4b:s31+s15], $0x80, v5, vm15, $0xb8;
	[tilespmem:$0x18C80] =	vst v63  }
0x202: {  	s21 =	simm.s32 $0x15000  }
0x203: {  	[tilespmem:s21], [sflag:$0x1] =	stream.indirect_vreg.gather [hbm4b:s29+s15], $0x80, v4, vm15, $0xb8;
	[tilespmem:$0x18C80] =	vst v63  }
0x204: {  	s22 =	simm.s32 $0x15800  }
0x205: {  	[tilespmem:s22], [sflag:$0x1] =	stream.indirect_vreg.gather [hbm4b:s31+s15], $0x80, v4, vm15, $0xb8;
	[tilespmem:$0x18C80] =	vst v63  }
0x206: {  	v4 =	vld [tilespmem:$0x18050];
	_ =	sdelay $0x4  }
0x207: {  	v5 =	vshll.u32 v4, $0x2  }
0x208: {  	v4 =	vand.u32 $0x7, v4;
	v5 =	vand.u32 $0xFFFFFFE0, v5  }
0x209: {  	v4 =	vor.u32 v4, v5  }
0x20a: {  	v5 =	vperm.xlane v4, v1;
	_ =	sdelay $0x1  }
0x20b: {  	v5 =	vadd.s32 v2, v5;
	_ =	sdelay $0x1  }
0x20c: {  	v4 =	vperm.xlane v4, v3;
	_ =	sdelay $0x1  }
0x20d: {  	s23 =	simm.s32 $0x16000;
	v4 =	vadd.s32 v2, v4  }
0x20e: {  	[tilespmem:s23], [sflag:$0x1] =	stream.indirect_vreg.gather [hbm4b:s29+s15], $0x80, v5, vm15, $0xb8;
	[tilespmem:$0x18C80] =	vst v63  }
0x20f: {  	s24 =	simm.s32 $0x16800  }
0x210: {  	[tilespmem:s24], [sflag:$0x1] =	stream.indirect_vreg.gather [hbm4b:s31+s15], $0x80, v5, vm15, $0xb8;
	[tilespmem:$0x18C80] =	vst v63  }
0x211: {  	s25 =	simm.s32 $0x17000  }
0x212: {  	[tilespmem:s25], [sflag:$0x1] =	stream.indirect_vreg.gather [hbm4b:s29+s15], $0x80, v4, vm15, $0xb8;
	[tilespmem:$0x18C80] =	vst v63  }
0x213: {  	s26 =	simm.s32 $0x17800;
	s28 =	simm.s32 $0x1  }
0x214: {  	[tilespmem:s26], [sflag:$0x1] =	stream.indirect_vreg.gather [hbm4b:s31+s15], $0x80, v4, vm15, $0xb8;
	[tilespmem:$0x18C80] =	vst v63  }
0x215: {  	_ =	swait.ge [sflag:s28], $0xC000  }
0x216: {  	s30 =	sand.u32 $0x380, s15;
	s29 =	sand.u32 $0xF000, s15;
	[sflag:s28] =	ssyncset.done $0x0  }
0x217: {  	s16 =	sor.u32 s30, s29;
	[sflag:s28] =	ssyncadd.s32 $0xFFFF4000  }
0x218: {  	v13 =	vld [tilespmem:s16+$0xC000]  }
0x219: {  	v14 =	vld [tilespmem:s16+$0xC010]  }
0x21a: {  	v15 =	vld [tilespmem:s16+$0xC020]  }
0x21b: {  	v16 =	vld [tilespmem:s16+$0xC030]  }
0x21c: {  	v17 =	vld [tilespmem:s16+$0xC040]  }
0x21d: {  	v18 =	vld [tilespmem:s16+$0xC050]  }
0x21e: {  	v19 =	vld [tilespmem:s16+$0xC060]  }
0x21f: {  	v20 =	vld [tilespmem:s16+$0xC070]  }
0x220: {  	v21 =	vld [tilespmem:s16+$0xC400]  }
0x221: {  	v22 =	vld [tilespmem:s16+$0xC410]  }
0x222: {  	v23 =	vld [tilespmem:s16+$0xC420]  }
0x223: {  	v24 =	vld [tilespmem:s16+$0xC430]  }
0x224: {  	v25 =	vld [tilespmem:s16+$0xC440]  }
0x225: {  	v26 =	vld [tilespmem:s16+$0xC450]  }
0x226: {  	v27 =	vld [tilespmem:s16+$0xC460]  }
0x227: {  	v28 =	vld [tilespmem:s16+$0xC470]  }
0x228: {  	v29 =	vld [tilespmem:s16+$0xC800]  }
0x229: {  	v30 =	vld [tilespmem:s16+$0xC810]  }
0x22a: {  	v31 =	vld [tilespmem:s16+$0xC820]  }
0x22b: {  	v32 =	vld [tilespmem:s16+$0xC830]  }
0x22c: {  	v33 =	vld [tilespmem:s16+$0xC840]  }
0x22d: {  	v34 =	vld [tilespmem:s16+$0xC850]  }
0x22e: {  	v35 =	vld [tilespmem:s16+$0xC860]  }
0x22f: {  	v12 =	vld [tilespmem:s16+$0xC870]  }
0x230: {  	v11 =	vld [tilespmem:s16+$0xCC00]  }
0x231: {  	v10 =	vld [tilespmem:s16+$0xCC10]  }
0x232: {  	v9 =	vld [tilespmem:s16+$0xCC20]  }
0x233: {  	v8 =	vld [tilespmem:s16+$0xCC30]  }
0x234: {  	v7 =	vld [tilespmem:s16+$0xCC40]  }
0x235: {  	v6 =	vld [tilespmem:s16+$0xCC50]  }
0x236: {  	v5 =	vld [tilespmem:s16+$0xCC60]  }
0x237: {  	v4 =	vld [tilespmem:s16+$0xCC70]  }
0x238: {  	s31 =	sld [smem:$0x0];
	v36 =	vld [tilespmem:s16+$0x0]  }
0x239: {  	v37 =	vld [tilespmem:s16+$0x10]  }
0x23a: {  	v38 =	vld [tilespmem:s16+$0x20]  }
0x23b: {  	s17 =	simm.f32 $1.000000000e+00;
	s18 =	simm.f32 $0.0e+00;
	v39 =	vld [tilespmem:s16+$0x30];
	p1 =	sgt.s32 s31, $0xFFFFFFFF  }
0x23c: {  	v40 =	vld [tilespmem:s16+$0x40];
	s17 =	simm.s32 @!p1 $0x0;
	s18 =	simm.s32 @!p1 $0x3DCCCCCD  }
0x23d: {  	v41 =	vld [tilespmem:s16+$0x50];
	v13 =	vmul.f32 s17, v13;
	v36 =	vmul.f32 s18, v36  }
0x23e: {  	v42 =	vld [tilespmem:s16+$0x60];
	v14 =	vmul.f32 s17, v14;
	v37 =	vmul.f32 s18, v37  }
0x23f: {  	v59 =	vld [tilespmem:s16+$0x70];
	v15 =	vmul.f32 s17, v15;
	v58 =	vmul.f32 s18, v38;
	v13 =	vadd.f32 v36, v13  }
0x240: {  	v61 =	vld [tilespmem:s16+$0x400];
	v16 =	vmul.f32 s17, v16;
	v60 =	vmul.f32 s18, v39;
	v14 =	vadd.f32 v37, v14  }
0x241: {  	v62 =	vld [tilespmem:s16+$0x410];
	[tilespmem:s16+$0x0] =	vst v13;
	v13 =	vadd.f32 v58, v15;
	v15 =	vmul.f32 s17, v17;
	v17 =	vmul.f32 s18, v40  }
0x242: {  	v63 =	vld [tilespmem:s16+$0x420];
	[tilespmem:s16+$0x10] =	vst v14;
	v14 =	vadd.f32 v60, v16;
	v16 =	vmul.f32 s17, v18;
	v18 =	vmul.f32 s18, v41  }
0x243: {  	[tilespmem:s16+$0x20] =	vst v13;
	v13 =	vadd.f32 v17, v15;
	v15 =	vmul.f32 s17, v19;
	v17 =	vmul.f32 s18, v42;
	v19 =	vld [tilespmem:s16+$0x430]  }
0x244: {  	[tilespmem:s16+$0x30] =	vst v14;
	v14 =	vadd.f32 v18, v16;
	v16 =	vmul.f32 s17, v20;
	v18 =	vmul.f32 s18, v59;
	v20 =	vld [tilespmem:s16+$0x440]  }
0x245: {  	[tilespmem:s16+$0x40] =	vst v13;
	v13 =	vadd.f32 v17, v15;
	v15 =	vmul.f32 s17, v21;
	v17 =	vmul.f32 s18, v61;
	v21 =	vld [tilespmem:s16+$0x450]  }
0x246: {  	[tilespmem:s16+$0x50] =	vst v14;
	v14 =	vadd.f32 v18, v16;
	v16 =	vmul.f32 s17, v22;
	v18 =	vmul.f32 s18, v62;
	v22 =	vld [tilespmem:s16+$0x460]  }
0x247: {  	[tilespmem:s16+$0x60] =	vst v13;
	v13 =	vadd.f32 v17, v15;
	v15 =	vmul.f32 s17, v23;
	v17 =	vmul.f32 s18, v63;
	v23 =	vld [tilespmem:s16+$0x470]  }
0x248: {  	[tilespmem:s16+$0x70] =	vst v14;
	v14 =	vadd.f32 v18, v16;
	v16 =	vmul.f32 s17, v24;
	v18 =	vmul.f32 s18, v19;
	v19 =	vld [tilespmem:s16+$0x800]  }
0x249: {  	[tilespmem:s16+$0x400] =	vst v13;
	v13 =	vadd.f32 v17, v15;
	v15 =	vmul.f32 s17, v25;
	v17 =	vmul.f32 s18, v20;
	v20 =	vld [tilespmem:s16+$0x810]  }
0x24a: {  	[tilespmem:s16+$0x410] =	vst v14;
	v14 =	vadd.f32 v18, v16;
	v16 =	vmul.f32 s17, v26;
	v18 =	vmul.f32 s18, v21;
	v21 =	vld [tilespmem:s16+$0x820]  }
0x24b: {  	[tilespmem:s16+$0x420] =	vst v13;
	v13 =	vadd.f32 v17, v15;
	v15 =	vmul.f32 s17, v27;
	v17 =	vmul.f32 s18, v22;
	v22 =	vld [tilespmem:s16+$0x830]  }
0x24c: {  	[tilespmem:s16+$0x430] =	vst v14;
	v14 =	vadd.f32 v18, v16;
	v16 =	vmul.f32 s17, v28;
	v18 =	vmul.f32 s18, v23;
	v23 =	vld [tilespmem:s16+$0x840]  }
0x24d: {  	[tilespmem:s16+$0x440] =	vst v13;
	v13 =	vadd.f32 v17, v15;
	v15 =	vmul.f32 s17, v29;
	v17 =	vmul.f32 s18, v19;
	v19 =	vld [tilespmem:s16+$0x850]  }
0x24e: {  	[tilespmem:s16+$0x450] =	vst v14;
	v14 =	vadd.f32 v18, v16;
	v16 =	vmul.f32 s17, v30;
	v18 =	vmul.f32 s18, v20;
	v20 =	vld [tilespmem:s16+$0x860]  }
0x24f: {  	[tilespmem:s16+$0x460] =	vst v13;
	v13 =	vadd.f32 v17, v15;
	v15 =	vmul.f32 s17, v31;
	v17 =	vmul.f32 s18, v21;
	v21 =	vld [tilespmem:s16+$0x870]  }
0x250: {  	[tilespmem:s16+$0x470] =	vst v14;
	v14 =	vadd.f32 v18, v16;
	v16 =	vmul.f32 s17, v32;
	v18 =	vmul.f32 s18, v22;
	v22 =	vld [tilespmem:s16+$0xC00]  }
0x251: {  	[tilespmem:s16+$0x800] =	vst v13;
	v13 =	vadd.f32 v17, v15;
	v17 =	vmul.f32 s17, v33;
	v23 =	vmul.f32 s18, v23;
	v15 =	vld [tilespmem:s16+$0xC10]  }
0x252: {  	[tilespmem:s16+$0x810] =	vst v14;
	v16 =	vadd.f32 v18, v16;
	v18 =	vmul.f32 s17, v34;
	v19 =	vmul.f32 s18, v19;
	v14 =	vld [tilespmem:s16+$0xC20]  }
0x253: {  	[tilespmem:s16+$0x820] =	vst v13;
	v17 =	vadd.f32 v23, v17;
	v23 =	vmul.f32 s17, v35;
	v20 =	vmul.f32 s18, v20;
	v13 =	vld [tilespmem:s16+$0xC30]  }
0x254: {  	[tilespmem:s16+$0x830] =	vst v16;
	v18 =	vadd.f32 v19, v18;
	v19 =	vmul.f32 s17, v12;
	v21 =	vmul.f32 s18, v21;
	v12 =	vld [tilespmem:s16+$0xC40]  }
0x255: {  	s19 =	simm.s32 $0x80;
	s20 =	simm.s32 $0x200;
	[tilespmem:s16+$0x840] =	vst v17;
	v16 =	vadd.f32 v20, v23;
	v17 =	vmul.f32 s17, v11;
	v20 =	vmul.f32 s18, v22;
	v11 =	vld [tilespmem:s16+$0xC50]  }
.LBB2_6:
0x256: {  	s0 =	sand.u32 $0xF000, s20;
	s1 =	sand.u32 $0x380, s19;
	p1 =	sne.s32 s20, $0xBE00;
	[tilespmem:s16+$0x850] =	vst v18;
	v18 =	vadd.f32 v21, v19;
	v10 =	vmul.f32 s17, v10;
	v15 =	vmul.f32 s18, v15;
	v19 =	vld [tilespmem:s16+$0xC60]  }
0x257: {  	v9 =	vmul.f32 s17, v9;
	s0 =	sor.u32 s1, s0;
	[tilespmem:s16+$0x860] =	vst v16;
	v16 =	vadd.f32 v20, v17;
	v14 =	vmul.f32 s18, v14;
	v17 =	vld [tilespmem:s16+$0xC70]  }
0x258: {  	v8 =	vmul.f32 s17, v8;
	v23 =	vld [tilespmem:s0+$0xC000];
	[tilespmem:s16+$0x870] =	vst v18;
	v10 =	vadd.f32 v15, v10;
	v13 =	vmul.f32 s18, v13  }
0x259: {  	v7 =	vmul.f32 s17, v7;
	v24 =	vld [tilespmem:s0+$0xC010];
	[tilespmem:s16+$0xC00] =	vst v16;
	v9 =	vadd.f32 v14, v9;
	v12 =	vmul.f32 s18, v12  }
0x25a: {  	v6 =	vmul.f32 s17, v6;
	v25 =	vld [tilespmem:s0+$0xC020];
	[tilespmem:s16+$0xC10] =	vst v10;
	v8 =	vadd.f32 v13, v8;
	v10 =	vmul.f32 s18, v11  }
0x25b: {  	v5 =	vmul.f32 s17, v5;
	v26 =	vld [tilespmem:s0+$0xC030];
	[tilespmem:s16+$0xC20] =	vst v9;
	v7 =	vadd.f32 v12, v7;
	v9 =	vmul.f32 s18, v19  }
0x25c: {  	v4 =	vmul.f32 s17, v4;
	v27 =	vld [tilespmem:s0+$0xC040];
	[tilespmem:s16+$0xC30] =	vst v8;
	v6 =	vadd.f32 v10, v6;
	v8 =	vmul.f32 s18, v17  }
0x25d: {  	v28 =	vld [tilespmem:s0+$0xC050];
	[tilespmem:s16+$0xC40] =	vst v7;
	v5 =	vadd.f32 v9, v5  }
0x25e: {  	v29 =	vld [tilespmem:s0+$0xC060];
	[tilespmem:s16+$0xC50] =	vst v6;
	v4 =	vadd.f32 v8, v4  }
0x25f: {  	v30 =	vld [tilespmem:s0+$0xC070];
	[tilespmem:s16+$0xC60] =	vst v5  }
0x260: {  	v31 =	vld [tilespmem:s0+$0xC400];
	[tilespmem:s16+$0xC70] =	vst v4;
	s16 =	smov.u32 s0  }
0x261: {  	v32 =	vld [tilespmem:s16+$0xC410]  }
0x262: {  	v33 =	vld [tilespmem:s16+$0xC420]  }
0x263: {  	v34 =	vld [tilespmem:s16+$0xC430]  }
0x264: {  	v35 =	vld [tilespmem:s16+$0xC440]  }
0x265: {  	v22 =	vld [tilespmem:s16+$0xC450]  }
0x266: {  	v21 =	vld [tilespmem:s16+$0xC460]  }
0x267: {  	v20 =	vld [tilespmem:s16+$0xC470]  }
0x268: {  	v19 =	vld [tilespmem:s16+$0xC800]  }
0x269: {  	v18 =	vld [tilespmem:s16+$0xC810]  }
0x26a: {  	v17 =	vld [tilespmem:s16+$0xC820]  }
0x26b: {  	v16 =	vld [tilespmem:s16+$0xC830]  }
0x26c: {  	v15 =	vld [tilespmem:s16+$0xC840]  }
0x26d: {  	v14 =	vld [tilespmem:s16+$0xC850]  }
0x26e: {  	v13 =	vld [tilespmem:s16+$0xC860]  }
0x26f: {  	v12 =	vld [tilespmem:s16+$0xC870]  }
0x270: {  	v11 =	vld [tilespmem:s16+$0xCC00]  }
0x271: {  	v10 =	vld [tilespmem:s16+$0xCC10]  }
0x272: {  	v9 =	vld [tilespmem:s16+$0xCC20]  }
0x273: {  	v8 =	vld [tilespmem:s16+$0xCC30]  }
0x274: {  	v7 =	vld [tilespmem:s16+$0xCC40]  }
0x275: {  	v6 =	vld [tilespmem:s16+$0xCC50]  }
0x276: {  	v5 =	vld [tilespmem:s16+$0xCC60]  }
0x277: {  	s15 =	sadd.s32 $0x1, s15;
	v4 =	vld [tilespmem:s16+$0xCC70]  }
0x278: {  	s0 =	sld [smem:s15+$0x0];
	v36 =	vld [tilespmem:s16+$0x0]  }
0x279: {  	v37 =	vld [tilespmem:s16+$0x10]  }
0x27a: {  	v38 =	vld [tilespmem:s16+$0x20]  }
0x27b: {  	s17 =	simm.f32 $1.000000000e+00;
	s18 =	simm.f32 $0.0e+00;
	p2 =	sgt.s32 s0, $0xFFFFFFFF;
	v39 =	vld [tilespmem:s16+$0x30]  }
0x27c: {  	s17 =	simm.s32 @!p2 $0x0;
	s18 =	simm.s32 @!p2 $0x3DCCCCCD;
	v40 =	vld [tilespmem:s16+$0x40]  }
0x27d: {  	v23 =	vmul.f32 s17, v23;
	v36 =	vmul.f32 s18, v36;
	v41 =	vld [tilespmem:s16+$0x50]  }
0x27e: {  	v24 =	vmul.f32 s17, v24;
	v37 =	vmul.f32 s18, v37;
	v42 =	vld [tilespmem:s16+$0x60]  }
0x27f: {  	v25 =	vmul.f32 s17, v25;
	v23 =	vadd.f32 v36, v23;
	v36 =	vmul.f32 s18, v38;
	v38 =	vld [tilespmem:s16+$0x70]  }
0x280: {  	v26 =	vmul.f32 s17, v26;
	v24 =	vadd.f32 v37, v24;
	v37 =	vmul.f32 s18, v39;
	v39 =	vld [tilespmem:s16+$0x400]  }
0x281: {  	[tilespmem:s16+$0x0] =	vst v23;
	v23 =	vadd.f32 v36, v25;
	v25 =	vmul.f32 s17, v27;
	v27 =	vmul.f32 s18, v40;
	v36 =	vld [tilespmem:s16+$0x410]  }
0x282: {  	[tilespmem:s16+$0x10] =	vst v24;
	v24 =	vadd.f32 v37, v26;
	v26 =	vmul.f32 s17, v28;
	v28 =	vmul.f32 s18, v41;
	v37 =	vld [tilespmem:s16+$0x420]  }
0x283: {  	[tilespmem:s16+$0x20] =	vst v23;
	v23 =	vadd.f32 v27, v25;
	v25 =	vmul.f32 s17, v29;
	v27 =	vmul.f32 s18, v42;
	v29 =	vld [tilespmem:s16+$0x430]  }
0x284: {  	[tilespmem:s16+$0x30] =	vst v24;
	v24 =	vadd.f32 v28, v26;
	v26 =	vmul.f32 s17, v30;
	v28 =	vmul.f32 s18, v38;
	v30 =	vld [tilespmem:s16+$0x440]  }
0x285: {  	[tilespmem:s16+$0x40] =	vst v23;
	v23 =	vadd.f32 v27, v25;
	v25 =	vmul.f32 s17, v31;
	v27 =	vmul.f32 s18, v39;
	v31 =	vld [tilespmem:s16+$0x450]  }
0x286: {  	[tilespmem:s16+$0x50] =	vst v24;
	v24 =	vadd.f32 v28, v26;
	v26 =	vmul.f32 s17, v32;
	v28 =	vmul.f32 s18, v36;
	v32 =	vld [tilespmem:s16+$0x460]  }
0x287: {  	[tilespmem:s16+$0x60] =	vst v23;
	v23 =	vadd.f32 v27, v25;
	v25 =	vmul.f32 s17, v33;
	v27 =	vmul.f32 s18, v37;
	v33 =	vld [tilespmem:s16+$0x470]  }
0x288: {  	[tilespmem:s16+$0x70] =	vst v24;
	v24 =	vadd.f32 v28, v26;
	v26 =	vmul.f32 s17, v34;
	v28 =	vmul.f32 s18, v29;
	v29 =	vld [tilespmem:s16+$0x800]  }
0x289: {  	[tilespmem:s16+$0x400] =	vst v23;
	v23 =	vadd.f32 v27, v25;
	v25 =	vmul.f32 s17, v35;
	v27 =	vmul.f32 s18, v30;
	v30 =	vld [tilespmem:s16+$0x810]  }
0x28a: {  	v22 =	vmul.f32 s17, v22;
	[tilespmem:s16+$0x410] =	vst v24;
	v24 =	vadd.f32 v28, v26;
	v26 =	vmul.f32 s18, v31;
	v28 =	vld [tilespmem:s16+$0x820]  }
0x28b: {  	v21 =	vmul.f32 s17, v21;
	[tilespmem:s16+$0x420] =	vst v23;
	v23 =	vadd.f32 v27, v25;
	v25 =	vmul.f32 s18, v32;
	v27 =	vld [tilespmem:s16+$0x830]  }
0x28c: {  	v20 =	vmul.f32 s17, v20;
	[tilespmem:s16+$0x430] =	vst v24;
	v22 =	vadd.f32 v26, v22;
	v24 =	vmul.f32 s18, v33;
	v26 =	vld [tilespmem:s16+$0x840]  }
0x28d: {  	v19 =	vmul.f32 s17, v19;
	[tilespmem:s16+$0x440] =	vst v23;
	v21 =	vadd.f32 v25, v21;
	v23 =	vmul.f32 s18, v29;
	v25 =	vld [tilespmem:s16+$0x850]  }
0x28e: {  	v18 =	vmul.f32 s17, v18;
	[tilespmem:s16+$0x450] =	vst v22;
	v20 =	vadd.f32 v24, v20;
	v22 =	vmul.f32 s18, v30;
	v24 =	vld [tilespmem:s16+$0x860]  }
0x28f: {  	v17 =	vmul.f32 s17, v17;
	[tilespmem:s16+$0x460] =	vst v21;
	v19 =	vadd.f32 v23, v19;
	v21 =	vmul.f32 s18, v28;
	v23 =	vld [tilespmem:s16+$0x870]  }
0x290: {  	v16 =	vmul.f32 s17, v16;
	[tilespmem:s16+$0x470] =	vst v20;
	v18 =	vadd.f32 v22, v18;
	v20 =	vmul.f32 s18, v27;
	v22 =	vld [tilespmem:s16+$0xC00]  }
.Ltmp2:
0x291: {  	[tilespmem:s16+$0x800] =	vst v19;
	v17 =	vadd.f32 v21, v17;
	v19 =	vmul.f32 s17, v15;
	v21 =	vmul.f32 s18, v26;
	v15 =	vld [tilespmem:s16+$0xC10];
	(pc) =	sbr.rel @p1 .LBB2_6-.Ltmp2, $4  }
0x292: {  	[tilespmem:s16+$0x810] =	vst v18;
	v16 =	vadd.f32 v20, v16;
	v18 =	vmul.f32 s17, v14;
	v20 =	vmul.f32 s18, v25;
	v14 =	vld [tilespmem:s16+$0xC20]  }
0x293: {  	v25 =	vmul.f32 s17, v13;
	[tilespmem:s16+$0x820] =	vst v17;
	v17 =	vadd.f32 v21, v19;
	v24 =	vmul.f32 s18, v24;
	v13 =	vld [tilespmem:s16+$0xC30]  }
0x294: {  	v19 =	vmul.f32 s17, v12;
	[tilespmem:s16+$0x830] =	vst v16;
	v18 =	vadd.f32 v20, v18;
	v21 =	vmul.f32 s18, v23;
	v12 =	vld [tilespmem:s16+$0xC40]  }
0x295: {  	s19 =	sadd.s32 $0x80, s19;
	s20 =	sadd.s32 $0x200, s20;
	[tilespmem:s16+$0x840] =	vst v17;
	v16 =	vadd.f32 v24, v25;
	v17 =	vmul.f32 s17, v11;
	v20 =	vmul.f32 s18, v22;
	v11 =	vld [tilespmem:s16+$0xC50]  }
0x296: {  	[tilespmem:s16+$0x850] =	vst v18;
	v57 =	vadd.f32 v21, v19;
	v10 =	vmul.f32 s17, v10;
	v15 =	vmul.f32 s18, v15;
	v58 =	vld [tilespmem:s16+$0xC60]  }
0x297: {  	v9 =	vmul.f32 s17, v9;
	v60 =	vld [tilespmem:s16+$0xC70];
	[tilespmem:s16+$0x860] =	vst v16;
	v59 =	vadd.f32 v20, v17;
	v14 =	vmul.f32 s18, v14  }
0x298: {  	v8 =	vmul.f32 s17, v8;
	[tilespmem:s16+$0x870] =	vst v57;
	v10 =	vadd.f32 v15, v10;
	v13 =	vmul.f32 s18, v13  }
0x299: {  	v7 =	vmul.f32 s17, v7;
	[tilespmem:s16+$0xC00] =	vst v59;
	v9 =	vadd.f32 v14, v9;
	v12 =	vmul.f32 s18, v12  }
0x29a: {  	v6 =	vmul.f32 s17, v6;
	[tilespmem:s16+$0xC10] =	vst v10;
	v8 =	vadd.f32 v13, v8;
	v61 =	vmul.f32 s18, v11  }
0x29b: {  	v5 =	vmul.f32 s17, v5;
	[tilespmem:s16+$0xC20] =	vst v9;
	v7 =	vadd.f32 v12, v7;
	v62 =	vmul.f32 s18, v58  }
0x29c: {  	v4 =	vmul.f32 s17, v4;
	v63 =	vmul.f32 s18, v60;
	[tilespmem:s16+$0xC30] =	vst v8;
	v6 =	vadd.f32 v61, v6  }
0x29d: {  	[tilespmem:s16+$0xC40] =	vst v7;
	v5 =	vadd.f32 v62, v5  }
0x29e: {  	v4 =	vadd.f32 v63, v4;
	[tilespmem:s16+$0xC50] =	vst v6  }
0x29f: {  	[tilespmem:s16+$0xC60] =	vst v5  }
0x2a0: {  	s0 =	simm.s32 @p0 $0x0;
	s1 =	rddreg [dreg:$0x7];
	[tilespmem:s16+$0xC70] =	vst v4  }
0x2a1: {  	[hbm4b:s1+s0] =	stream.linear.scatter @p0 [tilespmem:s0], [sflag:$0x2], $0x3000, $0x38;
	[tilespmem:$0x18C80] =	vst v63  }
0x2a2: {  	s0 =	simm.s32 @p0 $0x2  }
0x2a3: {  	_ =	swait.ge @p0 [sflag:s0], $0x3000  }
0x2a4: {  	[sflag:s0] =	ssyncset.done @p0 $0x0  }
0x2a5: {  	[sflag:s0] =	ssyncadd.s32 @p0 $0xFFFFD000;
	s0 =	simm.s32 @!p0 $0x0  }
0x2a6: {  	[hbm4b:s1+s0] =	stream.linear.scatter @!p0 [tilespmem:s0], [sflag:$0x2], $0xC000, $0x38;
	[tilespmem:$0x18C80] =	vst v63  }
0x2a7: {  	s0 =	simm.s32 @!p0 $0x2  }
0x2a8: {  	_ =	swait.ge @!p0 [sflag:s0], $0xC000  }
0x2a9: {  	s2 =	rddreg [dreg:$0x9]  }
0x2aa: {  	s31 =	rddreg [dreg:$0x8];
	s2 =	sadd.s32 $0x1, s2  }
0x2ab: {  	p1 =	sne.s32 s2, s31  }
.Ltmp3:
0x2ac: {  	_ = 	snop;
	(pc) =	sbr.rel @p1 .LBB2_1-.Ltmp3, $3  }
0x2ad: {  	_ =	sdelay $0x1  }
0x2ae: {  	[sflag:s0] =	ssyncset.done @!p0 $0x0  }
0x2af: {  	s4 =	simm.s32 $0xFFFFFFFF;
	[sflag:s0] =	ssyncadd.s32 @!p0 $0xFFFF4000  }
0x2b0: {  	_ =	sfence.sel $0x180000  }
0x2b1: {  	[bflag:$0x0] =	sbarrier.arrive $0xFFFF  }
0x2b2: {  	_ =	strace $0x9000004A  }
0x2b3: {  	s0 =	stileid.u32;
	[bflag:$0x2] =	sbarrier.arrive $0xFFFF  }
0x2b4: {  	p0 =	sne.s32 s0, $0x0;
	s0 =	rddreg [dreg:$0x4]  }
0x2b5: {  	s0 =	sadd.s32 @!p0 $0x100000, s0  }
0x2b6: {  	[sflag:s0] =	ssyncadd.tile.s32 @!p0 $0x1;
	_ =	shalt  }
.Lfunc_end2:
_tile_overlayer_lowered:
.L_overlay_start_2:
0x2b7: {  	(tag) =	ssettag $0x2  }
0x2b8: {  	s0 =	rddreg [dreg:$0x0];
	s2 =	stileid.u32  }
0x2b9: {  	s1 =	rddreg [dreg:$0x1];
	p0 =	sne.s32 s2, $0x0  }
0x2ba: {  	s3 =	rddreg [dreg:$0x2];
	[bflag:$0x3] =	sbarrier.arrive $0xFFFF;
	s2 =	simm.s32 @!p0 $0x1C02  }
0x2bb: {  	[timem:s3], [sflag:s2] =	dma.local @!p0 [hbm:s0], s1  }
0x2bc: {  	s0 =	simm.s32 @!p0 $0x2  }
0x2bd: {  	_ =	swait.ge @!p0 [sflag:s0], s1  }
0x2be: {  	s1 =	ssub.s32 @!p0 $0x0, s1;
	[sflag:s0] =	ssyncset.done @!p0 $0x0  }
0x2bf: {  	[sflag:s0] =	ssyncadd.s32 @!p0 s1  }
0x2c0: {  	[bflag:$0x3] =	sbarrier.arrive $0xFFFF  }
0x2c1: {  	_ =	shalt  }

</sc_bundles>
